<compile_context>
chip_gen: v7x
topology: tpu7x:2x2x1
jax: 0.10.2.dev20260603
libtpu: 0.0.44.dev20260713+nightly
codegen_flags: <defaults>
</compile_context>

<pallas_src>
import jax
import jax.numpy as jnp
from jax import lax
from jax.experimental import pallas as pl
from jax.experimental.pallas import tpu as pltpu
from jax.experimental.pallas import tpu_sc as plsc

NN = 10000
NE = 320000
D = 128
DH = D // 2
NL = 3
NSUB = 16
K = 128
CH = 160
NEP = NSUB * CH * K
AGG = 10240
RPS = AGG // NSUB
NB = RPS // K
NBUF = 4
GR = 10
BLK = NN // GR


def _sc_deg_body(row3, ones_hbm, zeros_hbm, degp, row_v, ones_v, deg_sh):
    c = lax.axis_index("c")
    s = lax.axis_index("s")
    pltpu.sync_copy(row3.at[s], row_v)
    pltpu.sync_copy(ones_hbm, ones_v)
    for z in range(NB):
        pltpu.sync_copy(zeros_hbm, deg_sh.at[pl.ds(s * RPS + z * K, K)])
    plsc.subcore_barrier()

    def body(j, carry):
        pltpu.sync_copy(ones_v, deg_sh.at[row_v.at[j]], add=True)
        return carry

    lax.fori_loop(0, CH, body, 0)
    plsc.subcore_barrier()
    for z in range(NB):
        off = s * RPS + z * K
        pltpu.sync_copy(deg_sh.at[pl.ds(off, K)], degp.at[c, pl.ds(off, K)])


def _sc_deg(row3, ones_hbm, zeros_hbm):
    mesh = plsc.VectorSubcoreMesh(core_axis_name="c", subcore_axis_name="s")
    return pl.kernel(
        _sc_deg_body,
        out_type=jax.ShapeDtypeStruct((2, AGG, 16), jnp.float32),
        mesh=mesh,
        compiler_params=pltpu.CompilerParams(use_tc_tiling_on_sc=False),
        scratch_types=[
            pltpu.VMEM((CH, K), jnp.int32),
            pltpu.VMEM((K, 16), jnp.float32),
            pltpu.VMEM_SHARED((AGG, 16), jnp.float32),
        ],
    )(row3, ones_hbm, zeros_hbm)


def _sc_edges_body(g3, idx3, col3, zeros_dh, aggp, idx_v, col_v,
                   b0, b1, b2, b3, agg_sh,
                   sg0, sg1, sg2, sg3, ss0, ss1, ss2, ss3):
    c = lax.axis_index("c")
    s = lax.axis_index("s")
    pltpu.sync_copy(idx3.at[s], idx_v)
    pltpu.sync_copy(col3.at[s], col_v)
    for z in range(NB):
        pltpu.sync_copy(zeros_dh, agg_sh.at[pl.ds(s * RPS + z * K, K)])
    plsc.subcore_barrier()

    bufs = (b0, b1, b2, b3)
    sgs = (sg0, sg1, sg2, sg3)
    sss = (ss0, ss1, ss2, ss3)
    gh = g3.at[c]

    for k in range(NBUF):
        pltpu.async_copy(gh.at[idx_v.at[k]], bufs[k], sgs[k])

    def body(jj, carry):
        base = jj * NBUF
        for k in range(NBUF):
            j = base + k
            pltpu.make_async_copy(gh.at[idx_v.at[j]], bufs[k], sgs[k]).wait()
            pltpu.async_copy(bufs[k], agg_sh.at[col_v.at[j]], sss[k],
                             add=True)
        for k in range(NBUF):
            j = base + k
            nxt = j + NBUF

            @pl.when(nxt < CH)
            def _refill(k=k, j=j, nxt=nxt):
                pltpu.make_async_copy(bufs[k], agg_sh.at[col_v.at[j]],
                                      sss[k]).wait()
                pltpu.async_copy(gh.at[idx_v.at[nxt]], bufs[k], sgs[k])

        return carry

    lax.fori_loop(0, CH // NBUF, body, 0)
    for k in range(NBUF):
        j = CH - NBUF + k
        pltpu.make_async_copy(bufs[k], agg_sh.at[col_v.at[j]], sss[k]).wait()
    plsc.subcore_barrier()
    for z in range(NB):
        off = s * RPS + z * K
        pltpu.sync_copy(agg_sh.at[pl.ds(off, K)], aggp.at[c, pl.ds(off, K)])


def _sc_edges(g3, idx3, col3, zeros_dh):
    mesh = plsc.VectorSubcoreMesh(core_axis_name="c", subcore_axis_name="s")
    return pl.kernel(
        _sc_edges_body,
        out_type=jax.ShapeDtypeStruct((2, AGG, DH), jnp.float32),
        mesh=mesh,
        compiler_params=pltpu.CompilerParams(use_tc_tiling_on_sc=False),
        scratch_types=[
            pltpu.VMEM((CH, K), jnp.int32),
            pltpu.VMEM((CH, K), jnp.int32),
            pltpu.VMEM((K, DH), jnp.float32),
            pltpu.VMEM((K, DH), jnp.float32),
            pltpu.VMEM((K, DH), jnp.float32),
            pltpu.VMEM((K, DH), jnp.float32),
            pltpu.VMEM_SHARED((AGG, DH), jnp.float32),
        ] + [pltpu.SemaphoreType.DMA] * (2 * NBUF),
    )(g3, idx3, col3, zeros_dh)


def _write_g(g_ref, hw, combo_ref, dis):
    for cc2 in range(4):
        v0 = jnp.maximum(hw + combo_ref[2 * cc2:2 * cc2 + 1, :], 0.0) * dis
        v1 = jnp.maximum(hw + combo_ref[2 * cc2 + 1:2 * cc2 + 2, :], 0.0) \
            * dis
        g_ref[0, cc2, :, :] = jnp.concatenate([v0[:, :DH], v1[:, :DH]],
                                              axis=1)
        g_ref[1, cc2, :, :] = jnp.concatenate([v0[:, DH:], v1[:, DH:]],
                                              axis=1)


def _tc_dense0_body(degp_ref, x_ref, delta_ref, base_ref, w_ref, b_ref,
                    combo_ref, root_ref,
                    g_ref, self_ref, h0_ref, dis_ref, inv_ref):
    dv = degp_ref[...] + 1.0
    dis = lax.rsqrt(dv)
    inv = 1.0 / dv
    dis_ref[...] = dis
    inv_ref[...] = inv
    h0 = base_ref[...] + jnp.dot(x_ref[...], delta_ref[...],
                                 preferred_element_type=jnp.float32)
    h0_ref[...] = h0
    hw = lax.dot_general(h0, w_ref[...], (((1,), (1,)), ((), ())),
                         preferred_element_type=jnp.float32) + b_ref[...]
    _write_g(g_ref, hw, combo_ref, dis)
    self_ref[...] = jnp.maximum(hw + root_ref[...], 0.0) * inv


def _tc_dense0(degp_n, x16, delta16, base0, wl, bl, combo, rootl):
    return pl.pallas_call(
        _tc_dense0_body,
        grid=(GR,),
        in_specs=[
            pl.BlockSpec((BLK, 1), lambda i: (i, 0)),
            pl.BlockSpec((BLK, 16), lambda i: (i, 0)),
            pl.BlockSpec((16, D), lambda i: (0, 0)),
            pl.BlockSpec((1, D), lambda i: (0, 0)),
            pl.BlockSpec((D, D), lambda i: (0, 0)),
            pl.BlockSpec((1, D), lambda i: (0, 0)),
            pl.BlockSpec((8, D), lambda i: (0, 0)),
            pl.BlockSpec((1, D), lambda i: (0, 0)),
        ],
        out_specs=[
            pl.BlockSpec((2, 4, BLK, D), lambda i: (0, 0, i, 0)),
            pl.BlockSpec((BLK, D), lambda i: (i, 0)),
            pl.BlockSpec((BLK, D), lambda i: (i, 0)),
            pl.BlockSpec((BLK, 1), lambda i: (i, 0)),
            pl.BlockSpec((BLK, 1), lambda i: (i, 0)),
        ],
        out_shape=[
            jax.ShapeDtypeStruct((2, 4, NN, D), jnp.float32),
            jax.ShapeDtypeStruct((NN, D), jnp.float32),
            jax.ShapeDtypeStruct((NN, D), jnp.float32),
            jax.ShapeDtypeStruct((NN, 1), jnp.float32),
            jax.ShapeDtypeStruct((NN, 1), jnp.float32),
        ],
    )(degp_n, x16, delta16, base0, wl, bl, combo, rootl)


def _tc_fuse_dense_body(aggp_ref, self_ref, dis_ref, inv_ref, gamma_ref,
                        beta_ref, accin_ref, w_ref, b_ref, combo_ref,
                        root_ref, g_ref, self_out_ref, accout_ref,
                        hhs, sts):
    p = pl.program_id(0)
    i = pl.program_id(1)

    @pl.when(p == 0)
    def _phase0():
        agg = jnp.concatenate([aggp_ref[0], aggp_ref[1]], axis=1)
        hhb = agg * dis_ref[...] + self_ref[...]
        hhs[pl.ds(i * BLK, BLK), :] = hhb

        @pl.when(i == 0)
        def _init():
            sts[...] = jnp.zeros_like(sts)

        s1 = jnp.sum(hhb, axis=0, keepdims=True)
        s2 = jnp.sum(hhb * hhb, axis=0, keepdims=True)
        sts[0:1, :] = sts[0:1, :] + s1
        sts[1:2, :] = sts[1:2, :] + s2

    @pl.when(p == 1)
    def _phase1():
        m = sts[0:1, :] * (1.0 / NN)
        var = sts[1:2, :] * (1.0 / NN) - m * m
        scale = gamma_ref[...] * lax.rsqrt(var + 1e-5)
        y = jnp.maximum((hhs[pl.ds(i * BLK, BLK), :] - m) * scale
                        + beta_ref[...], 0.0)
        accout_ref[...] = accin_ref[...] + y
        hw = lax.dot_general(y, w_ref[...], (((1,), (1,)), ((), ())),
                             preferred_element_type=jnp.float32) + b_ref[...]
        _write_g(g_ref, hw, combo_ref, dis_ref[...])
        self_out_ref[...] = jnp.maximum(hw + root_ref[...], 0.0) * inv_ref[...]


def _tc_fuse_dense(aggp, selfterm, dis_n, inv_n, gammal, betal, accin,
                   wl, bl, combo, rootl):
    i0 = lambda p, i: jnp.where(p == 0, i, 0)
    i1 = lambda p, i: jnp.where(p == 1, i, 0)
    return pl.pallas_call(
        _tc_fuse_dense_body,
        grid=(2, GR),
        in_specs=[
            pl.BlockSpec((2, BLK, DH), lambda p, i: (0, i0(p, i), 0)),
            pl.BlockSpec((BLK, D), lambda p, i: (i0(p, i), 0)),
            pl.BlockSpec((BLK, 1), lambda p, i: (i, 0)),
            pl.BlockSpec((BLK, 1), lambda p, i: (i1(p, i), 0)),
            pl.BlockSpec((1, D), lambda p, i: (0, 0)),
            pl.BlockSpec((1, D), lambda p, i: (0, 0)),
            pl.BlockSpec((BLK, D), lambda p, i: (i1(p, i), 0)),
            pl.BlockSpec((D, D), lambda p, i: (0, 0)),
            pl.BlockSpec((1, D), lambda p, i: (0, 0)),
            pl.BlockSpec((8, D), lambda p, i: (0, 0)),
            pl.BlockSpec((1, D), lambda p, i: (0, 0)),
        ],
        out_specs=[
            pl.BlockSpec((2, 4, BLK, D), lambda p, i: (0, 0, i1(p, i), 0)),
            pl.BlockSpec((BLK, D), lambda p, i: (i1(p, i), 0)),
            pl.BlockSpec((BLK, D), lambda p, i: (i1(p, i), 0)),
        ],
        out_shape=[
            jax.ShapeDtypeStruct((2, 4, NN, D), jnp.float32),
            jax.ShapeDtypeStruct((NN, D), jnp.float32),
            jax.ShapeDtypeStruct((NN, D), jnp.float32),
        ],
        scratch_shapes=[
            pltpu.VMEM((NN, D), jnp.float32),
            pltpu.VMEM((8, D), jnp.float32),
        ],
    )(aggp, selfterm, dis_n, inv_n, gammal, betal, accin, wl, bl, combo,
      rootl)


def _tc_fuse_norm_body(aggp_ref, self_ref, dis_ref, gamma_ref, beta_ref,
                       accin_ref, out_ref, hhs, sts):
    p = pl.program_id(0)
    i = pl.program_id(1)

    @pl.when(p == 0)
    def _phase0():
        agg = jnp.concatenate([aggp_ref[0], aggp_ref[1]], axis=1)
        hhb = agg * dis_ref[...] + self_ref[...]
        hhs[pl.ds(i * BLK, BLK), :] = hhb

        @pl.when(i == 0)
        def _init():
            sts[...] = jnp.zeros_like(sts)

        s1 = jnp.sum(hhb, axis=0, keepdims=True)
        s2 = jnp.sum(hhb * hhb, axis=0, keepdims=True)
        sts[0:1, :] = sts[0:1, :] + s1
        sts[1:2, :] = sts[1:2, :] + s2

    @pl.when(p == 1)
    def _phase1():
        m = sts[0:1, :] * (1.0 / NN)
        var = sts[1:2, :] * (1.0 / NN) - m * m
        scale = gamma_ref[...] * lax.rsqrt(var + 1e-5)
        y = (hhs[pl.ds(i * BLK, BLK), :] - m) * scale + beta_ref[...]
        out_ref[...] = accin_ref[...] + y


def _tc_fuse_norm(aggp, selfterm, dis_n, gammal, betal, accin):
    i0 = lambda p, i: jnp.where(p == 0, i, 0)
    i1 = lambda p, i: jnp.where(p == 1, i, 0)
    return pl.pallas_call(
        _tc_fuse_norm_body,
        grid=(2, GR),
        in_specs=[
            pl.BlockSpec((2, BLK, DH), lambda p, i: (0, i0(p, i), 0)),
            pl.BlockSpec((BLK, D), lambda p, i: (i0(p, i), 0)),
            pl.BlockSpec((BLK, 1), lambda p, i: (i0(p, i), 0)),
            pl.BlockSpec((1, D), lambda p, i: (0, 0)),
            pl.BlockSpec((1, D), lambda p, i: (0, 0)),
            pl.BlockSpec((BLK, D), lambda p, i: (i1(p, i), 0)),
        ],
        out_specs=pl.BlockSpec((BLK, D), lambda p, i: (i1(p, i), 0)),
        out_shape=jax.ShapeDtypeStruct((NN, D), jnp.float32),
        scratch_shapes=[
            pltpu.VMEM((NN, D), jnp.float32),
            pltpu.VMEM((8, D), jnp.float32),
        ],
    )(aggp, selfterm, dis_n, gammal, betal, accin)


def kernel(x, edge_index, edge_attr, batch, atom_tables, W, b, root, bond,
           gamma, beta):
    del batch
    f32 = jnp.float32
    row = edge_index[0].astype(jnp.int32)
    col = edge_index[1].astype(jnp.int32)
    ea = edge_attr.astype(jnp.int32)
    code = ea[:, 0] * 4 + ea[:, 1] * 2 + ea[:, 2]
    idx = (code >> 1) * (2 * NN) + 2 * row + (code & 1)
    npad = NEP - NE
    pad_trash = NN + (jnp.arange(npad, dtype=jnp.int32) % (AGG - NN))
    pad_idx = jnp.arange(npad, dtype=jnp.int32) % (NN * 8)
    idx3 = jnp.concatenate([idx, pad_idx]).reshape(NSUB, CH, K)
    col3 = jnp.concatenate([col, pad_trash]).reshape(NSUB, CH, K)
    row3 = jnp.concatenate([row, pad_trash]).reshape(NSUB, CH, K)

    combos = (bond[:, 0, :2][:, :, None, None, :]
              + bond[:, 1, :2][:, None, :, None, :]
              + bond[:, 2, :2][:, None, None, :, :]).reshape(NL, 8, D)

    base0 = atom_tables[:, 0, :].sum(axis=0, keepdims=True)
    delta = atom_tables[:, 1, :] - atom_tables[:, 0, :]
    delta16 = jnp.zeros((16, D), f32).at[:delta.shape[0]].set(delta)
    x16 = jnp.zeros((NN, 16), f32).at[:, :x.shape[1]].set(x.astype(f32))

    ones_hbm = jnp.ones((K, 16), f32)
    zeros_hbm = jnp.zeros((K, 16), f32)
    zeros_dh = jnp.zeros((K, DH), f32)

    degp = _sc_deg(row3, ones_hbm, zeros_hbm)
    degp_n = degp[0, :NN, 0:1]

    g, selfterm, h0, dis_n, inv_n = _tc_dense0(
        degp_n, x16, delta16, base0, W[0], b[0].reshape(1, D), combos[0],
        root[0].reshape(1, D))
    acc = h0
    for l in range(NL - 1):
        aggp = _sc_edges(g.reshape(2, NN * 8, DH), idx3, col3, zeros_dh)
        g, selfterm, acc = _tc_fuse_dense(
            aggp, selfterm, dis_n, inv_n, gamma[l].reshape(1, D),
            beta[l].reshape(1, D), acc, W[l + 1], b[l + 1].reshape(1, D),
            combos[l + 1], root[l + 1].reshape(1, D))
    aggp = _sc_edges(g.reshape(2, NN * 8, DH), idx3, col3, zeros_dh)
    return _tc_fuse_norm(aggp, selfterm, dis_n,
                         gamma[NL - 1].reshape(1, D),
                         beta[NL - 1].reshape(1, D), acc)

# --- scband reference (transcript-rebuilt; emitter-appended) ---
"""Pipeline reference for scband-gnn-node-61993557950823 (READ-ONLY COPY).

The authoritative reference and input builder live on the scoring server;
editing this copy changes nothing except your own understanding.
"""

import jax, jax.numpy as jnp
import numpy as np
import math

N_NODES = 10000
N_EDGES = 320000
EMB_DIM = 128
NUM_LAYER = 3
NUM_ATOM_FEATS = 9
NUM_BOND_FEATS = 3
ATOM_VOCAB = 119
BOND_VOCAB = 8


def setup_inputs(seed: int = 0) -> dict:
    key = jax.random.key(seed)
    ks = jax.random.split(key, 10)
    x = jax.random.randint(ks[0], (N_NODES, NUM_ATOM_FEATS), 0, 2, dtype=jnp.int64 if jax.config.jax_enable_x64 else jnp.int32)
    edge_index = jax.random.randint(ks[1], (2, N_EDGES), 0, N_NODES)
    edge_attr = jax.random.randint(ks[2], (N_EDGES, NUM_BOND_FEATS), 0, 2)
    batch = jnp.sort(jax.random.randint(ks[3], (N_NODES,), 0, 64))
    atom_tables = jax.random.normal(ks[4], (NUM_ATOM_FEATS, ATOM_VOCAB, EMB_DIM), jnp.float32) * 0.1
    W = jax.random.normal(ks[5], (NUM_LAYER, EMB_DIM, EMB_DIM), jnp.float32) * (1.0 / math.sqrt(EMB_DIM))
    b = jnp.zeros((NUM_LAYER, EMB_DIM), jnp.float32)
    root = jax.random.normal(ks[6], (NUM_LAYER, EMB_DIM), jnp.float32) * 0.1
    bond = jax.random.normal(ks[7], (NUM_LAYER, NUM_BOND_FEATS, BOND_VOCAB, EMB_DIM), jnp.float32) * 0.1
    gamma = jnp.ones((NUM_LAYER, EMB_DIM), jnp.float32)
    beta = jnp.zeros((NUM_LAYER, EMB_DIM), jnp.float32)
    return {"x": x, "edge_index": edge_index, "edge_attr": edge_attr, "batch": batch,
            "atom_tables": atom_tables, "W": W, "b": b, "root": root, "bond": bond,
            "gamma": gamma, "beta": beta}


def _gcn_conv(h, edge_index, edge_emb, Wl, bl, rootl, n_nodes):
    h = h @ Wl.T + bl
    row = edge_index[0]
    col = edge_index[1]
    deg = jax.ops.segment_sum(jnp.ones((row.shape[0],), h.dtype), row, num_segments=n_nodes) + 1.0
    deg_inv_sqrt = deg ** -0.5
    deg_inv_sqrt = jnp.where(jnp.isinf(deg_inv_sqrt), 0.0, deg_inv_sqrt)
    norm = deg_inv_sqrt[row] * deg_inv_sqrt[col]
    msg = norm[:, None] * jax.nn.relu(h[row] + edge_emb)
    agg = jax.ops.segment_sum(msg, col, num_segments=n_nodes)
    return agg + jax.nn.relu(h + rootl[None, :]) * (1.0 / deg[:, None])


def _forward(x, edge_index, edge_attr, atom_tables, W, b, root, bond, gamma, beta):
    n_nodes = x.shape[0]
    emb_dim = W.shape[-1]
    h = jnp.zeros((n_nodes, emb_dim), jnp.float32)
    for k in range(x.shape[1]):
        h = h + atom_tables[k][x[:, k]]
    h_list = [h]
    num_layer = W.shape[0]
    for layer in range(num_layer):
        ee = jnp.zeros((edge_attr.shape[0], emb_dim), jnp.float32)
        for k in range(edge_attr.shape[1]):
            ee = ee + bond[layer, k][edge_attr[:, k]]
        hh = _gcn_conv(h_list[layer], edge_index, ee, W[layer], b[layer], root[layer], n_nodes)
        mean = hh.mean(axis=0)
        var = hh.var(axis=0)
        hh = gamma[layer] * (hh - mean) / jnp.sqrt(var + 1e-5) + beta[layer]
        if layer < num_layer - 1:
            hh = jax.nn.relu(hh)
        # dropout is identity in eval mode
        h_list.append(hh)
    out = h_list[0]
    for t in h_list[1:]:
        out = out + t
    return out


def reference(x, edge_index, edge_attr, batch, atom_tables, W, b, root, bond, gamma, beta):
    del batch  # carried in batched_data but unused by GNN_node forward compute
    return _forward(x, edge_index, edge_attr, atom_tables, W, b, root, bond, gamma, beta)

if __name__ == "__main__":
    import jax
    _d = setup_inputs()
    print(jax.jit(kernel)(*tuple(_d.values())))

</pallas_src>

<mosaic_0001>
#map = affine_map<(d0, d1) -> (0, 0, 0)>
#map1 = affine_map<(d0, d1) -> (0, 0)>
module attributes {stable_mosaic.version = 14 : i64} {
  func.func @_sc_deg_body(%arg0: i32, %arg1: i32, %arg2: memref<16x160x128xi32, #tpu.memory_space<hbm>>, %arg3: memref<128x16xf32, #tpu.memory_space<hbm>>, %arg4: memref<128x16xf32, #tpu.memory_space<hbm>>, %arg5: memref<2x10240x16xf32, #tpu.memory_space<hbm>>, %arg6: memref<160x128xi32, #tpu.memory_space<vmem>>, %arg7: memref<128x16xf32, #tpu.memory_space<vmem>>, %arg8: memref<10240x16xf32, #tpu.memory_space<vmem_shared>>) attributes {dimension_semantics = [#tpu.dimension_semantics<core_parallel>, #tpu.dimension_semantics<subcore_parallel>], iteration_bounds = array<i64: 2, 16>, scalar_prefetch = 0 : i64, scratch_operands = 3 : i64, tpu.core_type = #tpu.core_type<sc_vector_subcore>, window_params = [{transform_indices = #map}, {transform_indices = #map1}, {transform_indices = #map1}, {transform_indices = #map}]} {
    "tpu.region"() ({
      %run_scoped3A = tpu.sem_alloc : memref<!tpu.dma_semaphore, #tpu.memory_space<semaphore_mem>>
      %dma_start3A = arith.constant 0 : i32
      %dma_start3A_44 = arith.constant 0 : i32
      %dma_start3A_45 = tpu.memref_slice %arg2[%arg1, %dma_start3A, %dma_start3A_44] : memref<16x160x128xi32, #tpu.memory_space<hbm>> -> memref<1x160x128xi32, #tpu.memory_space<hbm>>
      %dma_start3A_46 = tpu.memref_squeeze %dma_start3A_45 : memref<1x160x128xi32, #tpu.memory_space<hbm>> -> memref<160x128xi32, #tpu.memory_space<hbm>>
      %dma_start3A_47 = arith.constant 0 : i32
      %dma_start3A_48 = arith.constant 0 : i32
      %dma_start3A_49 = tpu.memref_slice %arg2[%arg1, %dma_start3A_47, %dma_start3A_48] : memref<16x160x128xi32, #tpu.memory_space<hbm>> -> memref<1x160x128xi32, #tpu.memory_space<hbm>>
      %dma_start3A_50 = tpu.memref_squeeze %dma_start3A_49 : memref<1x160x128xi32, #tpu.memory_space<hbm>> -> memref<160x128xi32, #tpu.memory_space<hbm>>
      tpu.enqueue_dma source(%dma_start3A_50 : memref<160x128xi32, #tpu.memory_space<hbm>>) target(%arg6 : memref<160x128xi32, #tpu.memory_space<vmem>>) target_semaphore(%run_scoped3A : memref<!tpu.dma_semaphore, #tpu.memory_space<semaphore_mem>>)
      %dma_wait3A = arith.constant 0 : i32
      %dma_wait3A_51 = arith.constant 0 : i32
      %dma_wait3A_52 = tpu.memref_slice %arg2[%arg1, %dma_wait3A, %dma_wait3A_51] : memref<16x160x128xi32, #tpu.memory_space<hbm>> -> memref<1x160x128xi32, #tpu.memory_space<hbm>>
      %dma_wait3A_53 = tpu.memref_squeeze %dma_wait3A_52 : memref<1x160x128xi32, #tpu.memory_space<hbm>> -> memref<160x128xi32, #tpu.memory_space<hbm>>
      %dma_wait3A_54 = arith.constant 0 : i32
      %dma_wait3A_55 = arith.constant 0 : i32
      %dma_wait3A_56 = tpu.memref_slice %arg2[%arg1, %dma_wait3A_54, %dma_wait3A_55] : memref<16x160x128xi32, #tpu.memory_space<hbm>> -> memref<1x160x128xi32, #tpu.memory_space<hbm>>
      %dma_wait3A_57 = tpu.memref_squeeze %dma_wait3A_56 : memref<1x160x128xi32, #tpu.memory_space<hbm>> -> memref<160x128xi32, #tpu.memory_space<hbm>>
      tpu.wait_dma2 semaphore(%run_scoped3A : memref<!tpu.dma_semaphore, #tpu.memory_space<semaphore_mem>>) src(%dma_wait3A_57 : memref<160x128xi32, #tpu.memory_space<hbm>>) dst(%arg6 : memref<160x128xi32, #tpu.memory_space<vmem>>)
      tpu.yield
    }) : () -> ()
    "tpu.region"() ({
      %run_scoped3A = tpu.sem_alloc : memref<!tpu.dma_semaphore, #tpu.memory_space<semaphore_mem>>
      tpu.enqueue_dma source(%arg3 : memref<128x16xf32, #tpu.memory_space<hbm>>) target(%arg7 : memref<128x16xf32, #tpu.memory_space<vmem>>) target_semaphore(%run_scoped3A : memref<!tpu.dma_semaphore, #tpu.memory_space<semaphore_mem>>)
      tpu.wait_dma2 semaphore(%run_scoped3A : memref<!tpu.dma_semaphore, #tpu.memory_space<semaphore_mem>>) src(%arg3 : memref<128x16xf32, #tpu.memory_space<hbm>>) dst(%arg7 : memref<128x16xf32, #tpu.memory_space<vmem>>)
      tpu.yield
    }) : () -> ()
    %mul3A = arith.constant 640 : i32
    %mul3A_0 = arith.muli %arg1, %mul3A : i32
    %add3A = arith.constant 0 : i32
    %add3A_1 = arith.addi %mul3A_0, %add3A : i32
    "tpu.region"() ({
      %run_scoped3A = tpu.sem_alloc : memref<!tpu.dma_semaphore, #tpu.memory_space<semaphore_mem>>
      %dma_start3A = arith.constant 0 : i32
      %dma_start3A_44 = tpu.memref_slice %arg8[%add3A_1, %dma_start3A] : memref<10240x16xf32, #tpu.memory_space<vmem_shared>> -> memref<128x16xf32, #tpu.memory_space<vmem_shared>>
      tpu.enqueue_dma source(%arg4 : memref<128x16xf32, #tpu.memory_space<hbm>>) target(%dma_start3A_44 : memref<128x16xf32, #tpu.memory_space<vmem_shared>>) target_semaphore(%run_scoped3A : memref<!tpu.dma_semaphore, #tpu.memory_space<semaphore_mem>>)
      %dma_wait3A = arith.constant 0 : i32
      %dma_wait3A_45 = tpu.memref_slice %arg8[%add3A_1, %dma_wait3A] : memref<10240x16xf32, #tpu.memory_space<vmem_shared>> -> memref<128x16xf32, #tpu.memory_space<vmem_shared>>
      tpu.wait_dma2 semaphore(%run_scoped3A : memref<!tpu.dma_semaphore, #tpu.memory_space<semaphore_mem>>) src(%arg4 : memref<128x16xf32, #tpu.memory_space<hbm>>) dst(%dma_wait3A_45 : memref<128x16xf32, #tpu.memory_space<vmem_shared>>)
      tpu.yield
    }) : () -> ()
    %mul3A_2 = arith.constant 640 : i32
    %mul3A_3 = arith.muli %arg1, %mul3A_2 : i32
    %add3A_4 = arith.constant 128 : i32
    %add3A_5 = arith.addi %mul3A_3, %add3A_4 : i32
    "tpu.region"() ({
      %run_scoped3A = tpu.sem_alloc : memref<!tpu.dma_semaphore, #tpu.memory_space<semaphore_mem>>
      %dma_start3A = arith.constant 0 : i32
      %dma_start3A_44 = tpu.memref_slice %arg8[%add3A_5, %dma_start3A] : memref<10240x16xf32, #tpu.memory_space<vmem_shared>> -> memref<128x16xf32, #tpu.memory_space<vmem_shared>>
      tpu.enqueue_dma source(%arg4 : memref<128x16xf32, #tpu.memory_space<hbm>>) target(%dma_start3A_44 : memref<128x16xf32, #tpu.memory_space<vmem_shared>>) target_semaphore(%run_scoped3A : memref<!tpu.dma_semaphore, #tpu.memory_space<semaphore_mem>>)
      %dma_wait3A = arith.constant 0 : i32
      %dma_wait3A_45 = tpu.memref_slice %arg8[%add3A_5, %dma_wait3A] : memref<10240x16xf32, #tpu.memory_space<vmem_shared>> -> memref<128x16xf32, #tpu.memory_space<vmem_shared>>
      tpu.wait_dma2 semaphore(%run_scoped3A : memref<!tpu.dma_semaphore, #tpu.memory_space<semaphore_mem>>) src(%arg4 : memref<128x16xf32, #tpu.memory_space<hbm>>) dst(%dma_wait3A_45 : memref<128x16xf32, #tpu.memory_space<vmem_shared>>)
      tpu.yield
    }) : () -> ()
    %mul3A_6 = arith.constant 640 : i32
    %mul3A_7 = arith.muli %arg1, %mul3A_6 : i32
    %add3A_8 = arith.constant 256 : i32
    %add3A_9 = arith.addi %mul3A_7, %add3A_8 : i32
    "tpu.region"() ({
      %run_scoped3A = tpu.sem_alloc : memref<!tpu.dma_semaphore, #tpu.memory_space<semaphore_mem>>
      %dma_start3A = arith.constant 0 : i32
      %dma_start3A_44 = tpu.memref_slice %arg8[%add3A_9, %dma_start3A] : memref<10240x16xf32, #tpu.memory_space<vmem_shared>> -> memref<128x16xf32, #tpu.memory_space<vmem_shared>>
      tpu.enqueue_dma source(%arg4 : memref<128x16xf32, #tpu.memory_space<hbm>>) target(%dma_start3A_44 : memref<128x16xf32, #tpu.memory_space<vmem_shared>>) target_semaphore(%run_scoped3A : memref<!tpu.dma_semaphore, #tpu.memory_space<semaphore_mem>>)
      %dma_wait3A = arith.constant 0 : i32
      %dma_wait3A_45 = tpu.memref_slice %arg8[%add3A_9, %dma_wait3A] : memref<10240x16xf32, #tpu.memory_space<vmem_shared>> -> memref<128x16xf32, #tpu.memory_space<vmem_shared>>
      tpu.wait_dma2 semaphore(%run_scoped3A : memref<!tpu.dma_semaphore, #tpu.memory_space<semaphore_mem>>) src(%arg4 : memref<128x16xf32, #tpu.memory_space<hbm>>) dst(%dma_wait3A_45 : memref<128x16xf32, #tpu.memory_space<vmem_shared>>)
      tpu.yield
    }) : () -> ()
    %mul3A_10 = arith.constant 640 : i32
    %mul3A_11 = arith.muli %arg1, %mul3A_10 : i32
    %add3A_12 = arith.constant 384 : i32
    %add3A_13 = arith.addi %mul3A_11, %add3A_12 : i32
    "tpu.region"() ({
      %run_scoped3A = tpu.sem_alloc : memref<!tpu.dma_semaphore, #tpu.memory_space<semaphore_mem>>
      %dma_start3A = arith.constant 0 : i32
      %dma_start3A_44 = tpu.memref_slice %arg8[%add3A_13, %dma_start3A] : memref<10240x16xf32, #tpu.memory_space<vmem_shared>> -> memref<128x16xf32, #tpu.memory_space<vmem_shared>>
      tpu.enqueue_dma source(%arg4 : memref<128x16xf32, #tpu.memory_space<hbm>>) target(%dma_start3A_44 : memref<128x16xf32, #tpu.memory_space<vmem_shared>>) target_semaphore(%run_scoped3A : memref<!tpu.dma_semaphore, #tpu.memory_space<semaphore_mem>>)
      %dma_wait3A = arith.constant 0 : i32
      %dma_wait3A_45 = tpu.memref_slice %arg8[%add3A_13, %dma_wait3A] : memref<10240x16xf32, #tpu.memory_space<vmem_shared>> -> memref<128x16xf32, #tpu.memory_space<vmem_shared>>
      tpu.wait_dma2 semaphore(%run_scoped3A : memref<!tpu.dma_semaphore, #tpu.memory_space<semaphore_mem>>) src(%arg4 : memref<128x16xf32, #tpu.memory_space<hbm>>) dst(%dma_wait3A_45 : memref<128x16xf32, #tpu.memory_space<vmem_shared>>)
      tpu.yield
    }) : () -> ()
    %mul3A_14 = arith.constant 640 : i32
    %mul3A_15 = arith.muli %arg1, %mul3A_14 : i32
    %add3A_16 = arith.constant 512 : i32
    %add3A_17 = arith.addi %mul3A_15, %add3A_16 : i32
    "tpu.region"() ({
      %run_scoped3A = tpu.sem_alloc : memref<!tpu.dma_semaphore, #tpu.memory_space<semaphore_mem>>
      %dma_start3A = arith.constant 0 : i32
      %dma_start3A_44 = tpu.memref_slice %arg8[%add3A_17, %dma_start3A] : memref<10240x16xf32, #tpu.memory_space<vmem_shared>> -> memref<128x16xf32, #tpu.memory_space<vmem_shared>>
      tpu.enqueue_dma source(%arg4 : memref<128x16xf32, #tpu.memory_space<hbm>>) target(%dma_start3A_44 : memref<128x16xf32, #tpu.memory_space<vmem_shared>>) target_semaphore(%run_scoped3A : memref<!tpu.dma_semaphore, #tpu.memory_space<semaphore_mem>>)
      %dma_wait3A = arith.constant 0 : i32
      %dma_wait3A_45 = tpu.memref_slice %arg8[%add3A_17, %dma_wait3A] : memref<10240x16xf32, #tpu.memory_space<vmem_shared>> -> memref<128x16xf32, #tpu.memory_space<vmem_shared>>
      tpu.wait_dma2 semaphore(%run_scoped3A : memref<!tpu.dma_semaphore, #tpu.memory_space<semaphore_mem>>) src(%arg4 : memref<128x16xf32, #tpu.memory_space<hbm>>) dst(%dma_wait3A_45 : memref<128x16xf32, #tpu.memory_space<vmem_shared>>)
      tpu.yield
    }) : () -> ()
    %barrier3A = arith.constant 0 : index
    tpu.barrier barrier_id(%barrier3A)
    %scan3A = arith.constant 0 : i32
    %scan3A_18 = arith.constant 0 : i32
    %scan3A_19 = arith.constant 160 : i32
    %scan3A_20 = arith.addi %scan3A_18, %scan3A_19 : i32
    %scan3A_21 = arith.constant 1 : i32
    scf.for %scan3A_44 = %scan3A_18 to %scan3A_20 step %scan3A_21  : i32 {
      "tpu.region"() ({
        %run_scoped3A = tpu.sem_alloc : memref<!tpu.dma_semaphore, #tpu.memory_space<semaphore_mem>>
        %dma_start3A = arith.constant 0 : i32
        %dma_start3A_45 = tpu.memref_slice %arg6[%scan3A_44, %dma_start3A] : memref<160x128xi32, #tpu.memory_space<vmem>> -> memref<1x128xi32, #tpu.memory_space<vmem>>
        %dma_start3A_46 = tpu.memref_squeeze %dma_start3A_45 : memref<1x128xi32, #tpu.memory_space<vmem>> -> memref<128xi32, #tpu.memory_space<vmem>>
        %dma_start3A_47 = arith.constant 0 : i32
        %dma_start3A_48 = arith.constant 0 : i32
        %dma_start3A_49 = tpu.memref_slice %arg8[%dma_start3A_47, %dma_start3A_48] : memref<10240x16xf32, #tpu.memory_space<vmem_shared>> -> memref<10240x16xf32, #tpu.memory_space<vmem_shared>>
        tpu.enqueue_indirect_dma source(%arg7 : memref<128x16xf32, #tpu.memory_space<vmem>>) target(%dma_start3A_49 : memref<10240x16xf32, #tpu.memory_space<vmem_shared>>) offsets(%dma_start3A_46 : memref<128xi32, #tpu.memory_space<vmem>>) semaphore(%run_scoped3A : memref<!tpu.dma_semaphore, #tpu.memory_space<semaphore_mem>>) {add = true}
        %dma_wait3A = arith.constant 0 : i32
        %dma_wait3A_50 = tpu.memref_slice %arg6[%scan3A_44, %dma_wait3A] : memref<160x128xi32, #tpu.memory_space<vmem>> -> memref<1x128xi32, #tpu.memory_space<vmem>>
        %dma_wait3A_51 = tpu.memref_squeeze %dma_wait3A_50 : memref<1x128xi32, #tpu.memory_space<vmem>> -> memref<128xi32, #tpu.memory_space<vmem>>
        %dma_wait3A_52 = arith.constant 0 : i32
        %dma_wait3A_53 = arith.constant 0 : i32
        %dma_wait3A_54 = tpu.memref_slice %arg8[%dma_wait3A_52, %dma_wait3A_53] : memref<10240x16xf32, #tpu.memory_space<vmem_shared>> -> memref<10240x16xf32, #tpu.memory_space<vmem_shared>>
        tpu.wait_indirect_dma semaphore(%run_scoped3A : memref<!tpu.dma_semaphore, #tpu.memory_space<semaphore_mem>>) src(%arg7 : memref<128x16xf32, #tpu.memory_space<vmem>>) dst(%dma_wait3A_54 : memref<10240x16xf32, #tpu.memory_space<vmem_shared>>)
        tpu.yield
      }) : () -> ()
    }
    %scan3A_22 = arith.constant 160 : i32
    %barrier3A_23 = arith.constant 0 : index
    tpu.barrier barrier_id(%barrier3A_23)
    %mul3A_24 = arith.constant 640 : i32
    %mul3A_25 = arith.muli %arg1, %mul3A_24 : i32
    %add3A_26 = arith.constant 0 : i32
    %add3A_27 = arith.addi %mul3A_25, %add3A_26 : i32
    "tpu.region"() ({
      %run_scoped3A = tpu.sem_alloc : memref<!tpu.dma_semaphore, #tpu.memory_space<semaphore_mem>>
      %dma_start3A = arith.constant 0 : i32
      %dma_start3A_44 = tpu.memref_slice %arg5[%arg0, %add3A_27, %dma_start3A] : memref<2x10240x16xf32, #tpu.memory_space<hbm>> -> memref<1x128x16xf32, #tpu.memory_space<hbm>>
      %dma_start3A_45 = tpu.memref_squeeze %dma_start3A_44 : memref<1x128x16xf32, #tpu.memory_space<hbm>> -> memref<128x16xf32, #tpu.memory_space<hbm>>
      %dma_start3A_46 = arith.constant 0 : i32
      %dma_start3A_47 = tpu.memref_slice %arg8[%add3A_27, %dma_start3A_46] : memref<10240x16xf32, #tpu.memory_space<vmem_shared>> -> memref<128x16xf32, #tpu.memory_space<vmem_shared>>
      tpu.enqueue_dma source(%dma_start3A_47 : memref<128x16xf32, #tpu.memory_space<vmem_shared>>) target(%dma_start3A_45 : memref<128x16xf32, #tpu.memory_space<hbm>>) target_semaphore(%run_scoped3A : memref<!tpu.dma_semaphore, #tpu.memory_space<semaphore_mem>>)
      %dma_wait3A = arith.constant 0 : i32
      %dma_wait3A_48 = tpu.memref_slice %arg5[%arg0, %add3A_27, %dma_wait3A] : memref<2x10240x16xf32, #tpu.memory_space<hbm>> -> memref<1x128x16xf32, #tpu.memory_space<hbm>>
      %dma_wait3A_49 = tpu.memref_squeeze %dma_wait3A_48 : memref<1x128x16xf32, #tpu.memory_space<hbm>> -> memref<128x16xf32, #tpu.memory_space<hbm>>
      %dma_wait3A_50 = arith.constant 0 : i32
      %dma_wait3A_51 = tpu.memref_slice %arg8[%add3A_27, %dma_wait3A_50] : memref<10240x16xf32, #tpu.memory_space<vmem_shared>> -> memref<128x16xf32, #tpu.memory_space<vmem_shared>>
      tpu.wait_dma2 semaphore(%run_scoped3A : memref<!tpu.dma_semaphore, #tpu.memory_space<semaphore_mem>>) src(%dma_wait3A_51 : memref<128x16xf32, #tpu.memory_space<vmem_shared>>) dst(%dma_wait3A_49 : memref<128x16xf32, #tpu.memory_space<hbm>>)
      tpu.yield
    }) : () -> ()
    %mul3A_28 = arith.constant 640 : i32
    %mul3A_29 = arith.muli %arg1, %mul3A_28 : i32
    %add3A_30 = arith.constant 128 : i32
    %add3A_31 = arith.addi %mul3A_29, %add3A_30 : i32
    "tpu.region"() ({
      %run_scoped3A = tpu.sem_alloc : memref<!tpu.dma_semaphore, #tpu.memory_space<semaphore_mem>>
      %dma_start3A = arith.constant 0 : i32
      %dma_start3A_44 = tpu.memref_slice %arg5[%arg0, %add3A_31, %dma_start3A] : memref<2x10240x16xf32, #tpu.memory_space<hbm>> -> memref<1x128x16xf32, #tpu.memory_space<hbm>>
      %dma_start3A_45 = tpu.memref_squeeze %dma_start3A_44 : memref<1x128x16xf32, #tpu.memory_space<hbm>> -> memref<128x16xf32, #tpu.memory_space<hbm>>
      %dma_start3A_46 = arith.constant 0 : i32
      %dma_start3A_47 = tpu.memref_slice %arg8[%add3A_31, %dma_start3A_46] : memref<10240x16xf32, #tpu.memory_space<vmem_shared>> -> memref<128x16xf32, #tpu.memory_space<vmem_shared>>
      tpu.enqueue_dma source(%dma_start3A_47 : memref<128x16xf32, #tpu.memory_space<vmem_shared>>) target(%dma_start3A_45 : memref<128x16xf32, #tpu.memory_space<hbm>>) target_semaphore(%run_scoped3A : memref<!tpu.dma_semaphore, #tpu.memory_space<semaphore_mem>>)
      %dma_wait3A = arith.constant 0 : i32
      %dma_wait3A_48 = tpu.memref_slice %arg5[%arg0, %add3A_31, %dma_wait3A] : memref<2x10240x16xf32, #tpu.memory_space<hbm>> -> memref<1x128x16xf32, #tpu.memory_space<hbm>>
      %dma_wait3A_49 = tpu.memref_squeeze %dma_wait3A_48 : memref<1x128x16xf32, #tpu.memory_space<hbm>> -> memref<128x16xf32, #tpu.memory_space<hbm>>
      %dma_wait3A_50 = arith.constant 0 : i32
      %dma_wait3A_51 = tpu.memref_slice %arg8[%add3A_31, %dma_wait3A_50] : memref<10240x16xf32, #tpu.memory_space<vmem_shared>> -> memref<128x16xf32, #tpu.memory_space<vmem_shared>>
      tpu.wait_dma2 semaphore(%run_scoped3A : memref<!tpu.dma_semaphore, #tpu.memory_space<semaphore_mem>>) src(%dma_wait3A_51 : memref<128x16xf32, #tpu.memory_space<vmem_shared>>) dst(%dma_wait3A_49 : memref<128x16xf32, #tpu.memory_space<hbm>>)
      tpu.yield
    }) : () -> ()
    %mul3A_32 = arith.constant 640 : i32
    %mul3A_33 = arith.muli %arg1, %mul3A_32 : i32
    %add3A_34 = arith.constant 256 : i32
    %add3A_35 = arith.addi %mul3A_33, %add3A_34 : i32
    "tpu.region"() ({
      %run_scoped3A = tpu.sem_alloc : memref<!tpu.dma_semaphore, #tpu.memory_space<semaphore_mem>>
      %dma_start3A = arith.constant 0 : i32
      %dma_start3A_44 = tpu.memref_slice %arg5[%arg0, %add3A_35, %dma_start3A] : memref<2x10240x16xf32, #tpu.memory_space<hbm>> -> memref<1x128x16xf32, #tpu.memory_space<hbm>>
      %dma_start3A_45 = tpu.memref_squeeze %dma_start3A_44 : memref<1x128x16xf32, #tpu.memory_space<hbm>> -> memref<128x16xf32, #tpu.memory_space<hbm>>
      %dma_start3A_46 = arith.constant 0 : i32
      %dma_start3A_47 = tpu.memref_slice %arg8[%add3A_35, %dma_start3A_46] : memref<10240x16xf32, #tpu.memory_space<vmem_shared>> -> memref<128x16xf32, #tpu.memory_space<vmem_shared>>
      tpu.enqueue_dma source(%dma_start3A_47 : memref<128x16xf32, #tpu.memory_space<vmem_shared>>) target(%dma_start3A_45 : memref<128x16xf32, #tpu.memory_space<hbm>>) target_semaphore(%run_scoped3A : memref<!tpu.dma_semaphore, #tpu.memory_space<semaphore_mem>>)
      %dma_wait3A = arith.constant 0 : i32
      %dma_wait3A_48 = tpu.memref_slice %arg5[%arg0, %add3A_35, %dma_wait3A] : memref<2x10240x16xf32, #tpu.memory_space<hbm>> -> memref<1x128x16xf32, #tpu.memory_space<hbm>>
      %dma_wait3A_49 = tpu.memref_squeeze %dma_wait3A_48 : memref<1x128x16xf32, #tpu.memory_space<hbm>> -> memref<128x16xf32, #tpu.memory_space<hbm>>
      %dma_wait3A_50 = arith.constant 0 : i32
      %dma_wait3A_51 = tpu.memref_slice %arg8[%add3A_35, %dma_wait3A_50] : memref<10240x16xf32, #tpu.memory_space<vmem_shared>> -> memref<128x16xf32, #tpu.memory_space<vmem_shared>>
      tpu.wait_dma2 semaphore(%run_scoped3A : memref<!tpu.dma_semaphore, #tpu.memory_space<semaphore_mem>>) src(%dma_wait3A_51 : memref<128x16xf32, #tpu.memory_space<vmem_shared>>) dst(%dma_wait3A_49 : memref<128x16xf32, #tpu.memory_space<hbm>>)
      tpu.yield
    }) : () -> ()
    %mul3A_36 = arith.constant 640 : i32
    %mul3A_37 = arith.muli %arg1, %mul3A_36 : i32
    %add3A_38 = arith.constant 384 : i32
    %add3A_39 = arith.addi %mul3A_37, %add3A_38 : i32
    "tpu.region"() ({
      %run_scoped3A = tpu.sem_alloc : memref<!tpu.dma_semaphore, #tpu.memory_space<semaphore_mem>>
      %dma_start3A = arith.constant 0 : i32
      %dma_start3A_44 = tpu.memref_slice %arg5[%arg0, %add3A_39, %dma_start3A] : memref<2x10240x16xf32, #tpu.memory_space<hbm>> -> memref<1x128x16xf32, #tpu.memory_space<hbm>>
      %dma_start3A_45 = tpu.memref_squeeze %dma_start3A_44 : memref<1x128x16xf32, #tpu.memory_space<hbm>> -> memref<128x16xf32, #tpu.memory_space<hbm>>
      %dma_start3A_46 = arith.constant 0 : i32
      %dma_start3A_47 = tpu.memref_slice %arg8[%add3A_39, %dma_start3A_46] : memref<10240x16xf32, #tpu.memory_space<vmem_shared>> -> memref<128x16xf32, #tpu.memory_space<vmem_shared>>
      tpu.enqueue_dma source(%dma_start3A_47 : memref<128x16xf32, #tpu.memory_space<vmem_shared>>) target(%dma_start3A_45 : memref<128x16xf32, #tpu.memory_space<hbm>>) target_semaphore(%run_scoped3A : memref<!tpu.dma_semaphore, #tpu.memory_space<semaphore_mem>>)
      %dma_wait3A = arith.constant 0 : i32
      %dma_wait3A_48 = tpu.memref_slice %arg5[%arg0, %add3A_39, %dma_wait3A] : memref<2x10240x16xf32, #tpu.memory_space<hbm>> -> memref<1x128x16xf32, #tpu.memory_space<hbm>>
      %dma_wait3A_49 = tpu.memref_squeeze %dma_wait3A_48 : memref<1x128x16xf32, #tpu.memory_space<hbm>> -> memref<128x16xf32, #tpu.memory_space<hbm>>
      %dma_wait3A_50 = arith.constant 0 : i32
      %dma_wait3A_51 = tpu.memref_slice %arg8[%add3A_39, %dma_wait3A_50] : memref<10240x16xf32, #tpu.memory_space<vmem_shared>> -> memref<128x16xf32, #tpu.memory_space<vmem_shared>>
      tpu.wait_dma2 semaphore(%run_scoped3A : memref<!tpu.dma_semaphore, #tpu.memory_space<semaphore_mem>>) src(%dma_wait3A_51 : memref<128x16xf32, #tpu.memory_space<vmem_shared>>) dst(%dma_wait3A_49 : memref<128x16xf32, #tpu.memory_space<hbm>>)
      tpu.yield
    }) : () -> ()
    %mul3A_40 = arith.constant 640 : i32
    %mul3A_41 = arith.muli %arg1, %mul3A_40 : i32
    %add3A_42 = arith.constant 512 : i32
    %add3A_43 = arith.addi %mul3A_41, %add3A_42 : i32
    "tpu.region"() ({
      %run_scoped3A = tpu.sem_alloc : memref<!tpu.dma_semaphore, #tpu.memory_space<semaphore_mem>>
      %dma_start3A = arith.constant 0 : i32
      %dma_start3A_44 = tpu.memref_slice %arg5[%arg0, %add3A_43, %dma_start3A] : memref<2x10240x16xf32, #tpu.memory_space<hbm>> -> memref<1x128x16xf32, #tpu.memory_space<hbm>>
      %dma_start3A_45 = tpu.memref_squeeze %dma_start3A_44 : memref<1x128x16xf32, #tpu.memory_space<hbm>> -> memref<128x16xf32, #tpu.memory_space<hbm>>
      %dma_start3A_46 = arith.constant 0 : i32
      %dma_start3A_47 = tpu.memref_slice %arg8[%add3A_43, %dma_start3A_46] : memref<10240x16xf32, #tpu.memory_space<vmem_shared>> -> memref<128x16xf32, #tpu.memory_space<vmem_shared>>
      tpu.enqueue_dma source(%dma_start3A_47 : memref<128x16xf32, #tpu.memory_space<vmem_shared>>) target(%dma_start3A_45 : memref<128x16xf32, #tpu.memory_space<hbm>>) target_semaphore(%run_scoped3A : memref<!tpu.dma_semaphore, #tpu.memory_space<semaphore_mem>>)
      %dma_wait3A = arith.constant 0 : i32
      %dma_wait3A_48 = tpu.memref_slice %arg5[%arg0, %add3A_43, %dma_wait3A] : memref<2x10240x16xf32, #tpu.memory_space<hbm>> -> memref<1x128x16xf32, #tpu.memory_space<hbm>>
      %dma_wait3A_49 = tpu.memref_squeeze %dma_wait3A_48 : memref<1x128x16xf32, #tpu.memory_space<hbm>> -> memref<128x16xf32, #tpu.memory_space<hbm>>
      %dma_wait3A_50 = arith.constant 0 : i32
      %dma_wait3A_51 = tpu.memref_slice %arg8[%add3A_43, %dma_wait3A_50] : memref<10240x16xf32, #tpu.memory_space<vmem_shared>> -> memref<128x16xf32, #tpu.memory_space<vmem_shared>>
      tpu.wait_dma2 semaphore(%run_scoped3A : memref<!tpu.dma_semaphore, #tpu.memory_space<semaphore_mem>>) src(%dma_wait3A_51 : memref<128x16xf32, #tpu.memory_space<vmem_shared>>) dst(%dma_wait3A_49 : memref<128x16xf32, #tpu.memory_space<hbm>>)
      tpu.yield
    }) : () -> ()
    return
  }
}

#map = affine_map<(d0, d1) -> (0, 0, 0)>
#map1 = affine_map<(d0, d1) -> (0, 0)>
module attributes {stable_mosaic.version = 14 : i64} {
  func.func @_sc_edges_body(%arg0: i32, %arg1: i32, %arg2: memref<2x80000x64xf32, #tpu.memory_space<hbm>>, %arg3: memref<16x160x128xi32, #tpu.memory_space<hbm>>, %arg4: memref<16x160x128xi32, #tpu.memory_space<hbm>>, %arg5: memref<128x64xf32, #tpu.memory_space<hbm>>, %arg6: memref<2x10240x64xf32, #tpu.memory_space<hbm>>, %arg7: memref<160x128xi32, #tpu.memory_space<vmem>>, %arg8: memref<160x128xi32, #tpu.memory_space<vmem>>, %arg9: memref<128x64xf32, #tpu.memory_space<vmem>>, %arg10: memref<128x64xf32, #tpu.memory_space<vmem>>, %arg11: memref<128x64xf32, #tpu.memory_space<vmem>>, %arg12: memref<128x64xf32, #tpu.memory_space<vmem>>, %arg13: memref<10240x64xf32, #tpu.memory_space<vmem_shared>>, %arg14: memref<!tpu.dma_semaphore, #tpu.memory_space<semaphore_mem>>, %arg15: memref<!tpu.dma_semaphore, #tpu.memory_space<semaphore_mem>>, %arg16: memref<!tpu.dma_semaphore, #tpu.memory_space<semaphore_mem>>, %arg17: memref<!tpu.dma_semaphore, #tpu.memory_space<semaphore_mem>>, %arg18: memref<!tpu.dma_semaphore, #tpu.memory_space<semaphore_mem>>, %arg19: memref<!tpu.dma_semaphore, #tpu.memory_space<semaphore_mem>>, %arg20: memref<!tpu.dma_semaphore, #tpu.memory_space<semaphore_mem>>, %arg21: memref<!tpu.dma_semaphore, #tpu.memory_space<semaphore_mem>>) attributes {dimension_semantics = [#tpu.dimension_semantics<core_parallel>, #tpu.dimension_semantics<subcore_parallel>], iteration_bounds = array<i64: 2, 16>, scalar_prefetch = 0 : i64, scratch_operands = 15 : i64, tpu.core_type = #tpu.core_type<sc_vector_subcore>, window_params = [{transform_indices = #map}, {transform_indices = #map}, {transform_indices = #map}, {transform_indices = #map1}, {transform_indices = #map}]} {
    "tpu.region"() ({
      %run_scoped3A = tpu.sem_alloc : memref<!tpu.dma_semaphore, #tpu.memory_space<semaphore_mem>>
      %dma_start3A_114 = arith.constant 0 : i32
      %dma_start3A_115 = arith.constant 0 : i32
      %dma_start3A_116 = tpu.memref_slice %arg3[%arg1, %dma_start3A_114, %dma_start3A_115] : memref<16x160x128xi32, #tpu.memory_space<hbm>> -> memref<1x160x128xi32, #tpu.memory_space<hbm>>
      %dma_start3A_117 = tpu.memref_squeeze %dma_start3A_116 : memref<1x160x128xi32, #tpu.memory_space<hbm>> -> memref<160x128xi32, #tpu.memory_space<hbm>>
      %dma_start3A_118 = arith.constant 0 : i32
      %dma_start3A_119 = arith.constant 0 : i32
      %dma_start3A_120 = tpu.memref_slice %arg3[%arg1, %dma_start3A_118, %dma_start3A_119] : memref<16x160x128xi32, #tpu.memory_space<hbm>> -> memref<1x160x128xi32, #tpu.memory_space<hbm>>
      %dma_start3A_121 = tpu.memref_squeeze %dma_start3A_120 : memref<1x160x128xi32, #tpu.memory_space<hbm>> -> memref<160x128xi32, #tpu.memory_space<hbm>>
      tpu.enqueue_dma source(%dma_start3A_121 : memref<160x128xi32, #tpu.memory_space<hbm>>) target(%arg7 : memref<160x128xi32, #tpu.memory_space<vmem>>) target_semaphore(%run_scoped3A : memref<!tpu.dma_semaphore, #tpu.memory_space<semaphore_mem>>)
      %dma_wait3A_122 = arith.constant 0 : i32
      %dma_wait3A_123 = arith.constant 0 : i32
      %dma_wait3A_124 = tpu.memref_slice %arg3[%arg1, %dma_wait3A_122, %dma_wait3A_123] : memref<16x160x128xi32, #tpu.memory_space<hbm>> -> memref<1x160x128xi32, #tpu.memory_space<hbm>>
      %dma_wait3A_125 = tpu.memref_squeeze %dma_wait3A_124 : memref<1x160x128xi32, #tpu.memory_space<hbm>> -> memref<160x128xi32, #tpu.memory_space<hbm>>
      %dma_wait3A_126 = arith.constant 0 : i32
      %dma_wait3A_127 = arith.constant 0 : i32
      %dma_wait3A_128 = tpu.memref_slice %arg3[%arg1, %dma_wait3A_126, %dma_wait3A_127] : memref<16x160x128xi32, #tpu.memory_space<hbm>> -> memref<1x160x128xi32, #tpu.memory_space<hbm>>
      %dma_wait3A_129 = tpu.memref_squeeze %dma_wait3A_128 : memref<1x160x128xi32, #tpu.memory_space<hbm>> -> memref<160x128xi32, #tpu.memory_space<hbm>>
      tpu.wait_dma2 semaphore(%run_scoped3A : memref<!tpu.dma_semaphore, #tpu.memory_space<semaphore_mem>>) src(%dma_wait3A_129 : memref<160x128xi32, #tpu.memory_space<hbm>>) dst(%arg7 : memref<160x128xi32, #tpu.memory_space<vmem>>)
      tpu.yield
    }) : () -> ()
    "tpu.region"() ({
      %run_scoped3A = tpu.sem_alloc : memref<!tpu.dma_semaphore, #tpu.memory_space<semaphore_mem>>
      %dma_start3A_114 = arith.constant 0 : i32
      %dma_start3A_115 = arith.constant 0 : i32
      %dma_start3A_116 = tpu.memref_slice %arg4[%arg1, %dma_start3A_114, %dma_start3A_115] : memref<16x160x128xi32, #tpu.memory_space<hbm>> -> memref<1x160x128xi32, #tpu.memory_space<hbm>>
      %dma_start3A_117 = tpu.memref_squeeze %dma_start3A_116 : memref<1x160x128xi32, #tpu.memory_space<hbm>> -> memref<160x128xi32, #tpu.memory_space<hbm>>
      %dma_start3A_118 = arith.constant 0 : i32
      %dma_start3A_119 = arith.constant 0 : i32
      %dma_start3A_120 = tpu.memref_slice %arg4[%arg1, %dma_start3A_118, %dma_start3A_119] : memref<16x160x128xi32, #tpu.memory_space<hbm>> -> memref<1x160x128xi32, #tpu.memory_space<hbm>>
      %dma_start3A_121 = tpu.memref_squeeze %dma_start3A_120 : memref<1x160x128xi32, #tpu.memory_space<hbm>> -> memref<160x128xi32, #tpu.memory_space<hbm>>
      tpu.enqueue_dma source(%dma_start3A_121 : memref<160x128xi32, #tpu.memory_space<hbm>>) target(%arg8 : memref<160x128xi32, #tpu.memory_space<vmem>>) target_semaphore(%run_scoped3A : memref<!tpu.dma_semaphore, #tpu.memory_space<semaphore_mem>>)
      %dma_wait3A_122 = arith.constant 0 : i32
      %dma_wait3A_123 = arith.constant 0 : i32
      %dma_wait3A_124 = tpu.memref_slice %arg4[%arg1, %dma_wait3A_122, %dma_wait3A_123] : memref<16x160x128xi32, #tpu.memory_space<hbm>> -> memref<1x160x128xi32, #tpu.memory_space<hbm>>
      %dma_wait3A_125 = tpu.memref_squeeze %dma_wait3A_124 : memref<1x160x128xi32, #tpu.memory_space<hbm>> -> memref<160x128xi32, #tpu.memory_space<hbm>>
      %dma_wait3A_126 = arith.constant 0 : i32
      %dma_wait3A_127 = arith.constant 0 : i32
      %dma_wait3A_128 = tpu.memref_slice %arg4[%arg1, %dma_wait3A_126, %dma_wait3A_127] : memref<16x160x128xi32, #tpu.memory_space<hbm>> -> memref<1x160x128xi32, #tpu.memory_space<hbm>>
      %dma_wait3A_129 = tpu.memref_squeeze %dma_wait3A_128 : memref<1x160x128xi32, #tpu.memory_space<hbm>> -> memref<160x128xi32, #tpu.memory_space<hbm>>
      tpu.wait_dma2 semaphore(%run_scoped3A : memref<!tpu.dma_semaphore, #tpu.memory_space<semaphore_mem>>) src(%dma_wait3A_129 : memref<160x128xi32, #tpu.memory_space<hbm>>) dst(%arg8 : memref<160x128xi32, #tpu.memory_space<vmem>>)
      tpu.yield
    }) : () -> ()
    %mul3A = arith.constant 640 : i32
    %mul3A_0 = arith.muli %arg1, %mul3A : i32
    %add3A = arith.constant 0 : i32
    %add3A_1 = arith.addi %mul3A_0, %add3A : i32
    "tpu.region"() ({
      %run_scoped3A = tpu.sem_alloc : memref<!tpu.dma_semaphore, #tpu.memory_space<semaphore_mem>>
      %dma_start3A_114 = arith.constant 0 : i32
      %dma_start3A_115 = tpu.memref_slice %arg13[%add3A_1, %dma_start3A_114] : memref<10240x64xf32, #tpu.memory_space<vmem_shared>> -> memref<128x64xf32, #tpu.memory_space<vmem_shared>>
      tpu.enqueue_dma source(%arg5 : memref<128x64xf32, #tpu.memory_space<hbm>>) target(%dma_start3A_115 : memref<128x64xf32, #tpu.memory_space<vmem_shared>>) target_semaphore(%run_scoped3A : memref<!tpu.dma_semaphore, #tpu.memory_space<semaphore_mem>>)
      %dma_wait3A_116 = arith.constant 0 : i32
      %dma_wait3A_117 = tpu.memref_slice %arg13[%add3A_1, %dma_wait3A_116] : memref<10240x64xf32, #tpu.memory_space<vmem_shared>> -> memref<128x64xf32, #tpu.memory_space<vmem_shared>>
      tpu.wait_dma2 semaphore(%run_scoped3A : memref<!tpu.dma_semaphore, #tpu.memory_space<semaphore_mem>>) src(%arg5 : memref<128x64xf32, #tpu.memory_space<hbm>>) dst(%dma_wait3A_117 : memref<128x64xf32, #tpu.memory_space<vmem_shared>>)
      tpu.yield
    }) : () -> ()
    %mul3A_2 = arith.constant 640 : i32
    %mul3A_3 = arith.muli %arg1, %mul3A_2 : i32
    %add3A_4 = arith.constant 128 : i32
    %add3A_5 = arith.addi %mul3A_3, %add3A_4 : i32
    "tpu.region"() ({
      %run_scoped3A = tpu.sem_alloc : memref<!tpu.dma_semaphore, #tpu.memory_space<semaphore_mem>>
      %dma_start3A_114 = arith.constant 0 : i32
      %dma_start3A_115 = tpu.memref_slice %arg13[%add3A_5, %dma_start3A_114] : memref<10240x64xf32, #tpu.memory_space<vmem_shared>> -> memref<128x64xf32, #tpu.memory_space<vmem_shared>>
      tpu.enqueue_dma source(%arg5 : memref<128x64xf32, #tpu.memory_space<hbm>>) target(%dma_start3A_115 : memref<128x64xf32, #tpu.memory_space<vmem_shared>>) target_semaphore(%run_scoped3A : memref<!tpu.dma_semaphore, #tpu.memory_space<semaphore_mem>>)
      %dma_wait3A_116 = arith.constant 0 : i32
      %dma_wait3A_117 = tpu.memref_slice %arg13[%add3A_5, %dma_wait3A_116] : memref<10240x64xf32, #tpu.memory_space<vmem_shared>> -> memref<128x64xf32, #tpu.memory_space<vmem_shared>>
      tpu.wait_dma2 semaphore(%run_scoped3A : memref<!tpu.dma_semaphore, #tpu.memory_space<semaphore_mem>>) src(%arg5 : memref<128x64xf32, #tpu.memory_space<hbm>>) dst(%dma_wait3A_117 : memref<128x64xf32, #tpu.memory_space<vmem_shared>>)
      tpu.yield
    }) : () -> ()
    %mul3A_6 = arith.constant 640 : i32
    %mul3A_7 = arith.muli %arg1, %mul3A_6 : i32
    %add3A_8 = arith.constant 256 : i32
    %add3A_9 = arith.addi %mul3A_7, %add3A_8 : i32
    "tpu.region"() ({
      %run_scoped3A = tpu.sem_alloc : memref<!tpu.dma_semaphore, #tpu.memory_space<semaphore_mem>>
      %dma_start3A_114 = arith.constant 0 : i32
      %dma_start3A_115 = tpu.memref_slice %arg13[%add3A_9, %dma_start3A_114] : memref<10240x64xf32, #tpu.memory_space<vmem_shared>> -> memref<128x64xf32, #tpu.memory_space<vmem_shared>>
      tpu.enqueue_dma source(%arg5 : memref<128x64xf32, #tpu.memory_space<hbm>>) target(%dma_start3A_115 : memref<128x64xf32, #tpu.memory_space<vmem_shared>>) target_semaphore(%run_scoped3A : memref<!tpu.dma_semaphore, #tpu.memory_space<semaphore_mem>>)
      %dma_wait3A_116 = arith.constant 0 : i32
      %dma_wait3A_117 = tpu.memref_slice %arg13[%add3A_9, %dma_wait3A_116] : memref<10240x64xf32, #tpu.memory_space<vmem_shared>> -> memref<128x64xf32, #tpu.memory_space<vmem_shared>>
      tpu.wait_dma2 semaphore(%run_scoped3A : memref<!tpu.dma_semaphore, #tpu.memory_space<semaphore_mem>>) src(%arg5 : memref<128x64xf32, #tpu.memory_space<hbm>>) dst(%dma_wait3A_117 : memref<128x64xf32, #tpu.memory_space<vmem_shared>>)
      tpu.yield
    }) : () -> ()
    %mul3A_10 = arith.constant 640 : i32
    %mul3A_11 = arith.muli %arg1, %mul3A_10 : i32
    %add3A_12 = arith.constant 384 : i32
    %add3A_13 = arith.addi %mul3A_11, %add3A_12 : i32
    "tpu.region"() ({
      %run_scoped3A = tpu.sem_alloc : memref<!tpu.dma_semaphore, #tpu.memory_space<semaphore_mem>>
      %dma_start3A_114 = arith.constant 0 : i32
      %dma_start3A_115 = tpu.memref_slice %arg13[%add3A_13, %dma_start3A_114] : memref<10240x64xf32, #tpu.memory_space<vmem_shared>> -> memref<128x64xf32, #tpu.memory_space<vmem_shared>>
      tpu.enqueue_dma source(%arg5 : memref<128x64xf32, #tpu.memory_space<hbm>>) target(%dma_start3A_115 : memref<128x64xf32, #tpu.memory_space<vmem_shared>>) target_semaphore(%run_scoped3A : memref<!tpu.dma_semaphore, #tpu.memory_space<semaphore_mem>>)
      %dma_wait3A_116 = arith.constant 0 : i32
      %dma_wait3A_117 = tpu.memref_slice %arg13[%add3A_13, %dma_wait3A_116] : memref<10240x64xf32, #tpu.memory_space<vmem_shared>> -> memref<128x64xf32, #tpu.memory_space<vmem_shared>>
      tpu.wait_dma2 semaphore(%run_scoped3A : memref<!tpu.dma_semaphore, #tpu.memory_space<semaphore_mem>>) src(%arg5 : memref<128x64xf32, #tpu.memory_space<hbm>>) dst(%dma_wait3A_117 : memref<128x64xf32, #tpu.memory_space<vmem_shared>>)
      tpu.yield
    }) : () -> ()
    %mul3A_14 = arith.constant 640 : i32
    %mul3A_15 = arith.muli %arg1, %mul3A_14 : i32
    %add3A_16 = arith.constant 512 : i32
    %add3A_17 = arith.addi %mul3A_15, %add3A_16 : i32
    "tpu.region"() ({
      %run_scoped3A = tpu.sem_alloc : memref<!tpu.dma_semaphore, #tpu.memory_space<semaphore_mem>>
      %dma_start3A_114 = arith.constant 0 : i32
      %dma_start3A_115 = tpu.memref_slice %arg13[%add3A_17, %dma_start3A_114] : memref<10240x64xf32, #tpu.memory_space<vmem_shared>> -> memref<128x64xf32, #tpu.memory_space<vmem_shared>>
      tpu.enqueue_dma source(%arg5 : memref<128x64xf32, #tpu.memory_space<hbm>>) target(%dma_start3A_115 : memref<128x64xf32, #tpu.memory_space<vmem_shared>>) target_semaphore(%run_scoped3A : memref<!tpu.dma_semaphore, #tpu.memory_space<semaphore_mem>>)
      %dma_wait3A_116 = arith.constant 0 : i32
      %dma_wait3A_117 = tpu.memref_slice %arg13[%add3A_17, %dma_wait3A_116] : memref<10240x64xf32, #tpu.memory_space<vmem_shared>> -> memref<128x64xf32, #tpu.memory_space<vmem_shared>>
      tpu.wait_dma2 semaphore(%run_scoped3A : memref<!tpu.dma_semaphore, #tpu.memory_space<semaphore_mem>>) src(%arg5 : memref<128x64xf32, #tpu.memory_space<hbm>>) dst(%dma_wait3A_117 : memref<128x64xf32, #tpu.memory_space<vmem_shared>>)
      tpu.yield
    }) : () -> ()
    %barrier3A = arith.constant 0 : index
    tpu.barrier barrier_id(%barrier3A)
    %dma_start3A = arith.constant 0 : i32
    %dma_start3A_18 = arith.constant 0 : i32
    %dma_start3A_19 = tpu.memref_slice %arg7[%dma_start3A, %dma_start3A_18] : memref<160x128xi32, #tpu.memory_space<vmem>> -> memref<1x128xi32, #tpu.memory_space<vmem>>
    %dma_start3A_20 = tpu.memref_squeeze %dma_start3A_19 : memref<1x128xi32, #tpu.memory_space<vmem>> -> memref<128xi32, #tpu.memory_space<vmem>>
    %dma_start3A_21 = arith.constant 0 : i32
    %dma_start3A_22 = arith.constant 0 : i32
    %dma_start3A_23 = tpu.memref_slice %arg2[%arg0, %dma_start3A_21, %dma_start3A_22] : memref<2x80000x64xf32, #tpu.memory_space<hbm>> -> memref<1x80000x64xf32, #tpu.memory_space<hbm>>
    %dma_start3A_24 = tpu.memref_squeeze %dma_start3A_23 : memref<1x80000x64xf32, #tpu.memory_space<hbm>> -> memref<80000x64xf32, #tpu.memory_space<hbm>>
    %dma_start3A_25 = arith.constant 0 : i32
    %dma_start3A_26 = arith.constant 0 : i32
    %dma_start3A_27 = tpu.memref_slice %dma_start3A_24[%dma_start3A_25, %dma_start3A_26] : memref<80000x64xf32, #tpu.memory_space<hbm>> -> memref<80000x64xf32, #tpu.memory_space<hbm>>
    tpu.enqueue_indirect_dma source(%dma_start3A_27 : memref<80000x64xf32, #tpu.memory_space<hbm>>) target(%arg9 : memref<128x64xf32, #tpu.memory_space<vmem>>) offsets(%dma_start3A_20 : memref<128xi32, #tpu.memory_space<vmem>>) semaphore(%arg14 : memref<!tpu.dma_semaphore, #tpu.memory_space<semaphore_mem>>)
    %dma_start3A_28 = arith.constant 1 : i32
    %dma_start3A_29 = arith.constant 0 : i32
    %dma_start3A_30 = tpu.memref_slice %arg7[%dma_start3A_28, %dma_start3A_29] : memref<160x128xi32, #tpu.memory_space<vmem>> -> memref<1x128xi32, #tpu.memory_space<vmem>>
    %dma_start3A_31 = tpu.memref_squeeze %dma_start3A_30 : memref<1x128xi32, #tpu.memory_space<vmem>> -> memref<128xi32, #tpu.memory_space<vmem>>
    %dma_start3A_32 = arith.constant 0 : i32
    %dma_start3A_33 = arith.constant 0 : i32
    %dma_start3A_34 = tpu.memref_slice %arg2[%arg0, %dma_start3A_32, %dma_start3A_33] : memref<2x80000x64xf32, #tpu.memory_space<hbm>> -> memref<1x80000x64xf32, #tpu.memory_space<hbm>>
    %dma_start3A_35 = tpu.memref_squeeze %dma_start3A_34 : memref<1x80000x64xf32, #tpu.memory_space<hbm>> -> memref<80000x64xf32, #tpu.memory_space<hbm>>
    %dma_start3A_36 = arith.constant 0 : i32
    %dma_start3A_37 = arith.constant 0 : i32
    %dma_start3A_38 = tpu.memref_slice %dma_start3A_35[%dma_start3A_36, %dma_start3A_37] : memref<80000x64xf32, #tpu.memory_space<hbm>> -> memref<80000x64xf32, #tpu.memory_space<hbm>>
    tpu.enqueue_indirect_dma source(%dma_start3A_38 : memref<80000x64xf32, #tpu.memory_space<hbm>>) target(%arg10 : memref<128x64xf32, #tpu.memory_space<vmem>>) offsets(%dma_start3A_31 : memref<128xi32, #tpu.memory_space<vmem>>) semaphore(%arg15 : memref<!tpu.dma_semaphore, #tpu.memory_space<semaphore_mem>>)
    %dma_start3A_39 = arith.constant 2 : i32
    %dma_start3A_40 = arith.constant 0 : i32
    %dma_start3A_41 = tpu.memref_slice %arg7[%dma_start3A_39, %dma_start3A_40] : memref<160x128xi32, #tpu.memory_space<vmem>> -> memref<1x128xi32, #tpu.memory_space<vmem>>
    %dma_start3A_42 = tpu.memref_squeeze %dma_start3A_41 : memref<1x128xi32, #tpu.memory_space<vmem>> -> memref<128xi32, #tpu.memory_space<vmem>>
    %dma_start3A_43 = arith.constant 0 : i32
    %dma_start3A_44 = arith.constant 0 : i32
    %dma_start3A_45 = tpu.memref_slice %arg2[%arg0, %dma_start3A_43, %dma_start3A_44] : memref<2x80000x64xf32, #tpu.memory_space<hbm>> -> memref<1x80000x64xf32, #tpu.memory_space<hbm>>
    %dma_start3A_46 = tpu.memref_squeeze %dma_start3A_45 : memref<1x80000x64xf32, #tpu.memory_space<hbm>> -> memref<80000x64xf32, #tpu.memory_space<hbm>>
    %dma_start3A_47 = arith.constant 0 : i32
    %dma_start3A_48 = arith.constant 0 : i32
    %dma_start3A_49 = tpu.memref_slice %dma_start3A_46[%dma_start3A_47, %dma_start3A_48] : memref<80000x64xf32, #tpu.memory_space<hbm>> -> memref<80000x64xf32, #tpu.memory_space<hbm>>
    tpu.enqueue_indirect_dma source(%dma_start3A_49 : memref<80000x64xf32, #tpu.memory_space<hbm>>) target(%arg11 : memref<128x64xf32, #tpu.memory_space<vmem>>) offsets(%dma_start3A_42 : memref<128xi32, #tpu.memory_space<vmem>>) semaphore(%arg16 : memref<!tpu.dma_semaphore, #tpu.memory_space<semaphore_mem>>)
    %dma_start3A_50 = arith.constant 3 : i32
    %dma_start3A_51 = arith.constant 0 : i32
    %dma_start3A_52 = tpu.memref_slice %arg7[%dma_start3A_50, %dma_start3A_51] : memref<160x128xi32, #tpu.memory_space<vmem>> -> memref<1x128xi32, #tpu.memory_space<vmem>>
    %dma_start3A_53 = tpu.memref_squeeze %dma_start3A_52 : memref<1x128xi32, #tpu.memory_space<vmem>> -> memref<128xi32, #tpu.memory_space<vmem>>
    %dma_start3A_54 = arith.constant 0 : i32
    %dma_start3A_55 = arith.constant 0 : i32
    %dma_start3A_56 = tpu.memref_slice %arg2[%arg0, %dma_start3A_54, %dma_start3A_55] : memref<2x80000x64xf32, #tpu.memory_space<hbm>> -> memref<1x80000x64xf32, #tpu.memory_space<hbm>>
    %dma_start3A_57 = tpu.memref_squeeze %dma_start3A_56 : memref<1x80000x64xf32, #tpu.memory_space<hbm>> -> memref<80000x64xf32, #tpu.memory_space<hbm>>
    %dma_start3A_58 = arith.constant 0 : i32
    %dma_start3A_59 = arith.constant 0 : i32
    %dma_start3A_60 = tpu.memref_slice %dma_start3A_57[%dma_start3A_58, %dma_start3A_59] : memref<80000x64xf32, #tpu.memory_space<hbm>> -> memref<80000x64xf32, #tpu.memory_space<hbm>>
    tpu.enqueue_indirect_dma source(%dma_start3A_60 : memref<80000x64xf32, #tpu.memory_space<hbm>>) target(%arg12 : memref<128x64xf32, #tpu.memory_space<vmem>>) offsets(%dma_start3A_53 : memref<128xi32, #tpu.memory_space<vmem>>) semaphore(%arg17 : memref<!tpu.dma_semaphore, #tpu.memory_space<semaphore_mem>>)
    %scan3A = arith.constant 0 : i32
    %scan3A_61 = arith.constant 0 : i32
    %scan3A_62 = arith.constant 40 : i32
    %scan3A_63 = arith.addi %scan3A_61, %scan3A_62 : i32
    %scan3A_64 = arith.constant 1 : i32
    scf.for %scan3A_114 = %scan3A_61 to %scan3A_63 step %scan3A_64  : i32 {
      %mul3A_115 = arith.constant 4 : i32
      %mul3A_116 = arith.muli %scan3A_114, %mul3A_115 : i32
      %add3A_117 = arith.constant 0 : i32
      %add3A_118 = arith.addi %mul3A_116, %add3A_117 : i32
      %dma_wait3A_119 = arith.constant 0 : i32
      %dma_wait3A_120 = tpu.memref_slice %arg7[%add3A_118, %dma_wait3A_119] : memref<160x128xi32, #tpu.memory_space<vmem>> -> memref<1x128xi32, #tpu.memory_space<vmem>>
      %dma_wait3A_121 = tpu.memref_squeeze %dma_wait3A_120 : memref<1x128xi32, #tpu.memory_space<vmem>> -> memref<128xi32, #tpu.memory_space<vmem>>
      %dma_wait3A_122 = arith.constant 0 : i32
      %dma_wait3A_123 = arith.constant 0 : i32
      %dma_wait3A_124 = tpu.memref_slice %arg2[%arg0, %dma_wait3A_122, %dma_wait3A_123] : memref<2x80000x64xf32, #tpu.memory_space<hbm>> -> memref<1x80000x64xf32, #tpu.memory_space<hbm>>
      %dma_wait3A_125 = tpu.memref_squeeze %dma_wait3A_124 : memref<1x80000x64xf32, #tpu.memory_space<hbm>> -> memref<80000x64xf32, #tpu.memory_space<hbm>>
      %dma_wait3A_126 = arith.constant 0 : i32
      %dma_wait3A_127 = arith.constant 0 : i32
      %dma_wait3A_128 = tpu.memref_slice %dma_wait3A_125[%dma_wait3A_126, %dma_wait3A_127] : memref<80000x64xf32, #tpu.memory_space<hbm>> -> memref<80000x64xf32, #tpu.memory_space<hbm>>
      tpu.wait_indirect_dma semaphore(%arg14 : memref<!tpu.dma_semaphore, #tpu.memory_space<semaphore_mem>>) src(%dma_wait3A_128 : memref<80000x64xf32, #tpu.memory_space<hbm>>) dst(%arg9 : memref<128x64xf32, #tpu.memory_space<vmem>>)
      %dma_start3A_129 = arith.constant 0 : i32
      %dma_start3A_130 = tpu.memref_slice %arg8[%add3A_118, %dma_start3A_129] : memref<160x128xi32, #tpu.memory_space<vmem>> -> memref<1x128xi32, #tpu.memory_space<vmem>>
      %dma_start3A_131 = tpu.memref_squeeze %dma_start3A_130 : memref<1x128xi32, #tpu.memory_space<vmem>> -> memref<128xi32, #tpu.memory_space<vmem>>
      %dma_start3A_132 = arith.constant 0 : i32
      %dma_start3A_133 = arith.constant 0 : i32
      %dma_start3A_134 = tpu.memref_slice %arg13[%dma_start3A_132, %dma_start3A_133] : memref<10240x64xf32, #tpu.memory_space<vmem_shared>> -> memref<10240x64xf32, #tpu.memory_space<vmem_shared>>
      tpu.enqueue_indirect_dma source(%arg9 : memref<128x64xf32, #tpu.memory_space<vmem>>) target(%dma_start3A_134 : memref<10240x64xf32, #tpu.memory_space<vmem_shared>>) offsets(%dma_start3A_131 : memref<128xi32, #tpu.memory_space<vmem>>) semaphore(%arg18 : memref<!tpu.dma_semaphore, #tpu.memory_space<semaphore_mem>>) {add = true}
      %add3A_135 = arith.constant 1 : i32
      %add3A_136 = arith.addi %mul3A_116, %add3A_135 : i32
      %dma_wait3A_137 = arith.constant 0 : i32
      %dma_wait3A_138 = tpu.memref_slice %arg7[%add3A_136, %dma_wait3A_137] : memref<160x128xi32, #tpu.memory_space<vmem>> -> memref<1x128xi32, #tpu.memory_space<vmem>>
      %dma_wait3A_139 = tpu.memref_squeeze %dma_wait3A_138 : memref<1x128xi32, #tpu.memory_space<vmem>> -> memref<128xi32, #tpu.memory_space<vmem>>
      %dma_wait3A_140 = arith.constant 0 : i32
      %dma_wait3A_141 = arith.constant 0 : i32
      %dma_wait3A_142 = tpu.memref_slice %arg2[%arg0, %dma_wait3A_140, %dma_wait3A_141] : memref<2x80000x64xf32, #tpu.memory_space<hbm>> -> memref<1x80000x64xf32, #tpu.memory_space<hbm>>
      %dma_wait3A_143 = tpu.memref_squeeze %dma_wait3A_142 : memref<1x80000x64xf32, #tpu.memory_space<hbm>> -> memref<80000x64xf32, #tpu.memory_space<hbm>>
      %dma_wait3A_144 = arith.constant 0 : i32
      %dma_wait3A_145 = arith.constant 0 : i32
      %dma_wait3A_146 = tpu.memref_slice %dma_wait3A_143[%dma_wait3A_144, %dma_wait3A_145] : memref<80000x64xf32, #tpu.memory_space<hbm>> -> memref<80000x64xf32, #tpu.memory_space<hbm>>
      tpu.wait_indirect_dma semaphore(%arg15 : memref<!tpu.dma_semaphore, #tpu.memory_space<semaphore_mem>>) src(%dma_wait3A_146 : memref<80000x64xf32, #tpu.memory_space<hbm>>) dst(%arg10 : memref<128x64xf32, #tpu.memory_space<vmem>>)
      %dma_start3A_147 = arith.constant 0 : i32
      %dma_start3A_148 = tpu.memref_slice %arg8[%add3A_136, %dma_start3A_147] : memref<160x128xi32, #tpu.memory_space<vmem>> -> memref<1x128xi32, #tpu.memory_space<vmem>>
      %dma_start3A_149 = tpu.memref_squeeze %dma_start3A_148 : memref<1x128xi32, #tpu.memory_space<vmem>> -> memref<128xi32, #tpu.memory_space<vmem>>
      %dma_start3A_150 = arith.constant 0 : i32
      %dma_start3A_151 = arith.constant 0 : i32
      %dma_start3A_152 = tpu.memref_slice %arg13[%dma_start3A_150, %dma_start3A_151] : memref<10240x64xf32, #tpu.memory_space<vmem_shared>> -> memref<10240x64xf32, #tpu.memory_space<vmem_shared>>
      tpu.enqueue_indirect_dma source(%arg10 : memref<128x64xf32, #tpu.memory_space<vmem>>) target(%dma_start3A_152 : memref<10240x64xf32, #tpu.memory_space<vmem_shared>>) offsets(%dma_start3A_149 : memref<128xi32, #tpu.memory_space<vmem>>) semaphore(%arg19 : memref<!tpu.dma_semaphore, #tpu.memory_space<semaphore_mem>>) {add = true}
      %add3A_153 = arith.constant 2 : i32
      %add3A_154 = arith.addi %mul3A_116, %add3A_153 : i32
      %dma_wait3A_155 = arith.constant 0 : i32
      %dma_wait3A_156 = tpu.memref_slice %arg7[%add3A_154, %dma_wait3A_155] : memref<160x128xi32, #tpu.memory_space<vmem>> -> memref<1x128xi32, #tpu.memory_space<vmem>>
      %dma_wait3A_157 = tpu.memref_squeeze %dma_wait3A_156 : memref<1x128xi32, #tpu.memory_space<vmem>> -> memref<128xi32, #tpu.memory_space<vmem>>
      %dma_wait3A_158 = arith.constant 0 : i32
      %dma_wait3A_159 = arith.constant 0 : i32
      %dma_wait3A_160 = tpu.memref_slice %arg2[%arg0, %dma_wait3A_158, %dma_wait3A_159] : memref<2x80000x64xf32, #tpu.memory_space<hbm>> -> memref<1x80000x64xf32, #tpu.memory_space<hbm>>
      %dma_wait3A_161 = tpu.memref_squeeze %dma_wait3A_160 : memref<1x80000x64xf32, #tpu.memory_space<hbm>> -> memref<80000x64xf32, #tpu.memory_space<hbm>>
      %dma_wait3A_162 = arith.constant 0 : i32
      %dma_wait3A_163 = arith.constant 0 : i32
      %dma_wait3A_164 = tpu.memref_slice %dma_wait3A_161[%dma_wait3A_162, %dma_wait3A_163] : memref<80000x64xf32, #tpu.memory_space<hbm>> -> memref<80000x64xf32, #tpu.memory_space<hbm>>
      tpu.wait_indirect_dma semaphore(%arg16 : memref<!tpu.dma_semaphore, #tpu.memory_space<semaphore_mem>>) src(%dma_wait3A_164 : memref<80000x64xf32, #tpu.memory_space<hbm>>) dst(%arg11 : memref<128x64xf32, #tpu.memory_space<vmem>>)
      %dma_start3A_165 = arith.constant 0 : i32
      %dma_start3A_166 = tpu.memref_slice %arg8[%add3A_154, %dma_start3A_165] : memref<160x128xi32, #tpu.memory_space<vmem>> -> memref<1x128xi32, #tpu.memory_space<vmem>>
      %dma_start3A_167 = tpu.memref_squeeze %dma_start3A_166 : memref<1x128xi32, #tpu.memory_space<vmem>> -> memref<128xi32, #tpu.memory_space<vmem>>
      %dma_start3A_168 = arith.constant 0 : i32
      %dma_start3A_169 = arith.constant 0 : i32
      %dma_start3A_170 = tpu.memref_slice %arg13[%dma_start3A_168, %dma_start3A_169] : memref<10240x64xf32, #tpu.memory_space<vmem_shared>> -> memref<10240x64xf32, #tpu.memory_space<vmem_shared>>
      tpu.enqueue_indirect_dma source(%arg11 : memref<128x64xf32, #tpu.memory_space<vmem>>) target(%dma_start3A_170 : memref<10240x64xf32, #tpu.memory_space<vmem_shared>>) offsets(%dma_start3A_167 : memref<128xi32, #tpu.memory_space<vmem>>) semaphore(%arg20 : memref<!tpu.dma_semaphore, #tpu.memory_space<semaphore_mem>>) {add = true}
      %add3A_171 = arith.constant 3 : i32
      %add3A_172 = arith.addi %mul3A_116, %add3A_171 : i32
      %dma_wait3A_173 = arith.constant 0 : i32
      %dma_wait3A_174 = tpu.memref_slice %arg7[%add3A_172, %dma_wait3A_173] : memref<160x128xi32, #tpu.memory_space<vmem>> -> memref<1x128xi32, #tpu.memory_space<vmem>>
      %dma_wait3A_175 = tpu.memref_squeeze %dma_wait3A_174 : memref<1x128xi32, #tpu.memory_space<vmem>> -> memref<128xi32, #tpu.memory_space<vmem>>
      %dma_wait3A_176 = arith.constant 0 : i32
      %dma_wait3A_177 = arith.constant 0 : i32
      %dma_wait3A_178 = tpu.memref_slice %arg2[%arg0, %dma_wait3A_176, %dma_wait3A_177] : memref<2x80000x64xf32, #tpu.memory_space<hbm>> -> memref<1x80000x64xf32, #tpu.memory_space<hbm>>
      %dma_wait3A_179 = tpu.memref_squeeze %dma_wait3A_178 : memref<1x80000x64xf32, #tpu.memory_space<hbm>> -> memref<80000x64xf32, #tpu.memory_space<hbm>>
      %dma_wait3A_180 = arith.constant 0 : i32
      %dma_wait3A_181 = arith.constant 0 : i32
      %dma_wait3A_182 = tpu.memref_slice %dma_wait3A_179[%dma_wait3A_180, %dma_wait3A_181] : memref<80000x64xf32, #tpu.memory_space<hbm>> -> memref<80000x64xf32, #tpu.memory_space<hbm>>
      tpu.wait_indirect_dma semaphore(%arg17 : memref<!tpu.dma_semaphore, #tpu.memory_space<semaphore_mem>>) src(%dma_wait3A_182 : memref<80000x64xf32, #tpu.memory_space<hbm>>) dst(%arg12 : memref<128x64xf32, #tpu.memory_space<vmem>>)
      %dma_start3A_183 = arith.constant 0 : i32
      %dma_start3A_184 = tpu.memref_slice %arg8[%add3A_172, %dma_start3A_183] : memref<160x128xi32, #tpu.memory_space<vmem>> -> memref<1x128xi32, #tpu.memory_space<vmem>>
      %dma_start3A_185 = tpu.memref_squeeze %dma_start3A_184 : memref<1x128xi32, #tpu.memory_space<vmem>> -> memref<128xi32, #tpu.memory_space<vmem>>
      %dma_start3A_186 = arith.constant 0 : i32
      %dma_start3A_187 = arith.constant 0 : i32
      %dma_start3A_188 = tpu.memref_slice %arg13[%dma_start3A_186, %dma_start3A_187] : memref<10240x64xf32, #tpu.memory_space<vmem_shared>> -> memref<10240x64xf32, #tpu.memory_space<vmem_shared>>
      tpu.enqueue_indirect_dma source(%arg12 : memref<128x64xf32, #tpu.memory_space<vmem>>) target(%dma_start3A_188 : memref<10240x64xf32, #tpu.memory_space<vmem_shared>>) offsets(%dma_start3A_185 : memref<128xi32, #tpu.memory_space<vmem>>) semaphore(%arg21 : memref<!tpu.dma_semaphore, #tpu.memory_space<semaphore_mem>>) {add = true}
      %add3A_189 = arith.constant 0 : i32
      %add3A_190 = arith.addi %mul3A_116, %add3A_189 : i32
      %add3A_191 = arith.constant 4 : i32
      %add3A_192 = arith.addi %add3A_190, %add3A_191 : i32
      %lt3A = arith.constant 160 : i32
      %lt3A_193 = arith.cmpi slt, %add3A_192, %lt3A : i32
      %convert_element_type3A = arith.extui %lt3A_193 : i1 to i32
      %cond3A = arith.constant 0 : i32
      %cond3A_194 = arith.cmpi ne, %convert_element_type3A, %cond3A : i32
      scf.if %cond3A_194 {
        %dma_wait3A_222 = arith.constant 0 : i32
        %dma_wait3A_223 = tpu.memref_slice %arg8[%add3A_190, %dma_wait3A_222] : memref<160x128xi32, #tpu.memory_space<vmem>> -> memref<1x128xi32, #tpu.memory_space<vmem>>
        %dma_wait3A_224 = tpu.memref_squeeze %dma_wait3A_223 : memref<1x128xi32, #tpu.memory_space<vmem>> -> memref<128xi32, #tpu.memory_space<vmem>>
        %dma_wait3A_225 = arith.constant 0 : i32
        %dma_wait3A_226 = arith.constant 0 : i32
        %dma_wait3A_227 = tpu.memref_slice %arg13[%dma_wait3A_225, %dma_wait3A_226] : memref<10240x64xf32, #tpu.memory_space<vmem_shared>> -> memref<10240x64xf32, #tpu.memory_space<vmem_shared>>
        tpu.wait_indirect_dma semaphore(%arg18 : memref<!tpu.dma_semaphore, #tpu.memory_space<semaphore_mem>>) src(%arg9 : memref<128x64xf32, #tpu.memory_space<vmem>>) dst(%dma_wait3A_227 : memref<10240x64xf32, #tpu.memory_space<vmem_shared>>)
        %dma_start3A_228 = arith.constant 0 : i32
        %dma_start3A_229 = tpu.memref_slice %arg7[%add3A_192, %dma_start3A_228] : memref<160x128xi32, #tpu.memory_space<vmem>> -> memref<1x128xi32, #tpu.memory_space<vmem>>
        %dma_start3A_230 = tpu.memref_squeeze %dma_start3A_229 : memref<1x128xi32, #tpu.memory_space<vmem>> -> memref<128xi32, #tpu.memory_space<vmem>>
        %dma_start3A_231 = arith.constant 0 : i32
        %dma_start3A_232 = arith.constant 0 : i32
        %dma_start3A_233 = tpu.memref_slice %arg2[%arg0, %dma_start3A_231, %dma_start3A_232] : memref<2x80000x64xf32, #tpu.memory_space<hbm>> -> memref<1x80000x64xf32, #tpu.memory_space<hbm>>
        %dma_start3A_234 = tpu.memref_squeeze %dma_start3A_233 : memref<1x80000x64xf32, #tpu.memory_space<hbm>> -> memref<80000x64xf32, #tpu.memory_space<hbm>>
        %dma_start3A_235 = arith.constant 0 : i32
        %dma_start3A_236 = arith.constant 0 : i32
        %dma_start3A_237 = tpu.memref_slice %dma_start3A_234[%dma_start3A_235, %dma_start3A_236] : memref<80000x64xf32, #tpu.memory_space<hbm>> -> memref<80000x64xf32, #tpu.memory_space<hbm>>
        tpu.enqueue_indirect_dma source(%dma_start3A_237 : memref<80000x64xf32, #tpu.memory_space<hbm>>) target(%arg9 : memref<128x64xf32, #tpu.memory_space<vmem>>) offsets(%dma_start3A_230 : memref<128xi32, #tpu.memory_space<vmem>>) semaphore(%arg14 : memref<!tpu.dma_semaphore, #tpu.memory_space<semaphore_mem>>)
      } else {
      }
      %add3A_195 = arith.constant 1 : i32
      %add3A_196 = arith.addi %mul3A_116, %add3A_195 : i32
      %add3A_197 = arith.constant 4 : i32
      %add3A_198 = arith.addi %add3A_196, %add3A_197 : i32
      %lt3A_199 = arith.constant 160 : i32
      %lt3A_200 = arith.cmpi slt, %add3A_198, %lt3A_199 : i32
      %convert_element_type3A_201 = arith.extui %lt3A_200 : i1 to i32
      %cond3A_202 = arith.constant 0 : i32
      %cond3A_203 = arith.cmpi ne, %convert_element_type3A_201, %cond3A_202 : i32
      scf.if %cond3A_203 {
        %dma_wait3A_222 = arith.constant 0 : i32
        %dma_wait3A_223 = tpu.memref_slice %arg8[%add3A_196, %dma_wait3A_222] : memref<160x128xi32, #tpu.memory_space<vmem>> -> memref<1x128xi32, #tpu.memory_space<vmem>>
        %dma_wait3A_224 = tpu.memref_squeeze %dma_wait3A_223 : memref<1x128xi32, #tpu.memory_space<vmem>> -> memref<128xi32, #tpu.memory_space<vmem>>
        %dma_wait3A_225 = arith.constant 0 : i32
        %dma_wait3A_226 = arith.constant 0 : i32
        %dma_wait3A_227 = tpu.memref_slice %arg13[%dma_wait3A_225, %dma_wait3A_226] : memref<10240x64xf32, #tpu.memory_space<vmem_shared>> -> memref<10240x64xf32, #tpu.memory_space<vmem_shared>>
        tpu.wait_indirect_dma semaphore(%arg19 : memref<!tpu.dma_semaphore, #tpu.memory_space<semaphore_mem>>) src(%arg10 : memref<128x64xf32, #tpu.memory_space<vmem>>) dst(%dma_wait3A_227 : memref<10240x64xf32, #tpu.memory_space<vmem_shared>>)
        %dma_start3A_228 = arith.constant 0 : i32
        %dma_start3A_229 = tpu.memref_slice %arg7[%add3A_198, %dma_start3A_228] : memref<160x128xi32, #tpu.memory_space<vmem>> -> memref<1x128xi32, #tpu.memory_space<vmem>>
        %dma_start3A_230 = tpu.memref_squeeze %dma_start3A_229 : memref<1x128xi32, #tpu.memory_space<vmem>> -> memref<128xi32, #tpu.memory_space<vmem>>
        %dma_start3A_231 = arith.constant 0 : i32
        %dma_start3A_232 = arith.constant 0 : i32
        %dma_start3A_233 = tpu.memref_slice %arg2[%arg0, %dma_start3A_231, %dma_start3A_232] : memref<2x80000x64xf32, #tpu.memory_space<hbm>> -> memref<1x80000x64xf32, #tpu.memory_space<hbm>>
        %dma_start3A_234 = tpu.memref_squeeze %dma_start3A_233 : memref<1x80000x64xf32, #tpu.memory_space<hbm>> -> memref<80000x64xf32, #tpu.memory_space<hbm>>
        %dma_start3A_235 = arith.constant 0 : i32
        %dma_start3A_236 = arith.constant 0 : i32
        %dma_start3A_237 = tpu.memref_slice %dma_start3A_234[%dma_start3A_235, %dma_start3A_236] : memref<80000x64xf32, #tpu.memory_space<hbm>> -> memref<80000x64xf32, #tpu.memory_space<hbm>>
        tpu.enqueue_indirect_dma source(%dma_start3A_237 : memref<80000x64xf32, #tpu.memory_space<hbm>>) target(%arg10 : memref<128x64xf32, #tpu.memory_space<vmem>>) offsets(%dma_start3A_230 : memref<128xi32, #tpu.memory_space<vmem>>) semaphore(%arg15 : memref<!tpu.dma_semaphore, #tpu.memory_space<semaphore_mem>>)
      } else {
      }
      %add3A_204 = arith.constant 2 : i32
      %add3A_205 = arith.addi %mul3A_116, %add3A_204 : i32
      %add3A_206 = arith.constant 4 : i32
      %add3A_207 = arith.addi %add3A_205, %add3A_206 : i32
      %lt3A_208 = arith.constant 160 : i32
      %lt3A_209 = arith.cmpi slt, %add3A_207, %lt3A_208 : i32
      %convert_element_type3A_210 = arith.extui %lt3A_209 : i1 to i32
      %cond3A_211 = arith.constant 0 : i32
      %cond3A_212 = arith.cmpi ne, %convert_element_type3A_210, %cond3A_211 : i32
      scf.if %cond3A_212 {
        %dma_wait3A_222 = arith.constant 0 : i32
        %dma_wait3A_223 = tpu.memref_slice %arg8[%add3A_205, %dma_wait3A_222] : memref<160x128xi32, #tpu.memory_space<vmem>> -> memref<1x128xi32, #tpu.memory_space<vmem>>
        %dma_wait3A_224 = tpu.memref_squeeze %dma_wait3A_223 : memref<1x128xi32, #tpu.memory_space<vmem>> -> memref<128xi32, #tpu.memory_space<vmem>>
        %dma_wait3A_225 = arith.constant 0 : i32
        %dma_wait3A_226 = arith.constant 0 : i32
        %dma_wait3A_227 = tpu.memref_slice %arg13[%dma_wait3A_225, %dma_wait3A_226] : memref<10240x64xf32, #tpu.memory_space<vmem_shared>> -> memref<10240x64xf32, #tpu.memory_space<vmem_shared>>
        tpu.wait_indirect_dma semaphore(%arg20 : memref<!tpu.dma_semaphore, #tpu.memory_space<semaphore_mem>>) src(%arg11 : memref<128x64xf32, #tpu.memory_space<vmem>>) dst(%dma_wait3A_227 : memref<10240x64xf32, #tpu.memory_space<vmem_shared>>)
        %dma_start3A_228 = arith.constant 0 : i32
        %dma_start3A_229 = tpu.memref_slice %arg7[%add3A_207, %dma_start3A_228] : memref<160x128xi32, #tpu.memory_space<vmem>> -> memref<1x128xi32, #tpu.memory_space<vmem>>
        %dma_start3A_230 = tpu.memref_squeeze %dma_start3A_229 : memref<1x128xi32, #tpu.memory_space<vmem>> -> memref<128xi32, #tpu.memory_space<vmem>>
        %dma_start3A_231 = arith.constant 0 : i32
        %dma_start3A_232 = arith.constant 0 : i32
        %dma_start3A_233 = tpu.memref_slice %arg2[%arg0, %dma_start3A_231, %dma_start3A_232] : memref<2x80000x64xf32, #tpu.memory_space<hbm>> -> memref<1x80000x64xf32, #tpu.memory_space<hbm>>
        %dma_start3A_234 = tpu.memref_squeeze %dma_start3A_233 : memref<1x80000x64xf32, #tpu.memory_space<hbm>> -> memref<80000x64xf32, #tpu.memory_space<hbm>>
        %dma_start3A_235 = arith.constant 0 : i32
        %dma_start3A_236 = arith.constant 0 : i32
        %dma_start3A_237 = tpu.memref_slice %dma_start3A_234[%dma_start3A_235, %dma_start3A_236] : memref<80000x64xf32, #tpu.memory_space<hbm>> -> memref<80000x64xf32, #tpu.memory_space<hbm>>
        tpu.enqueue_indirect_dma source(%dma_start3A_237 : memref<80000x64xf32, #tpu.memory_space<hbm>>) target(%arg11 : memref<128x64xf32, #tpu.memory_space<vmem>>) offsets(%dma_start3A_230 : memref<128xi32, #tpu.memory_space<vmem>>) semaphore(%arg16 : memref<!tpu.dma_semaphore, #tpu.memory_space<semaphore_mem>>)
      } else {
      }
      %add3A_213 = arith.constant 3 : i32
      %add3A_214 = arith.addi %mul3A_116, %add3A_213 : i32
      %add3A_215 = arith.constant 4 : i32
      %add3A_216 = arith.addi %add3A_214, %add3A_215 : i32
      %lt3A_217 = arith.constant 160 : i32
      %lt3A_218 = arith.cmpi slt, %add3A_216, %lt3A_217 : i32
      %convert_element_type3A_219 = arith.extui %lt3A_218 : i1 to i32
      %cond3A_220 = arith.constant 0 : i32
      %cond3A_221 = arith.cmpi ne, %convert_element_type3A_219, %cond3A_220 : i32
      scf.if %cond3A_221 {
        %dma_wait3A_222 = arith.constant 0 : i32
        %dma_wait3A_223 = tpu.memref_slice %arg8[%add3A_214, %dma_wait3A_222] : memref<160x128xi32, #tpu.memory_space<vmem>> -> memref<1x128xi32, #tpu.memory_space<vmem>>
        %dma_wait3A_224 = tpu.memref_squeeze %dma_wait3A_223 : memref<1x128xi32, #tpu.memory_space<vmem>> -> memref<128xi32, #tpu.memory_space<vmem>>
        %dma_wait3A_225 = arith.constant 0 : i32
        %dma_wait3A_226 = arith.constant 0 : i32
        %dma_wait3A_227 = tpu.memref_slice %arg13[%dma_wait3A_225, %dma_wait3A_226] : memref<10240x64xf32, #tpu.memory_space<vmem_shared>> -> memref<10240x64xf32, #tpu.memory_space<vmem_shared>>
        tpu.wait_indirect_dma semaphore(%arg21 : memref<!tpu.dma_semaphore, #tpu.memory_space<semaphore_mem>>) src(%arg12 : memref<128x64xf32, #tpu.memory_space<vmem>>) dst(%dma_wait3A_227 : memref<10240x64xf32, #tpu.memory_space<vmem_shared>>)
        %dma_start3A_228 = arith.constant 0 : i32
        %dma_start3A_229 = tpu.memref_slice %arg7[%add3A_216, %dma_start3A_228] : memref<160x128xi32, #tpu.memory_space<vmem>> -> memref<1x128xi32, #tpu.memory_space<vmem>>
        %dma_start3A_230 = tpu.memref_squeeze %dma_start3A_229 : memref<1x128xi32, #tpu.memory_space<vmem>> -> memref<128xi32, #tpu.memory_space<vmem>>
        %dma_start3A_231 = arith.constant 0 : i32
        %dma_start3A_232 = arith.constant 0 : i32
        %dma_start3A_233 = tpu.memref_slice %arg2[%arg0, %dma_start3A_231, %dma_start3A_232] : memref<2x80000x64xf32, #tpu.memory_space<hbm>> -> memref<1x80000x64xf32, #tpu.memory_space<hbm>>
        %dma_start3A_234 = tpu.memref_squeeze %dma_start3A_233 : memref<1x80000x64xf32, #tpu.memory_space<hbm>> -> memref<80000x64xf32, #tpu.memory_space<hbm>>
        %dma_start3A_235 = arith.constant 0 : i32
        %dma_start3A_236 = arith.constant 0 : i32
        %dma_start3A_237 = tpu.memref_slice %dma_start3A_234[%dma_start3A_235, %dma_start3A_236] : memref<80000x64xf32, #tpu.memory_space<hbm>> -> memref<80000x64xf32, #tpu.memory_space<hbm>>
        tpu.enqueue_indirect_dma source(%dma_start3A_237 : memref<80000x64xf32, #tpu.memory_space<hbm>>) target(%arg12 : memref<128x64xf32, #tpu.memory_space<vmem>>) offsets(%dma_start3A_230 : memref<128xi32, #tpu.memory_space<vmem>>) semaphore(%arg17 : memref<!tpu.dma_semaphore, #tpu.memory_space<semaphore_mem>>)
      } else {
      }
    }
    %scan3A_65 = arith.constant 40 : i32
    %dma_wait3A = arith.constant 156 : i32
    %dma_wait3A_66 = arith.constant 0 : i32
    %dma_wait3A_67 = tpu.memref_slice %arg8[%dma_wait3A, %dma_wait3A_66] : memref<160x128xi32, #tpu.memory_space<vmem>> -> memref<1x128xi32, #tpu.memory_space<vmem>>
    %dma_wait3A_68 = tpu.memref_squeeze %dma_wait3A_67 : memref<1x128xi32, #tpu.memory_space<vmem>> -> memref<128xi32, #tpu.memory_space<vmem>>
    %dma_wait3A_69 = arith.constant 0 : i32
    %dma_wait3A_70 = arith.constant 0 : i32
    %dma_wait3A_71 = tpu.memref_slice %arg13[%dma_wait3A_69, %dma_wait3A_70] : memref<10240x64xf32, #tpu.memory_space<vmem_shared>> -> memref<10240x64xf32, #tpu.memory_space<vmem_shared>>
    tpu.wait_indirect_dma semaphore(%arg18 : memref<!tpu.dma_semaphore, #tpu.memory_space<semaphore_mem>>) src(%arg9 : memref<128x64xf32, #tpu.memory_space<vmem>>) dst(%dma_wait3A_71 : memref<10240x64xf32, #tpu.memory_space<vmem_shared>>)
    %dma_wait3A_72 = arith.constant 157 : i32
    %dma_wait3A_73 = arith.constant 0 : i32
    %dma_wait3A_74 = tpu.memref_slice %arg8[%dma_wait3A_72, %dma_wait3A_73] : memref<160x128xi32, #tpu.memory_space<vmem>> -> memref<1x128xi32, #tpu.memory_space<vmem>>
    %dma_wait3A_75 = tpu.memref_squeeze %dma_wait3A_74 : memref<1x128xi32, #tpu.memory_space<vmem>> -> memref<128xi32, #tpu.memory_space<vmem>>
    %dma_wait3A_76 = arith.constant 0 : i32
    %dma_wait3A_77 = arith.constant 0 : i32
    %dma_wait3A_78 = tpu.memref_slice %arg13[%dma_wait3A_76, %dma_wait3A_77] : memref<10240x64xf32, #tpu.memory_space<vmem_shared>> -> memref<10240x64xf32, #tpu.memory_space<vmem_shared>>
    tpu.wait_indirect_dma semaphore(%arg19 : memref<!tpu.dma_semaphore, #tpu.memory_space<semaphore_mem>>) src(%arg10 : memref<128x64xf32, #tpu.memory_space<vmem>>) dst(%dma_wait3A_78 : memref<10240x64xf32, #tpu.memory_space<vmem_shared>>)
    %dma_wait3A_79 = arith.constant 158 : i32
    %dma_wait3A_80 = arith.constant 0 : i32
    %dma_wait3A_81 = tpu.memref_slice %arg8[%dma_wait3A_79, %dma_wait3A_80] : memref<160x128xi32, #tpu.memory_space<vmem>> -> memref<1x128xi32, #tpu.memory_space<vmem>>
    %dma_wait3A_82 = tpu.memref_squeeze %dma_wait3A_81 : memref<1x128xi32, #tpu.memory_space<vmem>> -> memref<128xi32, #tpu.memory_space<vmem>>
    %dma_wait3A_83 = arith.constant 0 : i32
    %dma_wait3A_84 = arith.constant 0 : i32
    %dma_wait3A_85 = tpu.memref_slice %arg13[%dma_wait3A_83, %dma_wait3A_84] : memref<10240x64xf32, #tpu.memory_space<vmem_shared>> -> memref<10240x64xf32, #tpu.memory_space<vmem_shared>>
    tpu.wait_indirect_dma semaphore(%arg20 : memref<!tpu.dma_semaphore, #tpu.memory_space<semaphore_mem>>) src(%arg11 : memref<128x64xf32, #tpu.memory_space<vmem>>) dst(%dma_wait3A_85 : memref<10240x64xf32, #tpu.memory_space<vmem_shared>>)
    %dma_wait3A_86 = arith.constant 159 : i32
    %dma_wait3A_87 = arith.constant 0 : i32
    %dma_wait3A_88 = tpu.memref_slice %arg8[%dma_wait3A_86, %dma_wait3A_87] : memref<160x128xi32, #tpu.memory_space<vmem>> -> memref<1x128xi32, #tpu.memory_space<vmem>>
    %dma_wait3A_89 = tpu.memref_squeeze %dma_wait3A_88 : memref<1x128xi32, #tpu.memory_space<vmem>> -> memref<128xi32, #tpu.memory_space<vmem>>
    %dma_wait3A_90 = arith.constant 0 : i32
    %dma_wait3A_91 = arith.constant 0 : i32
    %dma_wait3A_92 = tpu.memref_slice %arg13[%dma_wait3A_90, %dma_wait3A_91] : memref<10240x64xf32, #tpu.memory_space<vmem_shared>> -> memref<10240x64xf32, #tpu.memory_space<vmem_shared>>
    tpu.wait_indirect_dma semaphore(%arg21 : memref<!tpu.dma_semaphore, #tpu.memory_space<semaphore_mem>>) src(%arg12 : memref<128x64xf32, #tpu.memory_space<vmem>>) dst(%dma_wait3A_92 : memref<10240x64xf32, #tpu.memory_space<vmem_shared>>)
    %barrier3A_93 = arith.constant 0 : index
    tpu.barrier barrier_id(%barrier3A_93)
    %mul3A_94 = arith.constant 640 : i32
    %mul3A_95 = arith.muli %arg1, %mul3A_94 : i32
    %add3A_96 = arith.constant 0 : i32
    %add3A_97 = arith.addi %mul3A_95, %add3A_96 : i32
    "tpu.region"() ({
      %run_scoped3A = tpu.sem_alloc : memref<!tpu.dma_semaphore, #tpu.memory_space<semaphore_mem>>
      %dma_start3A_114 = arith.constant 0 : i32
      %dma_start3A_115 = tpu.memref_slice %arg6[%arg0, %add3A_97, %dma_start3A_114] : memref<2x10240x64xf32, #tpu.memory_space<hbm>> -> memref<1x128x64xf32, #tpu.memory_space<hbm>>
      %dma_start3A_116 = tpu.memref_squeeze %dma_start3A_115 : memref<1x128x64xf32, #tpu.memory_space<hbm>> -> memref<128x64xf32, #tpu.memory_space<hbm>>
      %dma_start3A_117 = arith.constant 0 : i32
      %dma_start3A_118 = tpu.memref_slice %arg13[%add3A_97, %dma_start3A_117] : memref<10240x64xf32, #tpu.memory_space<vmem_shared>> -> memref<128x64xf32, #tpu.memory_space<vmem_shared>>
      tpu.enqueue_dma source(%dma_start3A_118 : memref<128x64xf32, #tpu.memory_space<vmem_shared>>) target(%dma_start3A_116 : memref<128x64xf32, #tpu.memory_space<hbm>>) target_semaphore(%run_scoped3A : memref<!tpu.dma_semaphore, #tpu.memory_space<semaphore_mem>>)
      %dma_wait3A_119 = arith.constant 0 : i32
      %dma_wait3A_120 = tpu.memref_slice %arg6[%arg0, %add3A_97, %dma_wait3A_119] : memref<2x10240x64xf32, #tpu.memory_space<hbm>> -> memref<1x128x64xf32, #tpu.memory_space<hbm>>
      %dma_wait3A_121 = tpu.memref_squeeze %dma_wait3A_120 : memref<1x128x64xf32, #tpu.memory_space<hbm>> -> memref<128x64xf32, #tpu.memory_space<hbm>>
      %dma_wait3A_122 = arith.constant 0 : i32
      %dma_wait3A_123 = tpu.memref_slice %arg13[%add3A_97, %dma_wait3A_122] : memref<10240x64xf32, #tpu.memory_space<vmem_shared>> -> memref<128x64xf32, #tpu.memory_space<vmem_shared>>
      tpu.wait_dma2 semaphore(%run_scoped3A : memref<!tpu.dma_semaphore, #tpu.memory_space<semaphore_mem>>) src(%dma_wait3A_123 : memref<128x64xf32, #tpu.memory_space<vmem_shared>>) dst(%dma_wait3A_121 : memref<128x64xf32, #tpu.memory_space<hbm>>)
      tpu.yield
    }) : () -> ()
    %mul3A_98 = arith.constant 640 : i32
    %mul3A_99 = arith.muli %arg1, %mul3A_98 : i32
    %add3A_100 = arith.constant 128 : i32
    %add3A_101 = arith.addi %mul3A_99, %add3A_100 : i32
    "tpu.region"() ({
      %run_scoped3A = tpu.sem_alloc : memref<!tpu.dma_semaphore, #tpu.memory_space<semaphore_mem>>
      %dma_start3A_114 = arith.constant 0 : i32
      %dma_start3A_115 = tpu.memref_slice %arg6[%arg0, %add3A_101, %dma_start3A_114] : memref<2x10240x64xf32, #tpu.memory_space<hbm>> -> memref<1x128x64xf32, #tpu.memory_space<hbm>>
      %dma_start3A_116 = tpu.memref_squeeze %dma_start3A_115 : memref<1x128x64xf32, #tpu.memory_space<hbm>> -> memref<128x64xf32, #tpu.memory_space<hbm>>
      %dma_start3A_117 = arith.constant 0 : i32
      %dma_start3A_118 = tpu.memref_slice %arg13[%add3A_101, %dma_start3A_117] : memref<10240x64xf32, #tpu.memory_space<vmem_shared>> -> memref<128x64xf32, #tpu.memory_space<vmem_shared>>
      tpu.enqueue_dma source(%dma_start3A_118 : memref<128x64xf32, #tpu.memory_space<vmem_shared>>) target(%dma_start3A_116 : memref<128x64xf32, #tpu.memory_space<hbm>>) target_semaphore(%run_scoped3A : memref<!tpu.dma_semaphore, #tpu.memory_space<semaphore_mem>>)
      %dma_wait3A_119 = arith.constant 0 : i32
      %dma_wait3A_120 = tpu.memref_slice %arg6[%arg0, %add3A_101, %dma_wait3A_119] : memref<2x10240x64xf32, #tpu.memory_space<hbm>> -> memref<1x128x64xf32, #tpu.memory_space<hbm>>
      %dma_wait3A_121 = tpu.memref_squeeze %dma_wait3A_120 : memref<1x128x64xf32, #tpu.memory_space<hbm>> -> memref<128x64xf32, #tpu.memory_space<hbm>>
      %dma_wait3A_122 = arith.constant 0 : i32
      %dma_wait3A_123 = tpu.memref_slice %arg13[%add3A_101, %dma_wait3A_122] : memref<10240x64xf32, #tpu.memory_space<vmem_shared>> -> memref<128x64xf32, #tpu.memory_space<vmem_shared>>
      tpu.wait_dma2 semaphore(%run_scoped3A : memref<!tpu.dma_semaphore, #tpu.memory_space<semaphore_mem>>) src(%dma_wait3A_123 : memref<128x64xf32, #tpu.memory_space<vmem_shared>>) dst(%dma_wait3A_121 : memref<128x64xf32, #tpu.memory_space<hbm>>)
      tpu.yield
    }) : () -> ()
    %mul3A_102 = arith.constant 640 : i32
    %mul3A_103 = arith.muli %arg1, %mul3A_102 : i32
    %add3A_104 = arith.constant 256 : i32
    %add3A_105 = arith.addi %mul3A_103, %add3A_104 : i32
    "tpu.region"() ({
      %run_scoped3A = tpu.sem_alloc : memref<!tpu.dma_semaphore, #tpu.memory_space<semaphore_mem>>
      %dma_start3A_114 = arith.constant 0 : i32
      %dma_start3A_115 = tpu.memref_slice %arg6[%arg0, %add3A_105, %dma_start3A_114] : memref<2x10240x64xf32, #tpu.memory_space<hbm>> -> memref<1x128x64xf32, #tpu.memory_space<hbm>>
      %dma_start3A_116 = tpu.memref_squeeze %dma_start3A_115 : memref<1x128x64xf32, #tpu.memory_space<hbm>> -> memref<128x64xf32, #tpu.memory_space<hbm>>
      %dma_start3A_117 = arith.constant 0 : i32
      %dma_start3A_118 = tpu.memref_slice %arg13[%add3A_105, %dma_start3A_117] : memref<10240x64xf32, #tpu.memory_space<vmem_shared>> -> memref<128x64xf32, #tpu.memory_space<vmem_shared>>
      tpu.enqueue_dma source(%dma_start3A_118 : memref<128x64xf32, #tpu.memory_space<vmem_shared>>) target(%dma_start3A_116 : memref<128x64xf32, #tpu.memory_space<hbm>>) target_semaphore(%run_scoped3A : memref<!tpu.dma_semaphore, #tpu.memory_space<semaphore_mem>>)
      %dma_wait3A_119 = arith.constant 0 : i32
      %dma_wait3A_120 = tpu.memref_slice %arg6[%arg0, %add3A_105, %dma_wait3A_119] : memref<2x10240x64xf32, #tpu.memory_space<hbm>> -> memref<1x128x64xf32, #tpu.memory_space<hbm>>
      %dma_wait3A_121 = tpu.memref_squeeze %dma_wait3A_120 : memref<1x128x64xf32, #tpu.memory_space<hbm>> -> memref<128x64xf32, #tpu.memory_space<hbm>>
      %dma_wait3A_122 = arith.constant 0 : i32
      %dma_wait3A_123 = tpu.memref_slice %arg13[%add3A_105, %dma_wait3A_122] : memref<10240x64xf32, #tpu.memory_space<vmem_shared>> -> memref<128x64xf32, #tpu.memory_space<vmem_shared>>
      tpu.wait_dma2 semaphore(%run_scoped3A : memref<!tpu.dma_semaphore, #tpu.memory_space<semaphore_mem>>) src(%dma_wait3A_123 : memref<128x64xf32, #tpu.memory_space<vmem_shared>>) dst(%dma_wait3A_121 : memref<128x64xf32, #tpu.memory_space<hbm>>)
      tpu.yield
    }) : () -> ()
    %mul3A_106 = arith.constant 640 : i32
    %mul3A_107 = arith.muli %arg1, %mul3A_106 : i32
    %add3A_108 = arith.constant 384 : i32
    %add3A_109 = arith.addi %mul3A_107, %add3A_108 : i32
    "tpu.region"() ({
      %run_scoped3A = tpu.sem_alloc : memref<!tpu.dma_semaphore, #tpu.memory_space<semaphore_mem>>
      %dma_start3A_114 = arith.constant 0 : i32
      %dma_start3A_115 = tpu.memref_slice %arg6[%arg0, %add3A_109, %dma_start3A_114] : memref<2x10240x64xf32, #tpu.memory_space<hbm>> -> memref<1x128x64xf32, #tpu.memory_space<hbm>>
      %dma_start3A_116 = tpu.memref_squeeze %dma_start3A_115 : memref<1x128x64xf32, #tpu.memory_space<hbm>> -> memref<128x64xf32, #tpu.memory_space<hbm>>
      %dma_start3A_117 = arith.constant 0 : i32
      %dma_start3A_118 = tpu.memref_slice %arg13[%add3A_109, %dma_start3A_117] : memref<10240x64xf32, #tpu.memory_space<vmem_shared>> -> memref<128x64xf32, #tpu.memory_space<vmem_shared>>
      tpu.enqueue_dma source(%dma_start3A_118 : memref<128x64xf32, #tpu.memory_space<vmem_shared>>) target(%dma_start3A_116 : memref<128x64xf32, #tpu.memory_space<hbm>>) target_semaphore(%run_scoped3A : memref<!tpu.dma_semaphore, #tpu.memory_space<semaphore_mem>>)
      %dma_wait3A_119 = arith.constant 0 : i32
      %dma_wait3A_120 = tpu.memref_slice %arg6[%arg0, %add3A_109, %dma_wait3A_119] : memref<2x10240x64xf32, #tpu.memory_space<hbm>> -> memref<1x128x64xf32, #tpu.memory_space<hbm>>
      %dma_wait3A_121 = tpu.memref_squeeze %dma_wait3A_120 : memref<1x128x64xf32, #tpu.memory_space<hbm>> -> memref<128x64xf32, #tpu.memory_space<hbm>>
      %dma_wait3A_122 = arith.constant 0 : i32
      %dma_wait3A_123 = tpu.memref_slice %arg13[%add3A_109, %dma_wait3A_122] : memref<10240x64xf32, #tpu.memory_space<vmem_shared>> -> memref<128x64xf32, #tpu.memory_space<vmem_shared>>
      tpu.wait_dma2 semaphore(%run_scoped3A : memref<!tpu.dma_semaphore, #tpu.memory_space<semaphore_mem>>) src(%dma_wait3A_123 : memref<128x64xf32, #tpu.memory_space<vmem_shared>>) dst(%dma_wait3A_121 : memref<128x64xf32, #tpu.memory_space<hbm>>)
      tpu.yield
    }) : () -> ()
    %mul3A_110 = arith.constant 640 : i32
    %mul3A_111 = arith.muli %arg1, %mul3A_110 : i32
    %add3A_112 = arith.constant 512 : i32
    %add3A_113 = arith.addi %mul3A_111, %add3A_112 : i32
    "tpu.region"() ({
      %run_scoped3A = tpu.sem_alloc : memref<!tpu.dma_semaphore, #tpu.memory_space<semaphore_mem>>
      %dma_start3A_114 = arith.constant 0 : i32
      %dma_start3A_115 = tpu.memref_slice %arg6[%arg0, %add3A_113, %dma_start3A_114] : memref<2x10240x64xf32, #tpu.memory_space<hbm>> -> memref<1x128x64xf32, #tpu.memory_space<hbm>>
      %dma_start3A_116 = tpu.memref_squeeze %dma_start3A_115 : memref<1x128x64xf32, #tpu.memory_space<hbm>> -> memref<128x64xf32, #tpu.memory_space<hbm>>
      %dma_start3A_117 = arith.constant 0 : i32
      %dma_start3A_118 = tpu.memref_slice %arg13[%add3A_113, %dma_start3A_117] : memref<10240x64xf32, #tpu.memory_space<vmem_shared>> -> memref<128x64xf32, #tpu.memory_space<vmem_shared>>
      tpu.enqueue_dma source(%dma_start3A_118 : memref<128x64xf32, #tpu.memory_space<vmem_shared>>) target(%dma_start3A_116 : memref<128x64xf32, #tpu.memory_space<hbm>>) target_semaphore(%run_scoped3A : memref<!tpu.dma_semaphore, #tpu.memory_space<semaphore_mem>>)
      %dma_wait3A_119 = arith.constant 0 : i32
      %dma_wait3A_120 = tpu.memref_slice %arg6[%arg0, %add3A_113, %dma_wait3A_119] : memref<2x10240x64xf32, #tpu.memory_space<hbm>> -> memref<1x128x64xf32, #tpu.memory_space<hbm>>
      %dma_wait3A_121 = tpu.memref_squeeze %dma_wait3A_120 : memref<1x128x64xf32, #tpu.memory_space<hbm>> -> memref<128x64xf32, #tpu.memory_space<hbm>>
      %dma_wait3A_122 = arith.constant 0 : i32
      %dma_wait3A_123 = tpu.memref_slice %arg13[%add3A_113, %dma_wait3A_122] : memref<10240x64xf32, #tpu.memory_space<vmem_shared>> -> memref<128x64xf32, #tpu.memory_space<vmem_shared>>
      tpu.wait_dma2 semaphore(%run_scoped3A : memref<!tpu.dma_semaphore, #tpu.memory_space<semaphore_mem>>) src(%dma_wait3A_123 : memref<128x64xf32, #tpu.memory_space<vmem_shared>>) dst(%dma_wait3A_121 : memref<128x64xf32, #tpu.memory_space<hbm>>)
      tpu.yield
    }) : () -> ()
    return
  }
}

#map = affine_map<(d0, d1) -> (0, 0, 0)>
#map1 = affine_map<(d0, d1) -> (0, 0)>
module attributes {stable_mosaic.version = 14 : i64} {
  func.func @_sc_edges_body(%arg0: i32, %arg1: i32, %arg2: memref<2x80000x64xf32, #tpu.memory_space<hbm>>, %arg3: memref<16x160x128xi32, #tpu.memory_space<hbm>>, %arg4: memref<16x160x128xi32, #tpu.memory_space<hbm>>, %arg5: memref<128x64xf32, #tpu.memory_space<hbm>>, %arg6: memref<2x10240x64xf32, #tpu.memory_space<hbm>>, %arg7: memref<160x128xi32, #tpu.memory_space<vmem>>, %arg8: memref<160x128xi32, #tpu.memory_space<vmem>>, %arg9: memref<128x64xf32, #tpu.memory_space<vmem>>, %arg10: memref<128x64xf32, #tpu.memory_space<vmem>>, %arg11: memref<128x64xf32, #tpu.memory_space<vmem>>, %arg12: memref<128x64xf32, #tpu.memory_space<vmem>>, %arg13: memref<10240x64xf32, #tpu.memory_space<vmem_shared>>, %arg14: memref<!tpu.dma_semaphore, #tpu.memory_space<semaphore_mem>>, %arg15: memref<!tpu.dma_semaphore, #tpu.memory_space<semaphore_mem>>, %arg16: memref<!tpu.dma_semaphore, #tpu.memory_space<semaphore_mem>>, %arg17: memref<!tpu.dma_semaphore, #tpu.memory_space<semaphore_mem>>, %arg18: memref<!tpu.dma_semaphore, #tpu.memory_space<semaphore_mem>>, %arg19: memref<!tpu.dma_semaphore, #tpu.memory_space<semaphore_mem>>, %arg20: memref<!tpu.dma_semaphore, #tpu.memory_space<semaphore_mem>>, %arg21: memref<!tpu.dma_semaphore, #tpu.memory_space<semaphore_mem>>) attributes {dimension_semantics = [#tpu.dimension_semantics<core_parallel>, #tpu.dimension_semantics<subcore_parallel>], iteration_bounds = array<i64: 2, 16>, scalar_prefetch = 0 : i64, scratch_operands = 15 : i64, tpu.core_type = #tpu.core_type<sc_vector_subcore>, window_params = [{transform_indices = #map}, {transform_indices = #map}, {transform_indices = #map}, {transform_indices = #map1}, {transform_indices = #map}]} {
    "tpu.region"() ({
      %run_scoped3A = tpu.sem_alloc : memref<!tpu.dma_semaphore, #tpu.memory_space<semaphore_mem>>
      %dma_start3A_114 = arith.constant 0 : i32
      %dma_start3A_115 = arith.constant 0 : i32
      %dma_start3A_116 = tpu.memref_slice %arg3[%arg1, %dma_start3A_114, %dma_start3A_115] : memref<16x160x128xi32, #tpu.memory_space<hbm>> -> memref<1x160x128xi32, #tpu.memory_space<hbm>>
      %dma_start3A_117 = tpu.memref_squeeze %dma_start3A_116 : memref<1x160x128xi32, #tpu.memory_space<hbm>> -> memref<160x128xi32, #tpu.memory_space<hbm>>
      %dma_start3A_118 = arith.constant 0 : i32
      %dma_start3A_119 = arith.constant 0 : i32
      %dma_start3A_120 = tpu.memref_slice %arg3[%arg1, %dma_start3A_118, %dma_start3A_119] : memref<16x160x128xi32, #tpu.memory_space<hbm>> -> memref<1x160x128xi32, #tpu.memory_space<hbm>>
      %dma_start3A_121 = tpu.memref_squeeze %dma_start3A_120 : memref<1x160x128xi32, #tpu.memory_space<hbm>> -> memref<160x128xi32, #tpu.memory_space<hbm>>
      tpu.enqueue_dma source(%dma_start3A_121 : memref<160x128xi32, #tpu.memory_space<hbm>>) target(%arg7 : memref<160x128xi32, #tpu.memory_space<vmem>>) target_semaphore(%run_scoped3A : memref<!tpu.dma_semaphore, #tpu.memory_space<semaphore_mem>>)
      %dma_wait3A_122 = arith.constant 0 : i32
      %dma_wait3A_123 = arith.constant 0 : i32
      %dma_wait3A_124 = tpu.memref_slice %arg3[%arg1, %dma_wait3A_122, %dma_wait3A_123] : memref<16x160x128xi32, #tpu.memory_space<hbm>> -> memref<1x160x128xi32, #tpu.memory_space<hbm>>
      %dma_wait3A_125 = tpu.memref_squeeze %dma_wait3A_124 : memref<1x160x128xi32, #tpu.memory_space<hbm>> -> memref<160x128xi32, #tpu.memory_space<hbm>>
      %dma_wait3A_126 = arith.constant 0 : i32
      %dma_wait3A_127 = arith.constant 0 : i32
      %dma_wait3A_128 = tpu.memref_slice %arg3[%arg1, %dma_wait3A_126, %dma_wait3A_127] : memref<16x160x128xi32, #tpu.memory_space<hbm>> -> memref<1x160x128xi32, #tpu.memory_space<hbm>>
      %dma_wait3A_129 = tpu.memref_squeeze %dma_wait3A_128 : memref<1x160x128xi32, #tpu.memory_space<hbm>> -> memref<160x128xi32, #tpu.memory_space<hbm>>
      tpu.wait_dma2 semaphore(%run_scoped3A : memref<!tpu.dma_semaphore, #tpu.memory_space<semaphore_mem>>) src(%dma_wait3A_129 : memref<160x128xi32, #tpu.memory_space<hbm>>) dst(%arg7 : memref<160x128xi32, #tpu.memory_space<vmem>>)
      tpu.yield
    }) : () -> ()
    "tpu.region"() ({
      %run_scoped3A = tpu.sem_alloc : memref<!tpu.dma_semaphore, #tpu.memory_space<semaphore_mem>>
      %dma_start3A_114 = arith.constant 0 : i32
      %dma_start3A_115 = arith.constant 0 : i32
      %dma_start3A_116 = tpu.memref_slice %arg4[%arg1, %dma_start3A_114, %dma_start3A_115] : memref<16x160x128xi32, #tpu.memory_space<hbm>> -> memref<1x160x128xi32, #tpu.memory_space<hbm>>
      %dma_start3A_117 = tpu.memref_squeeze %dma_start3A_116 : memref<1x160x128xi32, #tpu.memory_space<hbm>> -> memref<160x128xi32, #tpu.memory_space<hbm>>
      %dma_start3A_118 = arith.constant 0 : i32
      %dma_start3A_119 = arith.constant 0 : i32
      %dma_start3A_120 = tpu.memref_slice %arg4[%arg1, %dma_start3A_118, %dma_start3A_119] : memref<16x160x128xi32, #tpu.memory_space<hbm>> -> memref<1x160x128xi32, #tpu.memory_space<hbm>>
      %dma_start3A_121 = tpu.memref_squeeze %dma_start3A_120 : memref<1x160x128xi32, #tpu.memory_space<hbm>> -> memref<160x128xi32, #tpu.memory_space<hbm>>
      tpu.enqueue_dma source(%dma_start3A_121 : memref<160x128xi32, #tpu.memory_space<hbm>>) target(%arg8 : memref<160x128xi32, #tpu.memory_space<vmem>>) target_semaphore(%run_scoped3A : memref<!tpu.dma_semaphore, #tpu.memory_space<semaphore_mem>>)
      %dma_wait3A_122 = arith.constant 0 : i32
      %dma_wait3A_123 = arith.constant 0 : i32
      %dma_wait3A_124 = tpu.memref_slice %arg4[%arg1, %dma_wait3A_122, %dma_wait3A_123] : memref<16x160x128xi32, #tpu.memory_space<hbm>> -> memref<1x160x128xi32, #tpu.memory_space<hbm>>
      %dma_wait3A_125 = tpu.memref_squeeze %dma_wait3A_124 : memref<1x160x128xi32, #tpu.memory_space<hbm>> -> memref<160x128xi32, #tpu.memory_space<hbm>>
      %dma_wait3A_126 = arith.constant 0 : i32
      %dma_wait3A_127 = arith.constant 0 : i32
      %dma_wait3A_128 = tpu.memref_slice %arg4[%arg1, %dma_wait3A_126, %dma_wait3A_127] : memref<16x160x128xi32, #tpu.memory_space<hbm>> -> memref<1x160x128xi32, #tpu.memory_space<hbm>>
      %dma_wait3A_129 = tpu.memref_squeeze %dma_wait3A_128 : memref<1x160x128xi32, #tpu.memory_space<hbm>> -> memref<160x128xi32, #tpu.memory_space<hbm>>
      tpu.wait_dma2 semaphore(%run_scoped3A : memref<!tpu.dma_semaphore, #tpu.memory_space<semaphore_mem>>) src(%dma_wait3A_129 : memref<160x128xi32, #tpu.memory_space<hbm>>) dst(%arg8 : memref<160x128xi32, #tpu.memory_space<vmem>>)
      tpu.yield
    }) : () -> ()
    %mul3A = arith.constant 640 : i32
    %mul3A_0 = arith.muli %arg1, %mul3A : i32
    %add3A = arith.constant 0 : i32
    %add3A_1 = arith.addi %mul3A_0, %add3A : i32
    "tpu.region"() ({
      %run_scoped3A = tpu.sem_alloc : memref<!tpu.dma_semaphore, #tpu.memory_space<semaphore_mem>>
      %dma_start3A_114 = arith.constant 0 : i32
      %dma_start3A_115 = tpu.memref_slice %arg13[%add3A_1, %dma_start3A_114] : memref<10240x64xf32, #tpu.memory_space<vmem_shared>> -> memref<128x64xf32, #tpu.memory_space<vmem_shared>>
      tpu.enqueue_dma source(%arg5 : memref<128x64xf32, #tpu.memory_space<hbm>>) target(%dma_start3A_115 : memref<128x64xf32, #tpu.memory_space<vmem_shared>>) target_semaphore(%run_scoped3A : memref<!tpu.dma_semaphore, #tpu.memory_space<semaphore_mem>>)
      %dma_wait3A_116 = arith.constant 0 : i32
      %dma_wait3A_117 = tpu.memref_slice %arg13[%add3A_1, %dma_wait3A_116] : memref<10240x64xf32, #tpu.memory_space<vmem_shared>> -> memref<128x64xf32, #tpu.memory_space<vmem_shared>>
      tpu.wait_dma2 semaphore(%run_scoped3A : memref<!tpu.dma_semaphore, #tpu.memory_space<semaphore_mem>>) src(%arg5 : memref<128x64xf32, #tpu.memory_space<hbm>>) dst(%dma_wait3A_117 : memref<128x64xf32, #tpu.memory_space<vmem_shared>>)
      tpu.yield
    }) : () -> ()
    %mul3A_2 = arith.constant 640 : i32
    %mul3A_3 = arith.muli %arg1, %mul3A_2 : i32
    %add3A_4 = arith.constant 128 : i32
    %add3A_5 = arith.addi %mul3A_3, %add3A_4 : i32
    "tpu.region"() ({
      %run_scoped3A = tpu.sem_alloc : memref<!tpu.dma_semaphore, #tpu.memory_space<semaphore_mem>>
      %dma_start3A_114 = arith.constant 0 : i32
      %dma_start3A_115 = tpu.memref_slice %arg13[%add3A_5, %dma_start3A_114] : memref<10240x64xf32, #tpu.memory_space<vmem_shared>> -> memref<128x64xf32, #tpu.memory_space<vmem_shared>>
      tpu.enqueue_dma source(%arg5 : memref<128x64xf32, #tpu.memory_space<hbm>>) target(%dma_start3A_115 : memref<128x64xf32, #tpu.memory_space<vmem_shared>>) target_semaphore(%run_scoped3A : memref<!tpu.dma_semaphore, #tpu.memory_space<semaphore_mem>>)
      %dma_wait3A_116 = arith.constant 0 : i32
      %dma_wait3A_117 = tpu.memref_slice %arg13[%add3A_5, %dma_wait3A_116] : memref<10240x64xf32, #tpu.memory_space<vmem_shared>> -> memref<128x64xf32, #tpu.memory_space<vmem_shared>>
      tpu.wait_dma2 semaphore(%run_scoped3A : memref<!tpu.dma_semaphore, #tpu.memory_space<semaphore_mem>>) src(%arg5 : memref<128x64xf32, #tpu.memory_space<hbm>>) dst(%dma_wait3A_117 : memref<128x64xf32, #tpu.memory_space<vmem_shared>>)
      tpu.yield
    }) : () -> ()
    %mul3A_6 = arith.constant 640 : i32
    %mul3A_7 = arith.muli %arg1, %mul3A_6 : i32
    %add3A_8 = arith.constant 256 : i32
    %add3A_9 = arith.addi %mul3A_7, %add3A_8 : i32
    "tpu.region"() ({
      %run_scoped3A = tpu.sem_alloc : memref<!tpu.dma_semaphore, #tpu.memory_space<semaphore_mem>>
      %dma_start3A_114 = arith.constant 0 : i32
      %dma_start3A_115 = tpu.memref_slice %arg13[%add3A_9, %dma_start3A_114] : memref<10240x64xf32, #tpu.memory_space<vmem_shared>> -> memref<128x64xf32, #tpu.memory_space<vmem_shared>>
      tpu.enqueue_dma source(%arg5 : memref<128x64xf32, #tpu.memory_space<hbm>>) target(%dma_start3A_115 : memref<128x64xf32, #tpu.memory_space<vmem_shared>>) target_semaphore(%run_scoped3A : memref<!tpu.dma_semaphore, #tpu.memory_space<semaphore_mem>>)
      %dma_wait3A_116 = arith.constant 0 : i32
      %dma_wait3A_117 = tpu.memref_slice %arg13[%add3A_9, %dma_wait3A_116] : memref<10240x64xf32, #tpu.memory_space<vmem_shared>> -> memref<128x64xf32, #tpu.memory_space<vmem_shared>>
      tpu.wait_dma2 semaphore(%run_scoped3A : memref<!tpu.dma_semaphore, #tpu.memory_space<semaphore_mem>>) src(%arg5 : memref<128x64xf32, #tpu.memory_space<hbm>>) dst(%dma_wait3A_117 : memref<128x64xf32, #tpu.memory_space<vmem_shared>>)
      tpu.yield
    }) : () -> ()
    %mul3A_10 = arith.constant 640 : i32
    %mul3A_11 = arith.muli %arg1, %mul3A_10 : i32
    %add3A_12 = arith.constant 384 : i32
    %add3A_13 = arith.addi %mul3A_11, %add3A_12 : i32
    "tpu.region"() ({
      %run_scoped3A = tpu.sem_alloc : memref<!tpu.dma_semaphore, #tpu.memory_space<semaphore_mem>>
      %dma_start3A_114 = arith.constant 0 : i32
      %dma_start3A_115 = tpu.memref_slice %arg13[%add3A_13, %dma_start3A_114] : memref<10240x64xf32, #tpu.memory_space<vmem_shared>> -> memref<128x64xf32, #tpu.memory_space<vmem_shared>>
      tpu.enqueue_dma source(%arg5 : memref<128x64xf32, #tpu.memory_space<hbm>>) target(%dma_start3A_115 : memref<128x64xf32, #tpu.memory_space<vmem_shared>>) target_semaphore(%run_scoped3A : memref<!tpu.dma_semaphore, #tpu.memory_space<semaphore_mem>>)
      %dma_wait3A_116 = arith.constant 0 : i32
      %dma_wait3A_117 = tpu.memref_slice %arg13[%add3A_13, %dma_wait3A_116] : memref<10240x64xf32, #tpu.memory_space<vmem_shared>> -> memref<128x64xf32, #tpu.memory_space<vmem_shared>>
      tpu.wait_dma2 semaphore(%run_scoped3A : memref<!tpu.dma_semaphore, #tpu.memory_space<semaphore_mem>>) src(%arg5 : memref<128x64xf32, #tpu.memory_space<hbm>>) dst(%dma_wait3A_117 : memref<128x64xf32, #tpu.memory_space<vmem_shared>>)
      tpu.yield
    }) : () -> ()
    %mul3A_14 = arith.constant 640 : i32
    %mul3A_15 = arith.muli %arg1, %mul3A_14 : i32
    %add3A_16 = arith.constant 512 : i32
    %add3A_17 = arith.addi %mul3A_15, %add3A_16 : i32
    "tpu.region"() ({
      %run_scoped3A = tpu.sem_alloc : memref<!tpu.dma_semaphore, #tpu.memory_space<semaphore_mem>>
      %dma_start3A_114 = arith.constant 0 : i32
      %dma_start3A_115 = tpu.memref_slice %arg13[%add3A_17, %dma_start3A_114] : memref<10240x64xf32, #tpu.memory_space<vmem_shared>> -> memref<128x64xf32, #tpu.memory_space<vmem_shared>>
      tpu.enqueue_dma source(%arg5 : memref<128x64xf32, #tpu.memory_space<hbm>>) target(%dma_start3A_115 : memref<128x64xf32, #tpu.memory_space<vmem_shared>>) target_semaphore(%run_scoped3A : memref<!tpu.dma_semaphore, #tpu.memory_space<semaphore_mem>>)
      %dma_wait3A_116 = arith.constant 0 : i32
      %dma_wait3A_117 = tpu.memref_slice %arg13[%add3A_17, %dma_wait3A_116] : memref<10240x64xf32, #tpu.memory_space<vmem_shared>> -> memref<128x64xf32, #tpu.memory_space<vmem_shared>>
      tpu.wait_dma2 semaphore(%run_scoped3A : memref<!tpu.dma_semaphore, #tpu.memory_space<semaphore_mem>>) src(%arg5 : memref<128x64xf32, #tpu.memory_space<hbm>>) dst(%dma_wait3A_117 : memref<128x64xf32, #tpu.memory_space<vmem_shared>>)
      tpu.yield
    }) : () -> ()
    %barrier3A = arith.constant 0 : index
    tpu.barrier barrier_id(%barrier3A)
    %dma_start3A = arith.constant 0 : i32
    %dma_start3A_18 = arith.constant 0 : i32
    %dma_start3A_19 = tpu.memref_slice %arg7[%dma_start3A, %dma_start3A_18] : memref<160x128xi32, #tpu.memory_space<vmem>> -> memref<1x128xi32, #tpu.memory_space<vmem>>
    %dma_start3A_20 = tpu.memref_squeeze %dma_start3A_19 : memref<1x128xi32, #tpu.memory_space<vmem>> -> memref<128xi32, #tpu.memory_space<vmem>>
    %dma_start3A_21 = arith.constant 0 : i32
    %dma_start3A_22 = arith.constant 0 : i32
    %dma_start3A_23 = tpu.memref_slice %arg2[%arg0, %dma_start3A_21, %dma_start3A_22] : memref<2x80000x64xf32, #tpu.memory_space<hbm>> -> memref<1x80000x64xf32, #tpu.memory_space<hbm>>
    %dma_start3A_24 = tpu.memref_squeeze %dma_start3A_23 : memref<1x80000x64xf32, #tpu.memory_space<hbm>> -> memref<80000x64xf32, #tpu.memory_space<hbm>>
    %dma_start3A_25 = arith.constant 0 : i32
    %dma_start3A_26 = arith.constant 0 : i32
    %dma_start3A_27 = tpu.memref_slice %dma_start3A_24[%dma_start3A_25, %dma_start3A_26] : memref<80000x64xf32, #tpu.memory_space<hbm>> -> memref<80000x64xf32, #tpu.memory_space<hbm>>
    tpu.enqueue_indirect_dma source(%dma_start3A_27 : memref<80000x64xf32, #tpu.memory_space<hbm>>) target(%arg9 : memref<128x64xf32, #tpu.memory_space<vmem>>) offsets(%dma_start3A_20 : memref<128xi32, #tpu.memory_space<vmem>>) semaphore(%arg14 : memref<!tpu.dma_semaphore, #tpu.memory_space<semaphore_mem>>)
    %dma_start3A_28 = arith.constant 1 : i32
    %dma_start3A_29 = arith.constant 0 : i32
    %dma_start3A_30 = tpu.memref_slice %arg7[%dma_start3A_28, %dma_start3A_29] : memref<160x128xi32, #tpu.memory_space<vmem>> -> memref<1x128xi32, #tpu.memory_space<vmem>>
    %dma_start3A_31 = tpu.memref_squeeze %dma_start3A_30 : memref<1x128xi32, #tpu.memory_space<vmem>> -> memref<128xi32, #tpu.memory_space<vmem>>
    %dma_start3A_32 = arith.constant 0 : i32
    %dma_start3A_33 = arith.constant 0 : i32
    %dma_start3A_34 = tpu.memref_slice %arg2[%arg0, %dma_start3A_32, %dma_start3A_33] : memref<2x80000x64xf32, #tpu.memory_space<hbm>> -> memref<1x80000x64xf32, #tpu.memory_space<hbm>>
    %dma_start3A_35 = tpu.memref_squeeze %dma_start3A_34 : memref<1x80000x64xf32, #tpu.memory_space<hbm>> -> memref<80000x64xf32, #tpu.memory_space<hbm>>
    %dma_start3A_36 = arith.constant 0 : i32
    %dma_start3A_37 = arith.constant 0 : i32
    %dma_start3A_38 = tpu.memref_slice %dma_start3A_35[%dma_start3A_36, %dma_start3A_37] : memref<80000x64xf32, #tpu.memory_space<hbm>> -> memref<80000x64xf32, #tpu.memory_space<hbm>>
    tpu.enqueue_indirect_dma source(%dma_start3A_38 : memref<80000x64xf32, #tpu.memory_space<hbm>>) target(%arg10 : memref<128x64xf32, #tpu.memory_space<vmem>>) offsets(%dma_start3A_31 : memref<128xi32, #tpu.memory_space<vmem>>) semaphore(%arg15 : memref<!tpu.dma_semaphore, #tpu.memory_space<semaphore_mem>>)
    %dma_start3A_39 = arith.constant 2 : i32
    %dma_start3A_40 = arith.constant 0 : i32
    %dma_start3A_41 = tpu.memref_slice %arg7[%dma_start3A_39, %dma_start3A_40] : memref<160x128xi32, #tpu.memory_space<vmem>> -> memref<1x128xi32, #tpu.memory_space<vmem>>
    %dma_start3A_42 = tpu.memref_squeeze %dma_start3A_41 : memref<1x128xi32, #tpu.memory_space<vmem>> -> memref<128xi32, #tpu.memory_space<vmem>>
    %dma_start3A_43 = arith.constant 0 : i32
    %dma_start3A_44 = arith.constant 0 : i32
    %dma_start3A_45 = tpu.memref_slice %arg2[%arg0, %dma_start3A_43, %dma_start3A_44] : memref<2x80000x64xf32, #tpu.memory_space<hbm>> -> memref<1x80000x64xf32, #tpu.memory_space<hbm>>
    %dma_start3A_46 = tpu.memref_squeeze %dma_start3A_45 : memref<1x80000x64xf32, #tpu.memory_space<hbm>> -> memref<80000x64xf32, #tpu.memory_space<hbm>>
    %dma_start3A_47 = arith.constant 0 : i32
    %dma_start3A_48 = arith.constant 0 : i32
    %dma_start3A_49 = tpu.memref_slice %dma_start3A_46[%dma_start3A_47, %dma_start3A_48] : memref<80000x64xf32, #tpu.memory_space<hbm>> -> memref<80000x64xf32, #tpu.memory_space<hbm>>
    tpu.enqueue_indirect_dma source(%dma_start3A_49 : memref<80000x64xf32, #tpu.memory_space<hbm>>) target(%arg11 : memref<128x64xf32, #tpu.memory_space<vmem>>) offsets(%dma_start3A_42 : memref<128xi32, #tpu.memory_space<vmem>>) semaphore(%arg16 : memref<!tpu.dma_semaphore, #tpu.memory_space<semaphore_mem>>)
    %dma_start3A_50 = arith.constant 3 : i32
    %dma_start3A_51 = arith.constant 0 : i32
    %dma_start3A_52 = tpu.memref_slice %arg7[%dma_start3A_50, %dma_start3A_51] : memref<160x128xi32, #tpu.memory_space<vmem>> -> memref<1x128xi32, #tpu.memory_space<vmem>>
    %dma_start3A_53 = tpu.memref_squeeze %dma_start3A_52 : memref<1x128xi32, #tpu.memory_space<vmem>> -> memref<128xi32, #tpu.memory_space<vmem>>
    %dma_start3A_54 = arith.constant 0 : i32
    %dma_start3A_55 = arith.constant 0 : i32
    %dma_start3A_56 = tpu.memref_slice %arg2[%arg0, %dma_start3A_54, %dma_start3A_55] : memref<2x80000x64xf32, #tpu.memory_space<hbm>> -> memref<1x80000x64xf32, #tpu.memory_space<hbm>>
    %dma_start3A_57 = tpu.memref_squeeze %dma_start3A_56 : memref<1x80000x64xf32, #tpu.memory_space<hbm>> -> memref<80000x64xf32, #tpu.memory_space<hbm>>
    %dma_start3A_58 = arith.constant 0 : i32
    %dma_start3A_59 = arith.constant 0 : i32
    %dma_start3A_60 = tpu.memref_slice %dma_start3A_57[%dma_start3A_58, %dma_start3A_59] : memref<80000x64xf32, #tpu.memory_space<hbm>> -> memref<80000x64xf32, #tpu.memory_space<hbm>>
    tpu.enqueue_indirect_dma source(%dma_start3A_60 : memref<80000x64xf32, #tpu.memory_space<hbm>>) target(%arg12 : memref<128x64xf32, #tpu.memory_space<vmem>>) offsets(%dma_start3A_53 : memref<128xi32, #tpu.memory_space<vmem>>) semaphore(%arg17 : memref<!tpu.dma_semaphore, #tpu.memory_space<semaphore_mem>>)
    %scan3A = arith.constant 0 : i32
    %scan3A_61 = arith.constant 0 : i32
    %scan3A_62 = arith.constant 40 : i32
    %scan3A_63 = arith.addi %scan3A_61, %scan3A_62 : i32
    %scan3A_64 = arith.constant 1 : i32
    scf.for %scan3A_114 = %scan3A_61 to %scan3A_63 step %scan3A_64  : i32 {
      %mul3A_115 = arith.constant 4 : i32
      %mul3A_116 = arith.muli %scan3A_114, %mul3A_115 : i32
      %add3A_117 = arith.constant 0 : i32
      %add3A_118 = arith.addi %mul3A_116, %add3A_117 : i32
      %dma_wait3A_119 = arith.constant 0 : i32
      %dma_wait3A_120 = tpu.memref_slice %arg7[%add3A_118, %dma_wait3A_119] : memref<160x128xi32, #tpu.memory_space<vmem>> -> memref<1x128xi32, #tpu.memory_space<vmem>>
      %dma_wait3A_121 = tpu.memref_squeeze %dma_wait3A_120 : memref<1x128xi32, #tpu.memory_space<vmem>> -> memref<128xi32, #tpu.memory_space<vmem>>
      %dma_wait3A_122 = arith.constant 0 : i32
      %dma_wait3A_123 = arith.constant 0 : i32
      %dma_wait3A_124 = tpu.memref_slice %arg2[%arg0, %dma_wait3A_122, %dma_wait3A_123] : memref<2x80000x64xf32, #tpu.memory_space<hbm>> -> memref<1x80000x64xf32, #tpu.memory_space<hbm>>
      %dma_wait3A_125 = tpu.memref_squeeze %dma_wait3A_124 : memref<1x80000x64xf32, #tpu.memory_space<hbm>> -> memref<80000x64xf32, #tpu.memory_space<hbm>>
      %dma_wait3A_126 = arith.constant 0 : i32
      %dma_wait3A_127 = arith.constant 0 : i32
      %dma_wait3A_128 = tpu.memref_slice %dma_wait3A_125[%dma_wait3A_126, %dma_wait3A_127] : memref<80000x64xf32, #tpu.memory_space<hbm>> -> memref<80000x64xf32, #tpu.memory_space<hbm>>
      tpu.wait_indirect_dma semaphore(%arg14 : memref<!tpu.dma_semaphore, #tpu.memory_space<semaphore_mem>>) src(%dma_wait3A_128 : memref<80000x64xf32, #tpu.memory_space<hbm>>) dst(%arg9 : memref<128x64xf32, #tpu.memory_space<vmem>>)
      %dma_start3A_129 = arith.constant 0 : i32
      %dma_start3A_130 = tpu.memref_slice %arg8[%add3A_118, %dma_start3A_129] : memref<160x128xi32, #tpu.memory_space<vmem>> -> memref<1x128xi32, #tpu.memory_space<vmem>>
      %dma_start3A_131 = tpu.memref_squeeze %dma_start3A_130 : memref<1x128xi32, #tpu.memory_space<vmem>> -> memref<128xi32, #tpu.memory_space<vmem>>
      %dma_start3A_132 = arith.constant 0 : i32
      %dma_start3A_133 = arith.constant 0 : i32
      %dma_start3A_134 = tpu.memref_slice %arg13[%dma_start3A_132, %dma_start3A_133] : memref<10240x64xf32, #tpu.memory_space<vmem_shared>> -> memref<10240x64xf32, #tpu.memory_space<vmem_shared>>
      tpu.enqueue_indirect_dma source(%arg9 : memref<128x64xf32, #tpu.memory_space<vmem>>) target(%dma_start3A_134 : memref<10240x64xf32, #tpu.memory_space<vmem_shared>>) offsets(%dma_start3A_131 : memref<128xi32, #tpu.memory_space<vmem>>) semaphore(%arg18 : memref<!tpu.dma_semaphore, #tpu.memory_space<semaphore_mem>>) {add = true}
      %add3A_135 = arith.constant 1 : i32
      %add3A_136 = arith.addi %mul3A_116, %add3A_135 : i32
      %dma_wait3A_137 = arith.constant 0 : i32
      %dma_wait3A_138 = tpu.memref_slice %arg7[%add3A_136, %dma_wait3A_137] : memref<160x128xi32, #tpu.memory_space<vmem>> -> memref<1x128xi32, #tpu.memory_space<vmem>>
      %dma_wait3A_139 = tpu.memref_squeeze %dma_wait3A_138 : memref<1x128xi32, #tpu.memory_space<vmem>> -> memref<128xi32, #tpu.memory_space<vmem>>
      %dma_wait3A_140 = arith.constant 0 : i32
      %dma_wait3A_141 = arith.constant 0 : i32
      %dma_wait3A_142 = tpu.memref_slice %arg2[%arg0, %dma_wait3A_140, %dma_wait3A_141] : memref<2x80000x64xf32, #tpu.memory_space<hbm>> -> memref<1x80000x64xf32, #tpu.memory_space<hbm>>
      %dma_wait3A_143 = tpu.memref_squeeze %dma_wait3A_142 : memref<1x80000x64xf32, #tpu.memory_space<hbm>> -> memref<80000x64xf32, #tpu.memory_space<hbm>>
      %dma_wait3A_144 = arith.constant 0 : i32
      %dma_wait3A_145 = arith.constant 0 : i32
      %dma_wait3A_146 = tpu.memref_slice %dma_wait3A_143[%dma_wait3A_144, %dma_wait3A_145] : memref<80000x64xf32, #tpu.memory_space<hbm>> -> memref<80000x64xf32, #tpu.memory_space<hbm>>
      tpu.wait_indirect_dma semaphore(%arg15 : memref<!tpu.dma_semaphore, #tpu.memory_space<semaphore_mem>>) src(%dma_wait3A_146 : memref<80000x64xf32, #tpu.memory_space<hbm>>) dst(%arg10 : memref<128x64xf32, #tpu.memory_space<vmem>>)
      %dma_start3A_147 = arith.constant 0 : i32
      %dma_start3A_148 = tpu.memref_slice %arg8[%add3A_136, %dma_start3A_147] : memref<160x128xi32, #tpu.memory_space<vmem>> -> memref<1x128xi32, #tpu.memory_space<vmem>>
      %dma_start3A_149 = tpu.memref_squeeze %dma_start3A_148 : memref<1x128xi32, #tpu.memory_space<vmem>> -> memref<128xi32, #tpu.memory_space<vmem>>
      %dma_start3A_150 = arith.constant 0 : i32
      %dma_start3A_151 = arith.constant 0 : i32
      %dma_start3A_152 = tpu.memref_slice %arg13[%dma_start3A_150, %dma_start3A_151] : memref<10240x64xf32, #tpu.memory_space<vmem_shared>> -> memref<10240x64xf32, #tpu.memory_space<vmem_shared>>
      tpu.enqueue_indirect_dma source(%arg10 : memref<128x64xf32, #tpu.memory_space<vmem>>) target(%dma_start3A_152 : memref<10240x64xf32, #tpu.memory_space<vmem_shared>>) offsets(%dma_start3A_149 : memref<128xi32, #tpu.memory_space<vmem>>) semaphore(%arg19 : memref<!tpu.dma_semaphore, #tpu.memory_space<semaphore_mem>>) {add = true}
      %add3A_153 = arith.constant 2 : i32
      %add3A_154 = arith.addi %mul3A_116, %add3A_153 : i32
      %dma_wait3A_155 = arith.constant 0 : i32
      %dma_wait3A_156 = tpu.memref_slice %arg7[%add3A_154, %dma_wait3A_155] : memref<160x128xi32, #tpu.memory_space<vmem>> -> memref<1x128xi32, #tpu.memory_space<vmem>>
      %dma_wait3A_157 = tpu.memref_squeeze %dma_wait3A_156 : memref<1x128xi32, #tpu.memory_space<vmem>> -> memref<128xi32, #tpu.memory_space<vmem>>
      %dma_wait3A_158 = arith.constant 0 : i32
      %dma_wait3A_159 = arith.constant 0 : i32
      %dma_wait3A_160 = tpu.memref_slice %arg2[%arg0, %dma_wait3A_158, %dma_wait3A_159] : memref<2x80000x64xf32, #tpu.memory_space<hbm>> -> memref<1x80000x64xf32, #tpu.memory_space<hbm>>
      %dma_wait3A_161 = tpu.memref_squeeze %dma_wait3A_160 : memref<1x80000x64xf32, #tpu.memory_space<hbm>> -> memref<80000x64xf32, #tpu.memory_space<hbm>>
      %dma_wait3A_162 = arith.constant 0 : i32
      %dma_wait3A_163 = arith.constant 0 : i32
      %dma_wait3A_164 = tpu.memref_slice %dma_wait3A_161[%dma_wait3A_162, %dma_wait3A_163] : memref<80000x64xf32, #tpu.memory_space<hbm>> -> memref<80000x64xf32, #tpu.memory_space<hbm>>
      tpu.wait_indirect_dma semaphore(%arg16 : memref<!tpu.dma_semaphore, #tpu.memory_space<semaphore_mem>>) src(%dma_wait3A_164 : memref<80000x64xf32, #tpu.memory_space<hbm>>) dst(%arg11 : memref<128x64xf32, #tpu.memory_space<vmem>>)
      %dma_start3A_165 = arith.constant 0 : i32
      %dma_start3A_166 = tpu.memref_slice %arg8[%add3A_154, %dma_start3A_165] : memref<160x128xi32, #tpu.memory_space<vmem>> -> memref<1x128xi32, #tpu.memory_space<vmem>>
      %dma_start3A_167 = tpu.memref_squeeze %dma_start3A_166 : memref<1x128xi32, #tpu.memory_space<vmem>> -> memref<128xi32, #tpu.memory_space<vmem>>
      %dma_start3A_168 = arith.constant 0 : i32
      %dma_start3A_169 = arith.constant 0 : i32
      %dma_start3A_170 = tpu.memref_slice %arg13[%dma_start3A_168, %dma_start3A_169] : memref<10240x64xf32, #tpu.memory_space<vmem_shared>> -> memref<10240x64xf32, #tpu.memory_space<vmem_shared>>
      tpu.enqueue_indirect_dma source(%arg11 : memref<128x64xf32, #tpu.memory_space<vmem>>) target(%dma_start3A_170 : memref<10240x64xf32, #tpu.memory_space<vmem_shared>>) offsets(%dma_start3A_167 : memref<128xi32, #tpu.memory_space<vmem>>) semaphore(%arg20 : memref<!tpu.dma_semaphore, #tpu.memory_space<semaphore_mem>>) {add = true}
      %add3A_171 = arith.constant 3 : i32
      %add3A_172 = arith.addi %mul3A_116, %add3A_171 : i32
      %dma_wait3A_173 = arith.constant 0 : i32
      %dma_wait3A_174 = tpu.memref_slice %arg7[%add3A_172, %dma_wait3A_173] : memref<160x128xi32, #tpu.memory_space<vmem>> -> memref<1x128xi32, #tpu.memory_space<vmem>>
      %dma_wait3A_175 = tpu.memref_squeeze %dma_wait3A_174 : memref<1x128xi32, #tpu.memory_space<vmem>> -> memref<128xi32, #tpu.memory_space<vmem>>
      %dma_wait3A_176 = arith.constant 0 : i32
      %dma_wait3A_177 = arith.constant 0 : i32
      %dma_wait3A_178 = tpu.memref_slice %arg2[%arg0, %dma_wait3A_176, %dma_wait3A_177] : memref<2x80000x64xf32, #tpu.memory_space<hbm>> -> memref<1x80000x64xf32, #tpu.memory_space<hbm>>
      %dma_wait3A_179 = tpu.memref_squeeze %dma_wait3A_178 : memref<1x80000x64xf32, #tpu.memory_space<hbm>> -> memref<80000x64xf32, #tpu.memory_space<hbm>>
      %dma_wait3A_180 = arith.constant 0 : i32
      %dma_wait3A_181 = arith.constant 0 : i32
      %dma_wait3A_182 = tpu.memref_slice %dma_wait3A_179[%dma_wait3A_180, %dma_wait3A_181] : memref<80000x64xf32, #tpu.memory_space<hbm>> -> memref<80000x64xf32, #tpu.memory_space<hbm>>
      tpu.wait_indirect_dma semaphore(%arg17 : memref<!tpu.dma_semaphore, #tpu.memory_space<semaphore_mem>>) src(%dma_wait3A_182 : memref<80000x64xf32, #tpu.memory_space<hbm>>) dst(%arg12 : memref<128x64xf32, #tpu.memory_space<vmem>>)
      %dma_start3A_183 = arith.constant 0 : i32
      %dma_start3A_184 = tpu.memref_slice %arg8[%add3A_172, %dma_start3A_183] : memref<160x128xi32, #tpu.memory_space<vmem>> -> memref<1x128xi32, #tpu.memory_space<vmem>>
      %dma_start3A_185 = tpu.memref_squeeze %dma_start3A_184 : memref<1x128xi32, #tpu.memory_space<vmem>> -> memref<128xi32, #tpu.memory_space<vmem>>
      %dma_start3A_186 = arith.constant 0 : i32
      %dma_start3A_187 = arith.constant 0 : i32
      %dma_start3A_188 = tpu.memref_slice %arg13[%dma_start3A_186, %dma_start3A_187] : memref<10240x64xf32, #tpu.memory_space<vmem_shared>> -> memref<10240x64xf32, #tpu.memory_space<vmem_shared>>
      tpu.enqueue_indirect_dma source(%arg12 : memref<128x64xf32, #tpu.memory_space<vmem>>) target(%dma_start3A_188 : memref<10240x64xf32, #tpu.memory_space<vmem_shared>>) offsets(%dma_start3A_185 : memref<128xi32, #tpu.memory_space<vmem>>) semaphore(%arg21 : memref<!tpu.dma_semaphore, #tpu.memory_space<semaphore_mem>>) {add = true}
      %add3A_189 = arith.constant 0 : i32
      %add3A_190 = arith.addi %mul3A_116, %add3A_189 : i32
      %add3A_191 = arith.constant 4 : i32
      %add3A_192 = arith.addi %add3A_190, %add3A_191 : i32
      %lt3A = arith.constant 160 : i32
      %lt3A_193 = arith.cmpi slt, %add3A_192, %lt3A : i32
      %convert_element_type3A = arith.extui %lt3A_193 : i1 to i32
      %cond3A = arith.constant 0 : i32
      %cond3A_194 = arith.cmpi ne, %convert_element_type3A, %cond3A : i32
      scf.if %cond3A_194 {
        %dma_wait3A_222 = arith.constant 0 : i32
        %dma_wait3A_223 = tpu.memref_slice %arg8[%add3A_190, %dma_wait3A_222] : memref<160x128xi32, #tpu.memory_space<vmem>> -> memref<1x128xi32, #tpu.memory_space<vmem>>
        %dma_wait3A_224 = tpu.memref_squeeze %dma_wait3A_223 : memref<1x128xi32, #tpu.memory_space<vmem>> -> memref<128xi32, #tpu.memory_space<vmem>>
        %dma_wait3A_225 = arith.constant 0 : i32
        %dma_wait3A_226 = arith.constant 0 : i32
        %dma_wait3A_227 = tpu.memref_slice %arg13[%dma_wait3A_225, %dma_wait3A_226] : memref<10240x64xf32, #tpu.memory_space<vmem_shared>> -> memref<10240x64xf32, #tpu.memory_space<vmem_shared>>
        tpu.wait_indirect_dma semaphore(%arg18 : memref<!tpu.dma_semaphore, #tpu.memory_space<semaphore_mem>>) src(%arg9 : memref<128x64xf32, #tpu.memory_space<vmem>>) dst(%dma_wait3A_227 : memref<10240x64xf32, #tpu.memory_space<vmem_shared>>)
        %dma_start3A_228 = arith.constant 0 : i32
        %dma_start3A_229 = tpu.memref_slice %arg7[%add3A_192, %dma_start3A_228] : memref<160x128xi32, #tpu.memory_space<vmem>> -> memref<1x128xi32, #tpu.memory_space<vmem>>
        %dma_start3A_230 = tpu.memref_squeeze %dma_start3A_229 : memref<1x128xi32, #tpu.memory_space<vmem>> -> memref<128xi32, #tpu.memory_space<vmem>>
        %dma_start3A_231 = arith.constant 0 : i32
        %dma_start3A_232 = arith.constant 0 : i32
        %dma_start3A_233 = tpu.memref_slice %arg2[%arg0, %dma_start3A_231, %dma_start3A_232] : memref<2x80000x64xf32, #tpu.memory_space<hbm>> -> memref<1x80000x64xf32, #tpu.memory_space<hbm>>
        %dma_start3A_234 = tpu.memref_squeeze %dma_start3A_233 : memref<1x80000x64xf32, #tpu.memory_space<hbm>> -> memref<80000x64xf32, #tpu.memory_space<hbm>>
        %dma_start3A_235 = arith.constant 0 : i32
        %dma_start3A_236 = arith.constant 0 : i32
        %dma_start3A_237 = tpu.memref_slice %dma_start3A_234[%dma_start3A_235, %dma_start3A_236] : memref<80000x64xf32, #tpu.memory_space<hbm>> -> memref<80000x64xf32, #tpu.memory_space<hbm>>
        tpu.enqueue_indirect_dma source(%dma_start3A_237 : memref<80000x64xf32, #tpu.memory_space<hbm>>) target(%arg9 : memref<128x64xf32, #tpu.memory_space<vmem>>) offsets(%dma_start3A_230 : memref<128xi32, #tpu.memory_space<vmem>>) semaphore(%arg14 : memref<!tpu.dma_semaphore, #tpu.memory_space<semaphore_mem>>)
      } else {
      }
      %add3A_195 = arith.constant 1 : i32
      %add3A_196 = arith.addi %mul3A_116, %add3A_195 : i32
      %add3A_197 = arith.constant 4 : i32
      %add3A_198 = arith.addi %add3A_196, %add3A_197 : i32
      %lt3A_199 = arith.constant 160 : i32
      %lt3A_200 = arith.cmpi slt, %add3A_198, %lt3A_199 : i32
      %convert_element_type3A_201 = arith.extui %lt3A_200 : i1 to i32
      %cond3A_202 = arith.constant 0 : i32
      %cond3A_203 = arith.cmpi ne, %convert_element_type3A_201, %cond3A_202 : i32
      scf.if %cond3A_203 {
        %dma_wait3A_222 = arith.constant 0 : i32
        %dma_wait3A_223 = tpu.memref_slice %arg8[%add3A_196, %dma_wait3A_222] : memref<160x128xi32, #tpu.memory_space<vmem>> -> memref<1x128xi32, #tpu.memory_space<vmem>>
        %dma_wait3A_224 = tpu.memref_squeeze %dma_wait3A_223 : memref<1x128xi32, #tpu.memory_space<vmem>> -> memref<128xi32, #tpu.memory_space<vmem>>
        %dma_wait3A_225 = arith.constant 0 : i32
        %dma_wait3A_226 = arith.constant 0 : i32
        %dma_wait3A_227 = tpu.memref_slice %arg13[%dma_wait3A_225, %dma_wait3A_226] : memref<10240x64xf32, #tpu.memory_space<vmem_shared>> -> memref<10240x64xf32, #tpu.memory_space<vmem_shared>>
        tpu.wait_indirect_dma semaphore(%arg19 : memref<!tpu.dma_semaphore, #tpu.memory_space<semaphore_mem>>) src(%arg10 : memref<128x64xf32, #tpu.memory_space<vmem>>) dst(%dma_wait3A_227 : memref<10240x64xf32, #tpu.memory_space<vmem_shared>>)
        %dma_start3A_228 = arith.constant 0 : i32
        %dma_start3A_229 = tpu.memref_slice %arg7[%add3A_198, %dma_start3A_228] : memref<160x128xi32, #tpu.memory_space<vmem>> -> memref<1x128xi32, #tpu.memory_space<vmem>>
        %dma_start3A_230 = tpu.memref_squeeze %dma_start3A_229 : memref<1x128xi32, #tpu.memory_space<vmem>> -> memref<128xi32, #tpu.memory_space<vmem>>
        %dma_start3A_231 = arith.constant 0 : i32
        %dma_start3A_232 = arith.constant 0 : i32
        %dma_start3A_233 = tpu.memref_slice %arg2[%arg0, %dma_start3A_231, %dma_start3A_232] : memref<2x80000x64xf32, #tpu.memory_space<hbm>> -> memref<1x80000x64xf32, #tpu.memory_space<hbm>>
        %dma_start3A_234 = tpu.memref_squeeze %dma_start3A_233 : memref<1x80000x64xf32, #tpu.memory_space<hbm>> -> memref<80000x64xf32, #tpu.memory_space<hbm>>
        %dma_start3A_235 = arith.constant 0 : i32
        %dma_start3A_236 = arith.constant 0 : i32
        %dma_start3A_237 = tpu.memref_slice %dma_start3A_234[%dma_start3A_235, %dma_start3A_236] : memref<80000x64xf32, #tpu.memory_space<hbm>> -> memref<80000x64xf32, #tpu.memory_space<hbm>>
        tpu.enqueue_indirect_dma source(%dma_start3A_237 : memref<80000x64xf32, #tpu.memory_space<hbm>>) target(%arg10 : memref<128x64xf32, #tpu.memory_space<vmem>>) offsets(%dma_start3A_230 : memref<128xi32, #tpu.memory_space<vmem>>) semaphore(%arg15 : memref<!tpu.dma_semaphore, #tpu.memory_space<semaphore_mem>>)
      } else {
      }
      %add3A_204 = arith.constant 2 : i32
      %add3A_205 = arith.addi %mul3A_116, %add3A_204 : i32
      %add3A_206 = arith.constant 4 : i32
      %add3A_207 = arith.addi %add3A_205, %add3A_206 : i32
      %lt3A_208 = arith.constant 160 : i32
      %lt3A_209 = arith.cmpi slt, %add3A_207, %lt3A_208 : i32
      %convert_element_type3A_210 = arith.extui %lt3A_209 : i1 to i32
      %cond3A_211 = arith.constant 0 : i32
      %cond3A_212 = arith.cmpi ne, %convert_element_type3A_210, %cond3A_211 : i32
      scf.if %cond3A_212 {
        %dma_wait3A_222 = arith.constant 0 : i32
        %dma_wait3A_223 = tpu.memref_slice %arg8[%add3A_205, %dma_wait3A_222] : memref<160x128xi32, #tpu.memory_space<vmem>> -> memref<1x128xi32, #tpu.memory_space<vmem>>
        %dma_wait3A_224 = tpu.memref_squeeze %dma_wait3A_223 : memref<1x128xi32, #tpu.memory_space<vmem>> -> memref<128xi32, #tpu.memory_space<vmem>>
        %dma_wait3A_225 = arith.constant 0 : i32
        %dma_wait3A_226 = arith.constant 0 : i32
        %dma_wait3A_227 = tpu.memref_slice %arg13[%dma_wait3A_225, %dma_wait3A_226] : memref<10240x64xf32, #tpu.memory_space<vmem_shared>> -> memref<10240x64xf32, #tpu.memory_space<vmem_shared>>
        tpu.wait_indirect_dma semaphore(%arg20 : memref<!tpu.dma_semaphore, #tpu.memory_space<semaphore_mem>>) src(%arg11 : memref<128x64xf32, #tpu.memory_space<vmem>>) dst(%dma_wait3A_227 : memref<10240x64xf32, #tpu.memory_space<vmem_shared>>)
        %dma_start3A_228 = arith.constant 0 : i32
        %dma_start3A_229 = tpu.memref_slice %arg7[%add3A_207, %dma_start3A_228] : memref<160x128xi32, #tpu.memory_space<vmem>> -> memref<1x128xi32, #tpu.memory_space<vmem>>
        %dma_start3A_230 = tpu.memref_squeeze %dma_start3A_229 : memref<1x128xi32, #tpu.memory_space<vmem>> -> memref<128xi32, #tpu.memory_space<vmem>>
        %dma_start3A_231 = arith.constant 0 : i32
        %dma_start3A_232 = arith.constant 0 : i32
        %dma_start3A_233 = tpu.memref_slice %arg2[%arg0, %dma_start3A_231, %dma_start3A_232] : memref<2x80000x64xf32, #tpu.memory_space<hbm>> -> memref<1x80000x64xf32, #tpu.memory_space<hbm>>
        %dma_start3A_234 = tpu.memref_squeeze %dma_start3A_233 : memref<1x80000x64xf32, #tpu.memory_space<hbm>> -> memref<80000x64xf32, #tpu.memory_space<hbm>>
        %dma_start3A_235 = arith.constant 0 : i32
        %dma_start3A_236 = arith.constant 0 : i32
        %dma_start3A_237 = tpu.memref_slice %dma_start3A_234[%dma_start3A_235, %dma_start3A_236] : memref<80000x64xf32, #tpu.memory_space<hbm>> -> memref<80000x64xf32, #tpu.memory_space<hbm>>
        tpu.enqueue_indirect_dma source(%dma_start3A_237 : memref<80000x64xf32, #tpu.memory_space<hbm>>) target(%arg11 : memref<128x64xf32, #tpu.memory_space<vmem>>) offsets(%dma_start3A_230 : memref<128xi32, #tpu.memory_space<vmem>>) semaphore(%arg16 : memref<!tpu.dma_semaphore, #tpu.memory_space<semaphore_mem>>)
      } else {
      }
      %add3A_213 = arith.constant 3 : i32
      %add3A_214 = arith.addi %mul3A_116, %add3A_213 : i32
      %add3A_215 = arith.constant 4 : i32
      %add3A_216 = arith.addi %add3A_214, %add3A_215 : i32
      %lt3A_217 = arith.constant 160 : i32
      %lt3A_218 = arith.cmpi slt, %add3A_216, %lt3A_217 : i32
      %convert_element_type3A_219 = arith.extui %lt3A_218 : i1 to i32
      %cond3A_220 = arith.constant 0 : i32
      %cond3A_221 = arith.cmpi ne, %convert_element_type3A_219, %cond3A_220 : i32
      scf.if %cond3A_221 {
        %dma_wait3A_222 = arith.constant 0 : i32
        %dma_wait3A_223 = tpu.memref_slice %arg8[%add3A_214, %dma_wait3A_222] : memref<160x128xi32, #tpu.memory_space<vmem>> -> memref<1x128xi32, #tpu.memory_space<vmem>>
        %dma_wait3A_224 = tpu.memref_squeeze %dma_wait3A_223 : memref<1x128xi32, #tpu.memory_space<vmem>> -> memref<128xi32, #tpu.memory_space<vmem>>
        %dma_wait3A_225 = arith.constant 0 : i32
        %dma_wait3A_226 = arith.constant 0 : i32
        %dma_wait3A_227 = tpu.memref_slice %arg13[%dma_wait3A_225, %dma_wait3A_226] : memref<10240x64xf32, #tpu.memory_space<vmem_shared>> -> memref<10240x64xf32, #tpu.memory_space<vmem_shared>>
        tpu.wait_indirect_dma semaphore(%arg21 : memref<!tpu.dma_semaphore, #tpu.memory_space<semaphore_mem>>) src(%arg12 : memref<128x64xf32, #tpu.memory_space<vmem>>) dst(%dma_wait3A_227 : memref<10240x64xf32, #tpu.memory_space<vmem_shared>>)
        %dma_start3A_228 = arith.constant 0 : i32
        %dma_start3A_229 = tpu.memref_slice %arg7[%add3A_216, %dma_start3A_228] : memref<160x128xi32, #tpu.memory_space<vmem>> -> memref<1x128xi32, #tpu.memory_space<vmem>>
        %dma_start3A_230 = tpu.memref_squeeze %dma_start3A_229 : memref<1x128xi32, #tpu.memory_space<vmem>> -> memref<128xi32, #tpu.memory_space<vmem>>
        %dma_start3A_231 = arith.constant 0 : i32
        %dma_start3A_232 = arith.constant 0 : i32
        %dma_start3A_233 = tpu.memref_slice %arg2[%arg0, %dma_start3A_231, %dma_start3A_232] : memref<2x80000x64xf32, #tpu.memory_space<hbm>> -> memref<1x80000x64xf32, #tpu.memory_space<hbm>>
        %dma_start3A_234 = tpu.memref_squeeze %dma_start3A_233 : memref<1x80000x64xf32, #tpu.memory_space<hbm>> -> memref<80000x64xf32, #tpu.memory_space<hbm>>
        %dma_start3A_235 = arith.constant 0 : i32
        %dma_start3A_236 = arith.constant 0 : i32
        %dma_start3A_237 = tpu.memref_slice %dma_start3A_234[%dma_start3A_235, %dma_start3A_236] : memref<80000x64xf32, #tpu.memory_space<hbm>> -> memref<80000x64xf32, #tpu.memory_space<hbm>>
        tpu.enqueue_indirect_dma source(%dma_start3A_237 : memref<80000x64xf32, #tpu.memory_space<hbm>>) target(%arg12 : memref<128x64xf32, #tpu.memory_space<vmem>>) offsets(%dma_start3A_230 : memref<128xi32, #tpu.memory_space<vmem>>) semaphore(%arg17 : memref<!tpu.dma_semaphore, #tpu.memory_space<semaphore_mem>>)
      } else {
      }
    }
    %scan3A_65 = arith.constant 40 : i32
    %dma_wait3A = arith.constant 156 : i32
    %dma_wait3A_66 = arith.constant 0 : i32
    %dma_wait3A_67 = tpu.memref_slice %arg8[%dma_wait3A, %dma_wait3A_66] : memref<160x128xi32, #tpu.memory_space<vmem>> -> memref<1x128xi32, #tpu.memory_space<vmem>>
    %dma_wait3A_68 = tpu.memref_squeeze %dma_wait3A_67 : memref<1x128xi32, #tpu.memory_space<vmem>> -> memref<128xi32, #tpu.memory_space<vmem>>
    %dma_wait3A_69 = arith.constant 0 : i32
    %dma_wait3A_70 = arith.constant 0 : i32
    %dma_wait3A_71 = tpu.memref_slice %arg13[%dma_wait3A_69, %dma_wait3A_70] : memref<10240x64xf32, #tpu.memory_space<vmem_shared>> -> memref<10240x64xf32, #tpu.memory_space<vmem_shared>>
    tpu.wait_indirect_dma semaphore(%arg18 : memref<!tpu.dma_semaphore, #tpu.memory_space<semaphore_mem>>) src(%arg9 : memref<128x64xf32, #tpu.memory_space<vmem>>) dst(%dma_wait3A_71 : memref<10240x64xf32, #tpu.memory_space<vmem_shared>>)
    %dma_wait3A_72 = arith.constant 157 : i32
    %dma_wait3A_73 = arith.constant 0 : i32
    %dma_wait3A_74 = tpu.memref_slice %arg8[%dma_wait3A_72, %dma_wait3A_73] : memref<160x128xi32, #tpu.memory_space<vmem>> -> memref<1x128xi32, #tpu.memory_space<vmem>>
    %dma_wait3A_75 = tpu.memref_squeeze %dma_wait3A_74 : memref<1x128xi32, #tpu.memory_space<vmem>> -> memref<128xi32, #tpu.memory_space<vmem>>
    %dma_wait3A_76 = arith.constant 0 : i32
    %dma_wait3A_77 = arith.constant 0 : i32
    %dma_wait3A_78 = tpu.memref_slice %arg13[%dma_wait3A_76, %dma_wait3A_77] : memref<10240x64xf32, #tpu.memory_space<vmem_shared>> -> memref<10240x64xf32, #tpu.memory_space<vmem_shared>>
    tpu.wait_indirect_dma semaphore(%arg19 : memref<!tpu.dma_semaphore, #tpu.memory_space<semaphore_mem>>) src(%arg10 : memref<128x64xf32, #tpu.memory_space<vmem>>) dst(%dma_wait3A_78 : memref<10240x64xf32, #tpu.memory_space<vmem_shared>>)
    %dma_wait3A_79 = arith.constant 158 : i32
    %dma_wait3A_80 = arith.constant 0 : i32
    %dma_wait3A_81 = tpu.memref_slice %arg8[%dma_wait3A_79, %dma_wait3A_80] : memref<160x128xi32, #tpu.memory_space<vmem>> -> memref<1x128xi32, #tpu.memory_space<vmem>>
    %dma_wait3A_82 = tpu.memref_squeeze %dma_wait3A_81 : memref<1x128xi32, #tpu.memory_space<vmem>> -> memref<128xi32, #tpu.memory_space<vmem>>
    %dma_wait3A_83 = arith.constant 0 : i32
    %dma_wait3A_84 = arith.constant 0 : i32
    %dma_wait3A_85 = tpu.memref_slice %arg13[%dma_wait3A_83, %dma_wait3A_84] : memref<10240x64xf32, #tpu.memory_space<vmem_shared>> -> memref<10240x64xf32, #tpu.memory_space<vmem_shared>>
    tpu.wait_indirect_dma semaphore(%arg20 : memref<!tpu.dma_semaphore, #tpu.memory_space<semaphore_mem>>) src(%arg11 : memref<128x64xf32, #tpu.memory_space<vmem>>) dst(%dma_wait3A_85 : memref<10240x64xf32, #tpu.memory_space<vmem_shared>>)
    %dma_wait3A_86 = arith.constant 159 : i32
    %dma_wait3A_87 = arith.constant 0 : i32
    %dma_wait3A_88 = tpu.memref_slice %arg8[%dma_wait3A_86, %dma_wait3A_87] : memref<160x128xi32, #tpu.memory_space<vmem>> -> memref<1x128xi32, #tpu.memory_space<vmem>>
    %dma_wait3A_89 = tpu.memref_squeeze %dma_wait3A_88 : memref<1x128xi32, #tpu.memory_space<vmem>> -> memref<128xi32, #tpu.memory_space<vmem>>
    %dma_wait3A_90 = arith.constant 0 : i32
    %dma_wait3A_91 = arith.constant 0 : i32
    %dma_wait3A_92 = tpu.memref_slice %arg13[%dma_wait3A_90, %dma_wait3A_91] : memref<10240x64xf32, #tpu.memory_space<vmem_shared>> -> memref<10240x64xf32, #tpu.memory_space<vmem_shared>>
    tpu.wait_indirect_dma semaphore(%arg21 : memref<!tpu.dma_semaphore, #tpu.memory_space<semaphore_mem>>) src(%arg12 : memref<128x64xf32, #tpu.memory_space<vmem>>) dst(%dma_wait3A_92 : memref<10240x64xf32, #tpu.memory_space<vmem_shared>>)
    %barrier3A_93 = arith.constant 0 : index
    tpu.barrier barrier_id(%barrier3A_93)
    %mul3A_94 = arith.constant 640 : i32
    %mul3A_95 = arith.muli %arg1, %mul3A_94 : i32
    %add3A_96 = arith.constant 0 : i32
    %add3A_97 = arith.addi %mul3A_95, %add3A_96 : i32
    "tpu.region"() ({
      %run_scoped3A = tpu.sem_alloc : memref<!tpu.dma_semaphore, #tpu.memory_space<semaphore_mem>>
      %dma_start3A_114 = arith.constant 0 : i32
      %dma_start3A_115 = tpu.memref_slice %arg6[%arg0, %add3A_97, %dma_start3A_114] : memref<2x10240x64xf32, #tpu.memory_space<hbm>> -> memref<1x128x64xf32, #tpu.memory_space<hbm>>
      %dma_start3A_116 = tpu.memref_squeeze %dma_start3A_115 : memref<1x128x64xf32, #tpu.memory_space<hbm>> -> memref<128x64xf32, #tpu.memory_space<hbm>>
      %dma_start3A_117 = arith.constant 0 : i32
      %dma_start3A_118 = tpu.memref_slice %arg13[%add3A_97, %dma_start3A_117] : memref<10240x64xf32, #tpu.memory_space<vmem_shared>> -> memref<128x64xf32, #tpu.memory_space<vmem_shared>>
      tpu.enqueue_dma source(%dma_start3A_118 : memref<128x64xf32, #tpu.memory_space<vmem_shared>>) target(%dma_start3A_116 : memref<128x64xf32, #tpu.memory_space<hbm>>) target_semaphore(%run_scoped3A : memref<!tpu.dma_semaphore, #tpu.memory_space<semaphore_mem>>)
      %dma_wait3A_119 = arith.constant 0 : i32
      %dma_wait3A_120 = tpu.memref_slice %arg6[%arg0, %add3A_97, %dma_wait3A_119] : memref<2x10240x64xf32, #tpu.memory_space<hbm>> -> memref<1x128x64xf32, #tpu.memory_space<hbm>>
      %dma_wait3A_121 = tpu.memref_squeeze %dma_wait3A_120 : memref<1x128x64xf32, #tpu.memory_space<hbm>> -> memref<128x64xf32, #tpu.memory_space<hbm>>
      %dma_wait3A_122 = arith.constant 0 : i32
      %dma_wait3A_123 = tpu.memref_slice %arg13[%add3A_97, %dma_wait3A_122] : memref<10240x64xf32, #tpu.memory_space<vmem_shared>> -> memref<128x64xf32, #tpu.memory_space<vmem_shared>>
      tpu.wait_dma2 semaphore(%run_scoped3A : memref<!tpu.dma_semaphore, #tpu.memory_space<semaphore_mem>>) src(%dma_wait3A_123 : memref<128x64xf32, #tpu.memory_space<vmem_shared>>) dst(%dma_wait3A_121 : memref<128x64xf32, #tpu.memory_space<hbm>>)
      tpu.yield
    }) : () -> ()
    %mul3A_98 = arith.constant 640 : i32
    %mul3A_99 = arith.muli %arg1, %mul3A_98 : i32
    %add3A_100 = arith.constant 128 : i32
    %add3A_101 = arith.addi %mul3A_99, %add3A_100 : i32
    "tpu.region"() ({
      %run_scoped3A = tpu.sem_alloc : memref<!tpu.dma_semaphore, #tpu.memory_space<semaphore_mem>>
      %dma_start3A_114 = arith.constant 0 : i32
      %dma_start3A_115 = tpu.memref_slice %arg6[%arg0, %add3A_101, %dma_start3A_114] : memref<2x10240x64xf32, #tpu.memory_space<hbm>> -> memref<1x128x64xf32, #tpu.memory_space<hbm>>
      %dma_start3A_116 = tpu.memref_squeeze %dma_start3A_115 : memref<1x128x64xf32, #tpu.memory_space<hbm>> -> memref<128x64xf32, #tpu.memory_space<hbm>>
      %dma_start3A_117 = arith.constant 0 : i32
      %dma_start3A_118 = tpu.memref_slice %arg13[%add3A_101, %dma_start3A_117] : memref<10240x64xf32, #tpu.memory_space<vmem_shared>> -> memref<128x64xf32, #tpu.memory_space<vmem_shared>>
      tpu.enqueue_dma source(%dma_start3A_118 : memref<128x64xf32, #tpu.memory_space<vmem_shared>>) target(%dma_start3A_116 : memref<128x64xf32, #tpu.memory_space<hbm>>) target_semaphore(%run_scoped3A : memref<!tpu.dma_semaphore, #tpu.memory_space<semaphore_mem>>)
      %dma_wait3A_119 = arith.constant 0 : i32
      %dma_wait3A_120 = tpu.memref_slice %arg6[%arg0, %add3A_101, %dma_wait3A_119] : memref<2x10240x64xf32, #tpu.memory_space<hbm>> -> memref<1x128x64xf32, #tpu.memory_space<hbm>>
      %dma_wait3A_121 = tpu.memref_squeeze %dma_wait3A_120 : memref<1x128x64xf32, #tpu.memory_space<hbm>> -> memref<128x64xf32, #tpu.memory_space<hbm>>
      %dma_wait3A_122 = arith.constant 0 : i32
      %dma_wait3A_123 = tpu.memref_slice %arg13[%add3A_101, %dma_wait3A_122] : memref<10240x64xf32, #tpu.memory_space<vmem_shared>> -> memref<128x64xf32, #tpu.memory_space<vmem_shared>>
      tpu.wait_dma2 semaphore(%run_scoped3A : memref<!tpu.dma_semaphore, #tpu.memory_space<semaphore_mem>>) src(%dma_wait3A_123 : memref<128x64xf32, #tpu.memory_space<vmem_shared>>) dst(%dma_wait3A_121 : memref<128x64xf32, #tpu.memory_space<hbm>>)
      tpu.yield
    }) : () -> ()
    %mul3A_102 = arith.constant 640 : i32
    %mul3A_103 = arith.muli %arg1, %mul3A_102 : i32
    %add3A_104 = arith.constant 256 : i32
    %add3A_105 = arith.addi %mul3A_103, %add3A_104 : i32
    "tpu.region"() ({
      %run_scoped3A = tpu.sem_alloc : memref<!tpu.dma_semaphore, #tpu.memory_space<semaphore_mem>>
      %dma_start3A_114 = arith.constant 0 : i32
      %dma_start3A_115 = tpu.memref_slice %arg6[%arg0, %add3A_105, %dma_start3A_114] : memref<2x10240x64xf32, #tpu.memory_space<hbm>> -> memref<1x128x64xf32, #tpu.memory_space<hbm>>
      %dma_start3A_116 = tpu.memref_squeeze %dma_start3A_115 : memref<1x128x64xf32, #tpu.memory_space<hbm>> -> memref<128x64xf32, #tpu.memory_space<hbm>>
      %dma_start3A_117 = arith.constant 0 : i32
      %dma_start3A_118 = tpu.memref_slice %arg13[%add3A_105, %dma_start3A_117] : memref<10240x64xf32, #tpu.memory_space<vmem_shared>> -> memref<128x64xf32, #tpu.memory_space<vmem_shared>>
      tpu.enqueue_dma source(%dma_start3A_118 : memref<128x64xf32, #tpu.memory_space<vmem_shared>>) target(%dma_start3A_116 : memref<128x64xf32, #tpu.memory_space<hbm>>) target_semaphore(%run_scoped3A : memref<!tpu.dma_semaphore, #tpu.memory_space<semaphore_mem>>)
      %dma_wait3A_119 = arith.constant 0 : i32
      %dma_wait3A_120 = tpu.memref_slice %arg6[%arg0, %add3A_105, %dma_wait3A_119] : memref<2x10240x64xf32, #tpu.memory_space<hbm>> -> memref<1x128x64xf32, #tpu.memory_space<hbm>>
      %dma_wait3A_121 = tpu.memref_squeeze %dma_wait3A_120 : memref<1x128x64xf32, #tpu.memory_space<hbm>> -> memref<128x64xf32, #tpu.memory_space<hbm>>
      %dma_wait3A_122 = arith.constant 0 : i32
      %dma_wait3A_123 = tpu.memref_slice %arg13[%add3A_105, %dma_wait3A_122] : memref<10240x64xf32, #tpu.memory_space<vmem_shared>> -> memref<128x64xf32, #tpu.memory_space<vmem_shared>>
      tpu.wait_dma2 semaphore(%run_scoped3A : memref<!tpu.dma_semaphore, #tpu.memory_space<semaphore_mem>>) src(%dma_wait3A_123 : memref<128x64xf32, #tpu.memory_space<vmem_shared>>) dst(%dma_wait3A_121 : memref<128x64xf32, #tpu.memory_space<hbm>>)
      tpu.yield
    }) : () -> ()
    %mul3A_106 = arith.constant 640 : i32
    %mul3A_107 = arith.muli %arg1, %mul3A_106 : i32
    %add3A_108 = arith.constant 384 : i32
    %add3A_109 = arith.addi %mul3A_107, %add3A_108 : i32
    "tpu.region"() ({
      %run_scoped3A = tpu.sem_alloc : memref<!tpu.dma_semaphore, #tpu.memory_space<semaphore_mem>>
      %dma_start3A_114 = arith.constant 0 : i32
      %dma_start3A_115 = tpu.memref_slice %arg6[%arg0, %add3A_109, %dma_start3A_114] : memref<2x10240x64xf32, #tpu.memory_space<hbm>> -> memref<1x128x64xf32, #tpu.memory_space<hbm>>
      %dma_start3A_116 = tpu.memref_squeeze %dma_start3A_115 : memref<1x128x64xf32, #tpu.memory_space<hbm>> -> memref<128x64xf32, #tpu.memory_space<hbm>>
      %dma_start3A_117 = arith.constant 0 : i32
      %dma_start3A_118 = tpu.memref_slice %arg13[%add3A_109, %dma_start3A_117] : memref<10240x64xf32, #tpu.memory_space<vmem_shared>> -> memref<128x64xf32, #tpu.memory_space<vmem_shared>>
      tpu.enqueue_dma source(%dma_start3A_118 : memref<128x64xf32, #tpu.memory_space<vmem_shared>>) target(%dma_start3A_116 : memref<128x64xf32, #tpu.memory_space<hbm>>) target_semaphore(%run_scoped3A : memref<!tpu.dma_semaphore, #tpu.memory_space<semaphore_mem>>)
      %dma_wait3A_119 = arith.constant 0 : i32
      %dma_wait3A_120 = tpu.memref_slice %arg6[%arg0, %add3A_109, %dma_wait3A_119] : memref<2x10240x64xf32, #tpu.memory_space<hbm>> -> memref<1x128x64xf32, #tpu.memory_space<hbm>>
      %dma_wait3A_121 = tpu.memref_squeeze %dma_wait3A_120 : memref<1x128x64xf32, #tpu.memory_space<hbm>> -> memref<128x64xf32, #tpu.memory_space<hbm>>
      %dma_wait3A_122 = arith.constant 0 : i32
      %dma_wait3A_123 = tpu.memref_slice %arg13[%add3A_109, %dma_wait3A_122] : memref<10240x64xf32, #tpu.memory_space<vmem_shared>> -> memref<128x64xf32, #tpu.memory_space<vmem_shared>>
      tpu.wait_dma2 semaphore(%run_scoped3A : memref<!tpu.dma_semaphore, #tpu.memory_space<semaphore_mem>>) src(%dma_wait3A_123 : memref<128x64xf32, #tpu.memory_space<vmem_shared>>) dst(%dma_wait3A_121 : memref<128x64xf32, #tpu.memory_space<hbm>>)
      tpu.yield
    }) : () -> ()
    %mul3A_110 = arith.constant 640 : i32
    %mul3A_111 = arith.muli %arg1, %mul3A_110 : i32
    %add3A_112 = arith.constant 512 : i32
    %add3A_113 = arith.addi %mul3A_111, %add3A_112 : i32
    "tpu.region"() ({
      %run_scoped3A = tpu.sem_alloc : memref<!tpu.dma_semaphore, #tpu.memory_space<semaphore_mem>>
      %dma_start3A_114 = arith.constant 0 : i32
      %dma_start3A_115 = tpu.memref_slice %arg6[%arg0, %add3A_113, %dma_start3A_114] : memref<2x10240x64xf32, #tpu.memory_space<hbm>> -> memref<1x128x64xf32, #tpu.memory_space<hbm>>
      %dma_start3A_116 = tpu.memref_squeeze %dma_start3A_115 : memref<1x128x64xf32, #tpu.memory_space<hbm>> -> memref<128x64xf32, #tpu.memory_space<hbm>>
      %dma_start3A_117 = arith.constant 0 : i32
      %dma_start3A_118 = tpu.memref_slice %arg13[%add3A_113, %dma_start3A_117] : memref<10240x64xf32, #tpu.memory_space<vmem_shared>> -> memref<128x64xf32, #tpu.memory_space<vmem_shared>>
      tpu.enqueue_dma source(%dma_start3A_118 : memref<128x64xf32, #tpu.memory_space<vmem_shared>>) target(%dma_start3A_116 : memref<128x64xf32, #tpu.memory_space<hbm>>) target_semaphore(%run_scoped3A : memref<!tpu.dma_semaphore, #tpu.memory_space<semaphore_mem>>)
      %dma_wait3A_119 = arith.constant 0 : i32
      %dma_wait3A_120 = tpu.memref_slice %arg6[%arg0, %add3A_113, %dma_wait3A_119] : memref<2x10240x64xf32, #tpu.memory_space<hbm>> -> memref<1x128x64xf32, #tpu.memory_space<hbm>>
      %dma_wait3A_121 = tpu.memref_squeeze %dma_wait3A_120 : memref<1x128x64xf32, #tpu.memory_space<hbm>> -> memref<128x64xf32, #tpu.memory_space<hbm>>
      %dma_wait3A_122 = arith.constant 0 : i32
      %dma_wait3A_123 = tpu.memref_slice %arg13[%add3A_113, %dma_wait3A_122] : memref<10240x64xf32, #tpu.memory_space<vmem_shared>> -> memref<128x64xf32, #tpu.memory_space<vmem_shared>>
      tpu.wait_dma2 semaphore(%run_scoped3A : memref<!tpu.dma_semaphore, #tpu.memory_space<semaphore_mem>>) src(%dma_wait3A_123 : memref<128x64xf32, #tpu.memory_space<vmem_shared>>) dst(%dma_wait3A_121 : memref<128x64xf32, #tpu.memory_space<hbm>>)
      tpu.yield
    }) : () -> ()
    return
  }
}

#map = affine_map<(d0, d1) -> (0, 0, 0)>
#map1 = affine_map<(d0, d1) -> (0, 0)>
module attributes {stable_mosaic.version = 14 : i64} {
  func.func @_sc_edges_body(%arg0: i32, %arg1: i32, %arg2: memref<2x80000x64xf32, #tpu.memory_space<hbm>>, %arg3: memref<16x160x128xi32, #tpu.memory_space<hbm>>, %arg4: memref<16x160x128xi32, #tpu.memory_space<hbm>>, %arg5: memref<128x64xf32, #tpu.memory_space<hbm>>, %arg6: memref<2x10240x64xf32, #tpu.memory_space<hbm>>, %arg7: memref<160x128xi32, #tpu.memory_space<vmem>>, %arg8: memref<160x128xi32, #tpu.memory_space<vmem>>, %arg9: memref<128x64xf32, #tpu.memory_space<vmem>>, %arg10: memref<128x64xf32, #tpu.memory_space<vmem>>, %arg11: memref<128x64xf32, #tpu.memory_space<vmem>>, %arg12: memref<128x64xf32, #tpu.memory_space<vmem>>, %arg13: memref<10240x64xf32, #tpu.memory_space<vmem_shared>>, %arg14: memref<!tpu.dma_semaphore, #tpu.memory_space<semaphore_mem>>, %arg15: memref<!tpu.dma_semaphore, #tpu.memory_space<semaphore_mem>>, %arg16: memref<!tpu.dma_semaphore, #tpu.memory_space<semaphore_mem>>, %arg17: memref<!tpu.dma_semaphore, #tpu.memory_space<semaphore_mem>>, %arg18: memref<!tpu.dma_semaphore, #tpu.memory_space<semaphore_mem>>, %arg19: memref<!tpu.dma_semaphore, #tpu.memory_space<semaphore_mem>>, %arg20: memref<!tpu.dma_semaphore, #tpu.memory_space<semaphore_mem>>, %arg21: memref<!tpu.dma_semaphore, #tpu.memory_space<semaphore_mem>>) attributes {dimension_semantics = [#tpu.dimension_semantics<core_parallel>, #tpu.dimension_semantics<subcore_parallel>], iteration_bounds = array<i64: 2, 16>, scalar_prefetch = 0 : i64, scratch_operands = 15 : i64, tpu.core_type = #tpu.core_type<sc_vector_subcore>, window_params = [{transform_indices = #map}, {transform_indices = #map}, {transform_indices = #map}, {transform_indices = #map1}, {transform_indices = #map}]} {
    "tpu.region"() ({
      %run_scoped3A = tpu.sem_alloc : memref<!tpu.dma_semaphore, #tpu.memory_space<semaphore_mem>>
      %dma_start3A_114 = arith.constant 0 : i32
      %dma_start3A_115 = arith.constant 0 : i32
      %dma_start3A_116 = tpu.memref_slice %arg3[%arg1, %dma_start3A_114, %dma_start3A_115] : memref<16x160x128xi32, #tpu.memory_space<hbm>> -> memref<1x160x128xi32, #tpu.memory_space<hbm>>
      %dma_start3A_117 = tpu.memref_squeeze %dma_start3A_116 : memref<1x160x128xi32, #tpu.memory_space<hbm>> -> memref<160x128xi32, #tpu.memory_space<hbm>>
      %dma_start3A_118 = arith.constant 0 : i32
      %dma_start3A_119 = arith.constant 0 : i32
      %dma_start3A_120 = tpu.memref_slice %arg3[%arg1, %dma_start3A_118, %dma_start3A_119] : memref<16x160x128xi32, #tpu.memory_space<hbm>> -> memref<1x160x128xi32, #tpu.memory_space<hbm>>
      %dma_start3A_121 = tpu.memref_squeeze %dma_start3A_120 : memref<1x160x128xi32, #tpu.memory_space<hbm>> -> memref<160x128xi32, #tpu.memory_space<hbm>>
      tpu.enqueue_dma source(%dma_start3A_121 : memref<160x128xi32, #tpu.memory_space<hbm>>) target(%arg7 : memref<160x128xi32, #tpu.memory_space<vmem>>) target_semaphore(%run_scoped3A : memref<!tpu.dma_semaphore, #tpu.memory_space<semaphore_mem>>)
      %dma_wait3A_122 = arith.constant 0 : i32
      %dma_wait3A_123 = arith.constant 0 : i32
      %dma_wait3A_124 = tpu.memref_slice %arg3[%arg1, %dma_wait3A_122, %dma_wait3A_123] : memref<16x160x128xi32, #tpu.memory_space<hbm>> -> memref<1x160x128xi32, #tpu.memory_space<hbm>>
      %dma_wait3A_125 = tpu.memref_squeeze %dma_wait3A_124 : memref<1x160x128xi32, #tpu.memory_space<hbm>> -> memref<160x128xi32, #tpu.memory_space<hbm>>
      %dma_wait3A_126 = arith.constant 0 : i32
      %dma_wait3A_127 = arith.constant 0 : i32
      %dma_wait3A_128 = tpu.memref_slice %arg3[%arg1, %dma_wait3A_126, %dma_wait3A_127] : memref<16x160x128xi32, #tpu.memory_space<hbm>> -> memref<1x160x128xi32, #tpu.memory_space<hbm>>
      %dma_wait3A_129 = tpu.memref_squeeze %dma_wait3A_128 : memref<1x160x128xi32, #tpu.memory_space<hbm>> -> memref<160x128xi32, #tpu.memory_space<hbm>>
      tpu.wait_dma2 semaphore(%run_scoped3A : memref<!tpu.dma_semaphore, #tpu.memory_space<semaphore_mem>>) src(%dma_wait3A_129 : memref<160x128xi32, #tpu.memory_space<hbm>>) dst(%arg7 : memref<160x128xi32, #tpu.memory_space<vmem>>)
      tpu.yield
    }) : () -> ()
    "tpu.region"() ({
      %run_scoped3A = tpu.sem_alloc : memref<!tpu.dma_semaphore, #tpu.memory_space<semaphore_mem>>
      %dma_start3A_114 = arith.constant 0 : i32
      %dma_start3A_115 = arith.constant 0 : i32
      %dma_start3A_116 = tpu.memref_slice %arg4[%arg1, %dma_start3A_114, %dma_start3A_115] : memref<16x160x128xi32, #tpu.memory_space<hbm>> -> memref<1x160x128xi32, #tpu.memory_space<hbm>>
      %dma_start3A_117 = tpu.memref_squeeze %dma_start3A_116 : memref<1x160x128xi32, #tpu.memory_space<hbm>> -> memref<160x128xi32, #tpu.memory_space<hbm>>
      %dma_start3A_118 = arith.constant 0 : i32
      %dma_start3A_119 = arith.constant 0 : i32
      %dma_start3A_120 = tpu.memref_slice %arg4[%arg1, %dma_start3A_118, %dma_start3A_119] : memref<16x160x128xi32, #tpu.memory_space<hbm>> -> memref<1x160x128xi32, #tpu.memory_space<hbm>>
      %dma_start3A_121 = tpu.memref_squeeze %dma_start3A_120 : memref<1x160x128xi32, #tpu.memory_space<hbm>> -> memref<160x128xi32, #tpu.memory_space<hbm>>
      tpu.enqueue_dma source(%dma_start3A_121 : memref<160x128xi32, #tpu.memory_space<hbm>>) target(%arg8 : memref<160x128xi32, #tpu.memory_space<vmem>>) target_semaphore(%run_scoped3A : memref<!tpu.dma_semaphore, #tpu.memory_space<semaphore_mem>>)
      %dma_wait3A_122 = arith.constant 0 : i32
      %dma_wait3A_123 = arith.constant 0 : i32
      %dma_wait3A_124 = tpu.memref_slice %arg4[%arg1, %dma_wait3A_122, %dma_wait3A_123] : memref<16x160x128xi32, #tpu.memory_space<hbm>> -> memref<1x160x128xi32, #tpu.memory_space<hbm>>
      %dma_wait3A_125 = tpu.memref_squeeze %dma_wait3A_124 : memref<1x160x128xi32, #tpu.memory_space<hbm>> -> memref<160x128xi32, #tpu.memory_space<hbm>>
      %dma_wait3A_126 = arith.constant 0 : i32
      %dma_wait3A_127 = arith.constant 0 : i32
      %dma_wait3A_128 = tpu.memref_slice %arg4[%arg1, %dma_wait3A_126, %dma_wait3A_127] : memref<16x160x128xi32, #tpu.memory_space<hbm>> -> memref<1x160x128xi32, #tpu.memory_space<hbm>>
      %dma_wait3A_129 = tpu.memref_squeeze %dma_wait3A_128 : memref<1x160x128xi32, #tpu.memory_space<hbm>> -> memref<160x128xi32, #tpu.memory_space<hbm>>
      tpu.wait_dma2 semaphore(%run_scoped3A : memref<!tpu.dma_semaphore, #tpu.memory_space<semaphore_mem>>) src(%dma_wait3A_129 : memref<160x128xi32, #tpu.memory_space<hbm>>) dst(%arg8 : memref<160x128xi32, #tpu.memory_space<vmem>>)
      tpu.yield
    }) : () -> ()
    %mul3A = arith.constant 640 : i32
    %mul3A_0 = arith.muli %arg1, %mul3A : i32
    %add3A = arith.constant 0 : i32
    %add3A_1 = arith.addi %mul3A_0, %add3A : i32
    "tpu.region"() ({
      %run_scoped3A = tpu.sem_alloc : memref<!tpu.dma_semaphore, #tpu.memory_space<semaphore_mem>>
      %dma_start3A_114 = arith.constant 0 : i32
      %dma_start3A_115 = tpu.memref_slice %arg13[%add3A_1, %dma_start3A_114] : memref<10240x64xf32, #tpu.memory_space<vmem_shared>> -> memref<128x64xf32, #tpu.memory_space<vmem_shared>>
      tpu.enqueue_dma source(%arg5 : memref<128x64xf32, #tpu.memory_space<hbm>>) target(%dma_start3A_115 : memref<128x64xf32, #tpu.memory_space<vmem_shared>>) target_semaphore(%run_scoped3A : memref<!tpu.dma_semaphore, #tpu.memory_space<semaphore_mem>>)
      %dma_wait3A_116 = arith.constant 0 : i32
      %dma_wait3A_117 = tpu.memref_slice %arg13[%add3A_1, %dma_wait3A_116] : memref<10240x64xf32, #tpu.memory_space<vmem_shared>> -> memref<128x64xf32, #tpu.memory_space<vmem_shared>>
      tpu.wait_dma2 semaphore(%run_scoped3A : memref<!tpu.dma_semaphore, #tpu.memory_space<semaphore_mem>>) src(%arg5 : memref<128x64xf32, #tpu.memory_space<hbm>>) dst(%dma_wait3A_117 : memref<128x64xf32, #tpu.memory_space<vmem_shared>>)
      tpu.yield
    }) : () -> ()
    %mul3A_2 = arith.constant 640 : i32
    %mul3A_3 = arith.muli %arg1, %mul3A_2 : i32
    %add3A_4 = arith.constant 128 : i32
    %add3A_5 = arith.addi %mul3A_3, %add3A_4 : i32
    "tpu.region"() ({
      %run_scoped3A = tpu.sem_alloc : memref<!tpu.dma_semaphore, #tpu.memory_space<semaphore_mem>>
      %dma_start3A_114 = arith.constant 0 : i32
      %dma_start3A_115 = tpu.memref_slice %arg13[%add3A_5, %dma_start3A_114] : memref<10240x64xf32, #tpu.memory_space<vmem_shared>> -> memref<128x64xf32, #tpu.memory_space<vmem_shared>>
      tpu.enqueue_dma source(%arg5 : memref<128x64xf32, #tpu.memory_space<hbm>>) target(%dma_start3A_115 : memref<128x64xf32, #tpu.memory_space<vmem_shared>>) target_semaphore(%run_scoped3A : memref<!tpu.dma_semaphore, #tpu.memory_space<semaphore_mem>>)
      %dma_wait3A_116 = arith.constant 0 : i32
      %dma_wait3A_117 = tpu.memref_slice %arg13[%add3A_5, %dma_wait3A_116] : memref<10240x64xf32, #tpu.memory_space<vmem_shared>> -> memref<128x64xf32, #tpu.memory_space<vmem_shared>>
      tpu.wait_dma2 semaphore(%run_scoped3A : memref<!tpu.dma_semaphore, #tpu.memory_space<semaphore_mem>>) src(%arg5 : memref<128x64xf32, #tpu.memory_space<hbm>>) dst(%dma_wait3A_117 : memref<128x64xf32, #tpu.memory_space<vmem_shared>>)
      tpu.yield
    }) : () -> ()
    %mul3A_6 = arith.constant 640 : i32
    %mul3A_7 = arith.muli %arg1, %mul3A_6 : i32
    %add3A_8 = arith.constant 256 : i32
    %add3A_9 = arith.addi %mul3A_7, %add3A_8 : i32
    "tpu.region"() ({
      %run_scoped3A = tpu.sem_alloc : memref<!tpu.dma_semaphore, #tpu.memory_space<semaphore_mem>>
      %dma_start3A_114 = arith.constant 0 : i32
      %dma_start3A_115 = tpu.memref_slice %arg13[%add3A_9, %dma_start3A_114] : memref<10240x64xf32, #tpu.memory_space<vmem_shared>> -> memref<128x64xf32, #tpu.memory_space<vmem_shared>>
      tpu.enqueue_dma source(%arg5 : memref<128x64xf32, #tpu.memory_space<hbm>>) target(%dma_start3A_115 : memref<128x64xf32, #tpu.memory_space<vmem_shared>>) target_semaphore(%run_scoped3A : memref<!tpu.dma_semaphore, #tpu.memory_space<semaphore_mem>>)
      %dma_wait3A_116 = arith.constant 0 : i32
      %dma_wait3A_117 = tpu.memref_slice %arg13[%add3A_9, %dma_wait3A_116] : memref<10240x64xf32, #tpu.memory_space<vmem_shared>> -> memref<128x64xf32, #tpu.memory_space<vmem_shared>>
      tpu.wait_dma2 semaphore(%run_scoped3A : memref<!tpu.dma_semaphore, #tpu.memory_space<semaphore_mem>>) src(%arg5 : memref<128x64xf32, #tpu.memory_space<hbm>>) dst(%dma_wait3A_117 : memref<128x64xf32, #tpu.memory_space<vmem_shared>>)
      tpu.yield
    }) : () -> ()
    %mul3A_10 = arith.constant 640 : i32
    %mul3A_11 = arith.muli %arg1, %mul3A_10 : i32
    %add3A_12 = arith.constant 384 : i32
    %add3A_13 = arith.addi %mul3A_11, %add3A_12 : i32
    "tpu.region"() ({
      %run_scoped3A = tpu.sem_alloc : memref<!tpu.dma_semaphore, #tpu.memory_space<semaphore_mem>>
      %dma_start3A_114 = arith.constant 0 : i32
      %dma_start3A_115 = tpu.memref_slice %arg13[%add3A_13, %dma_start3A_114] : memref<10240x64xf32, #tpu.memory_space<vmem_shared>> -> memref<128x64xf32, #tpu.memory_space<vmem_shared>>
      tpu.enqueue_dma source(%arg5 : memref<128x64xf32, #tpu.memory_space<hbm>>) target(%dma_start3A_115 : memref<128x64xf32, #tpu.memory_space<vmem_shared>>) target_semaphore(%run_scoped3A : memref<!tpu.dma_semaphore, #tpu.memory_space<semaphore_mem>>)
      %dma_wait3A_116 = arith.constant 0 : i32
      %dma_wait3A_117 = tpu.memref_slice %arg13[%add3A_13, %dma_wait3A_116] : memref<10240x64xf32, #tpu.memory_space<vmem_shared>> -> memref<128x64xf32, #tpu.memory_space<vmem_shared>>
      tpu.wait_dma2 semaphore(%run_scoped3A : memref<!tpu.dma_semaphore, #tpu.memory_space<semaphore_mem>>) src(%arg5 : memref<128x64xf32, #tpu.memory_space<hbm>>) dst(%dma_wait3A_117 : memref<128x64xf32, #tpu.memory_space<vmem_shared>>)
      tpu.yield
    }) : () -> ()
    %mul3A_14 = arith.constant 640 : i32
    %mul3A_15 = arith.muli %arg1, %mul3A_14 : i32
    %add3A_16 = arith.constant 512 : i32
    %add3A_17 = arith.addi %mul3A_15, %add3A_16 : i32
    "tpu.region"() ({
      %run_scoped3A = tpu.sem_alloc : memref<!tpu.dma_semaphore, #tpu.memory_space<semaphore_mem>>
      %dma_start3A_114 = arith.constant 0 : i32
      %dma_start3A_115 = tpu.memref_slice %arg13[%add3A_17, %dma_start3A_114] : memref<10240x64xf32, #tpu.memory_space<vmem_shared>> -> memref<128x64xf32, #tpu.memory_space<vmem_shared>>
      tpu.enqueue_dma source(%arg5 : memref<128x64xf32, #tpu.memory_space<hbm>>) target(%dma_start3A_115 : memref<128x64xf32, #tpu.memory_space<vmem_shared>>) target_semaphore(%run_scoped3A : memref<!tpu.dma_semaphore, #tpu.memory_space<semaphore_mem>>)
      %dma_wait3A_116 = arith.constant 0 : i32
      %dma_wait3A_117 = tpu.memref_slice %arg13[%add3A_17, %dma_wait3A_116] : memref<10240x64xf32, #tpu.memory_space<vmem_shared>> -> memref<128x64xf32, #tpu.memory_space<vmem_shared>>
      tpu.wait_dma2 semaphore(%run_scoped3A : memref<!tpu.dma_semaphore, #tpu.memory_space<semaphore_mem>>) src(%arg5 : memref<128x64xf32, #tpu.memory_space<hbm>>) dst(%dma_wait3A_117 : memref<128x64xf32, #tpu.memory_space<vmem_shared>>)
      tpu.yield
    }) : () -> ()
    %barrier3A = arith.constant 0 : index
    tpu.barrier barrier_id(%barrier3A)
    %dma_start3A = arith.constant 0 : i32
    %dma_start3A_18 = arith.constant 0 : i32
    %dma_start3A_19 = tpu.memref_slice %arg7[%dma_start3A, %dma_start3A_18] : memref<160x128xi32, #tpu.memory_space<vmem>> -> memref<1x128xi32, #tpu.memory_space<vmem>>
    %dma_start3A_20 = tpu.memref_squeeze %dma_start3A_19 : memref<1x128xi32, #tpu.memory_space<vmem>> -> memref<128xi32, #tpu.memory_space<vmem>>
    %dma_start3A_21 = arith.constant 0 : i32
    %dma_start3A_22 = arith.constant 0 : i32
    %dma_start3A_23 = tpu.memref_slice %arg2[%arg0, %dma_start3A_21, %dma_start3A_22] : memref<2x80000x64xf32, #tpu.memory_space<hbm>> -> memref<1x80000x64xf32, #tpu.memory_space<hbm>>
    %dma_start3A_24 = tpu.memref_squeeze %dma_start3A_23 : memref<1x80000x64xf32, #tpu.memory_space<hbm>> -> memref<80000x64xf32, #tpu.memory_space<hbm>>
    %dma_start3A_25 = arith.constant 0 : i32
    %dma_start3A_26 = arith.constant 0 : i32
    %dma_start3A_27 = tpu.memref_slice %dma_start3A_24[%dma_start3A_25, %dma_start3A_26] : memref<80000x64xf32, #tpu.memory_space<hbm>> -> memref<80000x64xf32, #tpu.memory_space<hbm>>
    tpu.enqueue_indirect_dma source(%dma_start3A_27 : memref<80000x64xf32, #tpu.memory_space<hbm>>) target(%arg9 : memref<128x64xf32, #tpu.memory_space<vmem>>) offsets(%dma_start3A_20 : memref<128xi32, #tpu.memory_space<vmem>>) semaphore(%arg14 : memref<!tpu.dma_semaphore, #tpu.memory_space<semaphore_mem>>)
    %dma_start3A_28 = arith.constant 1 : i32
    %dma_start3A_29 = arith.constant 0 : i32
    %dma_start3A_30 = tpu.memref_slice %arg7[%dma_start3A_28, %dma_start3A_29] : memref<160x128xi32, #tpu.memory_space<vmem>> -> memref<1x128xi32, #tpu.memory_space<vmem>>
    %dma_start3A_31 = tpu.memref_squeeze %dma_start3A_30 : memref<1x128xi32, #tpu.memory_space<vmem>> -> memref<128xi32, #tpu.memory_space<vmem>>
    %dma_start3A_32 = arith.constant 0 : i32
    %dma_start3A_33 = arith.constant 0 : i32
    %dma_start3A_34 = tpu.memref_slice %arg2[%arg0, %dma_start3A_32, %dma_start3A_33] : memref<2x80000x64xf32, #tpu.memory_space<hbm>> -> memref<1x80000x64xf32, #tpu.memory_space<hbm>>
    %dma_start3A_35 = tpu.memref_squeeze %dma_start3A_34 : memref<1x80000x64xf32, #tpu.memory_space<hbm>> -> memref<80000x64xf32, #tpu.memory_space<hbm>>
    %dma_start3A_36 = arith.constant 0 : i32
    %dma_start3A_37 = arith.constant 0 : i32
    %dma_start3A_38 = tpu.memref_slice %dma_start3A_35[%dma_start3A_36, %dma_start3A_37] : memref<80000x64xf32, #tpu.memory_space<hbm>> -> memref<80000x64xf32, #tpu.memory_space<hbm>>
    tpu.enqueue_indirect_dma source(%dma_start3A_38 : memref<80000x64xf32, #tpu.memory_space<hbm>>) target(%arg10 : memref<128x64xf32, #tpu.memory_space<vmem>>) offsets(%dma_start3A_31 : memref<128xi32, #tpu.memory_space<vmem>>) semaphore(%arg15 : memref<!tpu.dma_semaphore, #tpu.memory_space<semaphore_mem>>)
    %dma_start3A_39 = arith.constant 2 : i32
    %dma_start3A_40 = arith.constant 0 : i32
    %dma_start3A_41 = tpu.memref_slice %arg7[%dma_start3A_39, %dma_start3A_40] : memref<160x128xi32, #tpu.memory_space<vmem>> -> memref<1x128xi32, #tpu.memory_space<vmem>>
    %dma_start3A_42 = tpu.memref_squeeze %dma_start3A_41 : memref<1x128xi32, #tpu.memory_space<vmem>> -> memref<128xi32, #tpu.memory_space<vmem>>
    %dma_start3A_43 = arith.constant 0 : i32
    %dma_start3A_44 = arith.constant 0 : i32
    %dma_start3A_45 = tpu.memref_slice %arg2[%arg0, %dma_start3A_43, %dma_start3A_44] : memref<2x80000x64xf32, #tpu.memory_space<hbm>> -> memref<1x80000x64xf32, #tpu.memory_space<hbm>>
    %dma_start3A_46 = tpu.memref_squeeze %dma_start3A_45 : memref<1x80000x64xf32, #tpu.memory_space<hbm>> -> memref<80000x64xf32, #tpu.memory_space<hbm>>
    %dma_start3A_47 = arith.constant 0 : i32
    %dma_start3A_48 = arith.constant 0 : i32
    %dma_start3A_49 = tpu.memref_slice %dma_start3A_46[%dma_start3A_47, %dma_start3A_48] : memref<80000x64xf32, #tpu.memory_space<hbm>> -> memref<80000x64xf32, #tpu.memory_space<hbm>>
    tpu.enqueue_indirect_dma source(%dma_start3A_49 : memref<80000x64xf32, #tpu.memory_space<hbm>>) target(%arg11 : memref<128x64xf32, #tpu.memory_space<vmem>>) offsets(%dma_start3A_42 : memref<128xi32, #tpu.memory_space<vmem>>) semaphore(%arg16 : memref<!tpu.dma_semaphore, #tpu.memory_space<semaphore_mem>>)
    %dma_start3A_50 = arith.constant 3 : i32
    %dma_start3A_51 = arith.constant 0 : i32
    %dma_start3A_52 = tpu.memref_slice %arg7[%dma_start3A_50, %dma_start3A_51] : memref<160x128xi32, #tpu.memory_space<vmem>> -> memref<1x128xi32, #tpu.memory_space<vmem>>
    %dma_start3A_53 = tpu.memref_squeeze %dma_start3A_52 : memref<1x128xi32, #tpu.memory_space<vmem>> -> memref<128xi32, #tpu.memory_space<vmem>>
    %dma_start3A_54 = arith.constant 0 : i32
    %dma_start3A_55 = arith.constant 0 : i32
    %dma_start3A_56 = tpu.memref_slice %arg2[%arg0, %dma_start3A_54, %dma_start3A_55] : memref<2x80000x64xf32, #tpu.memory_space<hbm>> -> memref<1x80000x64xf32, #tpu.memory_space<hbm>>
    %dma_start3A_57 = tpu.memref_squeeze %dma_start3A_56 : memref<1x80000x64xf32, #tpu.memory_space<hbm>> -> memref<80000x64xf32, #tpu.memory_space<hbm>>
    %dma_start3A_58 = arith.constant 0 : i32
    %dma_start3A_59 = arith.constant 0 : i32
    %dma_start3A_60 = tpu.memref_slice %dma_start3A_57[%dma_start3A_58, %dma_start3A_59] : memref<80000x64xf32, #tpu.memory_space<hbm>> -> memref<80000x64xf32, #tpu.memory_space<hbm>>
    tpu.enqueue_indirect_dma source(%dma_start3A_60 : memref<80000x64xf32, #tpu.memory_space<hbm>>) target(%arg12 : memref<128x64xf32, #tpu.memory_space<vmem>>) offsets(%dma_start3A_53 : memref<128xi32, #tpu.memory_space<vmem>>) semaphore(%arg17 : memref<!tpu.dma_semaphore, #tpu.memory_space<semaphore_mem>>)
    %scan3A = arith.constant 0 : i32
    %scan3A_61 = arith.constant 0 : i32
    %scan3A_62 = arith.constant 40 : i32
    %scan3A_63 = arith.addi %scan3A_61, %scan3A_62 : i32
    %scan3A_64 = arith.constant 1 : i32
    scf.for %scan3A_114 = %scan3A_61 to %scan3A_63 step %scan3A_64  : i32 {
      %mul3A_115 = arith.constant 4 : i32
      %mul3A_116 = arith.muli %scan3A_114, %mul3A_115 : i32
      %add3A_117 = arith.constant 0 : i32
      %add3A_118 = arith.addi %mul3A_116, %add3A_117 : i32
      %dma_wait3A_119 = arith.constant 0 : i32
      %dma_wait3A_120 = tpu.memref_slice %arg7[%add3A_118, %dma_wait3A_119] : memref<160x128xi32, #tpu.memory_space<vmem>> -> memref<1x128xi32, #tpu.memory_space<vmem>>
      %dma_wait3A_121 = tpu.memref_squeeze %dma_wait3A_120 : memref<1x128xi32, #tpu.memory_space<vmem>> -> memref<128xi32, #tpu.memory_space<vmem>>
      %dma_wait3A_122 = arith.constant 0 : i32
      %dma_wait3A_123 = arith.constant 0 : i32
      %dma_wait3A_124 = tpu.memref_slice %arg2[%arg0, %dma_wait3A_122, %dma_wait3A_123] : memref<2x80000x64xf32, #tpu.memory_space<hbm>> -> memref<1x80000x64xf32, #tpu.memory_space<hbm>>
      %dma_wait3A_125 = tpu.memref_squeeze %dma_wait3A_124 : memref<1x80000x64xf32, #tpu.memory_space<hbm>> -> memref<80000x64xf32, #tpu.memory_space<hbm>>
      %dma_wait3A_126 = arith.constant 0 : i32
      %dma_wait3A_127 = arith.constant 0 : i32
      %dma_wait3A_128 = tpu.memref_slice %dma_wait3A_125[%dma_wait3A_126, %dma_wait3A_127] : memref<80000x64xf32, #tpu.memory_space<hbm>> -> memref<80000x64xf32, #tpu.memory_space<hbm>>
      tpu.wait_indirect_dma semaphore(%arg14 : memref<!tpu.dma_semaphore, #tpu.memory_space<semaphore_mem>>) src(%dma_wait3A_128 : memref<80000x64xf32, #tpu.memory_space<hbm>>) dst(%arg9 : memref<128x64xf32, #tpu.memory_space<vmem>>)
      %dma_start3A_129 = arith.constant 0 : i32
      %dma_start3A_130 = tpu.memref_slice %arg8[%add3A_118, %dma_start3A_129] : memref<160x128xi32, #tpu.memory_space<vmem>> -> memref<1x128xi32, #tpu.memory_space<vmem>>
      %dma_start3A_131 = tpu.memref_squeeze %dma_start3A_130 : memref<1x128xi32, #tpu.memory_space<vmem>> -> memref<128xi32, #tpu.memory_space<vmem>>
      %dma_start3A_132 = arith.constant 0 : i32
      %dma_start3A_133 = arith.constant 0 : i32
      %dma_start3A_134 = tpu.memref_slice %arg13[%dma_start3A_132, %dma_start3A_133] : memref<10240x64xf32, #tpu.memory_space<vmem_shared>> -> memref<10240x64xf32, #tpu.memory_space<vmem_shared>>
      tpu.enqueue_indirect_dma source(%arg9 : memref<128x64xf32, #tpu.memory_space<vmem>>) target(%dma_start3A_134 : memref<10240x64xf32, #tpu.memory_space<vmem_shared>>) offsets(%dma_start3A_131 : memref<128xi32, #tpu.memory_space<vmem>>) semaphore(%arg18 : memref<!tpu.dma_semaphore, #tpu.memory_space<semaphore_mem>>) {add = true}
      %add3A_135 = arith.constant 1 : i32
      %add3A_136 = arith.addi %mul3A_116, %add3A_135 : i32
      %dma_wait3A_137 = arith.constant 0 : i32
      %dma_wait3A_138 = tpu.memref_slice %arg7[%add3A_136, %dma_wait3A_137] : memref<160x128xi32, #tpu.memory_space<vmem>> -> memref<1x128xi32, #tpu.memory_space<vmem>>
      %dma_wait3A_139 = tpu.memref_squeeze %dma_wait3A_138 : memref<1x128xi32, #tpu.memory_space<vmem>> -> memref<128xi32, #tpu.memory_space<vmem>>
      %dma_wait3A_140 = arith.constant 0 : i32
      %dma_wait3A_141 = arith.constant 0 : i32
      %dma_wait3A_142 = tpu.memref_slice %arg2[%arg0, %dma_wait3A_140, %dma_wait3A_141] : memref<2x80000x64xf32, #tpu.memory_space<hbm>> -> memref<1x80000x64xf32, #tpu.memory_space<hbm>>
      %dma_wait3A_143 = tpu.memref_squeeze %dma_wait3A_142 : memref<1x80000x64xf32, #tpu.memory_space<hbm>> -> memref<80000x64xf32, #tpu.memory_space<hbm>>
      %dma_wait3A_144 = arith.constant 0 : i32
      %dma_wait3A_145 = arith.constant 0 : i32
      %dma_wait3A_146 = tpu.memref_slice %dma_wait3A_143[%dma_wait3A_144, %dma_wait3A_145] : memref<80000x64xf32, #tpu.memory_space<hbm>> -> memref<80000x64xf32, #tpu.memory_space<hbm>>
      tpu.wait_indirect_dma semaphore(%arg15 : memref<!tpu.dma_semaphore, #tpu.memory_space<semaphore_mem>>) src(%dma_wait3A_146 : memref<80000x64xf32, #tpu.memory_space<hbm>>) dst(%arg10 : memref<128x64xf32, #tpu.memory_space<vmem>>)
      %dma_start3A_147 = arith.constant 0 : i32
      %dma_start3A_148 = tpu.memref_slice %arg8[%add3A_136, %dma_start3A_147] : memref<160x128xi32, #tpu.memory_space<vmem>> -> memref<1x128xi32, #tpu.memory_space<vmem>>
      %dma_start3A_149 = tpu.memref_squeeze %dma_start3A_148 : memref<1x128xi32, #tpu.memory_space<vmem>> -> memref<128xi32, #tpu.memory_space<vmem>>
      %dma_start3A_150 = arith.constant 0 : i32
      %dma_start3A_151 = arith.constant 0 : i32
      %dma_start3A_152 = tpu.memref_slice %arg13[%dma_start3A_150, %dma_start3A_151] : memref<10240x64xf32, #tpu.memory_space<vmem_shared>> -> memref<10240x64xf32, #tpu.memory_space<vmem_shared>>
      tpu.enqueue_indirect_dma source(%arg10 : memref<128x64xf32, #tpu.memory_space<vmem>>) target(%dma_start3A_152 : memref<10240x64xf32, #tpu.memory_space<vmem_shared>>) offsets(%dma_start3A_149 : memref<128xi32, #tpu.memory_space<vmem>>) semaphore(%arg19 : memref<!tpu.dma_semaphore, #tpu.memory_space<semaphore_mem>>) {add = true}
      %add3A_153 = arith.constant 2 : i32
      %add3A_154 = arith.addi %mul3A_116, %add3A_153 : i32
      %dma_wait3A_155 = arith.constant 0 : i32
      %dma_wait3A_156 = tpu.memref_slice %arg7[%add3A_154, %dma_wait3A_155] : memref<160x128xi32, #tpu.memory_space<vmem>> -> memref<1x128xi32, #tpu.memory_space<vmem>>
      %dma_wait3A_157 = tpu.memref_squeeze %dma_wait3A_156 : memref<1x128xi32, #tpu.memory_space<vmem>> -> memref<128xi32, #tpu.memory_space<vmem>>
      %dma_wait3A_158 = arith.constant 0 : i32
      %dma_wait3A_159 = arith.constant 0 : i32
      %dma_wait3A_160 = tpu.memref_slice %arg2[%arg0, %dma_wait3A_158, %dma_wait3A_159] : memref<2x80000x64xf32, #tpu.memory_space<hbm>> -> memref<1x80000x64xf32, #tpu.memory_space<hbm>>
      %dma_wait3A_161 = tpu.memref_squeeze %dma_wait3A_160 : memref<1x80000x64xf32, #tpu.memory_space<hbm>> -> memref<80000x64xf32, #tpu.memory_space<hbm>>
      %dma_wait3A_162 = arith.constant 0 : i32
      %dma_wait3A_163 = arith.constant 0 : i32
      %dma_wait3A_164 = tpu.memref_slice %dma_wait3A_161[%dma_wait3A_162, %dma_wait3A_163] : memref<80000x64xf32, #tpu.memory_space<hbm>> -> memref<80000x64xf32, #tpu.memory_space<hbm>>
      tpu.wait_indirect_dma semaphore(%arg16 : memref<!tpu.dma_semaphore, #tpu.memory_space<semaphore_mem>>) src(%dma_wait3A_164 : memref<80000x64xf32, #tpu.memory_space<hbm>>) dst(%arg11 : memref<128x64xf32, #tpu.memory_space<vmem>>)
      %dma_start3A_165 = arith.constant 0 : i32
      %dma_start3A_166 = tpu.memref_slice %arg8[%add3A_154, %dma_start3A_165] : memref<160x128xi32, #tpu.memory_space<vmem>> -> memref<1x128xi32, #tpu.memory_space<vmem>>
      %dma_start3A_167 = tpu.memref_squeeze %dma_start3A_166 : memref<1x128xi32, #tpu.memory_space<vmem>> -> memref<128xi32, #tpu.memory_space<vmem>>
      %dma_start3A_168 = arith.constant 0 : i32
      %dma_start3A_169 = arith.constant 0 : i32
      %dma_start3A_170 = tpu.memref_slice %arg13[%dma_start3A_168, %dma_start3A_169] : memref<10240x64xf32, #tpu.memory_space<vmem_shared>> -> memref<10240x64xf32, #tpu.memory_space<vmem_shared>>
      tpu.enqueue_indirect_dma source(%arg11 : memref<128x64xf32, #tpu.memory_space<vmem>>) target(%dma_start3A_170 : memref<10240x64xf32, #tpu.memory_space<vmem_shared>>) offsets(%dma_start3A_167 : memref<128xi32, #tpu.memory_space<vmem>>) semaphore(%arg20 : memref<!tpu.dma_semaphore, #tpu.memory_space<semaphore_mem>>) {add = true}
      %add3A_171 = arith.constant 3 : i32
      %add3A_172 = arith.addi %mul3A_116, %add3A_171 : i32
      %dma_wait3A_173 = arith.constant 0 : i32
      %dma_wait3A_174 = tpu.memref_slice %arg7[%add3A_172, %dma_wait3A_173] : memref<160x128xi32, #tpu.memory_space<vmem>> -> memref<1x128xi32, #tpu.memory_space<vmem>>
      %dma_wait3A_175 = tpu.memref_squeeze %dma_wait3A_174 : memref<1x128xi32, #tpu.memory_space<vmem>> -> memref<128xi32, #tpu.memory_space<vmem>>
      %dma_wait3A_176 = arith.constant 0 : i32
      %dma_wait3A_177 = arith.constant 0 : i32
      %dma_wait3A_178 = tpu.memref_slice %arg2[%arg0, %dma_wait3A_176, %dma_wait3A_177] : memref<2x80000x64xf32, #tpu.memory_space<hbm>> -> memref<1x80000x64xf32, #tpu.memory_space<hbm>>
      %dma_wait3A_179 = tpu.memref_squeeze %dma_wait3A_178 : memref<1x80000x64xf32, #tpu.memory_space<hbm>> -> memref<80000x64xf32, #tpu.memory_space<hbm>>
      %dma_wait3A_180 = arith.constant 0 : i32
      %dma_wait3A_181 = arith.constant 0 : i32
      %dma_wait3A_182 = tpu.memref_slice %dma_wait3A_179[%dma_wait3A_180, %dma_wait3A_181] : memref<80000x64xf32, #tpu.memory_space<hbm>> -> memref<80000x64xf32, #tpu.memory_space<hbm>>
      tpu.wait_indirect_dma semaphore(%arg17 : memref<!tpu.dma_semaphore, #tpu.memory_space<semaphore_mem>>) src(%dma_wait3A_182 : memref<80000x64xf32, #tpu.memory_space<hbm>>) dst(%arg12 : memref<128x64xf32, #tpu.memory_space<vmem>>)
      %dma_start3A_183 = arith.constant 0 : i32
      %dma_start3A_184 = tpu.memref_slice %arg8[%add3A_172, %dma_start3A_183] : memref<160x128xi32, #tpu.memory_space<vmem>> -> memref<1x128xi32, #tpu.memory_space<vmem>>
      %dma_start3A_185 = tpu.memref_squeeze %dma_start3A_184 : memref<1x128xi32, #tpu.memory_space<vmem>> -> memref<128xi32, #tpu.memory_space<vmem>>
      %dma_start3A_186 = arith.constant 0 : i32
      %dma_start3A_187 = arith.constant 0 : i32
      %dma_start3A_188 = tpu.memref_slice %arg13[%dma_start3A_186, %dma_start3A_187] : memref<10240x64xf32, #tpu.memory_space<vmem_shared>> -> memref<10240x64xf32, #tpu.memory_space<vmem_shared>>
      tpu.enqueue_indirect_dma source(%arg12 : memref<128x64xf32, #tpu.memory_space<vmem>>) target(%dma_start3A_188 : memref<10240x64xf32, #tpu.memory_space<vmem_shared>>) offsets(%dma_start3A_185 : memref<128xi32, #tpu.memory_space<vmem>>) semaphore(%arg21 : memref<!tpu.dma_semaphore, #tpu.memory_space<semaphore_mem>>) {add = true}
      %add3A_189 = arith.constant 0 : i32
      %add3A_190 = arith.addi %mul3A_116, %add3A_189 : i32
      %add3A_191 = arith.constant 4 : i32
      %add3A_192 = arith.addi %add3A_190, %add3A_191 : i32
      %lt3A = arith.constant 160 : i32
      %lt3A_193 = arith.cmpi slt, %add3A_192, %lt3A : i32
      %convert_element_type3A = arith.extui %lt3A_193 : i1 to i32
      %cond3A = arith.constant 0 : i32
      %cond3A_194 = arith.cmpi ne, %convert_element_type3A, %cond3A : i32
      scf.if %cond3A_194 {
        %dma_wait3A_222 = arith.constant 0 : i32
        %dma_wait3A_223 = tpu.memref_slice %arg8[%add3A_190, %dma_wait3A_222] : memref<160x128xi32, #tpu.memory_space<vmem>> -> memref<1x128xi32, #tpu.memory_space<vmem>>
        %dma_wait3A_224 = tpu.memref_squeeze %dma_wait3A_223 : memref<1x128xi32, #tpu.memory_space<vmem>> -> memref<128xi32, #tpu.memory_space<vmem>>
        %dma_wait3A_225 = arith.constant 0 : i32
        %dma_wait3A_226 = arith.constant 0 : i32
        %dma_wait3A_227 = tpu.memref_slice %arg13[%dma_wait3A_225, %dma_wait3A_226] : memref<10240x64xf32, #tpu.memory_space<vmem_shared>> -> memref<10240x64xf32, #tpu.memory_space<vmem_shared>>
        tpu.wait_indirect_dma semaphore(%arg18 : memref<!tpu.dma_semaphore, #tpu.memory_space<semaphore_mem>>) src(%arg9 : memref<128x64xf32, #tpu.memory_space<vmem>>) dst(%dma_wait3A_227 : memref<10240x64xf32, #tpu.memory_space<vmem_shared>>)
        %dma_start3A_228 = arith.constant 0 : i32
        %dma_start3A_229 = tpu.memref_slice %arg7[%add3A_192, %dma_start3A_228] : memref<160x128xi32, #tpu.memory_space<vmem>> -> memref<1x128xi32, #tpu.memory_space<vmem>>
        %dma_start3A_230 = tpu.memref_squeeze %dma_start3A_229 : memref<1x128xi32, #tpu.memory_space<vmem>> -> memref<128xi32, #tpu.memory_space<vmem>>
        %dma_start3A_231 = arith.constant 0 : i32
        %dma_start3A_232 = arith.constant 0 : i32
        %dma_start3A_233 = tpu.memref_slice %arg2[%arg0, %dma_start3A_231, %dma_start3A_232] : memref<2x80000x64xf32, #tpu.memory_space<hbm>> -> memref<1x80000x64xf32, #tpu.memory_space<hbm>>
        %dma_start3A_234 = tpu.memref_squeeze %dma_start3A_233 : memref<1x80000x64xf32, #tpu.memory_space<hbm>> -> memref<80000x64xf32, #tpu.memory_space<hbm>>
        %dma_start3A_235 = arith.constant 0 : i32
        %dma_start3A_236 = arith.constant 0 : i32
        %dma_start3A_237 = tpu.memref_slice %dma_start3A_234[%dma_start3A_235, %dma_start3A_236] : memref<80000x64xf32, #tpu.memory_space<hbm>> -> memref<80000x64xf32, #tpu.memory_space<hbm>>
        tpu.enqueue_indirect_dma source(%dma_start3A_237 : memref<80000x64xf32, #tpu.memory_space<hbm>>) target(%arg9 : memref<128x64xf32, #tpu.memory_space<vmem>>) offsets(%dma_start3A_230 : memref<128xi32, #tpu.memory_space<vmem>>) semaphore(%arg14 : memref<!tpu.dma_semaphore, #tpu.memory_space<semaphore_mem>>)
      } else {
      }
      %add3A_195 = arith.constant 1 : i32
      %add3A_196 = arith.addi %mul3A_116, %add3A_195 : i32
      %add3A_197 = arith.constant 4 : i32
      %add3A_198 = arith.addi %add3A_196, %add3A_197 : i32
      %lt3A_199 = arith.constant 160 : i32
      %lt3A_200 = arith.cmpi slt, %add3A_198, %lt3A_199 : i32
      %convert_element_type3A_201 = arith.extui %lt3A_200 : i1 to i32
      %cond3A_202 = arith.constant 0 : i32
      %cond3A_203 = arith.cmpi ne, %convert_element_type3A_201, %cond3A_202 : i32
      scf.if %cond3A_203 {
        %dma_wait3A_222 = arith.constant 0 : i32
        %dma_wait3A_223 = tpu.memref_slice %arg8[%add3A_196, %dma_wait3A_222] : memref<160x128xi32, #tpu.memory_space<vmem>> -> memref<1x128xi32, #tpu.memory_space<vmem>>
        %dma_wait3A_224 = tpu.memref_squeeze %dma_wait3A_223 : memref<1x128xi32, #tpu.memory_space<vmem>> -> memref<128xi32, #tpu.memory_space<vmem>>
        %dma_wait3A_225 = arith.constant 0 : i32
        %dma_wait3A_226 = arith.constant 0 : i32
        %dma_wait3A_227 = tpu.memref_slice %arg13[%dma_wait3A_225, %dma_wait3A_226] : memref<10240x64xf32, #tpu.memory_space<vmem_shared>> -> memref<10240x64xf32, #tpu.memory_space<vmem_shared>>
        tpu.wait_indirect_dma semaphore(%arg19 : memref<!tpu.dma_semaphore, #tpu.memory_space<semaphore_mem>>) src(%arg10 : memref<128x64xf32, #tpu.memory_space<vmem>>) dst(%dma_wait3A_227 : memref<10240x64xf32, #tpu.memory_space<vmem_shared>>)
        %dma_start3A_228 = arith.constant 0 : i32
        %dma_start3A_229 = tpu.memref_slice %arg7[%add3A_198, %dma_start3A_228] : memref<160x128xi32, #tpu.memory_space<vmem>> -> memref<1x128xi32, #tpu.memory_space<vmem>>
        %dma_start3A_230 = tpu.memref_squeeze %dma_start3A_229 : memref<1x128xi32, #tpu.memory_space<vmem>> -> memref<128xi32, #tpu.memory_space<vmem>>
        %dma_start3A_231 = arith.constant 0 : i32
        %dma_start3A_232 = arith.constant 0 : i32
        %dma_start3A_233 = tpu.memref_slice %arg2[%arg0, %dma_start3A_231, %dma_start3A_232] : memref<2x80000x64xf32, #tpu.memory_space<hbm>> -> memref<1x80000x64xf32, #tpu.memory_space<hbm>>
        %dma_start3A_234 = tpu.memref_squeeze %dma_start3A_233 : memref<1x80000x64xf32, #tpu.memory_space<hbm>> -> memref<80000x64xf32, #tpu.memory_space<hbm>>
        %dma_start3A_235 = arith.constant 0 : i32
        %dma_start3A_236 = arith.constant 0 : i32
        %dma_start3A_237 = tpu.memref_slice %dma_start3A_234[%dma_start3A_235, %dma_start3A_236] : memref<80000x64xf32, #tpu.memory_space<hbm>> -> memref<80000x64xf32, #tpu.memory_space<hbm>>
        tpu.enqueue_indirect_dma source(%dma_start3A_237 : memref<80000x64xf32, #tpu.memory_space<hbm>>) target(%arg10 : memref<128x64xf32, #tpu.memory_space<vmem>>) offsets(%dma_start3A_230 : memref<128xi32, #tpu.memory_space<vmem>>) semaphore(%arg15 : memref<!tpu.dma_semaphore, #tpu.memory_space<semaphore_mem>>)
      } else {
      }
      %add3A_204 = arith.constant 2 : i32
      %add3A_205 = arith.addi %mul3A_116, %add3A_204 : i32
      %add3A_206 = arith.constant 4 : i32
      %add3A_207 = arith.addi %add3A_205, %add3A_206 : i32
      %lt3A_208 = arith.constant 160 : i32
      %lt3A_209 = arith.cmpi slt, %add3A_207, %lt3A_208 : i32
      %convert_element_type3A_210 = arith.extui %lt3A_209 : i1 to i32
      %cond3A_211 = arith.constant 0 : i32
      %cond3A_212 = arith.cmpi ne, %convert_element_type3A_210, %cond3A_211 : i32
      scf.if %cond3A_212 {
        %dma_wait3A_222 = arith.constant 0 : i32
        %dma_wait3A_223 = tpu.memref_slice %arg8[%add3A_205, %dma_wait3A_222] : memref<160x128xi32, #tpu.memory_space<vmem>> -> memref<1x128xi32, #tpu.memory_space<vmem>>
        %dma_wait3A_224 = tpu.memref_squeeze %dma_wait3A_223 : memref<1x128xi32, #tpu.memory_space<vmem>> -> memref<128xi32, #tpu.memory_space<vmem>>
        %dma_wait3A_225 = arith.constant 0 : i32
        %dma_wait3A_226 = arith.constant 0 : i32
        %dma_wait3A_227 = tpu.memref_slice %arg13[%dma_wait3A_225, %dma_wait3A_226] : memref<10240x64xf32, #tpu.memory_space<vmem_shared>> -> memref<10240x64xf32, #tpu.memory_space<vmem_shared>>
        tpu.wait_indirect_dma semaphore(%arg20 : memref<!tpu.dma_semaphore, #tpu.memory_space<semaphore_mem>>) src(%arg11 : memref<128x64xf32, #tpu.memory_space<vmem>>) dst(%dma_wait3A_227 : memref<10240x64xf32, #tpu.memory_space<vmem_shared>>)
        %dma_start3A_228 = arith.constant 0 : i32
        %dma_start3A_229 = tpu.memref_slice %arg7[%add3A_207, %dma_start3A_228] : memref<160x128xi32, #tpu.memory_space<vmem>> -> memref<1x128xi32, #tpu.memory_space<vmem>>
        %dma_start3A_230 = tpu.memref_squeeze %dma_start3A_229 : memref<1x128xi32, #tpu.memory_space<vmem>> -> memref<128xi32, #tpu.memory_space<vmem>>
        %dma_start3A_231 = arith.constant 0 : i32
        %dma_start3A_232 = arith.constant 0 : i32
        %dma_start3A_233 = tpu.memref_slice %arg2[%arg0, %dma_start3A_231, %dma_start3A_232] : memref<2x80000x64xf32, #tpu.memory_space<hbm>> -> memref<1x80000x64xf32, #tpu.memory_space<hbm>>
        %dma_start3A_234 = tpu.memref_squeeze %dma_start3A_233 : memref<1x80000x64xf32, #tpu.memory_space<hbm>> -> memref<80000x64xf32, #tpu.memory_space<hbm>>
        %dma_start3A_235 = arith.constant 0 : i32
        %dma_start3A_236 = arith.constant 0 : i32
        %dma_start3A_237 = tpu.memref_slice %dma_start3A_234[%dma_start3A_235, %dma_start3A_236] : memref<80000x64xf32, #tpu.memory_space<hbm>> -> memref<80000x64xf32, #tpu.memory_space<hbm>>
        tpu.enqueue_indirect_dma source(%dma_start3A_237 : memref<80000x64xf32, #tpu.memory_space<hbm>>) target(%arg11 : memref<128x64xf32, #tpu.memory_space<vmem>>) offsets(%dma_start3A_230 : memref<128xi32, #tpu.memory_space<vmem>>) semaphore(%arg16 : memref<!tpu.dma_semaphore, #tpu.memory_space<semaphore_mem>>)
      } else {
      }
      %add3A_213 = arith.constant 3 : i32
      %add3A_214 = arith.addi %mul3A_116, %add3A_213 : i32
      %add3A_215 = arith.constant 4 : i32
      %add3A_216 = arith.addi %add3A_214, %add3A_215 : i32
      %lt3A_217 = arith.constant 160 : i32
      %lt3A_218 = arith.cmpi slt, %add3A_216, %lt3A_217 : i32
      %convert_element_type3A_219 = arith.extui %lt3A_218 : i1 to i32
      %cond3A_220 = arith.constant 0 : i32
      %cond3A_221 = arith.cmpi ne, %convert_element_type3A_219, %cond3A_220 : i32
      scf.if %cond3A_221 {
        %dma_wait3A_222 = arith.constant 0 : i32
        %dma_wait3A_223 = tpu.memref_slice %arg8[%add3A_214, %dma_wait3A_222] : memref<160x128xi32, #tpu.memory_space<vmem>> -> memref<1x128xi32, #tpu.memory_space<vmem>>
        %dma_wait3A_224 = tpu.memref_squeeze %dma_wait3A_223 : memref<1x128xi32, #tpu.memory_space<vmem>> -> memref<128xi32, #tpu.memory_space<vmem>>
        %dma_wait3A_225 = arith.constant 0 : i32
        %dma_wait3A_226 = arith.constant 0 : i32
        %dma_wait3A_227 = tpu.memref_slice %arg13[%dma_wait3A_225, %dma_wait3A_226] : memref<10240x64xf32, #tpu.memory_space<vmem_shared>> -> memref<10240x64xf32, #tpu.memory_space<vmem_shared>>
        tpu.wait_indirect_dma semaphore(%arg21 : memref<!tpu.dma_semaphore, #tpu.memory_space<semaphore_mem>>) src(%arg12 : memref<128x64xf32, #tpu.memory_space<vmem>>) dst(%dma_wait3A_227 : memref<10240x64xf32, #tpu.memory_space<vmem_shared>>)
        %dma_start3A_228 = arith.constant 0 : i32
        %dma_start3A_229 = tpu.memref_slice %arg7[%add3A_216, %dma_start3A_228] : memref<160x128xi32, #tpu.memory_space<vmem>> -> memref<1x128xi32, #tpu.memory_space<vmem>>
        %dma_start3A_230 = tpu.memref_squeeze %dma_start3A_229 : memref<1x128xi32, #tpu.memory_space<vmem>> -> memref<128xi32, #tpu.memory_space<vmem>>
        %dma_start3A_231 = arith.constant 0 : i32
        %dma_start3A_232 = arith.constant 0 : i32
        %dma_start3A_233 = tpu.memref_slice %arg2[%arg0, %dma_start3A_231, %dma_start3A_232] : memref<2x80000x64xf32, #tpu.memory_space<hbm>> -> memref<1x80000x64xf32, #tpu.memory_space<hbm>>
        %dma_start3A_234 = tpu.memref_squeeze %dma_start3A_233 : memref<1x80000x64xf32, #tpu.memory_space<hbm>> -> memref<80000x64xf32, #tpu.memory_space<hbm>>
        %dma_start3A_235 = arith.constant 0 : i32
        %dma_start3A_236 = arith.constant 0 : i32
        %dma_start3A_237 = tpu.memref_slice %dma_start3A_234[%dma_start3A_235, %dma_start3A_236] : memref<80000x64xf32, #tpu.memory_space<hbm>> -> memref<80000x64xf32, #tpu.memory_space<hbm>>
        tpu.enqueue_indirect_dma source(%dma_start3A_237 : memref<80000x64xf32, #tpu.memory_space<hbm>>) target(%arg12 : memref<128x64xf32, #tpu.memory_space<vmem>>) offsets(%dma_start3A_230 : memref<128xi32, #tpu.memory_space<vmem>>) semaphore(%arg17 : memref<!tpu.dma_semaphore, #tpu.memory_space<semaphore_mem>>)
      } else {
      }
    }
    %scan3A_65 = arith.constant 40 : i32
    %dma_wait3A = arith.constant 156 : i32
    %dma_wait3A_66 = arith.constant 0 : i32
    %dma_wait3A_67 = tpu.memref_slice %arg8[%dma_wait3A, %dma_wait3A_66] : memref<160x128xi32, #tpu.memory_space<vmem>> -> memref<1x128xi32, #tpu.memory_space<vmem>>
    %dma_wait3A_68 = tpu.memref_squeeze %dma_wait3A_67 : memref<1x128xi32, #tpu.memory_space<vmem>> -> memref<128xi32, #tpu.memory_space<vmem>>
    %dma_wait3A_69 = arith.constant 0 : i32
    %dma_wait3A_70 = arith.constant 0 : i32
    %dma_wait3A_71 = tpu.memref_slice %arg13[%dma_wait3A_69, %dma_wait3A_70] : memref<10240x64xf32, #tpu.memory_space<vmem_shared>> -> memref<10240x64xf32, #tpu.memory_space<vmem_shared>>
    tpu.wait_indirect_dma semaphore(%arg18 : memref<!tpu.dma_semaphore, #tpu.memory_space<semaphore_mem>>) src(%arg9 : memref<128x64xf32, #tpu.memory_space<vmem>>) dst(%dma_wait3A_71 : memref<10240x64xf32, #tpu.memory_space<vmem_shared>>)
    %dma_wait3A_72 = arith.constant 157 : i32
    %dma_wait3A_73 = arith.constant 0 : i32
    %dma_wait3A_74 = tpu.memref_slice %arg8[%dma_wait3A_72, %dma_wait3A_73] : memref<160x128xi32, #tpu.memory_space<vmem>> -> memref<1x128xi32, #tpu.memory_space<vmem>>
    %dma_wait3A_75 = tpu.memref_squeeze %dma_wait3A_74 : memref<1x128xi32, #tpu.memory_space<vmem>> -> memref<128xi32, #tpu.memory_space<vmem>>
    %dma_wait3A_76 = arith.constant 0 : i32
    %dma_wait3A_77 = arith.constant 0 : i32
    %dma_wait3A_78 = tpu.memref_slice %arg13[%dma_wait3A_76, %dma_wait3A_77] : memref<10240x64xf32, #tpu.memory_space<vmem_shared>> -> memref<10240x64xf32, #tpu.memory_space<vmem_shared>>
    tpu.wait_indirect_dma semaphore(%arg19 : memref<!tpu.dma_semaphore, #tpu.memory_space<semaphore_mem>>) src(%arg10 : memref<128x64xf32, #tpu.memory_space<vmem>>) dst(%dma_wait3A_78 : memref<10240x64xf32, #tpu.memory_space<vmem_shared>>)
    %dma_wait3A_79 = arith.constant 158 : i32
    %dma_wait3A_80 = arith.constant 0 : i32
    %dma_wait3A_81 = tpu.memref_slice %arg8[%dma_wait3A_79, %dma_wait3A_80] : memref<160x128xi32, #tpu.memory_space<vmem>> -> memref<1x128xi32, #tpu.memory_space<vmem>>
    %dma_wait3A_82 = tpu.memref_squeeze %dma_wait3A_81 : memref<1x128xi32, #tpu.memory_space<vmem>> -> memref<128xi32, #tpu.memory_space<vmem>>
    %dma_wait3A_83 = arith.constant 0 : i32
    %dma_wait3A_84 = arith.constant 0 : i32
    %dma_wait3A_85 = tpu.memref_slice %arg13[%dma_wait3A_83, %dma_wait3A_84] : memref<10240x64xf32, #tpu.memory_space<vmem_shared>> -> memref<10240x64xf32, #tpu.memory_space<vmem_shared>>
    tpu.wait_indirect_dma semaphore(%arg20 : memref<!tpu.dma_semaphore, #tpu.memory_space<semaphore_mem>>) src(%arg11 : memref<128x64xf32, #tpu.memory_space<vmem>>) dst(%dma_wait3A_85 : memref<10240x64xf32, #tpu.memory_space<vmem_shared>>)
    %dma_wait3A_86 = arith.constant 159 : i32
    %dma_wait3A_87 = arith.constant 0 : i32
    %dma_wait3A_88 = tpu.memref_slice %arg8[%dma_wait3A_86, %dma_wait3A_87] : memref<160x128xi32, #tpu.memory_space<vmem>> -> memref<1x128xi32, #tpu.memory_space<vmem>>
    %dma_wait3A_89 = tpu.memref_squeeze %dma_wait3A_88 : memref<1x128xi32, #tpu.memory_space<vmem>> -> memref<128xi32, #tpu.memory_space<vmem>>
    %dma_wait3A_90 = arith.constant 0 : i32
    %dma_wait3A_91 = arith.constant 0 : i32
    %dma_wait3A_92 = tpu.memref_slice %arg13[%dma_wait3A_90, %dma_wait3A_91] : memref<10240x64xf32, #tpu.memory_space<vmem_shared>> -> memref<10240x64xf32, #tpu.memory_space<vmem_shared>>
    tpu.wait_indirect_dma semaphore(%arg21 : memref<!tpu.dma_semaphore, #tpu.memory_space<semaphore_mem>>) src(%arg12 : memref<128x64xf32, #tpu.memory_space<vmem>>) dst(%dma_wait3A_92 : memref<10240x64xf32, #tpu.memory_space<vmem_shared>>)
    %barrier3A_93 = arith.constant 0 : index
    tpu.barrier barrier_id(%barrier3A_93)
    %mul3A_94 = arith.constant 640 : i32
    %mul3A_95 = arith.muli %arg1, %mul3A_94 : i32
    %add3A_96 = arith.constant 0 : i32
    %add3A_97 = arith.addi %mul3A_95, %add3A_96 : i32
    "tpu.region"() ({
      %run_scoped3A = tpu.sem_alloc : memref<!tpu.dma_semaphore, #tpu.memory_space<semaphore_mem>>
      %dma_start3A_114 = arith.constant 0 : i32
      %dma_start3A_115 = tpu.memref_slice %arg6[%arg0, %add3A_97, %dma_start3A_114] : memref<2x10240x64xf32, #tpu.memory_space<hbm>> -> memref<1x128x64xf32, #tpu.memory_space<hbm>>
      %dma_start3A_116 = tpu.memref_squeeze %dma_start3A_115 : memref<1x128x64xf32, #tpu.memory_space<hbm>> -> memref<128x64xf32, #tpu.memory_space<hbm>>
      %dma_start3A_117 = arith.constant 0 : i32
      %dma_start3A_118 = tpu.memref_slice %arg13[%add3A_97, %dma_start3A_117] : memref<10240x64xf32, #tpu.memory_space<vmem_shared>> -> memref<128x64xf32, #tpu.memory_space<vmem_shared>>
      tpu.enqueue_dma source(%dma_start3A_118 : memref<128x64xf32, #tpu.memory_space<vmem_shared>>) target(%dma_start3A_116 : memref<128x64xf32, #tpu.memory_space<hbm>>) target_semaphore(%run_scoped3A : memref<!tpu.dma_semaphore, #tpu.memory_space<semaphore_mem>>)
      %dma_wait3A_119 = arith.constant 0 : i32
      %dma_wait3A_120 = tpu.memref_slice %arg6[%arg0, %add3A_97, %dma_wait3A_119] : memref<2x10240x64xf32, #tpu.memory_space<hbm>> -> memref<1x128x64xf32, #tpu.memory_space<hbm>>
      %dma_wait3A_121 = tpu.memref_squeeze %dma_wait3A_120 : memref<1x128x64xf32, #tpu.memory_space<hbm>> -> memref<128x64xf32, #tpu.memory_space<hbm>>
      %dma_wait3A_122 = arith.constant 0 : i32
      %dma_wait3A_123 = tpu.memref_slice %arg13[%add3A_97, %dma_wait3A_122] : memref<10240x64xf32, #tpu.memory_space<vmem_shared>> -> memref<128x64xf32, #tpu.memory_space<vmem_shared>>
      tpu.wait_dma2 semaphore(%run_scoped3A : memref<!tpu.dma_semaphore, #tpu.memory_space<semaphore_mem>>) src(%dma_wait3A_123 : memref<128x64xf32, #tpu.memory_space<vmem_shared>>) dst(%dma_wait3A_121 : memref<128x64xf32, #tpu.memory_space<hbm>>)
      tpu.yield
    }) : () -> ()
    %mul3A_98 = arith.constant 640 : i32
    %mul3A_99 = arith.muli %arg1, %mul3A_98 : i32
    %add3A_100 = arith.constant 128 : i32
    %add3A_101 = arith.addi %mul3A_99, %add3A_100 : i32
    "tpu.region"() ({
      %run_scoped3A = tpu.sem_alloc : memref<!tpu.dma_semaphore, #tpu.memory_space<semaphore_mem>>
      %dma_start3A_114 = arith.constant 0 : i32
      %dma_start3A_115 = tpu.memref_slice %arg6[%arg0, %add3A_101, %dma_start3A_114] : memref<2x10240x64xf32, #tpu.memory_space<hbm>> -> memref<1x128x64xf32, #tpu.memory_space<hbm>>
      %dma_start3A_116 = tpu.memref_squeeze %dma_start3A_115 : memref<1x128x64xf32, #tpu.memory_space<hbm>> -> memref<128x64xf32, #tpu.memory_space<hbm>>
      %dma_start3A_117 = arith.constant 0 : i32
      %dma_start3A_118 = tpu.memref_slice %arg13[%add3A_101, %dma_start3A_117] : memref<10240x64xf32, #tpu.memory_space<vmem_shared>> -> memref<128x64xf32, #tpu.memory_space<vmem_shared>>
      tpu.enqueue_dma source(%dma_start3A_118 : memref<128x64xf32, #tpu.memory_space<vmem_shared>>) target(%dma_start3A_116 : memref<128x64xf32, #tpu.memory_space<hbm>>) target_semaphore(%run_scoped3A : memref<!tpu.dma_semaphore, #tpu.memory_space<semaphore_mem>>)
      %dma_wait3A_119 = arith.constant 0 : i32
      %dma_wait3A_120 = tpu.memref_slice %arg6[%arg0, %add3A_101, %dma_wait3A_119] : memref<2x10240x64xf32, #tpu.memory_space<hbm>> -> memref<1x128x64xf32, #tpu.memory_space<hbm>>
      %dma_wait3A_121 = tpu.memref_squeeze %dma_wait3A_120 : memref<1x128x64xf32, #tpu.memory_space<hbm>> -> memref<128x64xf32, #tpu.memory_space<hbm>>
      %dma_wait3A_122 = arith.constant 0 : i32
      %dma_wait3A_123 = tpu.memref_slice %arg13[%add3A_101, %dma_wait3A_122] : memref<10240x64xf32, #tpu.memory_space<vmem_shared>> -> memref<128x64xf32, #tpu.memory_space<vmem_shared>>
      tpu.wait_dma2 semaphore(%run_scoped3A : memref<!tpu.dma_semaphore, #tpu.memory_space<semaphore_mem>>) src(%dma_wait3A_123 : memref<128x64xf32, #tpu.memory_space<vmem_shared>>) dst(%dma_wait3A_121 : memref<128x64xf32, #tpu.memory_space<hbm>>)
      tpu.yield
    }) : () -> ()
    %mul3A_102 = arith.constant 640 : i32
    %mul3A_103 = arith.muli %arg1, %mul3A_102 : i32
    %add3A_104 = arith.constant 256 : i32
    %add3A_105 = arith.addi %mul3A_103, %add3A_104 : i32
    "tpu.region"() ({
      %run_scoped3A = tpu.sem_alloc : memref<!tpu.dma_semaphore, #tpu.memory_space<semaphore_mem>>
      %dma_start3A_114 = arith.constant 0 : i32
      %dma_start3A_115 = tpu.memref_slice %arg6[%arg0, %add3A_105, %dma_start3A_114] : memref<2x10240x64xf32, #tpu.memory_space<hbm>> -> memref<1x128x64xf32, #tpu.memory_space<hbm>>
      %dma_start3A_116 = tpu.memref_squeeze %dma_start3A_115 : memref<1x128x64xf32, #tpu.memory_space<hbm>> -> memref<128x64xf32, #tpu.memory_space<hbm>>
      %dma_start3A_117 = arith.constant 0 : i32
      %dma_start3A_118 = tpu.memref_slice %arg13[%add3A_105, %dma_start3A_117] : memref<10240x64xf32, #tpu.memory_space<vmem_shared>> -> memref<128x64xf32, #tpu.memory_space<vmem_shared>>
      tpu.enqueue_dma source(%dma_start3A_118 : memref<128x64xf32, #tpu.memory_space<vmem_shared>>) target(%dma_start3A_116 : memref<128x64xf32, #tpu.memory_space<hbm>>) target_semaphore(%run_scoped3A : memref<!tpu.dma_semaphore, #tpu.memory_space<semaphore_mem>>)
      %dma_wait3A_119 = arith.constant 0 : i32
      %dma_wait3A_120 = tpu.memref_slice %arg6[%arg0, %add3A_105, %dma_wait3A_119] : memref<2x10240x64xf32, #tpu.memory_space<hbm>> -> memref<1x128x64xf32, #tpu.memory_space<hbm>>
      %dma_wait3A_121 = tpu.memref_squeeze %dma_wait3A_120 : memref<1x128x64xf32, #tpu.memory_space<hbm>> -> memref<128x64xf32, #tpu.memory_space<hbm>>
      %dma_wait3A_122 = arith.constant 0 : i32
      %dma_wait3A_123 = tpu.memref_slice %arg13[%add3A_105, %dma_wait3A_122] : memref<10240x64xf32, #tpu.memory_space<vmem_shared>> -> memref<128x64xf32, #tpu.memory_space<vmem_shared>>
      tpu.wait_dma2 semaphore(%run_scoped3A : memref<!tpu.dma_semaphore, #tpu.memory_space<semaphore_mem>>) src(%dma_wait3A_123 : memref<128x64xf32, #tpu.memory_space<vmem_shared>>) dst(%dma_wait3A_121 : memref<128x64xf32, #tpu.memory_space<hbm>>)
      tpu.yield
    }) : () -> ()
    %mul3A_106 = arith.constant 640 : i32
    %mul3A_107 = arith.muli %arg1, %mul3A_106 : i32
    %add3A_108 = arith.constant 384 : i32
    %add3A_109 = arith.addi %mul3A_107, %add3A_108 : i32
    "tpu.region"() ({
      %run_scoped3A = tpu.sem_alloc : memref<!tpu.dma_semaphore, #tpu.memory_space<semaphore_mem>>
      %dma_start3A_114 = arith.constant 0 : i32
      %dma_start3A_115 = tpu.memref_slice %arg6[%arg0, %add3A_109, %dma_start3A_114] : memref<2x10240x64xf32, #tpu.memory_space<hbm>> -> memref<1x128x64xf32, #tpu.memory_space<hbm>>
      %dma_start3A_116 = tpu.memref_squeeze %dma_start3A_115 : memref<1x128x64xf32, #tpu.memory_space<hbm>> -> memref<128x64xf32, #tpu.memory_space<hbm>>
      %dma_start3A_117 = arith.constant 0 : i32
      %dma_start3A_118 = tpu.memref_slice %arg13[%add3A_109, %dma_start3A_117] : memref<10240x64xf32, #tpu.memory_space<vmem_shared>> -> memref<128x64xf32, #tpu.memory_space<vmem_shared>>
      tpu.enqueue_dma source(%dma_start3A_118 : memref<128x64xf32, #tpu.memory_space<vmem_shared>>) target(%dma_start3A_116 : memref<128x64xf32, #tpu.memory_space<hbm>>) target_semaphore(%run_scoped3A : memref<!tpu.dma_semaphore, #tpu.memory_space<semaphore_mem>>)
      %dma_wait3A_119 = arith.constant 0 : i32
      %dma_wait3A_120 = tpu.memref_slice %arg6[%arg0, %add3A_109, %dma_wait3A_119] : memref<2x10240x64xf32, #tpu.memory_space<hbm>> -> memref<1x128x64xf32, #tpu.memory_space<hbm>>
      %dma_wait3A_121 = tpu.memref_squeeze %dma_wait3A_120 : memref<1x128x64xf32, #tpu.memory_space<hbm>> -> memref<128x64xf32, #tpu.memory_space<hbm>>
      %dma_wait3A_122 = arith.constant 0 : i32
      %dma_wait3A_123 = tpu.memref_slice %arg13[%add3A_109, %dma_wait3A_122] : memref<10240x64xf32, #tpu.memory_space<vmem_shared>> -> memref<128x64xf32, #tpu.memory_space<vmem_shared>>
      tpu.wait_dma2 semaphore(%run_scoped3A : memref<!tpu.dma_semaphore, #tpu.memory_space<semaphore_mem>>) src(%dma_wait3A_123 : memref<128x64xf32, #tpu.memory_space<vmem_shared>>) dst(%dma_wait3A_121 : memref<128x64xf32, #tpu.memory_space<hbm>>)
      tpu.yield
    }) : () -> ()
    %mul3A_110 = arith.constant 640 : i32
    %mul3A_111 = arith.muli %arg1, %mul3A_110 : i32
    %add3A_112 = arith.constant 512 : i32
    %add3A_113 = arith.addi %mul3A_111, %add3A_112 : i32
    "tpu.region"() ({
      %run_scoped3A = tpu.sem_alloc : memref<!tpu.dma_semaphore, #tpu.memory_space<semaphore_mem>>
      %dma_start3A_114 = arith.constant 0 : i32
      %dma_start3A_115 = tpu.memref_slice %arg6[%arg0, %add3A_113, %dma_start3A_114] : memref<2x10240x64xf32, #tpu.memory_space<hbm>> -> memref<1x128x64xf32, #tpu.memory_space<hbm>>
      %dma_start3A_116 = tpu.memref_squeeze %dma_start3A_115 : memref<1x128x64xf32, #tpu.memory_space<hbm>> -> memref<128x64xf32, #tpu.memory_space<hbm>>
      %dma_start3A_117 = arith.constant 0 : i32
      %dma_start3A_118 = tpu.memref_slice %arg13[%add3A_113, %dma_start3A_117] : memref<10240x64xf32, #tpu.memory_space<vmem_shared>> -> memref<128x64xf32, #tpu.memory_space<vmem_shared>>
      tpu.enqueue_dma source(%dma_start3A_118 : memref<128x64xf32, #tpu.memory_space<vmem_shared>>) target(%dma_start3A_116 : memref<128x64xf32, #tpu.memory_space<hbm>>) target_semaphore(%run_scoped3A : memref<!tpu.dma_semaphore, #tpu.memory_space<semaphore_mem>>)
      %dma_wait3A_119 = arith.constant 0 : i32
      %dma_wait3A_120 = tpu.memref_slice %arg6[%arg0, %add3A_113, %dma_wait3A_119] : memref<2x10240x64xf32, #tpu.memory_space<hbm>> -> memref<1x128x64xf32, #tpu.memory_space<hbm>>
      %dma_wait3A_121 = tpu.memref_squeeze %dma_wait3A_120 : memref<1x128x64xf32, #tpu.memory_space<hbm>> -> memref<128x64xf32, #tpu.memory_space<hbm>>
      %dma_wait3A_122 = arith.constant 0 : i32
      %dma_wait3A_123 = tpu.memref_slice %arg13[%add3A_113, %dma_wait3A_122] : memref<10240x64xf32, #tpu.memory_space<vmem_shared>> -> memref<128x64xf32, #tpu.memory_space<vmem_shared>>
      tpu.wait_dma2 semaphore(%run_scoped3A : memref<!tpu.dma_semaphore, #tpu.memory_space<semaphore_mem>>) src(%dma_wait3A_123 : memref<128x64xf32, #tpu.memory_space<vmem_shared>>) dst(%dma_wait3A_121 : memref<128x64xf32, #tpu.memory_space<hbm>>)
      tpu.yield
    }) : () -> ()
    return
  }
}

module attributes {stable_mosaic.version = 14 : i64} {
  func.func @_tc_dense0_body(%arg0: i32, %arg1: memref<1000x1xf32, #tpu.memory_space<vmem>>, %arg2: memref<1000x16xf32, #tpu.memory_space<vmem>>, %arg3: memref<16x128xf32, #tpu.memory_space<vmem>>, %arg4: memref<1x128xf32, #tpu.memory_space<vmem>>, %arg5: memref<128x128xf32, #tpu.memory_space<vmem>>, %arg6: memref<1x128xf32, #tpu.memory_space<vmem>>, %arg7: memref<8x128xf32, #tpu.memory_space<vmem>>, %arg8: memref<1x128xf32, #tpu.memory_space<vmem>>, %arg9: memref<2x4x1000x128xf32, #tpu.memory_space<vmem>>, %arg10: memref<1000x128xf32, #tpu.memory_space<vmem>>, %arg11: memref<1000x128xf32, #tpu.memory_space<vmem>>, %arg12: memref<1000x1xf32, #tpu.memory_space<vmem>>, %arg13: memref<1000x1xf32, #tpu.memory_space<vmem>>) attributes {dimension_semantics = [#tpu.dimension_semantics<arbitrary>], iteration_bounds = array<i64: 10>, scalar_prefetch = 0 : i64, scratch_operands = 0 : i64, tpu.core_type = #tpu.core_type<tc>, window_params = [{transform_indices = @transform_0, window_bounds = array<i64: 1000, 1>}, {transform_indices = @transform_1, window_bounds = array<i64: 1000, 16>}, {pipeline_mode = #tpu.pipeline_mode<synchronous>, transform_indices = @transform_2, window_bounds = array<i64: 16, 128>}, {pipeline_mode = #tpu.pipeline_mode<synchronous>, transform_indices = @transform_3, window_bounds = array<i64: 1, 128>}, {pipeline_mode = #tpu.pipeline_mode<synchronous>, transform_indices = @transform_4, window_bounds = array<i64: 128, 128>}, {pipeline_mode = #tpu.pipeline_mode<synchronous>, transform_indices = @transform_5, window_bounds = array<i64: 1, 128>}, {pipeline_mode = #tpu.pipeline_mode<synchronous>, transform_indices = @transform_6, window_bounds = array<i64: 8, 128>}, {pipeline_mode = #tpu.pipeline_mode<synchronous>, transform_indices = @transform_7, window_bounds = array<i64: 1, 128>}, {transform_indices = @transform_8, window_bounds = array<i64: 2, 4, 1000, 128>}, {transform_indices = @transform_9, window_bounds = array<i64: 1000, 128>}, {transform_indices = @transform_10, window_bounds = array<i64: 1000, 128>}, {transform_indices = @transform_11, window_bounds = array<i64: 1000, 1>}, {transform_indices = @transform_12, window_bounds = array<i64: 1000, 1>}]} {
    %get3A = arith.constant 0 : index
    %get3A_0 = arith.constant 0 : index
    %get3A_1 = vector.load %arg1[%get3A, %get3A_0] : memref<1000x1xf32, #tpu.memory_space<vmem>>, vector<1000x1xf32>
    %add3A = arith.constant 1.000000e+00 : f32
    %add3A_2 = vector.broadcast %add3A : f32 to vector<1000x1xf32>
    %add3A_3 = arith.addf %get3A_1, %add3A_2 : vector<1000x1xf32>
    %rsqrt3A = math.rsqrt %add3A_3 : vector<1000x1xf32>
    %div3A = arith.constant 1.000000e+00 : f32
    %div3A_4 = vector.broadcast %div3A : f32 to vector<1000x1xf32>
    %div3A_5 = arith.divf %div3A_4, %add3A_3 : vector<1000x1xf32>
    %swap3A = arith.constant 0 : index
    %swap3A_6 = arith.constant 0 : index
    %swap3A_7 = vector.load %arg12[%swap3A, %swap3A_6] : memref<1000x1xf32, #tpu.memory_space<vmem>>, vector<1000x1xf32>
    tpu.vector_store %arg12[%swap3A, %swap3A_6], %rsqrt3A {strides = array<i32>} : memref<1000x1xf32, #tpu.memory_space<vmem>>, vector<1000x1xf32>,
    %swap3A_8 = arith.constant 0 : index
    %swap3A_9 = arith.constant 0 : index
    %swap3A_10 = vector.load %arg13[%swap3A_8, %swap3A_9] : memref<1000x1xf32, #tpu.memory_space<vmem>>, vector<1000x1xf32>
    tpu.vector_store %arg13[%swap3A_8, %swap3A_9], %div3A_5 {strides = array<i32>} : memref<1000x1xf32, #tpu.memory_space<vmem>>, vector<1000x1xf32>,
    %get3A_11 = arith.constant 0 : index
    %get3A_12 = arith.constant 0 : index
    %get3A_13 = vector.load %arg4[%get3A_11, %get3A_12] : memref<1x128xf32, #tpu.memory_space<vmem>>, vector<1x128xf32>
    %get3A_14 = arith.constant 0 : index
    %get3A_15 = arith.constant 0 : index
    %get3A_16 = vector.load %arg2[%get3A_14, %get3A_15] : memref<1000x16xf32, #tpu.memory_space<vmem>>, vector<1000x16xf32>
    %get3A_17 = arith.constant 0 : index
    %get3A_18 = arith.constant 0 : index
    %get3A_19 = vector.load %arg3[%get3A_17, %get3A_18] : memref<16x128xf32, #tpu.memory_space<vmem>>, vector<16x128xf32>
    %dot_general3A = arith.constant dense<0.000000e+00> : vector<1000x128xf32>
    %dot_general3A_20 = tpu.matmul %get3A_16, %get3A_19, %dot_general3A {dimension_numbers = #tpu.dot_dimension_numbers<[1], [0], [0], [1], [0, 0, 1, 1], [], []>, transpose_lhs_hint = false} : vector<1000x16xf32>, vector<16x128xf32>, vector<1000x128xf32> -> vector<1000x128xf32>
    %add3A_21 = vector.broadcast %get3A_13 : vector<1x128xf32> to vector<1000x128xf32>
    %add3A_22 = arith.addf %add3A_21, %dot_general3A_20 : vector<1000x128xf32>
    %swap3A_23 = arith.constant 0 : index
    %swap3A_24 = arith.constant 0 : index
    %swap3A_25 = vector.load %arg11[%swap3A_23, %swap3A_24] : memref<1000x128xf32, #tpu.memory_space<vmem>>, vector<1000x128xf32>
    tpu.vector_store %arg11[%swap3A_23, %swap3A_24], %add3A_22 {strides = array<i32>} : memref<1000x128xf32, #tpu.memory_space<vmem>>, vector<1000x128xf32>,
    %get3A_26 = arith.constant 0 : index
    %get3A_27 = arith.constant 0 : index
    %get3A_28 = vector.load %arg5[%get3A_26, %get3A_27] : memref<128x128xf32, #tpu.memory_space<vmem>>, vector<128x128xf32>
    %dot_general3A_29 = arith.constant dense<0.000000e+00> : vector<1000x128xf32>
    %dot_general3A_30 = tpu.matmul %add3A_22, %get3A_28, %dot_general3A_29 {dimension_numbers = #tpu.dot_dimension_numbers<[1], [1], [0], [0], [0, 0, 1, 0], [], []>, transpose_lhs_hint = false} : vector<1000x128xf32>, vector<128x128xf32>, vector<1000x128xf32> -> vector<1000x128xf32>
    %get3A_31 = arith.constant 0 : index
    %get3A_32 = arith.constant 0 : index
    %get3A_33 = vector.load %arg6[%get3A_31, %get3A_32] : memref<1x128xf32, #tpu.memory_space<vmem>>, vector<1x128xf32>
    %add3A_34 = vector.broadcast %get3A_33 : vector<1x128xf32> to vector<1000x128xf32>
    %add3A_35 = arith.addf %dot_general3A_30, %add3A_34 : vector<1000x128xf32>
    %get3A_36 = arith.constant 0 : index
    %get3A_37 = arith.constant 0 : index
    %get3A_38 = vector.load %arg7[%get3A_36, %get3A_37] : memref<8x128xf32, #tpu.memory_space<vmem>>, vector<1x128xf32>
    %add3A_39 = vector.broadcast %get3A_38 : vector<1x128xf32> to vector<1000x128xf32>
    %add3A_40 = arith.addf %add3A_35, %add3A_39 : vector<1000x128xf32>
    %max3A = arith.constant 0.000000e+00 : f32
    %max3A_41 = vector.broadcast %max3A : f32 to vector<1000x128xf32>
    %max3A_42 = arith.maximumf %add3A_40, %max3A_41 : vector<1000x128xf32>
    %mul3A = vector.broadcast %rsqrt3A : vector<1000x1xf32> to vector<1000x128xf32>
    %mul3A_43 = arith.mulf %max3A_42, %mul3A : vector<1000x128xf32>
    %get3A_44 = arith.constant 1 : index
    %get3A_45 = arith.constant 0 : index
    %get3A_46 = vector.load %arg7[%get3A_44, %get3A_45] : memref<8x128xf32, #tpu.memory_space<vmem>>, vector<1x128xf32>
    %add3A_47 = vector.broadcast %get3A_46 : vector<1x128xf32> to vector<1000x128xf32>
    %add3A_48 = arith.addf %add3A_35, %add3A_47 : vector<1000x128xf32>
    %max3A_49 = arith.constant 0.000000e+00 : f32
    %max3A_50 = vector.broadcast %max3A_49 : f32 to vector<1000x128xf32>
    %max3A_51 = arith.maximumf %add3A_48, %max3A_50 : vector<1000x128xf32>
    %mul3A_52 = vector.broadcast %rsqrt3A : vector<1000x1xf32> to vector<1000x128xf32>
    %mul3A_53 = arith.mulf %max3A_51, %mul3A_52 : vector<1000x128xf32>
    %slice3A = vector.extract_strided_slice %mul3A_43 {offsets = [0, 0], sizes = [1000, 64], strides = [1, 1]} : vector<1000x128xf32> to vector<1000x64xf32>
    %slice3A_54 = vector.extract_strided_slice %mul3A_53 {offsets = [0, 0], sizes = [1000, 64], strides = [1, 1]} : vector<1000x128xf32> to vector<1000x64xf32>
    %concatenate3A = tpu.concatenate %slice3A, %slice3A_54 in 1 : vector<1000x64xf32>, vector<1000x64xf32> -> vector<1000x128xf32>
    %swap3A_55 = arith.constant 0 : index
    %swap3A_56 = arith.constant 0 : index
    %swap3A_57 = arith.constant 0 : index
    %swap3A_58 = arith.constant 0 : index
    %swap3A_59 = vector.load %arg9[%swap3A_55, %swap3A_56, %swap3A_57, %swap3A_58] : memref<2x4x1000x128xf32, #tpu.memory_space<vmem>>, vector<1x1x1000x128xf32>
    %swap3A_60 = vector.shape_cast %swap3A_59 : vector<1x1x1000x128xf32> to vector<1000x128xf32>
    %swap3A_61 = vector.shape_cast %concatenate3A : vector<1000x128xf32> to vector<1x1x1000x128xf32>
    tpu.vector_store %arg9[%swap3A_55, %swap3A_56, %swap3A_57, %swap3A_58], %swap3A_61 {strides = array<i32>} : memref<2x4x1000x128xf32, #tpu.memory_space<vmem>>, vector<1x1x1000x128xf32>,
    %slice3A_62 = vector.extract_strided_slice %mul3A_43 {offsets = [0, 64], sizes = [1000, 64], strides = [1, 1]} : vector<1000x128xf32> to vector<1000x64xf32>
    %slice3A_63 = vector.extract_strided_slice %mul3A_53 {offsets = [0, 64], sizes = [1000, 64], strides = [1, 1]} : vector<1000x128xf32> to vector<1000x64xf32>
    %concatenate3A_64 = tpu.concatenate %slice3A_62, %slice3A_63 in 1 : vector<1000x64xf32>, vector<1000x64xf32> -> vector<1000x128xf32>
    %swap3A_65 = arith.constant 1 : index
    %swap3A_66 = arith.constant 0 : index
    %swap3A_67 = arith.constant 0 : index
    %swap3A_68 = arith.constant 0 : index
    %swap3A_69 = vector.load %arg9[%swap3A_65, %swap3A_66, %swap3A_67, %swap3A_68] : memref<2x4x1000x128xf32, #tpu.memory_space<vmem>>, vector<1x1x1000x128xf32>
    %swap3A_70 = vector.shape_cast %swap3A_69 : vector<1x1x1000x128xf32> to vector<1000x128xf32>
    %swap3A_71 = vector.shape_cast %concatenate3A_64 : vector<1000x128xf32> to vector<1x1x1000x128xf32>
    tpu.vector_store %arg9[%swap3A_65, %swap3A_66, %swap3A_67, %swap3A_68], %swap3A_71 {strides = array<i32>} : memref<2x4x1000x128xf32, #tpu.memory_space<vmem>>, vector<1x1x1000x128xf32>,
    %get3A_72 = arith.constant 2 : index
    %get3A_73 = arith.constant 0 : index
    %get3A_74 = vector.load %arg7[%get3A_72, %get3A_73] : memref<8x128xf32, #tpu.memory_space<vmem>>, vector<1x128xf32>
    %add3A_75 = vector.broadcast %get3A_74 : vector<1x128xf32> to vector<1000x128xf32>
    %add3A_76 = arith.addf %add3A_35, %add3A_75 : vector<1000x128xf32>
    %max3A_77 = arith.constant 0.000000e+00 : f32
    %max3A_78 = vector.broadcast %max3A_77 : f32 to vector<1000x128xf32>
    %max3A_79 = arith.maximumf %add3A_76, %max3A_78 : vector<1000x128xf32>
    %mul3A_80 = vector.broadcast %rsqrt3A : vector<1000x1xf32> to vector<1000x128xf32>
    %mul3A_81 = arith.mulf %max3A_79, %mul3A_80 : vector<1000x128xf32>
    %get3A_82 = arith.constant 3 : index
    %get3A_83 = arith.constant 0 : index
    %get3A_84 = vector.load %arg7[%get3A_82, %get3A_83] : memref<8x128xf32, #tpu.memory_space<vmem>>, vector<1x128xf32>
    %add3A_85 = vector.broadcast %get3A_84 : vector<1x128xf32> to vector<1000x128xf32>
    %add3A_86 = arith.addf %add3A_35, %add3A_85 : vector<1000x128xf32>
    %max3A_87 = arith.constant 0.000000e+00 : f32
    %max3A_88 = vector.broadcast %max3A_87 : f32 to vector<1000x128xf32>
    %max3A_89 = arith.maximumf %add3A_86, %max3A_88 : vector<1000x128xf32>
    %mul3A_90 = vector.broadcast %rsqrt3A : vector<1000x1xf32> to vector<1000x128xf32>
    %mul3A_91 = arith.mulf %max3A_89, %mul3A_90 : vector<1000x128xf32>
    %slice3A_92 = vector.extract_strided_slice %mul3A_81 {offsets = [0, 0], sizes = [1000, 64], strides = [1, 1]} : vector<1000x128xf32> to vector<1000x64xf32>
    %slice3A_93 = vector.extract_strided_slice %mul3A_91 {offsets = [0, 0], sizes = [1000, 64], strides = [1, 1]} : vector<1000x128xf32> to vector<1000x64xf32>
    %concatenate3A_94 = tpu.concatenate %slice3A_92, %slice3A_93 in 1 : vector<1000x64xf32>, vector<1000x64xf32> -> vector<1000x128xf32>
    %swap3A_95 = arith.constant 0 : index
    %swap3A_96 = arith.constant 1 : index
    %swap3A_97 = arith.constant 0 : index
    %swap3A_98 = arith.constant 0 : index
    %swap3A_99 = vector.load %arg9[%swap3A_95, %swap3A_96, %swap3A_97, %swap3A_98] : memref<2x4x1000x128xf32, #tpu.memory_space<vmem>>, vector<1x1x1000x128xf32>
    %swap3A_100 = vector.shape_cast %swap3A_99 : vector<1x1x1000x128xf32> to vector<1000x128xf32>
    %swap3A_101 = vector.shape_cast %concatenate3A_94 : vector<1000x128xf32> to vector<1x1x1000x128xf32>
    tpu.vector_store %arg9[%swap3A_95, %swap3A_96, %swap3A_97, %swap3A_98], %swap3A_101 {strides = array<i32>} : memref<2x4x1000x128xf32, #tpu.memory_space<vmem>>, vector<1x1x1000x128xf32>,
    %slice3A_102 = vector.extract_strided_slice %mul3A_81 {offsets = [0, 64], sizes = [1000, 64], strides = [1, 1]} : vector<1000x128xf32> to vector<1000x64xf32>
    %slice3A_103 = vector.extract_strided_slice %mul3A_91 {offsets = [0, 64], sizes = [1000, 64], strides = [1, 1]} : vector<1000x128xf32> to vector<1000x64xf32>
    %concatenate3A_104 = tpu.concatenate %slice3A_102, %slice3A_103 in 1 : vector<1000x64xf32>, vector<1000x64xf32> -> vector<1000x128xf32>
    %swap3A_105 = arith.constant 1 : index
    %swap3A_106 = arith.constant 1 : index
    %swap3A_107 = arith.constant 0 : index
    %swap3A_108 = arith.constant 0 : index
    %swap3A_109 = vector.load %arg9[%swap3A_105, %swap3A_106, %swap3A_107, %swap3A_108] : memref<2x4x1000x128xf32, #tpu.memory_space<vmem>>, vector<1x1x1000x128xf32>
    %swap3A_110 = vector.shape_cast %swap3A_109 : vector<1x1x1000x128xf32> to vector<1000x128xf32>
    %swap3A_111 = vector.shape_cast %concatenate3A_104 : vector<1000x128xf32> to vector<1x1x1000x128xf32>
    tpu.vector_store %arg9[%swap3A_105, %swap3A_106, %swap3A_107, %swap3A_108], %swap3A_111 {strides = array<i32>} : memref<2x4x1000x128xf32, #tpu.memory_space<vmem>>, vector<1x1x1000x128xf32>,
    %get3A_112 = arith.constant 4 : index
    %get3A_113 = arith.constant 0 : index
    %get3A_114 = vector.load %arg7[%get3A_112, %get3A_113] : memref<8x128xf32, #tpu.memory_space<vmem>>, vector<1x128xf32>
    %add3A_115 = vector.broadcast %get3A_114 : vector<1x128xf32> to vector<1000x128xf32>
    %add3A_116 = arith.addf %add3A_35, %add3A_115 : vector<1000x128xf32>
    %max3A_117 = arith.constant 0.000000e+00 : f32
    %max3A_118 = vector.broadcast %max3A_117 : f32 to vector<1000x128xf32>
    %max3A_119 = arith.maximumf %add3A_116, %max3A_118 : vector<1000x128xf32>
    %mul3A_120 = vector.broadcast %rsqrt3A : vector<1000x1xf32> to vector<1000x128xf32>
    %mul3A_121 = arith.mulf %max3A_119, %mul3A_120 : vector<1000x128xf32>
    %get3A_122 = arith.constant 5 : index
    %get3A_123 = arith.constant 0 : index
    %get3A_124 = vector.load %arg7[%get3A_122, %get3A_123] : memref<8x128xf32, #tpu.memory_space<vmem>>, vector<1x128xf32>
    %add3A_125 = vector.broadcast %get3A_124 : vector<1x128xf32> to vector<1000x128xf32>
    %add3A_126 = arith.addf %add3A_35, %add3A_125 : vector<1000x128xf32>
    %max3A_127 = arith.constant 0.000000e+00 : f32
    %max3A_128 = vector.broadcast %max3A_127 : f32 to vector<1000x128xf32>
    %max3A_129 = arith.maximumf %add3A_126, %max3A_128 : vector<1000x128xf32>
    %mul3A_130 = vector.broadcast %rsqrt3A : vector<1000x1xf32> to vector<1000x128xf32>
    %mul3A_131 = arith.mulf %max3A_129, %mul3A_130 : vector<1000x128xf32>
    %slice3A_132 = vector.extract_strided_slice %mul3A_121 {offsets = [0, 0], sizes = [1000, 64], strides = [1, 1]} : vector<1000x128xf32> to vector<1000x64xf32>
    %slice3A_133 = vector.extract_strided_slice %mul3A_131 {offsets = [0, 0], sizes = [1000, 64], strides = [1, 1]} : vector<1000x128xf32> to vector<1000x64xf32>
    %concatenate3A_134 = tpu.concatenate %slice3A_132, %slice3A_133 in 1 : vector<1000x64xf32>, vector<1000x64xf32> -> vector<1000x128xf32>
    %swap3A_135 = arith.constant 0 : index
    %swap3A_136 = arith.constant 2 : index
    %swap3A_137 = arith.constant 0 : index
    %swap3A_138 = arith.constant 0 : index
    %swap3A_139 = vector.load %arg9[%swap3A_135, %swap3A_136, %swap3A_137, %swap3A_138] : memref<2x4x1000x128xf32, #tpu.memory_space<vmem>>, vector<1x1x1000x128xf32>
    %swap3A_140 = vector.shape_cast %swap3A_139 : vector<1x1x1000x128xf32> to vector<1000x128xf32>
    %swap3A_141 = vector.shape_cast %concatenate3A_134 : vector<1000x128xf32> to vector<1x1x1000x128xf32>
    tpu.vector_store %arg9[%swap3A_135, %swap3A_136, %swap3A_137, %swap3A_138], %swap3A_141 {strides = array<i32>} : memref<2x4x1000x128xf32, #tpu.memory_space<vmem>>, vector<1x1x1000x128xf32>,
    %slice3A_142 = vector.extract_strided_slice %mul3A_121 {offsets = [0, 64], sizes = [1000, 64], strides = [1, 1]} : vector<1000x128xf32> to vector<1000x64xf32>
    %slice3A_143 = vector.extract_strided_slice %mul3A_131 {offsets = [0, 64], sizes = [1000, 64], strides = [1, 1]} : vector<1000x128xf32> to vector<1000x64xf32>
    %concatenate3A_144 = tpu.concatenate %slice3A_142, %slice3A_143 in 1 : vector<1000x64xf32>, vector<1000x64xf32> -> vector<1000x128xf32>
    %swap3A_145 = arith.constant 1 : index
    %swap3A_146 = arith.constant 2 : index
    %swap3A_147 = arith.constant 0 : index
    %swap3A_148 = arith.constant 0 : index
    %swap3A_149 = vector.load %arg9[%swap3A_145, %swap3A_146, %swap3A_147, %swap3A_148] : memref<2x4x1000x128xf32, #tpu.memory_space<vmem>>, vector<1x1x1000x128xf32>
    %swap3A_150 = vector.shape_cast %swap3A_149 : vector<1x1x1000x128xf32> to vector<1000x128xf32>
    %swap3A_151 = vector.shape_cast %concatenate3A_144 : vector<1000x128xf32> to vector<1x1x1000x128xf32>
    tpu.vector_store %arg9[%swap3A_145, %swap3A_146, %swap3A_147, %swap3A_148], %swap3A_151 {strides = array<i32>} : memref<2x4x1000x128xf32, #tpu.memory_space<vmem>>, vector<1x1x1000x128xf32>,
    %get3A_152 = arith.constant 6 : index
    %get3A_153 = arith.constant 0 : index
    %get3A_154 = vector.load %arg7[%get3A_152, %get3A_153] : memref<8x128xf32, #tpu.memory_space<vmem>>, vector<1x128xf32>
    %add3A_155 = vector.broadcast %get3A_154 : vector<1x128xf32> to vector<1000x128xf32>
    %add3A_156 = arith.addf %add3A_35, %add3A_155 : vector<1000x128xf32>
    %max3A_157 = arith.constant 0.000000e+00 : f32
    %max3A_158 = vector.broadcast %max3A_157 : f32 to vector<1000x128xf32>
    %max3A_159 = arith.maximumf %add3A_156, %max3A_158 : vector<1000x128xf32>
    %mul3A_160 = vector.broadcast %rsqrt3A : vector<1000x1xf32> to vector<1000x128xf32>
    %mul3A_161 = arith.mulf %max3A_159, %mul3A_160 : vector<1000x128xf32>
    %get3A_162 = arith.constant 7 : index
    %get3A_163 = arith.constant 0 : index
    %get3A_164 = vector.load %arg7[%get3A_162, %get3A_163] : memref<8x128xf32, #tpu.memory_space<vmem>>, vector<1x128xf32>
    %add3A_165 = vector.broadcast %get3A_164 : vector<1x128xf32> to vector<1000x128xf32>
    %add3A_166 = arith.addf %add3A_35, %add3A_165 : vector<1000x128xf32>
    %max3A_167 = arith.constant 0.000000e+00 : f32
    %max3A_168 = vector.broadcast %max3A_167 : f32 to vector<1000x128xf32>
    %max3A_169 = arith.maximumf %add3A_166, %max3A_168 : vector<1000x128xf32>
    %mul3A_170 = vector.broadcast %rsqrt3A : vector<1000x1xf32> to vector<1000x128xf32>
    %mul3A_171 = arith.mulf %max3A_169, %mul3A_170 : vector<1000x128xf32>
    %slice3A_172 = vector.extract_strided_slice %mul3A_161 {offsets = [0, 0], sizes = [1000, 64], strides = [1, 1]} : vector<1000x128xf32> to vector<1000x64xf32>
    %slice3A_173 = vector.extract_strided_slice %mul3A_171 {offsets = [0, 0], sizes = [1000, 64], strides = [1, 1]} : vector<1000x128xf32> to vector<1000x64xf32>
    %concatenate3A_174 = tpu.concatenate %slice3A_172, %slice3A_173 in 1 : vector<1000x64xf32>, vector<1000x64xf32> -> vector<1000x128xf32>
    %swap3A_175 = arith.constant 0 : index
    %swap3A_176 = arith.constant 3 : index
    %swap3A_177 = arith.constant 0 : index
    %swap3A_178 = arith.constant 0 : index
    %swap3A_179 = vector.load %arg9[%swap3A_175, %swap3A_176, %swap3A_177, %swap3A_178] : memref<2x4x1000x128xf32, #tpu.memory_space<vmem>>, vector<1x1x1000x128xf32>
    %swap3A_180 = vector.shape_cast %swap3A_179 : vector<1x1x1000x128xf32> to vector<1000x128xf32>
    %swap3A_181 = vector.shape_cast %concatenate3A_174 : vector<1000x128xf32> to vector<1x1x1000x128xf32>
    tpu.vector_store %arg9[%swap3A_175, %swap3A_176, %swap3A_177, %swap3A_178], %swap3A_181 {strides = array<i32>} : memref<2x4x1000x128xf32, #tpu.memory_space<vmem>>, vector<1x1x1000x128xf32>,
    %slice3A_182 = vector.extract_strided_slice %mul3A_161 {offsets = [0, 64], sizes = [1000, 64], strides = [1, 1]} : vector<1000x128xf32> to vector<1000x64xf32>
    %slice3A_183 = vector.extract_strided_slice %mul3A_171 {offsets = [0, 64], sizes = [1000, 64], strides = [1, 1]} : vector<1000x128xf32> to vector<1000x64xf32>
    %concatenate3A_184 = tpu.concatenate %slice3A_182, %slice3A_183 in 1 : vector<1000x64xf32>, vector<1000x64xf32> -> vector<1000x128xf32>
    %swap3A_185 = arith.constant 1 : index
    %swap3A_186 = arith.constant 3 : index
    %swap3A_187 = arith.constant 0 : index
    %swap3A_188 = arith.constant 0 : index
    %swap3A_189 = vector.load %arg9[%swap3A_185, %swap3A_186, %swap3A_187, %swap3A_188] : memref<2x4x1000x128xf32, #tpu.memory_space<vmem>>, vector<1x1x1000x128xf32>
    %swap3A_190 = vector.shape_cast %swap3A_189 : vector<1x1x1000x128xf32> to vector<1000x128xf32>
    %swap3A_191 = vector.shape_cast %concatenate3A_184 : vector<1000x128xf32> to vector<1x1x1000x128xf32>
    tpu.vector_store %arg9[%swap3A_185, %swap3A_186, %swap3A_187, %swap3A_188], %swap3A_191 {strides = array<i32>} : memref<2x4x1000x128xf32, #tpu.memory_space<vmem>>, vector<1x1x1000x128xf32>,
    %get3A_192 = arith.constant 0 : index
    %get3A_193 = arith.constant 0 : index
    %get3A_194 = vector.load %arg8[%get3A_192, %get3A_193] : memref<1x128xf32, #tpu.memory_space<vmem>>, vector<1x128xf32>
    %add3A_195 = vector.broadcast %get3A_194 : vector<1x128xf32> to vector<1000x128xf32>
    %add3A_196 = arith.addf %add3A_35, %add3A_195 : vector<1000x128xf32>
    %max3A_197 = arith.constant 0.000000e+00 : f32
    %max3A_198 = vector.broadcast %max3A_197 : f32 to vector<1000x128xf32>
    %max3A_199 = arith.maximumf %add3A_196, %max3A_198 : vector<1000x128xf32>
    %mul3A_200 = vector.broadcast %div3A_5 : vector<1000x1xf32> to vector<1000x128xf32>
    %mul3A_201 = arith.mulf %max3A_199, %mul3A_200 : vector<1000x128xf32>
    %swap3A_202 = arith.constant 0 : index
    %swap3A_203 = arith.constant 0 : index
    %swap3A_204 = vector.load %arg10[%swap3A_202, %swap3A_203] : memref<1000x128xf32, #tpu.memory_space<vmem>>, vector<1000x128xf32>
    tpu.vector_store %arg10[%swap3A_202, %swap3A_203], %mul3A_201 {strides = array<i32>} : memref<1000x128xf32, #tpu.memory_space<vmem>>, vector<1000x128xf32>,
    return
  }
  func.func @transform_0(%arg0: i32) -> (i32, i32) {
    %c0_i32 = arith.constant 0 : i32
    %c0_i32_0 = arith.constant 0 : i32
    return %arg0, %c0_i32 : i32, i32
  }
  func.func @transform_1(%arg0: i32) -> (i32, i32) {
    %c0_i32 = arith.constant 0 : i32
    %c0_i32_0 = arith.constant 0 : i32
    return %arg0, %c0_i32 : i32, i32
  }
  func.func @transform_2(%arg0: i32) -> (i32, i32) {
    %c0_i32 = arith.constant 0 : i32
    %c0_i32_0 = arith.constant 0 : i32
    %c0_i32_1 = arith.constant 0 : i32
    return %c0_i32, %c0_i32_0 : i32, i32
  }
  func.func @transform_3(%arg0: i32) -> (i32, i32) {
    %c0_i32 = arith.constant 0 : i32
    %c0_i32_0 = arith.constant 0 : i32
    %c0_i32_1 = arith.constant 0 : i32
    return %c0_i32, %c0_i32_0 : i32, i32
  }
  func.func @transform_4(%arg0: i32) -> (i32, i32) {
    %c0_i32 = arith.constant 0 : i32
    %c0_i32_0 = arith.constant 0 : i32
    %c0_i32_1 = arith.constant 0 : i32
    return %c0_i32, %c0_i32_0 : i32, i32
  }
  func.func @transform_5(%arg0: i32) -> (i32, i32) {
    %c0_i32 = arith.constant 0 : i32
    %c0_i32_0 = arith.constant 0 : i32
    %c0_i32_1 = arith.constant 0 : i32
    return %c0_i32, %c0_i32_0 : i32, i32
  }
  func.func @transform_6(%arg0: i32) -> (i32, i32) {
    %c0_i32 = arith.constant 0 : i32
    %c0_i32_0 = arith.constant 0 : i32
    %c0_i32_1 = arith.constant 0 : i32
    return %c0_i32, %c0_i32_0 : i32, i32
  }
  func.func @transform_7(%arg0: i32) -> (i32, i32) {
    %c0_i32 = arith.constant 0 : i32
    %c0_i32_0 = arith.constant 0 : i32
    %c0_i32_1 = arith.constant 0 : i32
    return %c0_i32, %c0_i32_0 : i32, i32
  }
  func.func @transform_8(%arg0: i32) -> (i32, i32, i32, i32) {
    %c0_i32 = arith.constant 0 : i32
    %c0_i32_0 = arith.constant 0 : i32
    %c0_i32_1 = arith.constant 0 : i32
    %c0_i32_2 = arith.constant 0 : i32
    return %c0_i32, %c0_i32_0, %arg0, %c0_i32_1 : i32, i32, i32, i32
  }
  func.func @transform_9(%arg0: i32) -> (i32, i32) {
    %c0_i32 = arith.constant 0 : i32
    %c0_i32_0 = arith.constant 0 : i32
    return %arg0, %c0_i32 : i32, i32
  }
  func.func @transform_10(%arg0: i32) -> (i32, i32) {
    %c0_i32 = arith.constant 0 : i32
    %c0_i32_0 = arith.constant 0 : i32
    return %arg0, %c0_i32 : i32, i32
  }
  func.func @transform_11(%arg0: i32) -> (i32, i32) {
    %c0_i32 = arith.constant 0 : i32
    %c0_i32_0 = arith.constant 0 : i32
    return %arg0, %c0_i32 : i32, i32
  }
  func.func @transform_12(%arg0: i32) -> (i32, i32) {
    %c0_i32 = arith.constant 0 : i32
    %c0_i32_0 = arith.constant 0 : i32
    return %arg0, %c0_i32 : i32, i32
  }
}

module attributes {stable_mosaic.version = 14 : i64} {
  func.func @_tc_fuse_dense_body(%arg0: i32, %arg1: i32, %arg2: memref<2x1000x64xf32, #tpu.memory_space<vmem>>, %arg3: memref<1000x128xf32, #tpu.memory_space<vmem>>, %arg4: memref<1000x1xf32, #tpu.memory_space<vmem>>, %arg5: memref<1000x1xf32, #tpu.memory_space<vmem>>, %arg6: memref<1x128xf32, #tpu.memory_space<vmem>>, %arg7: memref<1x128xf32, #tpu.memory_space<vmem>>, %arg8: memref<1000x128xf32, #tpu.memory_space<vmem>>, %arg9: memref<128x128xf32, #tpu.memory_space<vmem>>, %arg10: memref<1x128xf32, #tpu.memory_space<vmem>>, %arg11: memref<8x128xf32, #tpu.memory_space<vmem>>, %arg12: memref<1x128xf32, #tpu.memory_space<vmem>>, %arg13: memref<2x4x1000x128xf32, #tpu.memory_space<vmem>>, %arg14: memref<1000x128xf32, #tpu.memory_space<vmem>>, %arg15: memref<1000x128xf32, #tpu.memory_space<vmem>>, %arg16: memref<10000x128xf32, #tpu.memory_space<vmem>>, %arg17: memref<8x128xf32, #tpu.memory_space<vmem>>) attributes {dimension_semantics = [#tpu.dimension_semantics<arbitrary>, #tpu.dimension_semantics<arbitrary>], iteration_bounds = array<i64: 2, 10>, scalar_prefetch = 0 : i64, scratch_operands = 2 : i64, tpu.core_type = #tpu.core_type<tc>, window_params = [{transform_indices = @transform_0, window_bounds = array<i64: 2, 1000, 64>}, {transform_indices = @transform_1, window_bounds = array<i64: 1000, 128>}, {transform_indices = @transform_2, window_bounds = array<i64: 1000, 1>}, {transform_indices = @transform_3, window_bounds = array<i64: 1000, 1>}, {pipeline_mode = #tpu.pipeline_mode<synchronous>, transform_indices = @transform_4, window_bounds = array<i64: 1, 128>}, {pipeline_mode = #tpu.pipeline_mode<synchronous>, transform_indices = @transform_5, window_bounds = array<i64: 1, 128>}, {transform_indices = @transform_6, window_bounds = array<i64: 1000, 128>}, {pipeline_mode = #tpu.pipeline_mode<synchronous>, transform_indices = @transform_7, window_bounds = array<i64: 128, 128>}, {pipeline_mode = #tpu.pipeline_mode<synchronous>, transform_indices = @transform_8, window_bounds = array<i64: 1, 128>}, {pipeline_mode = #tpu.pipeline_mode<synchronous>, transform_indices = @transform_9, window_bounds = array<i64: 8, 128>}, {pipeline_mode = #tpu.pipeline_mode<synchronous>, transform_indices = @transform_10, window_bounds = array<i64: 1, 128>}, {transform_indices = @transform_11, window_bounds = array<i64: 2, 4, 1000, 128>}, {transform_indices = @transform_12, window_bounds = array<i64: 1000, 128>}, {transform_indices = @transform_13, window_bounds = array<i64: 1000, 128>}]} {
    %eq3A = arith.constant 0 : i32
    %eq3A_0 = arith.cmpi eq, %arg0, %eq3A : i32
    %convert_element_type3A = arith.extui %eq3A_0 : i1 to i32
    %cond3A = arith.constant 0 : i32
    %cond3A_1 = arith.cmpi ne, %convert_element_type3A, %cond3A : i32
    scf.if %cond3A_1 {
      %get3A = arith.constant 0 : index
      %get3A_7 = arith.constant 0 : index
      %get3A_8 = arith.constant 0 : index
      %get3A_9 = vector.load %arg2[%get3A, %get3A_7, %get3A_8] : memref<2x1000x64xf32, #tpu.memory_space<vmem>>, vector<1x1000x64xf32>
      %get3A_10 = vector.shape_cast %get3A_9 : vector<1x1000x64xf32> to vector<1000x64xf32>
      %get3A_11 = arith.constant 1 : index
      %get3A_12 = arith.constant 0 : index
      %get3A_13 = arith.constant 0 : index
      %get3A_14 = vector.load %arg2[%get3A_11, %get3A_12, %get3A_13] : memref<2x1000x64xf32, #tpu.memory_space<vmem>>, vector<1x1000x64xf32>
      %get3A_15 = vector.shape_cast %get3A_14 : vector<1x1000x64xf32> to vector<1000x64xf32>
      %concatenate3A = tpu.concatenate %get3A_10, %get3A_15 in 1 : vector<1000x64xf32>, vector<1000x64xf32> -> vector<1000x128xf32>
      %get3A_16 = arith.constant 0 : index
      %get3A_17 = arith.constant 0 : index
      %get3A_18 = vector.load %arg4[%get3A_16, %get3A_17] : memref<1000x1xf32, #tpu.memory_space<vmem>>, vector<1000x1xf32>
      %mul3A = vector.broadcast %get3A_18 : vector<1000x1xf32> to vector<1000x128xf32>
      %mul3A_19 = arith.mulf %concatenate3A, %mul3A : vector<1000x128xf32>
      %get3A_20 = arith.constant 0 : index
      %get3A_21 = arith.constant 0 : index
      %get3A_22 = vector.load %arg3[%get3A_20, %get3A_21] : memref<1000x128xf32, #tpu.memory_space<vmem>>, vector<1000x128xf32>
      %add3A = arith.addf %mul3A_19, %get3A_22 : vector<1000x128xf32>
      %mul3A_23 = arith.constant 1000 : i32
      %mul3A_24 = arith.muli %arg1, %mul3A_23 : i32
      %swap3A = arith.index_cast %mul3A_24 : i32 to index
      %swap3A_25 = arith.constant 0 : index
      %swap3A_26 = vector.load %arg16[%swap3A, %swap3A_25] : memref<10000x128xf32, #tpu.memory_space<vmem>>, vector<1000x128xf32>
      tpu.vector_store %arg16[%swap3A, %swap3A_25], %add3A {strides = array<i32>} : memref<10000x128xf32, #tpu.memory_space<vmem>>, vector<1000x128xf32>,
      %eq3A_27 = arith.constant 0 : i32
      %eq3A_28 = arith.cmpi eq, %arg1, %eq3A_27 : i32
      %convert_element_type3A_29 = arith.extui %eq3A_28 : i1 to i32
      %cond3A_30 = arith.constant 0 : i32
      %cond3A_31 = arith.cmpi ne, %convert_element_type3A_29, %cond3A_30 : i32
      scf.if %cond3A_31 {
        %broadcast_in_dim3A_51 = arith.constant 0.000000e+00 : f32
        %broadcast_in_dim3A_52 = vector.broadcast %broadcast_in_dim3A_51 : f32 to vector<8x128xf32>
        %swap3A_53 = arith.constant 0 : index
        %swap3A_54 = arith.constant 0 : index
        %swap3A_55 = vector.load %arg17[%swap3A_53, %swap3A_54] : memref<8x128xf32, #tpu.memory_space<vmem>>, vector<8x128xf32>
        tpu.vector_store %arg17[%swap3A_53, %swap3A_54], %broadcast_in_dim3A_52 {strides = array<i32>} : memref<8x128xf32, #tpu.memory_space<vmem>>, vector<8x128xf32>,
      } else {
      }
      %reduce_sum3A = arith.constant dense<0.000000e+00> : vector<128xf32>
      %reduce_sum3A_32 = vector.multi_reduction <add>, %add3A, %reduce_sum3A [0] : vector<1000x128xf32> to vector<128xf32>
      %broadcast_in_dim3A = vector.shape_cast %reduce_sum3A_32 : vector<128xf32> to vector<1x128xf32>
      %mul3A_33 = arith.mulf %add3A, %add3A : vector<1000x128xf32>
      %reduce_sum3A_34 = arith.constant dense<0.000000e+00> : vector<128xf32>
      %reduce_sum3A_35 = vector.multi_reduction <add>, %mul3A_33, %reduce_sum3A_34 [0] : vector<1000x128xf32> to vector<128xf32>
      %broadcast_in_dim3A_36 = vector.shape_cast %reduce_sum3A_35 : vector<128xf32> to vector<1x128xf32>
      %get3A_37 = arith.constant 0 : index
      %get3A_38 = arith.constant 0 : index
      %get3A_39 = vector.load %arg17[%get3A_37, %get3A_38] : memref<8x128xf32, #tpu.memory_space<vmem>>, vector<1x128xf32>
      %add3A_40 = arith.addf %get3A_39, %broadcast_in_dim3A : vector<1x128xf32>
      %swap3A_41 = arith.constant 0 : index
      %swap3A_42 = arith.constant 0 : index
      %swap3A_43 = vector.load %arg17[%swap3A_41, %swap3A_42] : memref<8x128xf32, #tpu.memory_space<vmem>>, vector<1x128xf32>
      tpu.vector_store %arg17[%swap3A_41, %swap3A_42], %add3A_40 {strides = array<i32>} : memref<8x128xf32, #tpu.memory_space<vmem>>, vector<1x128xf32>,
      %get3A_44 = arith.constant 1 : index
      %get3A_45 = arith.constant 0 : index
      %get3A_46 = vector.load %arg17[%get3A_44, %get3A_45] : memref<8x128xf32, #tpu.memory_space<vmem>>, vector<1x128xf32>
      %add3A_47 = arith.addf %get3A_46, %broadcast_in_dim3A_36 : vector<1x128xf32>
      %swap3A_48 = arith.constant 1 : index
      %swap3A_49 = arith.constant 0 : index
      %swap3A_50 = vector.load %arg17[%swap3A_48, %swap3A_49] : memref<8x128xf32, #tpu.memory_space<vmem>>, vector<1x128xf32>
      tpu.vector_store %arg17[%swap3A_48, %swap3A_49], %add3A_47 {strides = array<i32>} : memref<8x128xf32, #tpu.memory_space<vmem>>, vector<1x128xf32>,
    } else {
    }
    %eq3A_2 = arith.constant 1 : i32
    %eq3A_3 = arith.cmpi eq, %arg0, %eq3A_2 : i32
    %convert_element_type3A_4 = arith.extui %eq3A_3 : i1 to i32
    %cond3A_5 = arith.constant 0 : i32
    %cond3A_6 = arith.cmpi ne, %convert_element_type3A_4, %cond3A_5 : i32
    scf.if %cond3A_6 {
      %get3A = arith.constant 0 : index
      %get3A_7 = arith.constant 0 : index
      %get3A_8 = vector.load %arg17[%get3A, %get3A_7] : memref<8x128xf32, #tpu.memory_space<vmem>>, vector<1x128xf32>
      %mul3A = arith.constant 9.99999974E-5 : f32
      %mul3A_9 = vector.broadcast %mul3A : f32 to vector<1x128xf32>
      %mul3A_10 = arith.mulf %get3A_8, %mul3A_9 : vector<1x128xf32>
      %get3A_11 = arith.constant 1 : index
      %get3A_12 = arith.constant 0 : index
      %get3A_13 = vector.load %arg17[%get3A_11, %get3A_12] : memref<8x128xf32, #tpu.memory_space<vmem>>, vector<1x128xf32>
      %mul3A_14 = arith.constant 9.99999974E-5 : f32
      %mul3A_15 = vector.broadcast %mul3A_14 : f32 to vector<1x128xf32>
      %mul3A_16 = arith.mulf %get3A_13, %mul3A_15 : vector<1x128xf32>
      %mul3A_17 = arith.mulf %mul3A_10, %mul3A_10 : vector<1x128xf32>
      %sub3A = arith.subf %mul3A_16, %mul3A_17 : vector<1x128xf32>
      %get3A_18 = arith.constant 0 : index
      %get3A_19 = arith.constant 0 : index
      %get3A_20 = vector.load %arg6[%get3A_18, %get3A_19] : memref<1x128xf32, #tpu.memory_space<vmem>>, vector<1x128xf32>
      %add3A = arith.constant 9.99999974E-6 : f32
      %add3A_21 = vector.broadcast %add3A : f32 to vector<1x128xf32>
      %add3A_22 = arith.addf %sub3A, %add3A_21 : vector<1x128xf32>
      %rsqrt3A = math.rsqrt %add3A_22 : vector<1x128xf32>
      %mul3A_23 = arith.mulf %get3A_20, %rsqrt3A : vector<1x128xf32>
      %mul3A_24 = arith.constant 1000 : i32
      %mul3A_25 = arith.muli %arg1, %mul3A_24 : i32
      %get3A_26 = arith.index_cast %mul3A_25 : i32 to index
      %get3A_27 = arith.constant 0 : index
      %get3A_28 = vector.load %arg16[%get3A_26, %get3A_27] : memref<10000x128xf32, #tpu.memory_space<vmem>>, vector<1000x128xf32>
      %sub3A_29 = vector.broadcast %mul3A_10 : vector<1x128xf32> to vector<1000x128xf32>
      %sub3A_30 = arith.subf %get3A_28, %sub3A_29 : vector<1000x128xf32>
      %mul3A_31 = vector.broadcast %mul3A_23 : vector<1x128xf32> to vector<1000x128xf32>
      %mul3A_32 = arith.mulf %sub3A_30, %mul3A_31 : vector<1000x128xf32>
      %get3A_33 = arith.constant 0 : index
      %get3A_34 = arith.constant 0 : index
      %get3A_35 = vector.load %arg7[%get3A_33, %get3A_34] : memref<1x128xf32, #tpu.memory_space<vmem>>, vector<1x128xf32>
      %add3A_36 = vector.broadcast %get3A_35 : vector<1x128xf32> to vector<1000x128xf32>
      %add3A_37 = arith.addf %mul3A_32, %add3A_36 : vector<1000x128xf32>
      %max3A = arith.constant 0.000000e+00 : f32
      %max3A_38 = vector.broadcast %max3A : f32 to vector<1000x128xf32>
      %max3A_39 = arith.maximumf %add3A_37, %max3A_38 : vector<1000x128xf32>
      %get3A_40 = arith.constant 0 : index
      %get3A_41 = arith.constant 0 : index
      %get3A_42 = vector.load %arg8[%get3A_40, %get3A_41] : memref<1000x128xf32, #tpu.memory_space<vmem>>, vector<1000x128xf32>
      %add3A_43 = arith.addf %get3A_42, %max3A_39 : vector<1000x128xf32>
      %swap3A = arith.constant 0 : index
      %swap3A_44 = arith.constant 0 : index
      %swap3A_45 = vector.load %arg15[%swap3A, %swap3A_44] : memref<1000x128xf32, #tpu.memory_space<vmem>>, vector<1000x128xf32>
      tpu.vector_store %arg15[%swap3A, %swap3A_44], %add3A_43 {strides = array<i32>} : memref<1000x128xf32, #tpu.memory_space<vmem>>, vector<1000x128xf32>,
      %get3A_46 = arith.constant 0 : index
      %get3A_47 = arith.constant 0 : index
      %get3A_48 = vector.load %arg9[%get3A_46, %get3A_47] : memref<128x128xf32, #tpu.memory_space<vmem>>, vector<128x128xf32>
      %dot_general3A = arith.constant dense<0.000000e+00> : vector<1000x128xf32>
      %dot_general3A_49 = tpu.matmul %max3A_39, %get3A_48, %dot_general3A {dimension_numbers = #tpu.dot_dimension_numbers<[1], [1], [0], [0], [0, 0, 1, 0], [], []>, transpose_lhs_hint = false} : vector<1000x128xf32>, vector<128x128xf32>, vector<1000x128xf32> -> vector<1000x128xf32>
      %get3A_50 = arith.constant 0 : index
      %get3A_51 = arith.constant 0 : index
      %get3A_52 = vector.load %arg10[%get3A_50, %get3A_51] : memref<1x128xf32, #tpu.memory_space<vmem>>, vector<1x128xf32>
      %add3A_53 = vector.broadcast %get3A_52 : vector<1x128xf32> to vector<1000x128xf32>
      %add3A_54 = arith.addf %dot_general3A_49, %add3A_53 : vector<1000x128xf32>
      %get3A_55 = arith.constant 0 : index
      %get3A_56 = arith.constant 0 : index
      %get3A_57 = vector.load %arg4[%get3A_55, %get3A_56] : memref<1000x1xf32, #tpu.memory_space<vmem>>, vector<1000x1xf32>
      %get3A_58 = arith.constant 0 : index
      %get3A_59 = arith.constant 0 : index
      %get3A_60 = vector.load %arg11[%get3A_58, %get3A_59] : memref<8x128xf32, #tpu.memory_space<vmem>>, vector<1x128xf32>
      %add3A_61 = vector.broadcast %get3A_60 : vector<1x128xf32> to vector<1000x128xf32>
      %add3A_62 = arith.addf %add3A_54, %add3A_61 : vector<1000x128xf32>
      %max3A_63 = arith.constant 0.000000e+00 : f32
      %max3A_64 = vector.broadcast %max3A_63 : f32 to vector<1000x128xf32>
      %max3A_65 = arith.maximumf %add3A_62, %max3A_64 : vector<1000x128xf32>
      %mul3A_66 = vector.broadcast %get3A_57 : vector<1000x1xf32> to vector<1000x128xf32>
      %mul3A_67 = arith.mulf %max3A_65, %mul3A_66 : vector<1000x128xf32>
      %get3A_68 = arith.constant 1 : index
      %get3A_69 = arith.constant 0 : index
      %get3A_70 = vector.load %arg11[%get3A_68, %get3A_69] : memref<8x128xf32, #tpu.memory_space<vmem>>, vector<1x128xf32>
      %add3A_71 = vector.broadcast %get3A_70 : vector<1x128xf32> to vector<1000x128xf32>
      %add3A_72 = arith.addf %add3A_54, %add3A_71 : vector<1000x128xf32>
      %max3A_73 = arith.constant 0.000000e+00 : f32
      %max3A_74 = vector.broadcast %max3A_73 : f32 to vector<1000x128xf32>
      %max3A_75 = arith.maximumf %add3A_72, %max3A_74 : vector<1000x128xf32>
      %mul3A_76 = vector.broadcast %get3A_57 : vector<1000x1xf32> to vector<1000x128xf32>
      %mul3A_77 = arith.mulf %max3A_75, %mul3A_76 : vector<1000x128xf32>
      %slice3A = vector.extract_strided_slice %mul3A_67 {offsets = [0, 0], sizes = [1000, 64], strides = [1, 1]} : vector<1000x128xf32> to vector<1000x64xf32>
      %slice3A_78 = vector.extract_strided_slice %mul3A_77 {offsets = [0, 0], sizes = [1000, 64], strides = [1, 1]} : vector<1000x128xf32> to vector<1000x64xf32>
      %concatenate3A = tpu.concatenate %slice3A, %slice3A_78 in 1 : vector<1000x64xf32>, vector<1000x64xf32> -> vector<1000x128xf32>
      %swap3A_79 = arith.constant 0 : index
      %swap3A_80 = arith.constant 0 : index
      %swap3A_81 = arith.constant 0 : index
      %swap3A_82 = arith.constant 0 : index
      %swap3A_83 = vector.load %arg13[%swap3A_79, %swap3A_80, %swap3A_81, %swap3A_82] : memref<2x4x1000x128xf32, #tpu.memory_space<vmem>>, vector<1x1x1000x128xf32>
      %swap3A_84 = vector.shape_cast %swap3A_83 : vector<1x1x1000x128xf32> to vector<1000x128xf32>
      %swap3A_85 = vector.shape_cast %concatenate3A : vector<1000x128xf32> to vector<1x1x1000x128xf32>
      tpu.vector_store %arg13[%swap3A_79, %swap3A_80, %swap3A_81, %swap3A_82], %swap3A_85 {strides = array<i32>} : memref<2x4x1000x128xf32, #tpu.memory_space<vmem>>, vector<1x1x1000x128xf32>,
      %slice3A_86 = vector.extract_strided_slice %mul3A_67 {offsets = [0, 64], sizes = [1000, 64], strides = [1, 1]} : vector<1000x128xf32> to vector<1000x64xf32>
      %slice3A_87 = vector.extract_strided_slice %mul3A_77 {offsets = [0, 64], sizes = [1000, 64], strides = [1, 1]} : vector<1000x128xf32> to vector<1000x64xf32>
      %concatenate3A_88 = tpu.concatenate %slice3A_86, %slice3A_87 in 1 : vector<1000x64xf32>, vector<1000x64xf32> -> vector<1000x128xf32>
      %swap3A_89 = arith.constant 1 : index
      %swap3A_90 = arith.constant 0 : index
      %swap3A_91 = arith.constant 0 : index
      %swap3A_92 = arith.constant 0 : index
      %swap3A_93 = vector.load %arg13[%swap3A_89, %swap3A_90, %swap3A_91, %swap3A_92] : memref<2x4x1000x128xf32, #tpu.memory_space<vmem>>, vector<1x1x1000x128xf32>
      %swap3A_94 = vector.shape_cast %swap3A_93 : vector<1x1x1000x128xf32> to vector<1000x128xf32>
      %swap3A_95 = vector.shape_cast %concatenate3A_88 : vector<1000x128xf32> to vector<1x1x1000x128xf32>
      tpu.vector_store %arg13[%swap3A_89, %swap3A_90, %swap3A_91, %swap3A_92], %swap3A_95 {strides = array<i32>} : memref<2x4x1000x128xf32, #tpu.memory_space<vmem>>, vector<1x1x1000x128xf32>,
      %get3A_96 = arith.constant 2 : index
      %get3A_97 = arith.constant 0 : index
      %get3A_98 = vector.load %arg11[%get3A_96, %get3A_97] : memref<8x128xf32, #tpu.memory_space<vmem>>, vector<1x128xf32>
      %add3A_99 = vector.broadcast %get3A_98 : vector<1x128xf32> to vector<1000x128xf32>
      %add3A_100 = arith.addf %add3A_54, %add3A_99 : vector<1000x128xf32>
      %max3A_101 = arith.constant 0.000000e+00 : f32
      %max3A_102 = vector.broadcast %max3A_101 : f32 to vector<1000x128xf32>
      %max3A_103 = arith.maximumf %add3A_100, %max3A_102 : vector<1000x128xf32>
      %mul3A_104 = vector.broadcast %get3A_57 : vector<1000x1xf32> to vector<1000x128xf32>
      %mul3A_105 = arith.mulf %max3A_103, %mul3A_104 : vector<1000x128xf32>
      %get3A_106 = arith.constant 3 : index
      %get3A_107 = arith.constant 0 : index
      %get3A_108 = vector.load %arg11[%get3A_106, %get3A_107] : memref<8x128xf32, #tpu.memory_space<vmem>>, vector<1x128xf32>
      %add3A_109 = vector.broadcast %get3A_108 : vector<1x128xf32> to vector<1000x128xf32>
      %add3A_110 = arith.addf %add3A_54, %add3A_109 : vector<1000x128xf32>
      %max3A_111 = arith.constant 0.000000e+00 : f32
      %max3A_112 = vector.broadcast %max3A_111 : f32 to vector<1000x128xf32>
      %max3A_113 = arith.maximumf %add3A_110, %max3A_112 : vector<1000x128xf32>
      %mul3A_114 = vector.broadcast %get3A_57 : vector<1000x1xf32> to vector<1000x128xf32>
      %mul3A_115 = arith.mulf %max3A_113, %mul3A_114 : vector<1000x128xf32>
      %slice3A_116 = vector.extract_strided_slice %mul3A_105 {offsets = [0, 0], sizes = [1000, 64], strides = [1, 1]} : vector<1000x128xf32> to vector<1000x64xf32>
      %slice3A_117 = vector.extract_strided_slice %mul3A_115 {offsets = [0, 0], sizes = [1000, 64], strides = [1, 1]} : vector<1000x128xf32> to vector<1000x64xf32>
      %concatenate3A_118 = tpu.concatenate %slice3A_116, %slice3A_117 in 1 : vector<1000x64xf32>, vector<1000x64xf32> -> vector<1000x128xf32>
      %swap3A_119 = arith.constant 0 : index
      %swap3A_120 = arith.constant 1 : index
      %swap3A_121 = arith.constant 0 : index
      %swap3A_122 = arith.constant 0 : index
      %swap3A_123 = vector.load %arg13[%swap3A_119, %swap3A_120, %swap3A_121, %swap3A_122] : memref<2x4x1000x128xf32, #tpu.memory_space<vmem>>, vector<1x1x1000x128xf32>
      %swap3A_124 = vector.shape_cast %swap3A_123 : vector<1x1x1000x128xf32> to vector<1000x128xf32>
      %swap3A_125 = vector.shape_cast %concatenate3A_118 : vector<1000x128xf32> to vector<1x1x1000x128xf32>
      tpu.vector_store %arg13[%swap3A_119, %swap3A_120, %swap3A_121, %swap3A_122], %swap3A_125 {strides = array<i32>} : memref<2x4x1000x128xf32, #tpu.memory_space<vmem>>, vector<1x1x1000x128xf32>,
      %slice3A_126 = vector.extract_strided_slice %mul3A_105 {offsets = [0, 64], sizes = [1000, 64], strides = [1, 1]} : vector<1000x128xf32> to vector<1000x64xf32>
      %slice3A_127 = vector.extract_strided_slice %mul3A_115 {offsets = [0, 64], sizes = [1000, 64], strides = [1, 1]} : vector<1000x128xf32> to vector<1000x64xf32>
      %concatenate3A_128 = tpu.concatenate %slice3A_126, %slice3A_127 in 1 : vector<1000x64xf32>, vector<1000x64xf32> -> vector<1000x128xf32>
      %swap3A_129 = arith.constant 1 : index
      %swap3A_130 = arith.constant 1 : index
      %swap3A_131 = arith.constant 0 : index
      %swap3A_132 = arith.constant 0 : index
      %swap3A_133 = vector.load %arg13[%swap3A_129, %swap3A_130, %swap3A_131, %swap3A_132] : memref<2x4x1000x128xf32, #tpu.memory_space<vmem>>, vector<1x1x1000x128xf32>
      %swap3A_134 = vector.shape_cast %swap3A_133 : vector<1x1x1000x128xf32> to vector<1000x128xf32>
      %swap3A_135 = vector.shape_cast %concatenate3A_128 : vector<1000x128xf32> to vector<1x1x1000x128xf32>
      tpu.vector_store %arg13[%swap3A_129, %swap3A_130, %swap3A_131, %swap3A_132], %swap3A_135 {strides = array<i32>} : memref<2x4x1000x128xf32, #tpu.memory_space<vmem>>, vector<1x1x1000x128xf32>,
      %get3A_136 = arith.constant 4 : index
      %get3A_137 = arith.constant 0 : index
      %get3A_138 = vector.load %arg11[%get3A_136, %get3A_137] : memref<8x128xf32, #tpu.memory_space<vmem>>, vector<1x128xf32>
      %add3A_139 = vector.broadcast %get3A_138 : vector<1x128xf32> to vector<1000x128xf32>
      %add3A_140 = arith.addf %add3A_54, %add3A_139 : vector<1000x128xf32>
      %max3A_141 = arith.constant 0.000000e+00 : f32
      %max3A_142 = vector.broadcast %max3A_141 : f32 to vector<1000x128xf32>
      %max3A_143 = arith.maximumf %add3A_140, %max3A_142 : vector<1000x128xf32>
      %mul3A_144 = vector.broadcast %get3A_57 : vector<1000x1xf32> to vector<1000x128xf32>
      %mul3A_145 = arith.mulf %max3A_143, %mul3A_144 : vector<1000x128xf32>
      %get3A_146 = arith.constant 5 : index
      %get3A_147 = arith.constant 0 : index
      %get3A_148 = vector.load %arg11[%get3A_146, %get3A_147] : memref<8x128xf32, #tpu.memory_space<vmem>>, vector<1x128xf32>
      %add3A_149 = vector.broadcast %get3A_148 : vector<1x128xf32> to vector<1000x128xf32>
      %add3A_150 = arith.addf %add3A_54, %add3A_149 : vector<1000x128xf32>
      %max3A_151 = arith.constant 0.000000e+00 : f32
      %max3A_152 = vector.broadcast %max3A_151 : f32 to vector<1000x128xf32>
      %max3A_153 = arith.maximumf %add3A_150, %max3A_152 : vector<1000x128xf32>
      %mul3A_154 = vector.broadcast %get3A_57 : vector<1000x1xf32> to vector<1000x128xf32>
      %mul3A_155 = arith.mulf %max3A_153, %mul3A_154 : vector<1000x128xf32>
      %slice3A_156 = vector.extract_strided_slice %mul3A_145 {offsets = [0, 0], sizes = [1000, 64], strides = [1, 1]} : vector<1000x128xf32> to vector<1000x64xf32>
      %slice3A_157 = vector.extract_strided_slice %mul3A_155 {offsets = [0, 0], sizes = [1000, 64], strides = [1, 1]} : vector<1000x128xf32> to vector<1000x64xf32>
      %concatenate3A_158 = tpu.concatenate %slice3A_156, %slice3A_157 in 1 : vector<1000x64xf32>, vector<1000x64xf32> -> vector<1000x128xf32>
      %swap3A_159 = arith.constant 0 : index
      %swap3A_160 = arith.constant 2 : index
      %swap3A_161 = arith.constant 0 : index
      %swap3A_162 = arith.constant 0 : index
      %swap3A_163 = vector.load %arg13[%swap3A_159, %swap3A_160, %swap3A_161, %swap3A_162] : memref<2x4x1000x128xf32, #tpu.memory_space<vmem>>, vector<1x1x1000x128xf32>
      %swap3A_164 = vector.shape_cast %swap3A_163 : vector<1x1x1000x128xf32> to vector<1000x128xf32>
      %swap3A_165 = vector.shape_cast %concatenate3A_158 : vector<1000x128xf32> to vector<1x1x1000x128xf32>
      tpu.vector_store %arg13[%swap3A_159, %swap3A_160, %swap3A_161, %swap3A_162], %swap3A_165 {strides = array<i32>} : memref<2x4x1000x128xf32, #tpu.memory_space<vmem>>, vector<1x1x1000x128xf32>,
      %slice3A_166 = vector.extract_strided_slice %mul3A_145 {offsets = [0, 64], sizes = [1000, 64], strides = [1, 1]} : vector<1000x128xf32> to vector<1000x64xf32>
      %slice3A_167 = vector.extract_strided_slice %mul3A_155 {offsets = [0, 64], sizes = [1000, 64], strides = [1, 1]} : vector<1000x128xf32> to vector<1000x64xf32>
      %concatenate3A_168 = tpu.concatenate %slice3A_166, %slice3A_167 in 1 : vector<1000x64xf32>, vector<1000x64xf32> -> vector<1000x128xf32>
      %swap3A_169 = arith.constant 1 : index
      %swap3A_170 = arith.constant 2 : index
      %swap3A_171 = arith.constant 0 : index
      %swap3A_172 = arith.constant 0 : index
      %swap3A_173 = vector.load %arg13[%swap3A_169, %swap3A_170, %swap3A_171, %swap3A_172] : memref<2x4x1000x128xf32, #tpu.memory_space<vmem>>, vector<1x1x1000x128xf32>
      %swap3A_174 = vector.shape_cast %swap3A_173 : vector<1x1x1000x128xf32> to vector<1000x128xf32>
      %swap3A_175 = vector.shape_cast %concatenate3A_168 : vector<1000x128xf32> to vector<1x1x1000x128xf32>
      tpu.vector_store %arg13[%swap3A_169, %swap3A_170, %swap3A_171, %swap3A_172], %swap3A_175 {strides = array<i32>} : memref<2x4x1000x128xf32, #tpu.memory_space<vmem>>, vector<1x1x1000x128xf32>,
      %get3A_176 = arith.constant 6 : index
      %get3A_177 = arith.constant 0 : index
      %get3A_178 = vector.load %arg11[%get3A_176, %get3A_177] : memref<8x128xf32, #tpu.memory_space<vmem>>, vector<1x128xf32>
      %add3A_179 = vector.broadcast %get3A_178 : vector<1x128xf32> to vector<1000x128xf32>
      %add3A_180 = arith.addf %add3A_54, %add3A_179 : vector<1000x128xf32>
      %max3A_181 = arith.constant 0.000000e+00 : f32
      %max3A_182 = vector.broadcast %max3A_181 : f32 to vector<1000x128xf32>
      %max3A_183 = arith.maximumf %add3A_180, %max3A_182 : vector<1000x128xf32>
      %mul3A_184 = vector.broadcast %get3A_57 : vector<1000x1xf32> to vector<1000x128xf32>
      %mul3A_185 = arith.mulf %max3A_183, %mul3A_184 : vector<1000x128xf32>
      %get3A_186 = arith.constant 7 : index
      %get3A_187 = arith.constant 0 : index
      %get3A_188 = vector.load %arg11[%get3A_186, %get3A_187] : memref<8x128xf32, #tpu.memory_space<vmem>>, vector<1x128xf32>
      %add3A_189 = vector.broadcast %get3A_188 : vector<1x128xf32> to vector<1000x128xf32>
      %add3A_190 = arith.addf %add3A_54, %add3A_189 : vector<1000x128xf32>
      %max3A_191 = arith.constant 0.000000e+00 : f32
      %max3A_192 = vector.broadcast %max3A_191 : f32 to vector<1000x128xf32>
      %max3A_193 = arith.maximumf %add3A_190, %max3A_192 : vector<1000x128xf32>
      %mul3A_194 = vector.broadcast %get3A_57 : vector<1000x1xf32> to vector<1000x128xf32>
      %mul3A_195 = arith.mulf %max3A_193, %mul3A_194 : vector<1000x128xf32>
      %slice3A_196 = vector.extract_strided_slice %mul3A_185 {offsets = [0, 0], sizes = [1000, 64], strides = [1, 1]} : vector<1000x128xf32> to vector<1000x64xf32>
      %slice3A_197 = vector.extract_strided_slice %mul3A_195 {offsets = [0, 0], sizes = [1000, 64], strides = [1, 1]} : vector<1000x128xf32> to vector<1000x64xf32>
      %concatenate3A_198 = tpu.concatenate %slice3A_196, %slice3A_197 in 1 : vector<1000x64xf32>, vector<1000x64xf32> -> vector<1000x128xf32>
      %swap3A_199 = arith.constant 0 : index
      %swap3A_200 = arith.constant 3 : index
      %swap3A_201 = arith.constant 0 : index
      %swap3A_202 = arith.constant 0 : index
      %swap3A_203 = vector.load %arg13[%swap3A_199, %swap3A_200, %swap3A_201, %swap3A_202] : memref<2x4x1000x128xf32, #tpu.memory_space<vmem>>, vector<1x1x1000x128xf32>
      %swap3A_204 = vector.shape_cast %swap3A_203 : vector<1x1x1000x128xf32> to vector<1000x128xf32>
      %swap3A_205 = vector.shape_cast %concatenate3A_198 : vector<1000x128xf32> to vector<1x1x1000x128xf32>
      tpu.vector_store %arg13[%swap3A_199, %swap3A_200, %swap3A_201, %swap3A_202], %swap3A_205 {strides = array<i32>} : memref<2x4x1000x128xf32, #tpu.memory_space<vmem>>, vector<1x1x1000x128xf32>,
      %slice3A_206 = vector.extract_strided_slice %mul3A_185 {offsets = [0, 64], sizes = [1000, 64], strides = [1, 1]} : vector<1000x128xf32> to vector<1000x64xf32>
      %slice3A_207 = vector.extract_strided_slice %mul3A_195 {offsets = [0, 64], sizes = [1000, 64], strides = [1, 1]} : vector<1000x128xf32> to vector<1000x64xf32>
      %concatenate3A_208 = tpu.concatenate %slice3A_206, %slice3A_207 in 1 : vector<1000x64xf32>, vector<1000x64xf32> -> vector<1000x128xf32>
      %swap3A_209 = arith.constant 1 : index
      %swap3A_210 = arith.constant 3 : index
      %swap3A_211 = arith.constant 0 : index
      %swap3A_212 = arith.constant 0 : index
      %swap3A_213 = vector.load %arg13[%swap3A_209, %swap3A_210, %swap3A_211, %swap3A_212] : memref<2x4x1000x128xf32, #tpu.memory_space<vmem>>, vector<1x1x1000x128xf32>
      %swap3A_214 = vector.shape_cast %swap3A_213 : vector<1x1x1000x128xf32> to vector<1000x128xf32>
      %swap3A_215 = vector.shape_cast %concatenate3A_208 : vector<1000x128xf32> to vector<1x1x1000x128xf32>
      tpu.vector_store %arg13[%swap3A_209, %swap3A_210, %swap3A_211, %swap3A_212], %swap3A_215 {strides = array<i32>} : memref<2x4x1000x128xf32, #tpu.memory_space<vmem>>, vector<1x1x1000x128xf32>,
      %get3A_216 = arith.constant 0 : index
      %get3A_217 = arith.constant 0 : index
      %get3A_218 = vector.load %arg12[%get3A_216, %get3A_217] : memref<1x128xf32, #tpu.memory_space<vmem>>, vector<1x128xf32>
      %add3A_219 = vector.broadcast %get3A_218 : vector<1x128xf32> to vector<1000x128xf32>
      %add3A_220 = arith.addf %add3A_54, %add3A_219 : vector<1000x128xf32>
      %max3A_221 = arith.constant 0.000000e+00 : f32
      %max3A_222 = vector.broadcast %max3A_221 : f32 to vector<1000x128xf32>
      %max3A_223 = arith.maximumf %add3A_220, %max3A_222 : vector<1000x128xf32>
      %get3A_224 = arith.constant 0 : index
      %get3A_225 = arith.constant 0 : index
      %get3A_226 = vector.load %arg5[%get3A_224, %get3A_225] : memref<1000x1xf32, #tpu.memory_space<vmem>>, vector<1000x1xf32>
      %mul3A_227 = vector.broadcast %get3A_226 : vector<1000x1xf32> to vector<1000x128xf32>
      %mul3A_228 = arith.mulf %max3A_223, %mul3A_227 : vector<1000x128xf32>
      %swap3A_229 = arith.constant 0 : index
      %swap3A_230 = arith.constant 0 : index
      %swap3A_231 = vector.load %arg14[%swap3A_229, %swap3A_230] : memref<1000x128xf32, #tpu.memory_space<vmem>>, vector<1000x128xf32>
      tpu.vector_store %arg14[%swap3A_229, %swap3A_230], %mul3A_228 {strides = array<i32>} : memref<1000x128xf32, #tpu.memory_space<vmem>>, vector<1000x128xf32>,
    } else {
    }
    return
  }
  func.func @transform_0(%arg0: i32, %arg1: i32) -> (i32, i32, i32) {
    %eq3A = arith.constant 0 : i32
    %eq3A_0 = arith.cmpi eq, %arg0, %eq3A : i32
    %jit3A = arith.constant 0 : i32
    %select_n3A = arith.select %eq3A_0, %arg1, %jit3A : i32
    %c0_i32 = arith.constant 0 : i32
    %c0_i32_1 = arith.constant 0 : i32
    %c0_i32_2 = arith.constant 0 : i32
    return %c0_i32, %select_n3A, %c0_i32_1 : i32, i32, i32
  }
  func.func @transform_1(%arg0: i32, %arg1: i32) -> (i32, i32) {
    %eq3A = arith.constant 0 : i32
    %eq3A_0 = arith.cmpi eq, %arg0, %eq3A : i32
    %jit3A = arith.constant 0 : i32
    %select_n3A = arith.select %eq3A_0, %arg1, %jit3A : i32
    %c0_i32 = arith.constant 0 : i32
    %c0_i32_1 = arith.constant 0 : i32
    return %select_n3A, %c0_i32 : i32, i32
  }
  func.func @transform_2(%arg0: i32, %arg1: i32) -> (i32, i32) {
    %c0_i32 = arith.constant 0 : i32
    %c0_i32_0 = arith.constant 0 : i32
    return %arg1, %c0_i32 : i32, i32
  }
  func.func @transform_3(%arg0: i32, %arg1: i32) -> (i32, i32) {
    %eq3A = arith.constant 1 : i32
    %eq3A_0 = arith.cmpi eq, %arg0, %eq3A : i32
    %jit3A = arith.constant 0 : i32
    %select_n3A = arith.select %eq3A_0, %arg1, %jit3A : i32
    %c0_i32 = arith.constant 0 : i32
    %c0_i32_1 = arith.constant 0 : i32
    return %select_n3A, %c0_i32 : i32, i32
  }
  func.func @transform_4(%arg0: i32, %arg1: i32) -> (i32, i32) {
    %c0_i32 = arith.constant 0 : i32
    %c0_i32_0 = arith.constant 0 : i32
    %c0_i32_1 = arith.constant 0 : i32
    return %c0_i32, %c0_i32_0 : i32, i32
  }
  func.func @transform_5(%arg0: i32, %arg1: i32) -> (i32, i32) {
    %c0_i32 = arith.constant 0 : i32
    %c0_i32_0 = arith.constant 0 : i32
    %c0_i32_1 = arith.constant 0 : i32
    return %c0_i32, %c0_i32_0 : i32, i32
  }
  func.func @transform_6(%arg0: i32, %arg1: i32) -> (i32, i32) {
    %eq3A = arith.constant 1 : i32
    %eq3A_0 = arith.cmpi eq, %arg0, %eq3A : i32
    %jit3A = arith.constant 0 : i32
    %select_n3A = arith.select %eq3A_0, %arg1, %jit3A : i32
    %c0_i32 = arith.constant 0 : i32
    %c0_i32_1 = arith.constant 0 : i32
    return %select_n3A, %c0_i32 : i32, i32
  }
  func.func @transform_7(%arg0: i32, %arg1: i32) -> (i32, i32) {
    %c0_i32 = arith.constant 0 : i32
    %c0_i32_0 = arith.constant 0 : i32
    %c0_i32_1 = arith.constant 0 : i32
    return %c0_i32, %c0_i32_0 : i32, i32
  }
  func.func @transform_8(%arg0: i32, %arg1: i32) -> (i32, i32) {
    %c0_i32 = arith.constant 0 : i32
    %c0_i32_0 = arith.constant 0 : i32
    %c0_i32_1 = arith.constant 0 : i32
    return %c0_i32, %c0_i32_0 : i32, i32
  }
  func.func @transform_9(%arg0: i32, %arg1: i32) -> (i32, i32) {
    %c0_i32 = arith.constant 0 : i32
    %c0_i32_0 = arith.constant 0 : i32
    %c0_i32_1 = arith.constant 0 : i32
    return %c0_i32, %c0_i32_0 : i32, i32
  }
  func.func @transform_10(%arg0: i32, %arg1: i32) -> (i32, i32) {
    %c0_i32 = arith.constant 0 : i32
    %c0_i32_0 = arith.constant 0 : i32
    %c0_i32_1 = arith.constant 0 : i32
    return %c0_i32, %c0_i32_0 : i32, i32
  }
  func.func @transform_11(%arg0: i32, %arg1: i32) -> (i32, i32, i32, i32) {
    %eq3A = arith.constant 1 : i32
    %eq3A_0 = arith.cmpi eq, %arg0, %eq3A : i32
    %jit3A = arith.constant 0 : i32
    %select_n3A = arith.select %eq3A_0, %arg1, %jit3A : i32
    %c0_i32 = arith.constant 0 : i32
    %c0_i32_1 = arith.constant 0 : i32
    %c0_i32_2 = arith.constant 0 : i32
    %c0_i32_3 = arith.constant 0 : i32
    return %c0_i32, %c0_i32_1, %select_n3A, %c0_i32_2 : i32, i32, i32, i32
  }
  func.func @transform_12(%arg0: i32, %arg1: i32) -> (i32, i32) {
    %eq3A = arith.constant 1 : i32
    %eq3A_0 = arith.cmpi eq, %arg0, %eq3A : i32
    %jit3A = arith.constant 0 : i32
    %select_n3A = arith.select %eq3A_0, %arg1, %jit3A : i32
    %c0_i32 = arith.constant 0 : i32
    %c0_i32_1 = arith.constant 0 : i32
    return %select_n3A, %c0_i32 : i32, i32
  }
  func.func @transform_13(%arg0: i32, %arg1: i32) -> (i32, i32) {
    %eq3A = arith.constant 1 : i32
    %eq3A_0 = arith.cmpi eq, %arg0, %eq3A : i32
    %jit3A = arith.constant 0 : i32
    %select_n3A = arith.select %eq3A_0, %arg1, %jit3A : i32
    %c0_i32 = arith.constant 0 : i32
    %c0_i32_1 = arith.constant 0 : i32
    return %select_n3A, %c0_i32 : i32, i32
  }
}

module attributes {stable_mosaic.version = 14 : i64} {
  func.func @_tc_fuse_norm_body(%arg0: i32, %arg1: i32, %arg2: memref<2x1000x64xf32, #tpu.memory_space<vmem>>, %arg3: memref<1000x128xf32, #tpu.memory_space<vmem>>, %arg4: memref<1000x1xf32, #tpu.memory_space<vmem>>, %arg5: memref<1x128xf32, #tpu.memory_space<vmem>>, %arg6: memref<1x128xf32, #tpu.memory_space<vmem>>, %arg7: memref<1000x128xf32, #tpu.memory_space<vmem>>, %arg8: memref<1000x128xf32, #tpu.memory_space<vmem>>, %arg9: memref<10000x128xf32, #tpu.memory_space<vmem>>, %arg10: memref<8x128xf32, #tpu.memory_space<vmem>>) attributes {dimension_semantics = [#tpu.dimension_semantics<arbitrary>, #tpu.dimension_semantics<arbitrary>], iteration_bounds = array<i64: 2, 10>, scalar_prefetch = 0 : i64, scratch_operands = 2 : i64, tpu.core_type = #tpu.core_type<tc>, window_params = [{transform_indices = @transform_0, window_bounds = array<i64: 2, 1000, 64>}, {transform_indices = @transform_1, window_bounds = array<i64: 1000, 128>}, {transform_indices = @transform_2, window_bounds = array<i64: 1000, 1>}, {pipeline_mode = #tpu.pipeline_mode<synchronous>, transform_indices = @transform_3, window_bounds = array<i64: 1, 128>}, {pipeline_mode = #tpu.pipeline_mode<synchronous>, transform_indices = @transform_4, window_bounds = array<i64: 1, 128>}, {transform_indices = @transform_5, window_bounds = array<i64: 1000, 128>}, {transform_indices = @transform_6, window_bounds = array<i64: 1000, 128>}]} {
    %eq3A = arith.constant 0 : i32
    %eq3A_0 = arith.cmpi eq, %arg0, %eq3A : i32
    %convert_element_type3A = arith.extui %eq3A_0 : i1 to i32
    %cond3A = arith.constant 0 : i32
    %cond3A_1 = arith.cmpi ne, %convert_element_type3A, %cond3A : i32
    scf.if %cond3A_1 {
      %get3A = arith.constant 0 : index
      %get3A_7 = arith.constant 0 : index
      %get3A_8 = arith.constant 0 : index
      %get3A_9 = vector.load %arg2[%get3A, %get3A_7, %get3A_8] : memref<2x1000x64xf32, #tpu.memory_space<vmem>>, vector<1x1000x64xf32>
      %get3A_10 = vector.shape_cast %get3A_9 : vector<1x1000x64xf32> to vector<1000x64xf32>
      %get3A_11 = arith.constant 1 : index
      %get3A_12 = arith.constant 0 : index
      %get3A_13 = arith.constant 0 : index
      %get3A_14 = vector.load %arg2[%get3A_11, %get3A_12, %get3A_13] : memref<2x1000x64xf32, #tpu.memory_space<vmem>>, vector<1x1000x64xf32>
      %get3A_15 = vector.shape_cast %get3A_14 : vector<1x1000x64xf32> to vector<1000x64xf32>
      %concatenate3A = tpu.concatenate %get3A_10, %get3A_15 in 1 : vector<1000x64xf32>, vector<1000x64xf32> -> vector<1000x128xf32>
      %get3A_16 = arith.constant 0 : index
      %get3A_17 = arith.constant 0 : index
      %get3A_18 = vector.load %arg4[%get3A_16, %get3A_17] : memref<1000x1xf32, #tpu.memory_space<vmem>>, vector<1000x1xf32>
      %mul3A = vector.broadcast %get3A_18 : vector<1000x1xf32> to vector<1000x128xf32>
      %mul3A_19 = arith.mulf %concatenate3A, %mul3A : vector<1000x128xf32>
      %get3A_20 = arith.constant 0 : index
      %get3A_21 = arith.constant 0 : index
      %get3A_22 = vector.load %arg3[%get3A_20, %get3A_21] : memref<1000x128xf32, #tpu.memory_space<vmem>>, vector<1000x128xf32>
      %add3A = arith.addf %mul3A_19, %get3A_22 : vector<1000x128xf32>
      %mul3A_23 = arith.constant 1000 : i32
      %mul3A_24 = arith.muli %arg1, %mul3A_23 : i32
      %swap3A = arith.index_cast %mul3A_24 : i32 to index
      %swap3A_25 = arith.constant 0 : index
      %swap3A_26 = vector.load %arg9[%swap3A, %swap3A_25] : memref<10000x128xf32, #tpu.memory_space<vmem>>, vector<1000x128xf32>
      tpu.vector_store %arg9[%swap3A, %swap3A_25], %add3A {strides = array<i32>} : memref<10000x128xf32, #tpu.memory_space<vmem>>, vector<1000x128xf32>,
      %eq3A_27 = arith.constant 0 : i32
      %eq3A_28 = arith.cmpi eq, %arg1, %eq3A_27 : i32
      %convert_element_type3A_29 = arith.extui %eq3A_28 : i1 to i32
      %cond3A_30 = arith.constant 0 : i32
      %cond3A_31 = arith.cmpi ne, %convert_element_type3A_29, %cond3A_30 : i32
      scf.if %cond3A_31 {
        %broadcast_in_dim3A_51 = arith.constant 0.000000e+00 : f32
        %broadcast_in_dim3A_52 = vector.broadcast %broadcast_in_dim3A_51 : f32 to vector<8x128xf32>
        %swap3A_53 = arith.constant 0 : index
        %swap3A_54 = arith.constant 0 : index
        %swap3A_55 = vector.load %arg10[%swap3A_53, %swap3A_54] : memref<8x128xf32, #tpu.memory_space<vmem>>, vector<8x128xf32>
        tpu.vector_store %arg10[%swap3A_53, %swap3A_54], %broadcast_in_dim3A_52 {strides = array<i32>} : memref<8x128xf32, #tpu.memory_space<vmem>>, vector<8x128xf32>,
      } else {
      }
      %reduce_sum3A = arith.constant dense<0.000000e+00> : vector<128xf32>
      %reduce_sum3A_32 = vector.multi_reduction <add>, %add3A, %reduce_sum3A [0] : vector<1000x128xf32> to vector<128xf32>
      %broadcast_in_dim3A = vector.shape_cast %reduce_sum3A_32 : vector<128xf32> to vector<1x128xf32>
      %mul3A_33 = arith.mulf %add3A, %add3A : vector<1000x128xf32>
      %reduce_sum3A_34 = arith.constant dense<0.000000e+00> : vector<128xf32>
      %reduce_sum3A_35 = vector.multi_reduction <add>, %mul3A_33, %reduce_sum3A_34 [0] : vector<1000x128xf32> to vector<128xf32>
      %broadcast_in_dim3A_36 = vector.shape_cast %reduce_sum3A_35 : vector<128xf32> to vector<1x128xf32>
      %get3A_37 = arith.constant 0 : index
      %get3A_38 = arith.constant 0 : index
      %get3A_39 = vector.load %arg10[%get3A_37, %get3A_38] : memref<8x128xf32, #tpu.memory_space<vmem>>, vector<1x128xf32>
      %add3A_40 = arith.addf %get3A_39, %broadcast_in_dim3A : vector<1x128xf32>
      %swap3A_41 = arith.constant 0 : index
      %swap3A_42 = arith.constant 0 : index
      %swap3A_43 = vector.load %arg10[%swap3A_41, %swap3A_42] : memref<8x128xf32, #tpu.memory_space<vmem>>, vector<1x128xf32>
      tpu.vector_store %arg10[%swap3A_41, %swap3A_42], %add3A_40 {strides = array<i32>} : memref<8x128xf32, #tpu.memory_space<vmem>>, vector<1x128xf32>,
      %get3A_44 = arith.constant 1 : index
      %get3A_45 = arith.constant 0 : index
      %get3A_46 = vector.load %arg10[%get3A_44, %get3A_45] : memref<8x128xf32, #tpu.memory_space<vmem>>, vector<1x128xf32>
      %add3A_47 = arith.addf %get3A_46, %broadcast_in_dim3A_36 : vector<1x128xf32>
      %swap3A_48 = arith.constant 1 : index
      %swap3A_49 = arith.constant 0 : index
      %swap3A_50 = vector.load %arg10[%swap3A_48, %swap3A_49] : memref<8x128xf32, #tpu.memory_space<vmem>>, vector<1x128xf32>
      tpu.vector_store %arg10[%swap3A_48, %swap3A_49], %add3A_47 {strides = array<i32>} : memref<8x128xf32, #tpu.memory_space<vmem>>, vector<1x128xf32>,
    } else {
    }
    %eq3A_2 = arith.constant 1 : i32
    %eq3A_3 = arith.cmpi eq, %arg0, %eq3A_2 : i32
    %convert_element_type3A_4 = arith.extui %eq3A_3 : i1 to i32
    %cond3A_5 = arith.constant 0 : i32
    %cond3A_6 = arith.cmpi ne, %convert_element_type3A_4, %cond3A_5 : i32
    scf.if %cond3A_6 {
      %get3A = arith.constant 0 : index
      %get3A_7 = arith.constant 0 : index
      %get3A_8 = vector.load %arg10[%get3A, %get3A_7] : memref<8x128xf32, #tpu.memory_space<vmem>>, vector<1x128xf32>
      %mul3A = arith.constant 9.99999974E-5 : f32
      %mul3A_9 = vector.broadcast %mul3A : f32 to vector<1x128xf32>
      %mul3A_10 = arith.mulf %get3A_8, %mul3A_9 : vector<1x128xf32>
      %get3A_11 = arith.constant 1 : index
      %get3A_12 = arith.constant 0 : index
      %get3A_13 = vector.load %arg10[%get3A_11, %get3A_12] : memref<8x128xf32, #tpu.memory_space<vmem>>, vector<1x128xf32>
      %mul3A_14 = arith.constant 9.99999974E-5 : f32
      %mul3A_15 = vector.broadcast %mul3A_14 : f32 to vector<1x128xf32>
      %mul3A_16 = arith.mulf %get3A_13, %mul3A_15 : vector<1x128xf32>
      %mul3A_17 = arith.mulf %mul3A_10, %mul3A_10 : vector<1x128xf32>
      %sub3A = arith.subf %mul3A_16, %mul3A_17 : vector<1x128xf32>
      %get3A_18 = arith.constant 0 : index
      %get3A_19 = arith.constant 0 : index
      %get3A_20 = vector.load %arg5[%get3A_18, %get3A_19] : memref<1x128xf32, #tpu.memory_space<vmem>>, vector<1x128xf32>
      %add3A = arith.constant 9.99999974E-6 : f32
      %add3A_21 = vector.broadcast %add3A : f32 to vector<1x128xf32>
      %add3A_22 = arith.addf %sub3A, %add3A_21 : vector<1x128xf32>
      %rsqrt3A = math.rsqrt %add3A_22 : vector<1x128xf32>
      %mul3A_23 = arith.mulf %get3A_20, %rsqrt3A : vector<1x128xf32>
      %mul3A_24 = arith.constant 1000 : i32
      %mul3A_25 = arith.muli %arg1, %mul3A_24 : i32
      %get3A_26 = arith.index_cast %mul3A_25 : i32 to index
      %get3A_27 = arith.constant 0 : index
      %get3A_28 = vector.load %arg9[%get3A_26, %get3A_27] : memref<10000x128xf32, #tpu.memory_space<vmem>>, vector<1000x128xf32>
      %sub3A_29 = vector.broadcast %mul3A_10 : vector<1x128xf32> to vector<1000x128xf32>
      %sub3A_30 = arith.subf %get3A_28, %sub3A_29 : vector<1000x128xf32>
      %mul3A_31 = vector.broadcast %mul3A_23 : vector<1x128xf32> to vector<1000x128xf32>
      %mul3A_32 = arith.mulf %sub3A_30, %mul3A_31 : vector<1000x128xf32>
      %get3A_33 = arith.constant 0 : index
      %get3A_34 = arith.constant 0 : index
      %get3A_35 = vector.load %arg6[%get3A_33, %get3A_34] : memref<1x128xf32, #tpu.memory_space<vmem>>, vector<1x128xf32>
      %add3A_36 = vector.broadcast %get3A_35 : vector<1x128xf32> to vector<1000x128xf32>
      %add3A_37 = arith.addf %mul3A_32, %add3A_36 : vector<1000x128xf32>
      %get3A_38 = arith.constant 0 : index
      %get3A_39 = arith.constant 0 : index
      %get3A_40 = vector.load %arg7[%get3A_38, %get3A_39] : memref<1000x128xf32, #tpu.memory_space<vmem>>, vector<1000x128xf32>
      %add3A_41 = arith.addf %get3A_40, %add3A_37 : vector<1000x128xf32>
      %swap3A = arith.constant 0 : index
      %swap3A_42 = arith.constant 0 : index
      %swap3A_43 = vector.load %arg8[%swap3A, %swap3A_42] : memref<1000x128xf32, #tpu.memory_space<vmem>>, vector<1000x128xf32>
      tpu.vector_store %arg8[%swap3A, %swap3A_42], %add3A_41 {strides = array<i32>} : memref<1000x128xf32, #tpu.memory_space<vmem>>, vector<1000x128xf32>,
    } else {
    }
    return
  }
  func.func @transform_0(%arg0: i32, %arg1: i32) -> (i32, i32, i32) {
    %eq3A = arith.constant 0 : i32
    %eq3A_0 = arith.cmpi eq, %arg0, %eq3A : i32
    %jit3A = arith.constant 0 : i32
    %select_n3A = arith.select %eq3A_0, %arg1, %jit3A : i32
    %c0_i32 = arith.constant 0 : i32
    %c0_i32_1 = arith.constant 0 : i32
    %c0_i32_2 = arith.constant 0 : i32
    return %c0_i32, %select_n3A, %c0_i32_1 : i32, i32, i32
  }
  func.func @transform_1(%arg0: i32, %arg1: i32) -> (i32, i32) {
    %eq3A = arith.constant 0 : i32
    %eq3A_0 = arith.cmpi eq, %arg0, %eq3A : i32
    %jit3A = arith.constant 0 : i32
    %select_n3A = arith.select %eq3A_0, %arg1, %jit3A : i32
    %c0_i32 = arith.constant 0 : i32
    %c0_i32_1 = arith.constant 0 : i32
    return %select_n3A, %c0_i32 : i32, i32
  }
  func.func @transform_2(%arg0: i32, %arg1: i32) -> (i32, i32) {
    %eq3A = arith.constant 0 : i32
    %eq3A_0 = arith.cmpi eq, %arg0, %eq3A : i32
    %jit3A = arith.constant 0 : i32
    %select_n3A = arith.select %eq3A_0, %arg1, %jit3A : i32
    %c0_i32 = arith.constant 0 : i32
    %c0_i32_1 = arith.constant 0 : i32
    return %select_n3A, %c0_i32 : i32, i32
  }
  func.func @transform_3(%arg0: i32, %arg1: i32) -> (i32, i32) {
    %c0_i32 = arith.constant 0 : i32
    %c0_i32_0 = arith.constant 0 : i32
    %c0_i32_1 = arith.constant 0 : i32
    return %c0_i32, %c0_i32_0 : i32, i32
  }
  func.func @transform_4(%arg0: i32, %arg1: i32) -> (i32, i32) {
    %c0_i32 = arith.constant 0 : i32
    %c0_i32_0 = arith.constant 0 : i32
    %c0_i32_1 = arith.constant 0 : i32
    return %c0_i32, %c0_i32_0 : i32, i32
  }
  func.func @transform_5(%arg0: i32, %arg1: i32) -> (i32, i32) {
    %eq3A = arith.constant 1 : i32
    %eq3A_0 = arith.cmpi eq, %arg0, %eq3A : i32
    %jit3A = arith.constant 0 : i32
    %select_n3A = arith.select %eq3A_0, %arg1, %jit3A : i32
    %c0_i32 = arith.constant 0 : i32
    %c0_i32_1 = arith.constant 0 : i32
    return %select_n3A, %c0_i32 : i32, i32
  }
  func.func @transform_6(%arg0: i32, %arg1: i32) -> (i32, i32) {
    %eq3A = arith.constant 1 : i32
    %eq3A_0 = arith.cmpi eq, %arg0, %eq3A : i32
    %jit3A = arith.constant 0 : i32
    %select_n3A = arith.select %eq3A_0, %arg1, %jit3A : i32
    %c0_i32 = arith.constant 0 : i32
    %c0_i32_1 = arith.constant 0 : i32
    return %select_n3A, %c0_i32 : i32, i32
  }
}

</mosaic_0001>

<sc_bundles>
// kernel: kernel.10.cloned.1.call-start
scs
__scs_entry_jumppad:
0x0: {  	(pc) =	sbr.rel $0x88, $3  }
0x1: {  	(tag) =	ssettag $0x0;
	lr =	simm.s32 $0x1  }
0x2: {  	[smem:$0x3F97] =	sst lr;
	_ =	strace $0xD0000000  }
0x3: {  	_ = 	snop  }
0x4: {  	_ = 	snop  }
0x5: {  	_ = 	snop  }
0x6: {  	_ = 	snop  }
0x7: {  	_ = 	snop  }
__scs_overlays_trampoline_lowered:
0x8: {  	[smem:$0x3FA6] =	sst s0  }
0x9: {  	[smem:$0x3FA7] =	sst s1  }
0xa: {  	[smem:$0x3FA8] =	sst s2  }
0xb: {  	[smem:$0x3FA9] =	sst s3  }
0xc: {  	[smem:$0x3FAA] =	sst s4  }
0xd: {  	[smem:$0x3FAB] =	sst s5  }
0xe: {  	[smem:$0x3FAC] =	sst s6  }
0xf: {  	[smem:$0x3FAD] =	sst s7  }
0x10: {  	[smem:$0x3FAE] =	sst s8  }
0x11: {  	[smem:$0x3FAF] =	sst s9;
	s0 =	simm.s32 @!p0 $0x0  }
0x12: {  	s1 =	sld [smem:$0x3F95];
	s0 =	simm.s32 @p0 $0x1  }
0x13: {  	[smem:$0x3FB0] =	sst s0;
	s0 =	simm.s32 @!p1 $0x0  }
0x14: {  	s2 =	sld [smem:$0x3F94];
	s0 =	simm.s32 @p1 $0x1  }
0x15: {  	[smem:$0x3FB1] =	sst s0;
	s0 =	simm.s32 @!p2 $0x0  }
0x16: {  	s3 =	sld [smem:$0x3FDB];
	s0 =	simm.s32 @p2 $0x1  }
0x17: {  	s4 =	simm.s32 $0x1BF5;
	[smem:$0x3FB3] =	sst s0  }
0x18: {  	s0 =	sld [smem:$0x3F96];
	_ =	swait.ge [sflag:s4], $0x0  }
0x19: {  	s7 =	sld [smem:$0x3F97]  }
0x1a: {  	s8 =	sadd.s32 $0xFFFFE003, lr  }
0x1b: {  	s9 =	sadd.s32 $0xFFFFFEF7, lr;
	s5 =	simm.s32 $0xFFFFFFFF;
	p2 =	slt.u32 s8, $0xFFFFF086  }
0x1c: {  	p1 =	slt.u32 s9, $0xF7A;
	s5 =	simm.s32 @!p2 $0x0  }
0x1d: {  	s5 =	simm.s32 @p1 $0x1;
	p0 =	seq.s32 s7, s2  }
0x1e: {  	s7 =	smul.u32 @!p0 $0xF7A, s2;
	p2 =	seq.s32 @!p0 s5, $0x0  }
0x1f: {  	s9 =	smul.u32 $0xF7A, s1;
	s8 =	simm.s32 @!p0 $0x1BF5;
	p2 =	por !p2, p0  }
0x20: {  	[sflag:s8] =	ssyncset.s32 @!p0 $0xFFFFF086;
	s6 =	sadd.s32 @!p0 s3, s7;
	s7 =	simm.s32 @!p0 $0x108  }
0x21: {  	s3 =	sadd.s32 s3, s9;
	s6 =	sadd.s32 @!p0 $0x88, s6;
	s7 =	simm.s32 @p2 $0x1082  }
0x22: {  	[simem:s7], [sflag:s8] =	dma.local @!p0 [hbm:s6], $0xF7A  }
0x23: {  	s9 =	sor.u32 $0xD0000000, s2;
	s6 =	simm.s32 $0x108;
	_ =	swait.ge @!p0 [sflag:s8], $0x0  }
0x24: {  	s3 =	sadd.s32 $0x88, s3;
	s6 =	simm.s32 @!p1 $0x1082;
	[sflag:s4] =	ssyncset.s32 $0xFFFFF086  }
0x25: {  	[simem:s6], [sflag:s4] =	dma.local [hbm:s3], $0xF7A  }
0x26: {  	[smem:$0x3F97] =	sst s1;
	(tag) =	ssettag s2;
	_ =	strace s9  }
0x27: {  	s1 =	sld [smem:$0x3FA7]  }
0x28: {  	s2 =	sld [smem:$0x3FA8]  }
0x29: {  	s4 =	sld [smem:$0x3FAA]  }
0x2a: {  	p0 =	seq.s32 s5, $0x0;
	s5 =	sld [smem:$0x3FAB]  }
0x2b: {  	s6 =	sld [smem:$0x3FAC]  }
0x2c: {  	s7 =	sld [smem:$0x3FAD]  }
0x2d: {  	s3 =	simm.s32 $0x108;
	s8 =	sld [smem:$0x3FAE]  }
0x2e: {  	s3 =	simm.s32 @!p0 $0x1082;
	s9 =	sld [smem:$0x3FAF]  }
0x2f: {  	lr =	sadd.s32 s0, s3;
	s0 =	sld [smem:$0x3FA6]  }
0x30: {  	s3 =	sld [smem:$0x3FA9]  }
0x31: {  	[smem:$0x3FB2] =	sst s10  }
0x32: {  	s10 =	sld [smem:$0x3FB0];
	_ =	sdelay $0x3  }
0x33: {  	p0 =	seq.s32 s10, $0x1;
	s10 =	sld [smem:$0x3FB2];
	_ =	sdelay $0x3  }
0x34: {  	[smem:$0x3FB2] =	sst s10  }
0x35: {  	s10 =	sld [smem:$0x3FB1];
	_ =	sdelay $0x3  }
0x36: {  	p1 =	seq.s32 s10, $0x1;
	s10 =	sld [smem:$0x3FB2];
	_ =	sdelay $0x3  }
0x37: {  	[smem:$0x3FB2] =	sst s10  }
0x38: {  	s10 =	sld [smem:$0x3FB3]  }
0x39: {  	_ = 	snop;
	(pc) =	sbr.ind lr, $3  }
0x3a: {  	_ = 	snop  }
0x3b: {  	_ = 	snop  }
0x3c: {  	p2 =	seq.s32 s10, $0x1;
	s10 =	sld [smem:$0x3FB2]  }
0x3d: {  	_ =	shalt  }
0x3e: {  	_ =	shalt  }
0x3f: {  	_ =	shalt  }
0x40: {  	_ =	shalt  }
0x41: {  	_ =	shalt  }
0x42: {  	_ =	shalt  }
0x43: {  	_ =	shalt  }
0x44: {  	_ =	shalt  }
0x45: {  	_ =	shalt  }
0x46: {  	_ =	shalt  }
0x47: {  	_ =	shalt  }
0x48: {  	_ =	shalt  }
0x49: {  	_ =	shalt  }
0x4a: {  	_ =	shalt  }
0x4b: {  	_ =	shalt  }
0x4c: {  	_ =	shalt  }
0x4d: {  	_ =	shalt  }
0x4e: {  	_ =	shalt  }
0x4f: {  	_ =	shalt  }
0x50: {  	_ =	shalt  }
0x51: {  	_ =	shalt  }
0x52: {  	_ =	shalt  }
0x53: {  	_ =	shalt  }
0x54: {  	_ =	shalt  }
0x55: {  	_ =	shalt  }
0x56: {  	_ =	shalt  }
0x57: {  	_ =	shalt  }
0x58: {  	_ =	shalt  }
0x59: {  	_ =	shalt  }
0x5a: {  	_ =	shalt  }
0x5b: {  	_ =	shalt  }
0x5c: {  	_ =	shalt  }
0x5d: {  	_ =	shalt  }
0x5e: {  	_ =	shalt  }
0x5f: {  	_ =	shalt  }
0x60: {  	_ =	shalt  }
0x61: {  	_ =	shalt  }
0x62: {  	_ =	shalt  }
0x63: {  	_ =	shalt  }
0x64: {  	_ =	shalt  }
0x65: {  	_ =	shalt  }
0x66: {  	_ =	shalt  }
0x67: {  	_ =	shalt  }
0x68: {  	_ =	shalt  }
0x69: {  	_ =	shalt  }
0x6a: {  	_ =	shalt  }
0x6b: {  	_ =	shalt  }
0x6c: {  	_ =	shalt  }
0x6d: {  	_ =	shalt  }
0x6e: {  	_ =	shalt  }
0x6f: {  	_ =	shalt  }
0x70: {  	_ =	shalt  }
0x71: {  	_ =	shalt  }
0x72: {  	_ =	shalt  }
0x73: {  	_ =	shalt  }
0x74: {  	_ =	shalt  }
0x75: {  	_ =	shalt  }
0x76: {  	_ =	shalt  }
0x77: {  	_ =	shalt  }
0x78: {  	_ =	shalt  }
0x79: {  	_ =	shalt  }
0x7a: {  	_ =	shalt  }
0x7b: {  	_ =	shalt  }
0x7c: {  	_ =	shalt  }
0x7d: {  	_ =	shalt  }
0x7e: {  	_ =	shalt  }
0x7f: {  	_ =	shalt  }
0x80: {  	_ =	shalt  }
0x81: {  	_ =	shalt  }
0x82: {  	_ =	shalt  }
0x83: {  	_ =	shalt  }
0x84: {  	_ =	shalt  }
0x85: {  	_ =	shalt  }
0x86: {  	_ =	shalt  }
0x87: {  	_ =	shalt  }
.Lfunc_end0:
.L_simem_size_0:
called_computation_lowered:
.L_overlay_start_0:
0x88: {  	s2 =	sld [smem:$0x3FD9]  }
0x89: {  	s3 =	sld [smem:$0x3FFE];
	_ =	sdelay $0x1  }
0x8a: {  	s1 =	srdreg.scid  }
0x8b: {  	s0 =	sand.u32 $0x1, s1  }
0x8c: {  	s17 =	sshll.u32 s0, $0xA;
	s2 =	sadd.s32 s3, s2  }
0x8d: {  	s2 =	sadd.s32 s2, s17  }
0x8e: {  	[smem:$0x3FBE] =	sst s2  }
0x8f: {  	_ = 	snop  }
0x90: {  	s2 =	sld [smem:$0x3FD0];
	(tm) =	ssettm $0x1  }
0x91: {  	s18 =	sld [smem:$0x3FFB];
	_ =	sdelay $0x3  }
0x92: {  	_ =	strace s18  }
0x93: {  	s3 =	sld [smem:$0x3FFC];
	_ =	sdelay $0x3  }
0x94: {  	_ =	strace s3  }
0x95: {  	s3 =	sld [smem:$0x3FFD];
	_ =	sdelay $0x3  }
0x96: {  	_ =	strace s3  }
0x97: {  	_ =	strace $0x8FFFFFFF  }
0x98: {  	s19 =	sld [smem:$0x3FDB];
	_ =	sdelay $0x1  }
0x99: {  	s4 =	simm.s32 $_scs_section_size  }
0x9a: {  	s5 =	simm.s32 $_size__tile_overlayer_lowered;
	s6 =	simm.s32 $_tile_overlayer_lowered  }
0x9b: {  	s22 =	simm.s32 $0x1BFF;
	s21 =	sshll.u32 s6, $0x1;
	s3 =	sadd.s32 s4, s19  }
0x9c: {  	s7 =	simm.s32 $0x0;
	s20 =	sshll.u32 s5, $0x1;
	s5 =	sadd.s32 s21, s3  }
0x9d: {  	[timem:s7], [sflag:s22] =	dma.local [hbm:s5], s20  }
0x9e: {  	_ =	swait.ge [sflag:s22], s20  }
0x9f: {  	s4 =	ssub.s32 $0x0, s20;
	[sflag:s22] =	ssyncset.done $0x0  }
0xa0: {  	[sflag:s22] =	ssyncadd.s32 s4;
	_ =	sdelay $0x1  }
0xa1: {  	s23 =	simm.s32 $0x1B8B  }
0xa2: {  	_ =	swait.ge [sflag:s23], $0x1  }
0xa3: {  	[sflag:s23] =	ssyncset.done $0x0  }
0xa4: {  	s25 =	simm.s32 $0x1B8E;
	s24 =	sld [smem:$0x3FFE];
	[sflag:s23] =	ssyncadd.s32 $0xFFFFFFFF  }
0xa5: {  	s26 =	simm.s32 $execute0_lowered;
	[smem:$0x3FD2] =	sst s25  }
0xa6: {  	s5 =	sshll.u32 s26, $0x1;
	_ =	strace $0x80000046;
	[dreg:$0x1] =	wrdreg $0xFFFFFFFF  }
0xa7: {  	s28 =	simm.s32 $_size_execute0_lowered;
	s3 =	sadd.s32 s3, s5;
	[dreg:$0x0] =	wrdreg $0x0  }
0xa8: {  	s5 =	sshll.u32 s28, $0x1;
	[dreg:$0x2] =	wrdreg s3  }
0xa9: {  	[dreg:$0x3] =	wrdreg s5  }
0xaa: {  	[dreg:$0x4] =	wrdreg $0xC0  }
0xab: {  	_ =	task [dreg:s7], $0x5FFFF  }
0xac: {  	[dreg:$0x1] =	wrdreg $0xFFFFFFFF  }
0xad: {  	[dreg:$0x0] =	wrdreg $0x60  }
0xae: {  	[dreg:$0x2] =	wrdreg s2  }
0xaf: {  	[dreg:$0x3] =	wrdreg s24  }
0xb0: {  	[dreg:$0x4] =	wrdreg $0x58000  }
0xb1: {  	[dreg:$0x5] =	wrdreg $0x9  }
0xb2: {  	_ =	task.clear_ibuf [dreg:s7], $0x6FFFF;
	_ =	strace $0x90000046  }
0xb3: {  	s29 =	simm.s32 $0x9;
	_ =	strace $0x80000048  }
0xb4: {  	_ =	swait.ge [sflag:s29], $0x1  }
0xb5: {  	[sflag:s29] =	ssyncadd.s32 $0xFFFFFFFF  }
0xb6: {  	_ =	strace $0x90000048  }
0xb7: {  	_ =	sfence  }
0xb8: {  	s30 =	sld [smem:$0x0];
	_ =	sdelay $0x2  }
0xb9: {  	s31 =	sshll.u32 s1, $0xD;
	s1 =	sshrl.u32 s1, $0x2  }
0xba: {  	s3 =	sand.u32 $0x4000, s31;
	s1 =	sadd.s32 s1, s30  }
0xbb: {  	s0 =	sor.u32 s3, s0;
	s1 =	sshll.u32 s1, $0x11  }
0xbc: {  	s0 =	sor.u32 s1, s0  }
0xbd: {  	s0 =	sadd.s32 $0x8F2B, s0  }
0xbe: {  	[sflag:s0] =	ssyncadd.remote.s32 $0x1  }
0xbf: {  	_ =	sfence.sel $0xFFFF  }
0xc0: {  	[dreg:$0x0] =	wrdreg $0xFFFFFFFF;
	(pc) =	sbr.abs _section_cstart, $3  }
0xc1: {  	[dreg:$0x1] =	wrdreg $0xFFFFFFFF  }
0xc2: {  	_ =	task.clear_ibuf [dreg:s7], $0x2FFFF;
	_ =	strace $0x9FFFFFFF  }
0xc3: {  	(tm) =	ssettm $0x7FFFFFFF  }
tec
execute0_lowered:
.L_overlay_start_1:
0x0: {  	(tag) =	ssettag $0x1  }
0x1: {  	s6 =	rddreg [dreg:$0x0]  }
0x2: {  	s7 =	rddreg [dreg:$0x1]  }
0x3: {  	s1 =	rddreg [dreg:$0x2]  }
0x4: {  	s0 =	rddreg [dreg:$0x3];
	s3 =	simm.s32 $0x0;
	s4 =	srdreg.scid  }
0x5: {  	s2 =	stileid.u32;
	s21 =	simm.s32 $0x80;
	s22 =	simm.s32 $0x0  }
0x6: {  	[smem:$0x7FF] =	sst s3;
	s8 =	sand.u32 $0x1, s4;
	s10 =	smul.u32 $0xA00, s2  }
0x7: {  	s4 =	sadd.s32 $0xC200, s7;
	s12 =	smul.u32 $0x2800, s2;
	s5 =	sadd.s32 $0xC000, s7  }
0x8: {  	s16 =	sadd.s32 $0xC400, s7;
	s20 =	sshll.u32 s2, $0x6;
	_ =	strace $0x80000047  }
0x9: {  	s9 =	ssub.s32 $0x2, s8;
	s18 =	smul.u32 $0x28000, s8;
	s20 =	sor.u32 $0x1C01, s20  }
0xa: {  	s11 =	sshrl.u32 s9, $0x1;
	s6 =	sadd.s32 s6, s10;
	s7 =	sadd.s32 s12, s1  }
0xb: {  	s31 =	sadd.s32 $0x800, s12;
	s14 =	sadd.s32 $0x1000, s12;
	s15 =	sadd.s32 $0x1800, s12  }
0xc: {  	s19 =	sadd.s32 $0x2000, s12;
	s17 =	ssub.s32 s9, s11;
	s8 =	sadd.s32 s31, s1  }
0xd: {  	s9 =	sadd.s32 s14, s1;
	s10 =	sadd.s32 s15, s1;
	s12 =	sadd.s32 s12, s18  }
0xe: {  	s13 =	sadd.s32 s18, s31;
	s11 =	sadd.s32 s19, s1;
	s14 =	sadd.s32 s18, s14  }
0xf: {  	s15 =	sadd.s32 s18, s15;
	s18 =	sadd.s32 s18, s19;
	s19 =	simm.s32 $0x5000  }
0x10: {  	s12 =	sshrl.u32 s12, $0x3;
	s13 =	sshrl.u32 s13, $0x3;
	s14 =	sshrl.u32 s14, $0x3  }
0x11: {  	s15 =	sshrl.u32 s15, $0x3;
	s18 =	sshrl.u32 s18, $0x3;
	s17 =	smax.u32 s17, $0x1  }
0x12: {  	s12 =	sadd.s32 s16, s12;
	s13 =	sadd.s32 s16, s13;
	s14 =	sadd.s32 s16, s14  }
0x13: {  	s15 =	sadd.s32 s16, s15;
	s16 =	sadd.s32 s16, s18;
	s18 =	simm.s32 $0x1  }
.LBB2_1:
0x14: {  	[tilespmem:s3], [sflag:$0x1] =	stream.linear.gather [hbm4b:s6+s3], $0x5000, $0x38;
	[tilespmem:$0x8000] =	vst v63  }
0x15: {  	_ =	swait.ge [sflag:s18], $0x5000  }
0x16: {  	[sflag:s18] =	ssyncset.done $0x0  }
0x17: {  	[sflag:s18] =	ssyncadd.s32 $0xFFFFB000  }
0x18: {  	[tilespmem:s19], [sflag:$0x1] =	stream.linear.gather [hbm4b:s4+s3], $0x800, $0x38;
	[tilespmem:$0x8000] =	vst v63  }
0x19: {  	_ =	swait.ge [sflag:s18], $0x800  }
0x1a: {  	[sflag:s18] =	ssyncset.done $0x0  }
0x1b: {  	s23 =	sshrl.u32 s7, $0x3;
	[sflag:s18] =	ssyncadd.s32 $0xFFFFF800  }
0x1c: {  	[spmem:s23], [sflag:s20] =	dma.local [hbm:s5], $0x100  }
0x1d: {  	_ =	swait.ge [sflag:s18], $0x100  }
0x1e: {  	[sflag:s18] =	ssyncset.done $0x0  }
0x1f: {  	s24 =	sshrl.u32 s8, $0x3;
	[sflag:s18] =	ssyncadd.s32 $0xFFFFFF00  }
0x20: {  	[spmem:s24], [sflag:s20] =	dma.local [hbm:s5], $0x100  }
0x21: {  	_ =	swait.ge [sflag:s18], $0x100  }
0x22: {  	[sflag:s18] =	ssyncset.done $0x0  }
0x23: {  	s25 =	sshrl.u32 s9, $0x3;
	[sflag:s18] =	ssyncadd.s32 $0xFFFFFF00  }
0x24: {  	[spmem:s25], [sflag:s20] =	dma.local [hbm:s5], $0x100  }
0x25: {  	_ =	swait.ge [sflag:s18], $0x100  }
0x26: {  	[sflag:s18] =	ssyncset.done $0x0  }
0x27: {  	s26 =	sshrl.u32 s10, $0x3;
	[sflag:s18] =	ssyncadd.s32 $0xFFFFFF00  }
0x28: {  	[spmem:s26], [sflag:s20] =	dma.local [hbm:s5], $0x100  }
0x29: {  	_ =	swait.ge [sflag:s18], $0x100  }
0x2a: {  	[sflag:s18] =	ssyncset.done $0x0  }
0x2b: {  	s28 =	sshrl.u32 s11, $0x3;
	[sflag:s18] =	ssyncadd.s32 $0xFFFFFF00  }
0x2c: {  	[spmem:s28], [sflag:s20] =	dma.local [hbm:s5], $0x100  }
0x2d: {  	_ =	swait.ge [sflag:s18], $0x100  }
0x2e: {  	[sflag:s18] =	ssyncset.done $0x0  }
0x2f: {  	[sflag:s18] =	ssyncadd.s32 $0xFFFFFF00  }
0x30: {  	s29 =	simm.s32 $0x0;
	[bflag:$0x0] =	sbarrier.arrive $0xFFFF  }
0x31: {  	[spmem:s1] =	stream.indirect.scatter.add.f32 [tilespmem:s19], [sflag:$0x1], $0x10, s29, s21, $0xb8;
	[tilespmem:$0x8000] =	vst v63  }
0x32: {  	_ =	swait.ge [sflag:s18], $0x800  }
0x33: {  	s29 =	simm.s32 $0x200;
	[sflag:s18] =	ssyncset.done $0x0  }
.LBB2_2:
0x34: {  	s30 =	sshra.s32 s29, $0x2;
	[sflag:s18] =	ssyncadd.s32 $0xFFFFF800;
	p0 =	sne.s32 s29, $0x13E00  }
0x35: {  	[spmem:s1] =	stream.indirect.scatter.add.f32 [tilespmem:s19], [sflag:$0x1], $0x10, s30, s21, $0xb8;
	[tilespmem:$0x8000] =	vst v63  }
.Ltmp0:
0x36: {  	_ = 	snop;
	(pc) =	sbr.rel @p0 .LBB2_2-.Ltmp0, $4  }
0x37: {  	_ = 	snop  }
0x38: {  	s29 =	sadd.s32 $0x200, s29  }
0x39: {  	_ =	swait.ge [sflag:s18], $0x800  }
0x3a: {  	[sflag:s18] =	ssyncset.done $0x0  }
0x3b: {  	[sflag:s18] =	ssyncadd.s32 $0xFFFFF800  }
0x3c: {  	[bflag:$0x0] =	sbarrier.arrive $0xFFFF  }
0x3d: {  	[hbm:s12], [sflag:s20] =	dma.local [spmem:s23], $0x100  }
0x3e: {  	_ =	swait.ge [sflag:s18], $0x100  }
0x3f: {  	[sflag:s18] =	ssyncset.done $0x0  }
0x40: {  	[sflag:s18] =	ssyncadd.s32 $0xFFFFFF00  }
0x41: {  	[hbm:s13], [sflag:s20] =	dma.local [spmem:s24], $0x100  }
0x42: {  	_ =	swait.ge [sflag:s18], $0x100  }
0x43: {  	[sflag:s18] =	ssyncset.done $0x0  }
0x44: {  	[sflag:s18] =	ssyncadd.s32 $0xFFFFFF00  }
0x45: {  	[hbm:s14], [sflag:s20] =	dma.local [spmem:s25], $0x100  }
0x46: {  	_ =	swait.ge [sflag:s18], $0x100  }
0x47: {  	[sflag:s18] =	ssyncset.done $0x0  }
0x48: {  	[sflag:s18] =	ssyncadd.s32 $0xFFFFFF00  }
0x49: {  	[hbm:s15], [sflag:s20] =	dma.local [spmem:s26], $0x100  }
0x4a: {  	s22 =	sadd.s32 $0x1, s22;
	_ =	swait.ge [sflag:s18], $0x100  }
0x4b: {  	p0 =	sne.s32 s22, s17;
	[sflag:s18] =	ssyncset.done $0x0  }
.Ltmp1:
0x4c: {  	[sflag:s18] =	ssyncadd.s32 $0xFFFFFF00;
	(pc) =	sbr.rel @p0 .LBB2_1-.Ltmp1, $4  }
0x4d: {  	[hbm:s16], [sflag:s20] =	dma.local [spmem:s28], $0x100  }
0x4e: {  	_ =	swait.ge [sflag:s18], $0x100  }
0x4f: {  	[sflag:s18] =	ssyncset.done $0x0  }
0x50: {  	[sflag:s18] =	ssyncadd.s32 $0xFFFFFF00  }
0x51: {  	_ =	sfence.sel $0x180000  }
0x52: {  	[bflag:$0x0] =	sbarrier.arrive $0xFFFF  }
0x53: {  	p0 =	sne.s32 s2, $0x0;
	_ =	strace $0x90000047  }
0x54: {  	s0 =	sadd.s32 @!p0 $0x100000, s0;
	[bflag:$0x2] =	sbarrier.arrive $0xFFFF  }
0x55: {  	[sflag:s0] =	ssyncadd.tile.s32 @!p0 $0x1;
	_ =	shalt  }
.Lfunc_end2:
_tile_overlayer_lowered:
.L_overlay_start_2:
0x56: {  	(tag) =	ssettag $0x2  }
0x57: {  	s0 =	rddreg [dreg:$0x0];
	s2 =	stileid.u32  }
0x58: {  	s1 =	rddreg [dreg:$0x1];
	p0 =	sne.s32 s2, $0x0  }
0x59: {  	s3 =	rddreg [dreg:$0x2];
	[bflag:$0x3] =	sbarrier.arrive $0xFFFF;
	s2 =	simm.s32 @!p0 $0x1C01  }
0x5a: {  	[timem:s3], [sflag:s2] =	dma.local @!p0 [hbm:s0], s1  }
0x5b: {  	s0 =	simm.s32 @!p0 $0x1  }
0x5c: {  	_ =	swait.ge @!p0 [sflag:s0], s1  }
0x5d: {  	s1 =	ssub.s32 @!p0 $0x0, s1;
	[sflag:s0] =	ssyncset.done @!p0 $0x0  }
0x5e: {  	[sflag:s0] =	ssyncadd.s32 @!p0 s1  }
0x5f: {  	[bflag:$0x3] =	sbarrier.arrive $0xFFFF  }
0x60: {  	_ =	shalt  }

// kernel: kernel.13.cloned.1.call-start
scs
__scs_entry_jumppad:
0x0: {  	(pc) =	sbr.rel $0x88, $3  }
0x1: {  	(tag) =	ssettag $0x0;
	lr =	simm.s32 $0x1  }
0x2: {  	[smem:$0x3F97] =	sst lr;
	_ =	strace $0xD0000000  }
0x3: {  	_ = 	snop  }
0x4: {  	_ = 	snop  }
0x5: {  	_ = 	snop  }
0x6: {  	_ = 	snop  }
0x7: {  	_ = 	snop  }
__scs_overlays_trampoline_lowered:
0x8: {  	[smem:$0x3FA6] =	sst s0  }
0x9: {  	[smem:$0x3FA7] =	sst s1  }
0xa: {  	[smem:$0x3FA8] =	sst s2  }
0xb: {  	[smem:$0x3FA9] =	sst s3  }
0xc: {  	[smem:$0x3FAA] =	sst s4  }
0xd: {  	[smem:$0x3FAB] =	sst s5  }
0xe: {  	[smem:$0x3FAC] =	sst s6  }
0xf: {  	[smem:$0x3FAD] =	sst s7  }
0x10: {  	[smem:$0x3FAE] =	sst s8  }
0x11: {  	[smem:$0x3FAF] =	sst s9;
	s0 =	simm.s32 @!p0 $0x0  }
0x12: {  	s1 =	sld [smem:$0x3F95];
	s0 =	simm.s32 @p0 $0x1  }
0x13: {  	[smem:$0x3FB0] =	sst s0;
	s0 =	simm.s32 @!p1 $0x0  }
0x14: {  	s2 =	sld [smem:$0x3F94];
	s0 =	simm.s32 @p1 $0x1  }
0x15: {  	[smem:$0x3FB1] =	sst s0;
	s0 =	simm.s32 @!p2 $0x0  }
0x16: {  	s3 =	sld [smem:$0x3FDB];
	s0 =	simm.s32 @p2 $0x1  }
0x17: {  	s4 =	simm.s32 $0x1BF5;
	[smem:$0x3FB3] =	sst s0  }
0x18: {  	s0 =	sld [smem:$0x3F96];
	_ =	swait.ge [sflag:s4], $0x0  }
0x19: {  	s7 =	sld [smem:$0x3F97]  }
0x1a: {  	s8 =	sadd.s32 $0xFFFFE003, lr  }
0x1b: {  	s9 =	sadd.s32 $0xFFFFFEF7, lr;
	s5 =	simm.s32 $0xFFFFFFFF;
	p2 =	slt.u32 s8, $0xFFFFF086  }
0x1c: {  	p1 =	slt.u32 s9, $0xF7A;
	s5 =	simm.s32 @!p2 $0x0  }
0x1d: {  	s5 =	simm.s32 @p1 $0x1;
	p0 =	seq.s32 s7, s2  }
0x1e: {  	s7 =	smul.u32 @!p0 $0xF7A, s2;
	p2 =	seq.s32 @!p0 s5, $0x0  }
0x1f: {  	s9 =	smul.u32 $0xF7A, s1;
	s8 =	simm.s32 @!p0 $0x1BF5;
	p2 =	por !p2, p0  }
0x20: {  	[sflag:s8] =	ssyncset.s32 @!p0 $0xFFFFF086;
	s6 =	sadd.s32 @!p0 s3, s7;
	s7 =	simm.s32 @!p0 $0x108  }
0x21: {  	s3 =	sadd.s32 s3, s9;
	s6 =	sadd.s32 @!p0 $0x88, s6;
	s7 =	simm.s32 @p2 $0x1082  }
0x22: {  	[simem:s7], [sflag:s8] =	dma.local @!p0 [hbm:s6], $0xF7A  }
0x23: {  	s9 =	sor.u32 $0xD0000000, s2;
	s6 =	simm.s32 $0x108;
	_ =	swait.ge @!p0 [sflag:s8], $0x0  }
0x24: {  	s3 =	sadd.s32 $0x88, s3;
	s6 =	simm.s32 @!p1 $0x1082;
	[sflag:s4] =	ssyncset.s32 $0xFFFFF086  }
0x25: {  	[simem:s6], [sflag:s4] =	dma.local [hbm:s3], $0xF7A  }
0x26: {  	[smem:$0x3F97] =	sst s1;
	(tag) =	ssettag s2;
	_ =	strace s9  }
0x27: {  	s1 =	sld [smem:$0x3FA7]  }
0x28: {  	s2 =	sld [smem:$0x3FA8]  }
0x29: {  	s4 =	sld [smem:$0x3FAA]  }
0x2a: {  	p0 =	seq.s32 s5, $0x0;
	s5 =	sld [smem:$0x3FAB]  }
0x2b: {  	s6 =	sld [smem:$0x3FAC]  }
0x2c: {  	s7 =	sld [smem:$0x3FAD]  }
0x2d: {  	s3 =	simm.s32 $0x108;
	s8 =	sld [smem:$0x3FAE]  }
0x2e: {  	s3 =	simm.s32 @!p0 $0x1082;
	s9 =	sld [smem:$0x3FAF]  }
0x2f: {  	lr =	sadd.s32 s0, s3;
	s0 =	sld [smem:$0x3FA6]  }
0x30: {  	s3 =	sld [smem:$0x3FA9]  }
0x31: {  	[smem:$0x3FB2] =	sst s10  }
0x32: {  	s10 =	sld [smem:$0x3FB0];
	_ =	sdelay $0x3  }
0x33: {  	p0 =	seq.s32 s10, $0x1;
	s10 =	sld [smem:$0x3FB2];
	_ =	sdelay $0x3  }
0x34: {  	[smem:$0x3FB2] =	sst s10  }
0x35: {  	s10 =	sld [smem:$0x3FB1];
	_ =	sdelay $0x3  }
0x36: {  	p1 =	seq.s32 s10, $0x1;
	s10 =	sld [smem:$0x3FB2];
	_ =	sdelay $0x3  }
0x37: {  	[smem:$0x3FB2] =	sst s10  }
0x38: {  	s10 =	sld [smem:$0x3FB3]  }
0x39: {  	_ = 	snop;
	(pc) =	sbr.ind lr, $3  }
0x3a: {  	_ = 	snop  }
0x3b: {  	_ = 	snop  }
0x3c: {  	p2 =	seq.s32 s10, $0x1;
	s10 =	sld [smem:$0x3FB2]  }
0x3d: {  	_ =	shalt  }
0x3e: {  	_ =	shalt  }
0x3f: {  	_ =	shalt  }
0x40: {  	_ =	shalt  }
0x41: {  	_ =	shalt  }
0x42: {  	_ =	shalt  }
0x43: {  	_ =	shalt  }
0x44: {  	_ =	shalt  }
0x45: {  	_ =	shalt  }
0x46: {  	_ =	shalt  }
0x47: {  	_ =	shalt  }
0x48: {  	_ =	shalt  }
0x49: {  	_ =	shalt  }
0x4a: {  	_ =	shalt  }
0x4b: {  	_ =	shalt  }
0x4c: {  	_ =	shalt  }
0x4d: {  	_ =	shalt  }
0x4e: {  	_ =	shalt  }
0x4f: {  	_ =	shalt  }
0x50: {  	_ =	shalt  }
0x51: {  	_ =	shalt  }
0x52: {  	_ =	shalt  }
0x53: {  	_ =	shalt  }
0x54: {  	_ =	shalt  }
0x55: {  	_ =	shalt  }
0x56: {  	_ =	shalt  }
0x57: {  	_ =	shalt  }
0x58: {  	_ =	shalt  }
0x59: {  	_ =	shalt  }
0x5a: {  	_ =	shalt  }
0x5b: {  	_ =	shalt  }
0x5c: {  	_ =	shalt  }
0x5d: {  	_ =	shalt  }
0x5e: {  	_ =	shalt  }
0x5f: {  	_ =	shalt  }
0x60: {  	_ =	shalt  }
0x61: {  	_ =	shalt  }
0x62: {  	_ =	shalt  }
0x63: {  	_ =	shalt  }
0x64: {  	_ =	shalt  }
0x65: {  	_ =	shalt  }
0x66: {  	_ =	shalt  }
0x67: {  	_ =	shalt  }
0x68: {  	_ =	shalt  }
0x69: {  	_ =	shalt  }
0x6a: {  	_ =	shalt  }
0x6b: {  	_ =	shalt  }
0x6c: {  	_ =	shalt  }
0x6d: {  	_ =	shalt  }
0x6e: {  	_ =	shalt  }
0x6f: {  	_ =	shalt  }
0x70: {  	_ =	shalt  }
0x71: {  	_ =	shalt  }
0x72: {  	_ =	shalt  }
0x73: {  	_ =	shalt  }
0x74: {  	_ =	shalt  }
0x75: {  	_ =	shalt  }
0x76: {  	_ =	shalt  }
0x77: {  	_ =	shalt  }
0x78: {  	_ =	shalt  }
0x79: {  	_ =	shalt  }
0x7a: {  	_ =	shalt  }
0x7b: {  	_ =	shalt  }
0x7c: {  	_ =	shalt  }
0x7d: {  	_ =	shalt  }
0x7e: {  	_ =	shalt  }
0x7f: {  	_ =	shalt  }
0x80: {  	_ =	shalt  }
0x81: {  	_ =	shalt  }
0x82: {  	_ =	shalt  }
0x83: {  	_ =	shalt  }
0x84: {  	_ =	shalt  }
0x85: {  	_ =	shalt  }
0x86: {  	_ =	shalt  }
0x87: {  	_ =	shalt  }
.Lfunc_end0:
.L_simem_size_0:
called_computation.1_lowered:
.L_overlay_start_0:
0x88: {  	s2 =	sld [smem:$0x3FD9]  }
0x89: {  	s3 =	sld [smem:$0x3FFE];
	_ =	sdelay $0x1  }
0x8a: {  	s1 =	srdreg.scid  }
0x8b: {  	s0 =	sand.u32 $0x1, s1  }
0x8c: {  	s16 =	sshll.u32 s0, $0xA;
	s2 =	sadd.s32 s3, s2  }
0x8d: {  	s2 =	sadd.s32 s2, s16  }
0x8e: {  	[smem:$0x3FBE] =	sst s2  }
0x8f: {  	_ = 	snop  }
0x90: {  	(tm) =	ssettm $0x1  }
0x91: {  	s17 =	sld [smem:$0x3FFB];
	_ =	sdelay $0x3  }
0x92: {  	_ =	strace s17  }
0x93: {  	s2 =	sld [smem:$0x3FFC];
	_ =	sdelay $0x3  }
0x94: {  	_ =	strace s2  }
0x95: {  	s2 =	sld [smem:$0x3FFD];
	_ =	sdelay $0x3  }
0x96: {  	_ =	strace s2  }
0x97: {  	_ =	strace $0x8FFFFFFF  }
0x98: {  	s18 =	sld [smem:$0x3FDB];
	_ =	sdelay $0x1  }
0x99: {  	s19 =	simm.s32 $_scs_section_size  }
0x9a: {  	s4 =	simm.s32 $_size__tile_overlayer_lowered;
	s5 =	simm.s32 $_tile_overlayer_lowered  }
0x9b: {  	s22 =	simm.s32 $0x1BFF;
	s21 =	sshll.u32 s5, $0x1;
	s2 =	sadd.s32 s19, s18  }
0x9c: {  	s6 =	simm.s32 $0x0;
	s20 =	sshll.u32 s4, $0x1;
	s4 =	sadd.s32 s21, s2  }
0x9d: {  	[timem:s6], [sflag:s22] =	dma.local [hbm:s4], s20  }
0x9e: {  	_ =	swait.ge [sflag:s22], s20  }
0x9f: {  	s3 =	ssub.s32 $0x0, s20;
	[sflag:s22] =	ssyncset.done $0x0  }
0xa0: {  	[sflag:s22] =	ssyncadd.s32 s3;
	_ =	sdelay $0x1  }
0xa1: {  	s23 =	simm.s32 $0x1B8B  }
0xa2: {  	_ =	swait.ge [sflag:s23], $0x1  }
0xa3: {  	[sflag:s23] =	ssyncset.done $0x0  }
0xa4: {  	s25 =	simm.s32 $0x1B8E;
	s24 =	sld [smem:$0x3FFE];
	[sflag:s23] =	ssyncadd.s32 $0xFFFFFFFF  }
0xa5: {  	s26 =	simm.s32 $execute0_lowered;
	[smem:$0x3FD2] =	sst s25  }
0xa6: {  	s4 =	sshll.u32 s26, $0x1;
	_ =	strace $0x80000049;
	[dreg:$0x1] =	wrdreg $0xFFFFFFFF  }
0xa7: {  	s28 =	simm.s32 $_size_execute0_lowered;
	s2 =	sadd.s32 s2, s4;
	[dreg:$0x0] =	wrdreg $0x0  }
0xa8: {  	s4 =	sshll.u32 s28, $0x1;
	[dreg:$0x2] =	wrdreg s2  }
0xa9: {  	[dreg:$0x3] =	wrdreg s4  }
0xaa: {  	[dreg:$0x4] =	wrdreg $0xC0  }
0xab: {  	_ =	task [dreg:s6], $0x5FFFF  }
0xac: {  	[dreg:$0x1] =	wrdreg $0xFFFFFFFF  }
0xad: {  	[dreg:$0x0] =	wrdreg $0x60  }
0xae: {  	[dreg:$0x2] =	wrdreg s24  }
0xaf: {  	[dreg:$0x3] =	wrdreg $0x120000  }
0xb0: {  	[dreg:$0x4] =	wrdreg $0x9  }
0xb1: {  	_ =	task.clear_ibuf [dreg:s6], $0x5FFFF;
	_ =	strace $0x90000049  }
0xb2: {  	s29 =	simm.s32 $0x9;
	_ =	strace $0x8000004B  }
0xb3: {  	_ =	swait.ge [sflag:s29], $0x1  }
0xb4: {  	[sflag:s29] =	ssyncadd.s32 $0xFFFFFFFF  }
0xb5: {  	_ =	strace $0x9000004B  }
0xb6: {  	_ =	sfence  }
0xb7: {  	s30 =	sld [smem:$0x0];
	_ =	sdelay $0x2  }
0xb8: {  	s31 =	sshll.u32 s1, $0xD;
	s1 =	sshrl.u32 s1, $0x2  }
0xb9: {  	s3 =	sand.u32 $0x4000, s31;
	s1 =	sadd.s32 s1, s30  }
0xba: {  	s0 =	sor.u32 s3, s0;
	s1 =	sshll.u32 s1, $0x11  }
0xbb: {  	s0 =	sor.u32 s1, s0  }
0xbc: {  	s0 =	sadd.s32 $0x8F2B, s0  }
0xbd: {  	[sflag:s0] =	ssyncadd.remote.s32 $0x1  }
0xbe: {  	_ =	sfence.sel $0xFFFF  }
0xbf: {  	[dreg:$0x0] =	wrdreg $0xFFFFFFFF;
	(pc) =	sbr.abs _section_cstart, $3  }
0xc0: {  	[dreg:$0x1] =	wrdreg $0xFFFFFFFF  }
0xc1: {  	_ =	task.clear_ibuf [dreg:s6], $0x2FFFF;
	_ =	strace $0x9FFFFFFF  }
0xc2: {  	(tm) =	ssettm $0x7FFFFFFF  }
0xc3: {  	_ =	shalt  }
tec
execute0_lowered:
.L_overlay_start_1:
0x0: {  	(tag) =	ssettag $0x1  }
0x1: {  	s0 =	rddreg [dreg:$0x0]  }
0x2: {  	s1 =	rddreg [dreg:$0x1];
	s2 =	srdreg.scid  }
0x3: {  	s3 =	simm.s32 $0x0;
	s9 =	stileid.u32;
	s28 =	simm.s32 $0x10000  }
0x4: {  	s29 =	simm.s32 $0x1;
	s30 =	simm.s32 $0x2;
	s5 =	smul.u32 $0xA00, s9  }
0x5: {  	s2 =	sand.u32 $0x1, s2;
	[smem:$0x7FF] =	sst s3;
	s9 =	smul.u32 $0xA000, s9  }
0x6: {  	s31 =	simm.s32 $0x3;
	s4 =	smul.u32 $0x9C400, s2;
	_ =	strace $0x8000004A  }
0x7: {  	s7 =	ssub.s32 $0x2, s2;
	s2 =	smul.u32 $0xA0000, s2;
	s5 =	sadd.s32 s5, s0  }
0x8: {  	s8 =	sshrl.u32 s7, $0x1;
	s18 =	sadd.s32 s9, s1;
	s19 =	sadd.s32 $0x2000, s9  }
0x9: {  	s20 =	sadd.s32 $0x4000, s9;
	s22 =	sadd.s32 $0x6000, s9;
	s23 =	sadd.s32 $0x8000, s9  }
0xa: {  	s6 =	sadd.s32 s4, s0;
	s4 =	sadd.s32 $0x33200, s0;
	s0 =	sadd.s32 $0x17FE00, s0  }
0xb: {  	s7 =	ssub.s32 s7, s8;
	s17 =	sadd.s32 $0x3D600, s5;
	[dreg:$0x5] =	wrdreg s18  }
0xc: {  	s5 =	sadd.s32 $0x2000, s5;
	s10 =	sadd.s32 s19, s1;
	[dreg:$0x3] =	wrdreg s17  }
0xd: {  	s21 =	sadd.s32 s20, s1;
	s11 =	sadd.s32 s22, s1;
	[dreg:$0x4] =	wrdreg s5  }
0xe: {  	s9 =	sadd.s32 s9, s2;
	s12 =	sadd.s32 s23, s1;
	[dreg:$0x6] =	wrdreg s10  }
0xf: {  	s25 =	sadd.s32 s2, s20;
	s26 =	sadd.s32 s2, s22;
	[dreg:$0x7] =	wrdreg s21  }
0x10: {  	s22 =	simm.s32 $0xA000;
	s20 =	simm.s32 $0x6;
	[dreg:$0x8] =	wrdreg s11  }
0x11: {  	[dreg:$0x9] =	wrdreg s12;
	s9 =	sshrl.u32 s9, $0x3;
	s5 =	sadd.s32 s2, s19  }
0x12: {  	s12 =	sadd.s32 $0x47600, s6;
	s6 =	sshrl.u32 s26, $0x3;
	s2 =	sadd.s32 s2, s23  }
0x13: {  	s18 =	smax.u32 s7, $0x1;
	s19 =	simm.s32 $0x9;
	s21 =	simm.s32 $0x80  }
0x14: {  	s23 =	simm.s32 $0xC000;
	s26 =	simm.s32 $0x8;
	s24 =	sadd.s32 s0, s9  }
0x15: {  	s5 =	sshrl.u32 s5, $0x3;
	s16 =	sadd.s32 s0, s6;
	s2 =	sshrl.u32 s2, $0x3  }
0x16: {  	[dreg:$0xa] =	wrdreg s24;
	s5 =	sadd.s32 s0, s5;
	s17 =	sadd.s32 s0, s2  }
0x17: {  	s2 =	simm.s32 $0x5;
	[dreg:$0xb] =	wrdreg s5;
	s5 =	sshrl.u32 s25, $0x3  }
0x18: {  	s24 =	simm.s32 $0x7;
	s25 =	simm.s32 $0xE000;
	s5 =	sadd.s32 s0, s5  }
0x19: {  	s0 =	simm.s32 $0x4;
	[dreg:$0xc] =	wrdreg s5;
	s5 =	simm.s32 $0x0  }
.LBB2_1:
0x1a: {  	s6 =	rddreg [dreg:$0x3]  }
0x1b: {  	[tilespmem:s3], [sflag:$0x9] =	stream.linear.gather [hbm4b:s6+s3], $0x5000, $0x38;
	[tilespmem:$0x1C000] =	vst v63  }
0x1c: {  	_ =	swait.ge [sflag:s19], $0x5000  }
0x1d: {  	[sflag:s19] =	ssyncset.done $0x0  }
0x1e: {  	s7 =	simm.s32 $0x5000;
	s10 =	rddreg [dreg:$0x4];
	[sflag:s19] =	ssyncadd.s32 $0xFFFFB000  }
0x1f: {  	[tilespmem:s7], [sflag:$0x9] =	stream.linear.gather [hbm4b:s10+s3], $0x5000, $0x38;
	[tilespmem:$0x1C000] =	vst v63  }
0x20: {  	s11 =	stileid.u32;
	_ =	swait.ge [sflag:s19], $0x5000  }
0x21: {  	s6 =	sshll.u32 s11, $0x6;
	[sflag:s19] =	ssyncset.done $0x0;
	s13 =	rddreg [dreg:$0x5]  }
0x22: {  	s6 =	sor.u32 $0x1C09, s6;
	[sflag:s19] =	ssyncadd.s32 $0xFFFFB000;
	s7 =	sshrl.u32 s13, $0x3  }
0x23: {  	[spmem:s7], [sflag:s6] =	dma.local [hbm:s4], $0x400  }
0x24: {  	_ =	swait.ge [sflag:s19], $0x400  }
0x25: {  	[sflag:s19] =	ssyncset.done $0x0;
	s8 =	rddreg [dreg:$0x6]  }
0x26: {  	[sflag:s19] =	ssyncadd.s32 $0xFFFFFC00;
	s8 =	sshrl.u32 s8, $0x3  }
0x27: {  	[spmem:s8], [sflag:s6] =	dma.local [hbm:s4], $0x400  }
0x28: {  	_ =	swait.ge [sflag:s19], $0x400  }
0x29: {  	[sflag:s19] =	ssyncset.done $0x0;
	s9 =	rddreg [dreg:$0x7]  }
0x2a: {  	[sflag:s19] =	ssyncadd.s32 $0xFFFFFC00;
	s9 =	sshrl.u32 s9, $0x3  }
0x2b: {  	[spmem:s9], [sflag:s6] =	dma.local [hbm:s4], $0x400  }
0x2c: {  	_ =	swait.ge [sflag:s19], $0x400  }
0x2d: {  	[sflag:s19] =	ssyncset.done $0x0;
	s10 =	rddreg [dreg:$0x8]  }
0x2e: {  	[sflag:s19] =	ssyncadd.s32 $0xFFFFFC00;
	s10 =	sshrl.u32 s10, $0x3  }
0x2f: {  	[spmem:s10], [sflag:s6] =	dma.local [hbm:s4], $0x400  }
0x30: {  	_ =	swait.ge [sflag:s19], $0x400  }
0x31: {  	[sflag:s19] =	ssyncset.done $0x0;
	s11 =	rddreg [dreg:$0x9]  }
0x32: {  	[sflag:s19] =	ssyncadd.s32 $0xFFFFFC00;
	s11 =	sshrl.u32 s11, $0x3  }
0x33: {  	[spmem:s11], [sflag:s6] =	dma.local [hbm:s4], $0x400  }
0x34: {  	_ =	swait.ge [sflag:s19], $0x400  }
0x35: {  	[sflag:s19] =	ssyncset.done $0x0  }
0x36: {  	[sflag:s19] =	ssyncadd.s32 $0xFFFFFC00  }
0x37: {  	[bflag:$0x0] =	sbarrier.arrive $0xFFFF  }
0x38: {  	[tilespmem:s22], [sflag:$0x1] =	stream.indirect.gather [hbm4b:s12+s21], $0x40, s3, s21, $0xb8;
	[tilespmem:$0x1C000] =	vst v63  }
0x39: {  	_ = 	snop  }
0x3a: {  	[tilespmem:s23], [sflag:$0x2] =	stream.indirect.gather [hbm4b:s12+s21], $0x40, s21, s21, $0xb8;
	[tilespmem:$0x1C000] =	vst v63  }
0x3b: {  	s13 =	simm.s32 $0x100  }
0x3c: {  	[tilespmem:s25], [sflag:$0x3] =	stream.indirect.gather [hbm4b:s12+s21], $0x40, s13, s21, $0xb8;
	[tilespmem:$0x1C000] =	vst v63  }
0x3d: {  	s14 =	simm.s32 $0x180  }
0x3e: {  	[tilespmem:s28], [sflag:$0x4] =	stream.indirect.gather [hbm4b:s12+s21], $0x40, s14, s21, $0xb8;
	[tilespmem:$0x1C000] =	vst v63  }
0x3f: {  	_ =	swait.ge [sflag:s29], $0x2000  }
0x40: {  	[sflag:s29] =	ssyncset.done $0x0  }
0x41: {  	s15 =	simm.s32 $0x5000;
	[sflag:s29] =	ssyncadd.s32 $0xFFFFE000  }
0x42: {  	[spmem:s1] =	stream.indirect.scatter.add.f32 [tilespmem:s22], [sflag:$0x5], $0x40, s15, s21, $0xb8;
	[tilespmem:$0x1C000] =	vst v63  }
0x43: {  	_ =	swait.ge [sflag:s30], $0x2000  }
0x44: {  	[sflag:s30] =	ssyncset.done $0x0  }
0x45: {  	s14 =	simm.s32 $0x5080;
	[sflag:s30] =	ssyncadd.s32 $0xFFFFE000  }
0x46: {  	[spmem:s1] =	stream.indirect.scatter.add.f32 [tilespmem:s23], [sflag:$0x6], $0x40, s14, s21, $0xb8;
	[tilespmem:$0x1C000] =	vst v63  }
0x47: {  	_ =	swait.ge [sflag:s31], $0x2000  }
0x48: {  	[sflag:s31] =	ssyncset.done $0x0  }
0x49: {  	s15 =	simm.s32 $0x5100;
	[sflag:s31] =	ssyncadd.s32 $0xFFFFE000  }
0x4a: {  	[spmem:s1] =	stream.indirect.scatter.add.f32 [tilespmem:s25], [sflag:$0x7], $0x40, s15, s21, $0xb8;
	[tilespmem:$0x1C000] =	vst v63  }
0x4b: {  	_ =	swait.ge [sflag:s0], $0x2000  }
0x4c: {  	[sflag:s0] =	ssyncset.done $0x0  }
0x4d: {  	s14 =	simm.s32 $0x5180;
	[sflag:s0] =	ssyncadd.s32 $0xFFFFE000  }
0x4e: {  	[spmem:s1] =	stream.indirect.scatter.add.f32 [tilespmem:s28], [sflag:$0x8], $0x40, s14, s21, $0xb8;
	[tilespmem:$0x1C000] =	vst v63  }
0x4f: {  	_ =	swait.ge [sflag:s2], $0x2000  }
0x50: {  	[sflag:s2] =	ssyncset.done $0x0  }
0x51: {  	s15 =	simm.s32 $0x200;
	[sflag:s2] =	ssyncadd.s32 $0xFFFFE000  }
0x52: {  	[tilespmem:s22], [sflag:$0x1] =	stream.indirect.gather [hbm4b:s12+s21], $0x40, s15, s21, $0xb8;
	[tilespmem:$0x1C000] =	vst v63  }
0x53: {  	_ =	swait.ge [sflag:s20], $0x2000  }
0x54: {  	[sflag:s20] =	ssyncset.done $0x0  }
0x55: {  	s14 =	simm.s32 $0x280;
	[sflag:s20] =	ssyncadd.s32 $0xFFFFE000  }
0x56: {  	[tilespmem:s23], [sflag:$0x2] =	stream.indirect.gather [hbm4b:s12+s21], $0x40, s14, s21, $0xb8;
	[tilespmem:$0x1C000] =	vst v63  }
0x57: {  	_ =	swait.ge [sflag:s24], $0x2000  }
0x58: {  	[sflag:s24] =	ssyncset.done $0x0  }
0x59: {  	s15 =	simm.s32 $0x300;
	[sflag:s24] =	ssyncadd.s32 $0xFFFFE000  }
0x5a: {  	[tilespmem:s25], [sflag:$0x3] =	stream.indirect.gather [hbm4b:s12+s21], $0x40, s15, s21, $0xb8;
	[tilespmem:$0x1C000] =	vst v63  }
0x5b: {  	_ =	swait.ge [sflag:s26], $0x2000  }
0x5c: {  	[sflag:s26] =	ssyncset.done $0x0  }
0x5d: {  	s13 =	simm.s32 $0x800;
	s14 =	simm.s32 $0x380;
	[sflag:s26] =	ssyncadd.s32 $0xFFFFE000  }
.LBB2_2:
0x5e: {  	[tilespmem:s28], [sflag:$0x4] =	stream.indirect.gather [hbm4b:s12+s21], $0x40, s14, s21, $0xb8;
	[tilespmem:$0x1C000] =	vst v63  }
0x5f: {  	s14 =	smov.u32 s13  }
0x60: {  	p0 =	sne.s32 s13, $0x13000;
	s13 =	sadd.s32 $0x800, s13;
	_ =	swait.ge [sflag:s29], $0x2000  }
0x61: {  	s14 =	sshra.s32 s14, $0x2;
	[sflag:s29] =	ssyncset.done $0x0  }
0x62: {  	s15 =	sadd.s32 $0x5000, s14;
	[sflag:s29] =	ssyncadd.s32 $0xFFFFE000  }
0x63: {  	[spmem:s1] =	stream.indirect.scatter.add.f32 [tilespmem:s22], [sflag:$0x5], $0x40, s15, s21, $0xb8;
	[tilespmem:$0x1C000] =	vst v63  }
0x64: {  	_ =	swait.ge [sflag:s30], $0x2000  }
0x65: {  	[sflag:s30] =	ssyncset.done $0x0  }
0x66: {  	s15 =	sadd.s32 $0x5080, s14;
	[sflag:s30] =	ssyncadd.s32 $0xFFFFE000  }
0x67: {  	[spmem:s1] =	stream.indirect.scatter.add.f32 [tilespmem:s23], [sflag:$0x6], $0x40, s15, s21, $0xb8;
	[tilespmem:$0x1C000] =	vst v63  }
0x68: {  	_ =	swait.ge [sflag:s31], $0x2000  }
0x69: {  	[sflag:s31] =	ssyncset.done $0x0  }
0x6a: {  	s15 =	sadd.s32 $0x5100, s14;
	[sflag:s31] =	ssyncadd.s32 $0xFFFFE000  }
0x6b: {  	[spmem:s1] =	stream.indirect.scatter.add.f32 [tilespmem:s25], [sflag:$0x7], $0x40, s15, s21, $0xb8;
	[tilespmem:$0x1C000] =	vst v63  }
0x6c: {  	_ =	swait.ge [sflag:s0], $0x2000  }
0x6d: {  	[sflag:s0] =	ssyncset.done $0x0  }
0x6e: {  	s15 =	sadd.s32 $0x5180, s14;
	[sflag:s0] =	ssyncadd.s32 $0xFFFFE000  }
0x6f: {  	[spmem:s1] =	stream.indirect.scatter.add.f32 [tilespmem:s28], [sflag:$0x8], $0x40, s15, s21, $0xb8;
	[tilespmem:$0x1C000] =	vst v63  }
0x70: {  	_ =	swait.ge [sflag:s2], $0x2000  }
0x71: {  	[sflag:s2] =	ssyncset.done $0x0  }
0x72: {  	s15 =	sadd.s32 $0x200, s14;
	[sflag:s2] =	ssyncadd.s32 $0xFFFFE000  }
0x73: {  	[tilespmem:s22], [sflag:$0x1] =	stream.indirect.gather [hbm4b:s12+s21], $0x40, s15, s21, $0xb8;
	[tilespmem:$0x1C000] =	vst v63  }
0x74: {  	_ =	swait.ge [sflag:s20], $0x2000  }
0x75: {  	[sflag:s20] =	ssyncset.done $0x0  }
0x76: {  	s15 =	sadd.s32 $0x280, s14;
	[sflag:s20] =	ssyncadd.s32 $0xFFFFE000  }
0x77: {  	[tilespmem:s23], [sflag:$0x2] =	stream.indirect.gather [hbm4b:s12+s21], $0x40, s15, s21, $0xb8;
	[tilespmem:$0x1C000] =	vst v63  }
0x78: {  	_ =	swait.ge [sflag:s24], $0x2000  }
0x79: {  	[sflag:s24] =	ssyncset.done $0x0  }
.Ltmp0:
0x7a: {  	s15 =	sadd.s32 $0x300, s14;
	[sflag:s24] =	ssyncadd.s32 $0xFFFFE000;
	(pc) =	sbr.rel @p0 .LBB2_2-.Ltmp0, $4  }
0x7b: {  	[tilespmem:s25], [sflag:$0x3] =	stream.indirect.gather [hbm4b:s12+s21], $0x40, s15, s21, $0xb8;
	[tilespmem:$0x1C000] =	vst v63  }
0x7c: {  	_ =	swait.ge [sflag:s26], $0x2000  }
0x7d: {  	[sflag:s26] =	ssyncset.done $0x0  }
0x7e: {  	s14 =	sadd.s32 $0x380, s14;
	[sflag:s26] =	ssyncadd.s32 $0xFFFFE000  }
0x7f: {  	[tilespmem:s28], [sflag:$0x4] =	stream.indirect.gather [hbm4b:s12+s21], $0x40, s14, s21, $0xb8;
	[tilespmem:$0x1C000] =	vst v63  }
0x80: {  	_ =	swait.ge [sflag:s29], $0x2000  }
0x81: {  	[sflag:s29] =	ssyncset.done $0x0  }
0x82: {  	s13 =	simm.s32 $0x9E00;
	[sflag:s29] =	ssyncadd.s32 $0xFFFFE000  }
0x83: {  	[spmem:s1] =	stream.indirect.scatter.add.f32 [tilespmem:s22], [sflag:$0x5], $0x40, s13, s21, $0xb8;
	[tilespmem:$0x1C000] =	vst v63  }
0x84: {  	_ =	swait.ge [sflag:s30], $0x2000  }
0x85: {  	[sflag:s30] =	ssyncset.done $0x0  }
0x86: {  	s14 =	simm.s32 $0x9E80;
	[sflag:s30] =	ssyncadd.s32 $0xFFFFE000  }
0x87: {  	[spmem:s1] =	stream.indirect.scatter.add.f32 [tilespmem:s23], [sflag:$0x6], $0x40, s14, s21, $0xb8;
	[tilespmem:$0x1C000] =	vst v63  }
0x88: {  	_ =	swait.ge [sflag:s31], $0x2000  }
0x89: {  	[sflag:s31] =	ssyncset.done $0x0  }
0x8a: {  	s15 =	simm.s32 $0x9F00;
	[sflag:s31] =	ssyncadd.s32 $0xFFFFE000  }
0x8b: {  	[spmem:s1] =	stream.indirect.scatter.add.f32 [tilespmem:s25], [sflag:$0x7], $0x40, s15, s21, $0xb8;
	[tilespmem:$0x1C000] =	vst v63  }
0x8c: {  	_ =	swait.ge [sflag:s0], $0x2000  }
0x8d: {  	[sflag:s0] =	ssyncset.done $0x0  }
0x8e: {  	s14 =	simm.s32 $0x9F80;
	[sflag:s0] =	ssyncadd.s32 $0xFFFFE000  }
0x8f: {  	[spmem:s1] =	stream.indirect.scatter.add.f32 [tilespmem:s28], [sflag:$0x8], $0x40, s14, s21, $0xb8;
	[tilespmem:$0x1C000] =	vst v63  }
0x90: {  	_ =	swait.ge [sflag:s2], $0x2000  }
0x91: {  	[sflag:s2] =	ssyncset.done $0x0  }
0x92: {  	[sflag:s2] =	ssyncadd.s32 $0xFFFFE000  }
0x93: {  	_ =	swait.ge [sflag:s20], $0x2000  }
0x94: {  	[sflag:s20] =	ssyncset.done $0x0  }
0x95: {  	[sflag:s20] =	ssyncadd.s32 $0xFFFFE000  }
0x96: {  	_ =	swait.ge [sflag:s24], $0x2000  }
0x97: {  	[sflag:s24] =	ssyncset.done $0x0  }
0x98: {  	[sflag:s24] =	ssyncadd.s32 $0xFFFFE000  }
0x99: {  	_ =	swait.ge [sflag:s26], $0x2000  }
0x9a: {  	[sflag:s26] =	ssyncset.done $0x0  }
0x9b: {  	[sflag:s26] =	ssyncadd.s32 $0xFFFFE000  }
0x9c: {  	[bflag:$0x0] =	sbarrier.arrive $0xFFFF  }
0x9d: {  	s15 =	rddreg [dreg:$0xa]  }
0x9e: {  	[hbm:s15], [sflag:s6] =	dma.local [spmem:s7], $0x400  }
0x9f: {  	_ =	swait.ge [sflag:s19], $0x400  }
0xa0: {  	[sflag:s19] =	ssyncset.done $0x0  }
0xa1: {  	s14 =	rddreg [dreg:$0xb];
	[sflag:s19] =	ssyncadd.s32 $0xFFFFFC00  }
0xa2: {  	[hbm:s14], [sflag:s6] =	dma.local [spmem:s8], $0x400  }
0xa3: {  	_ =	swait.ge [sflag:s19], $0x400  }
0xa4: {  	[sflag:s19] =	ssyncset.done $0x0  }
0xa5: {  	s15 =	rddreg [dreg:$0xc];
	[sflag:s19] =	ssyncadd.s32 $0xFFFFFC00  }
0xa6: {  	[hbm:s15], [sflag:s6] =	dma.local [spmem:s9], $0x400  }
0xa7: {  	_ =	swait.ge [sflag:s19], $0x400  }
0xa8: {  	[sflag:s19] =	ssyncset.done $0x0  }
0xa9: {  	[sflag:s19] =	ssyncadd.s32 $0xFFFFFC00  }
0xaa: {  	[hbm:s16], [sflag:s6] =	dma.local [spmem:s10], $0x400  }
0xab: {  	s5 =	sadd.s32 $0x1, s5;
	_ =	swait.ge [sflag:s19], $0x400  }
0xac: {  	p0 =	sne.s32 s5, s18;
	[sflag:s19] =	ssyncset.done $0x0  }
.Ltmp1:
0xad: {  	[sflag:s19] =	ssyncadd.s32 $0xFFFFFC00;
	(pc) =	sbr.rel @p0 .LBB2_1-.Ltmp1, $4  }
0xae: {  	[hbm:s17], [sflag:s6] =	dma.local [spmem:s11], $0x400  }
0xaf: {  	_ =	swait.ge [sflag:s19], $0x400  }
0xb0: {  	[sflag:s19] =	ssyncset.done $0x0  }
0xb1: {  	[sflag:s19] =	ssyncadd.s32 $0xFFFFFC00  }
0xb2: {  	_ =	sfence.sel $0x180000  }
0xb3: {  	[bflag:$0x0] =	sbarrier.arrive $0xFFFF  }
0xb4: {  	_ =	strace $0x9000004A  }
0xb5: {  	s0 =	stileid.u32;
	[bflag:$0x2] =	sbarrier.arrive $0xFFFF  }
0xb6: {  	p0 =	sne.s32 s0, $0x0;
	s0 =	rddreg [dreg:$0x2]  }
0xb7: {  	s0 =	sadd.s32 @!p0 $0x100000, s0  }
0xb8: {  	[sflag:s0] =	ssyncadd.tile.s32 @!p0 $0x1;
	_ =	shalt  }
.Lfunc_end2:
_tile_overlayer_lowered:
.L_overlay_start_2:
0xb9: {  	(tag) =	ssettag $0x2  }
0xba: {  	s0 =	rddreg [dreg:$0x0];
	s2 =	stileid.u32  }
0xbb: {  	s1 =	rddreg [dreg:$0x1];
	p0 =	sne.s32 s2, $0x0  }
0xbc: {  	s3 =	rddreg [dreg:$0x2];
	[bflag:$0x3] =	sbarrier.arrive $0xFFFF;
	s2 =	simm.s32 @!p0 $0x1C09  }
0xbd: {  	[timem:s3], [sflag:s2] =	dma.local @!p0 [hbm:s0], s1  }
0xbe: {  	s0 =	simm.s32 @!p0 $0x9  }
0xbf: {  	_ =	swait.ge @!p0 [sflag:s0], s1  }
0xc0: {  	s1 =	ssub.s32 @!p0 $0x0, s1;
	[sflag:s0] =	ssyncset.done @!p0 $0x0  }
0xc1: {  	[sflag:s0] =	ssyncadd.s32 @!p0 s1  }
0xc2: {  	[bflag:$0x3] =	sbarrier.arrive $0xFFFF  }
0xc3: {  	_ =	shalt  }

// kernel: kernel.16.cloned.1.call-start
scs
__scs_entry_jumppad:
0x0: {  	(pc) =	sbr.rel $0x88, $3  }
0x1: {  	(tag) =	ssettag $0x0;
	lr =	simm.s32 $0x1  }
0x2: {  	[smem:$0x3F97] =	sst lr;
	_ =	strace $0xD0000000  }
0x3: {  	_ = 	snop  }
0x4: {  	_ = 	snop  }
0x5: {  	_ = 	snop  }
0x6: {  	_ = 	snop  }
0x7: {  	_ = 	snop  }
__scs_overlays_trampoline_lowered:
0x8: {  	[smem:$0x3FA6] =	sst s0  }
0x9: {  	[smem:$0x3FA7] =	sst s1  }
0xa: {  	[smem:$0x3FA8] =	sst s2  }
0xb: {  	[smem:$0x3FA9] =	sst s3  }
0xc: {  	[smem:$0x3FAA] =	sst s4  }
0xd: {  	[smem:$0x3FAB] =	sst s5  }
0xe: {  	[smem:$0x3FAC] =	sst s6  }
0xf: {  	[smem:$0x3FAD] =	sst s7  }
0x10: {  	[smem:$0x3FAE] =	sst s8  }
0x11: {  	[smem:$0x3FAF] =	sst s9;
	s0 =	simm.s32 @!p0 $0x0  }
0x12: {  	s1 =	sld [smem:$0x3F95];
	s0 =	simm.s32 @p0 $0x1  }
0x13: {  	[smem:$0x3FB0] =	sst s0;
	s0 =	simm.s32 @!p1 $0x0  }
0x14: {  	s2 =	sld [smem:$0x3F94];
	s0 =	simm.s32 @p1 $0x1  }
0x15: {  	[smem:$0x3FB1] =	sst s0;
	s0 =	simm.s32 @!p2 $0x0  }
0x16: {  	s3 =	sld [smem:$0x3FDB];
	s0 =	simm.s32 @p2 $0x1  }
0x17: {  	s4 =	simm.s32 $0x1BF5;
	[smem:$0x3FB3] =	sst s0  }
0x18: {  	s0 =	sld [smem:$0x3F96];
	_ =	swait.ge [sflag:s4], $0x0  }
0x19: {  	s7 =	sld [smem:$0x3F97]  }
0x1a: {  	s8 =	sadd.s32 $0xFFFFE003, lr  }
0x1b: {  	s9 =	sadd.s32 $0xFFFFFEF7, lr;
	s5 =	simm.s32 $0xFFFFFFFF;
	p2 =	slt.u32 s8, $0xFFFFF086  }
0x1c: {  	p1 =	slt.u32 s9, $0xF7A;
	s5 =	simm.s32 @!p2 $0x0  }
0x1d: {  	s5 =	simm.s32 @p1 $0x1;
	p0 =	seq.s32 s7, s2  }
0x1e: {  	s7 =	smul.u32 @!p0 $0xF7A, s2;
	p2 =	seq.s32 @!p0 s5, $0x0  }
0x1f: {  	s9 =	smul.u32 $0xF7A, s1;
	s8 =	simm.s32 @!p0 $0x1BF5;
	p2 =	por !p2, p0  }
0x20: {  	[sflag:s8] =	ssyncset.s32 @!p0 $0xFFFFF086;
	s6 =	sadd.s32 @!p0 s3, s7;
	s7 =	simm.s32 @!p0 $0x108  }
0x21: {  	s3 =	sadd.s32 s3, s9;
	s6 =	sadd.s32 @!p0 $0x88, s6;
	s7 =	simm.s32 @p2 $0x1082  }
0x22: {  	[simem:s7], [sflag:s8] =	dma.local @!p0 [hbm:s6], $0xF7A  }
0x23: {  	s9 =	sor.u32 $0xD0000000, s2;
	s6 =	simm.s32 $0x108;
	_ =	swait.ge @!p0 [sflag:s8], $0x0  }
0x24: {  	s3 =	sadd.s32 $0x88, s3;
	s6 =	simm.s32 @!p1 $0x1082;
	[sflag:s4] =	ssyncset.s32 $0xFFFFF086  }
0x25: {  	[simem:s6], [sflag:s4] =	dma.local [hbm:s3], $0xF7A  }
0x26: {  	[smem:$0x3F97] =	sst s1;
	(tag) =	ssettag s2;
	_ =	strace s9  }
0x27: {  	s1 =	sld [smem:$0x3FA7]  }
0x28: {  	s2 =	sld [smem:$0x3FA8]  }
0x29: {  	s4 =	sld [smem:$0x3FAA]  }
0x2a: {  	p0 =	seq.s32 s5, $0x0;
	s5 =	sld [smem:$0x3FAB]  }
0x2b: {  	s6 =	sld [smem:$0x3FAC]  }
0x2c: {  	s7 =	sld [smem:$0x3FAD]  }
0x2d: {  	s3 =	simm.s32 $0x108;
	s8 =	sld [smem:$0x3FAE]  }
0x2e: {  	s3 =	simm.s32 @!p0 $0x1082;
	s9 =	sld [smem:$0x3FAF]  }
0x2f: {  	lr =	sadd.s32 s0, s3;
	s0 =	sld [smem:$0x3FA6]  }
0x30: {  	s3 =	sld [smem:$0x3FA9]  }
0x31: {  	[smem:$0x3FB2] =	sst s10  }
0x32: {  	s10 =	sld [smem:$0x3FB0];
	_ =	sdelay $0x3  }
0x33: {  	p0 =	seq.s32 s10, $0x1;
	s10 =	sld [smem:$0x3FB2];
	_ =	sdelay $0x3  }
0x34: {  	[smem:$0x3FB2] =	sst s10  }
0x35: {  	s10 =	sld [smem:$0x3FB1];
	_ =	sdelay $0x3  }
0x36: {  	p1 =	seq.s32 s10, $0x1;
	s10 =	sld [smem:$0x3FB2];
	_ =	sdelay $0x3  }
0x37: {  	[smem:$0x3FB2] =	sst s10  }
0x38: {  	s10 =	sld [smem:$0x3FB3]  }
0x39: {  	_ = 	snop;
	(pc) =	sbr.ind lr, $3  }
0x3a: {  	_ = 	snop  }
0x3b: {  	_ = 	snop  }
0x3c: {  	p2 =	seq.s32 s10, $0x1;
	s10 =	sld [smem:$0x3FB2]  }
0x3d: {  	_ =	shalt  }
0x3e: {  	_ =	shalt  }
0x3f: {  	_ =	shalt  }
0x40: {  	_ =	shalt  }
0x41: {  	_ =	shalt  }
0x42: {  	_ =	shalt  }
0x43: {  	_ =	shalt  }
0x44: {  	_ =	shalt  }
0x45: {  	_ =	shalt  }
0x46: {  	_ =	shalt  }
0x47: {  	_ =	shalt  }
0x48: {  	_ =	shalt  }
0x49: {  	_ =	shalt  }
0x4a: {  	_ =	shalt  }
0x4b: {  	_ =	shalt  }
0x4c: {  	_ =	shalt  }
0x4d: {  	_ =	shalt  }
0x4e: {  	_ =	shalt  }
0x4f: {  	_ =	shalt  }
0x50: {  	_ =	shalt  }
0x51: {  	_ =	shalt  }
0x52: {  	_ =	shalt  }
0x53: {  	_ =	shalt  }
0x54: {  	_ =	shalt  }
0x55: {  	_ =	shalt  }
0x56: {  	_ =	shalt  }
0x57: {  	_ =	shalt  }
0x58: {  	_ =	shalt  }
0x59: {  	_ =	shalt  }
0x5a: {  	_ =	shalt  }
0x5b: {  	_ =	shalt  }
0x5c: {  	_ =	shalt  }
0x5d: {  	_ =	shalt  }
0x5e: {  	_ =	shalt  }
0x5f: {  	_ =	shalt  }
0x60: {  	_ =	shalt  }
0x61: {  	_ =	shalt  }
0x62: {  	_ =	shalt  }
0x63: {  	_ =	shalt  }
0x64: {  	_ =	shalt  }
0x65: {  	_ =	shalt  }
0x66: {  	_ =	shalt  }
0x67: {  	_ =	shalt  }
0x68: {  	_ =	shalt  }
0x69: {  	_ =	shalt  }
0x6a: {  	_ =	shalt  }
0x6b: {  	_ =	shalt  }
0x6c: {  	_ =	shalt  }
0x6d: {  	_ =	shalt  }
0x6e: {  	_ =	shalt  }
0x6f: {  	_ =	shalt  }
0x70: {  	_ =	shalt  }
0x71: {  	_ =	shalt  }
0x72: {  	_ =	shalt  }
0x73: {  	_ =	shalt  }
0x74: {  	_ =	shalt  }
0x75: {  	_ =	shalt  }
0x76: {  	_ =	shalt  }
0x77: {  	_ =	shalt  }
0x78: {  	_ =	shalt  }
0x79: {  	_ =	shalt  }
0x7a: {  	_ =	shalt  }
0x7b: {  	_ =	shalt  }
0x7c: {  	_ =	shalt  }
0x7d: {  	_ =	shalt  }
0x7e: {  	_ =	shalt  }
0x7f: {  	_ =	shalt  }
0x80: {  	_ =	shalt  }
0x81: {  	_ =	shalt  }
0x82: {  	_ =	shalt  }
0x83: {  	_ =	shalt  }
0x84: {  	_ =	shalt  }
0x85: {  	_ =	shalt  }
0x86: {  	_ =	shalt  }
0x87: {  	_ =	shalt  }
.Lfunc_end0:
.L_simem_size_0:
called_computation.2_lowered:
.L_overlay_start_0:
0x88: {  	s2 =	sld [smem:$0x3FD9]  }
0x89: {  	s3 =	sld [smem:$0x3FFE];
	_ =	sdelay $0x1  }
0x8a: {  	s1 =	srdreg.scid  }
0x8b: {  	s0 =	sand.u32 $0x1, s1  }
0x8c: {  	s16 =	sshll.u32 s0, $0xA;
	s2 =	sadd.s32 s3, s2  }
0x8d: {  	s2 =	sadd.s32 s2, s16  }
0x8e: {  	[smem:$0x3FBE] =	sst s2  }
0x8f: {  	_ = 	snop  }
0x90: {  	(tm) =	ssettm $0x1  }
0x91: {  	s17 =	sld [smem:$0x3FFB];
	_ =	sdelay $0x3  }
0x92: {  	_ =	strace s17  }
0x93: {  	s2 =	sld [smem:$0x3FFC];
	_ =	sdelay $0x3  }
0x94: {  	_ =	strace s2  }
0x95: {  	s2 =	sld [smem:$0x3FFD];
	_ =	sdelay $0x3  }
0x96: {  	_ =	strace s2  }
0x97: {  	_ =	strace $0x8FFFFFFF  }
0x98: {  	s18 =	sld [smem:$0x3FDB];
	_ =	sdelay $0x1  }
0x99: {  	s19 =	simm.s32 $_scs_section_size  }
0x9a: {  	s4 =	simm.s32 $_size__tile_overlayer_lowered;
	s5 =	simm.s32 $_tile_overlayer_lowered  }
0x9b: {  	s22 =	simm.s32 $0x1BFF;
	s21 =	sshll.u32 s5, $0x1;
	s2 =	sadd.s32 s19, s18  }
0x9c: {  	s6 =	simm.s32 $0x0;
	s20 =	sshll.u32 s4, $0x1;
	s4 =	sadd.s32 s21, s2  }
0x9d: {  	[timem:s6], [sflag:s22] =	dma.local [hbm:s4], s20  }
0x9e: {  	_ =	swait.ge [sflag:s22], s20  }
0x9f: {  	s3 =	ssub.s32 $0x0, s20;
	[sflag:s22] =	ssyncset.done $0x0  }
0xa0: {  	[sflag:s22] =	ssyncadd.s32 s3;
	_ =	sdelay $0x1  }
0xa1: {  	s23 =	simm.s32 $0x1B8B  }
0xa2: {  	_ =	swait.ge [sflag:s23], $0x1  }
0xa3: {  	[sflag:s23] =	ssyncset.done $0x0  }
0xa4: {  	s25 =	simm.s32 $0x1B8E;
	s24 =	sld [smem:$0x3FFE];
	[sflag:s23] =	ssyncadd.s32 $0xFFFFFFFF  }
0xa5: {  	s26 =	simm.s32 $execute0_lowered;
	[smem:$0x3FD2] =	sst s25  }
0xa6: {  	s4 =	sshll.u32 s26, $0x1;
	_ =	strace $0x8000004C;
	[dreg:$0x1] =	wrdreg $0xFFFFFFFF  }
0xa7: {  	s28 =	simm.s32 $_size_execute0_lowered;
	s2 =	sadd.s32 s2, s4;
	[dreg:$0x0] =	wrdreg $0x0  }
0xa8: {  	s4 =	sshll.u32 s28, $0x1;
	[dreg:$0x2] =	wrdreg s2  }
0xa9: {  	[dreg:$0x3] =	wrdreg s4  }
0xaa: {  	[dreg:$0x4] =	wrdreg $0xC0  }
0xab: {  	_ =	task [dreg:s6], $0x5FFFF  }
0xac: {  	[dreg:$0x1] =	wrdreg $0xFFFFFFFF  }
0xad: {  	[dreg:$0x0] =	wrdreg $0x60  }
0xae: {  	[dreg:$0x2] =	wrdreg s24  }
0xaf: {  	[dreg:$0x3] =	wrdreg $0x120000  }
0xb0: {  	[dreg:$0x4] =	wrdreg $0x9  }
0xb1: {  	_ =	task.clear_ibuf [dreg:s6], $0x5FFFF;
	_ =	strace $0x9000004C  }
0xb2: {  	s29 =	simm.s32 $0x9;
	_ =	strace $0x8000004E  }
0xb3: {  	_ =	swait.ge [sflag:s29], $0x1  }
0xb4: {  	[sflag:s29] =	ssyncadd.s32 $0xFFFFFFFF  }
0xb5: {  	_ =	strace $0x9000004E  }
0xb6: {  	_ =	sfence  }
0xb7: {  	s30 =	sld [smem:$0x0];
	_ =	sdelay $0x2  }
0xb8: {  	s31 =	sshll.u32 s1, $0xD;
	s1 =	sshrl.u32 s1, $0x2  }
0xb9: {  	s3 =	sand.u32 $0x4000, s31;
	s1 =	sadd.s32 s1, s30  }
0xba: {  	s0 =	sor.u32 s3, s0;
	s1 =	sshll.u32 s1, $0x11  }
0xbb: {  	s0 =	sor.u32 s1, s0  }
0xbc: {  	s0 =	sadd.s32 $0x8F2B, s0  }
0xbd: {  	[sflag:s0] =	ssyncadd.remote.s32 $0x1  }
0xbe: {  	_ =	sfence.sel $0xFFFF  }
0xbf: {  	[dreg:$0x0] =	wrdreg $0xFFFFFFFF;
	(pc) =	sbr.abs _section_cstart, $3  }
0xc0: {  	[dreg:$0x1] =	wrdreg $0xFFFFFFFF  }
0xc1: {  	_ =	task.clear_ibuf [dreg:s6], $0x2FFFF;
	_ =	strace $0x9FFFFFFF  }
0xc2: {  	(tm) =	ssettm $0x7FFFFFFF  }
0xc3: {  	_ =	shalt  }
tec
execute0_lowered:
.L_overlay_start_1:
0x0: {  	(tag) =	ssettag $0x1  }
0x1: {  	s0 =	rddreg [dreg:$0x0]  }
0x2: {  	s1 =	rddreg [dreg:$0x1];
	s2 =	srdreg.scid  }
0x3: {  	s3 =	simm.s32 $0x0;
	s9 =	stileid.u32;
	s28 =	simm.s32 $0x10000  }
0x4: {  	s29 =	simm.s32 $0x1;
	s30 =	simm.s32 $0x2;
	s5 =	smul.u32 $0xA00, s9  }
0x5: {  	s2 =	sand.u32 $0x1, s2;
	[smem:$0x7FF] =	sst s3;
	s9 =	smul.u32 $0xA000, s9  }
0x6: {  	s31 =	simm.s32 $0x3;
	s4 =	smul.u32 $0x9C400, s2;
	_ =	strace $0x8000004D  }
0x7: {  	s7 =	ssub.s32 $0x2, s2;
	s2 =	smul.u32 $0xA0000, s2;
	s5 =	sadd.s32 s5, s0  }
0x8: {  	s8 =	sshrl.u32 s7, $0x1;
	s18 =	sadd.s32 s9, s1;
	s19 =	sadd.s32 $0x2000, s9  }
0x9: {  	s20 =	sadd.s32 $0x4000, s9;
	s22 =	sadd.s32 $0x6000, s9;
	s23 =	sadd.s32 $0x8000, s9  }
0xa: {  	s6 =	sadd.s32 s4, s0;
	s4 =	sadd.s32 $0x33200, s0;
	s0 =	sadd.s32 $0x47600, s0  }
0xb: {  	s7 =	ssub.s32 s7, s8;
	s17 =	sadd.s32 $0x3D600, s5;
	[dreg:$0x5] =	wrdreg s18  }
0xc: {  	s5 =	sadd.s32 $0x2000, s5;
	s10 =	sadd.s32 s19, s1;
	[dreg:$0x3] =	wrdreg s17  }
0xd: {  	s21 =	sadd.s32 s20, s1;
	s11 =	sadd.s32 s22, s1;
	[dreg:$0x4] =	wrdreg s5  }
0xe: {  	s9 =	sadd.s32 s9, s2;
	s12 =	sadd.s32 s23, s1;
	[dreg:$0x6] =	wrdreg s10  }
0xf: {  	s25 =	sadd.s32 s2, s20;
	s26 =	sadd.s32 s2, s22;
	[dreg:$0x7] =	wrdreg s21  }
0x10: {  	s22 =	simm.s32 $0xA000;
	s20 =	simm.s32 $0x6;
	[dreg:$0x8] =	wrdreg s11  }
0x11: {  	[dreg:$0x9] =	wrdreg s12;
	s9 =	sshrl.u32 s9, $0x3;
	s5 =	sadd.s32 s2, s19  }
0x12: {  	s12 =	sadd.s32 $0x97600, s6;
	s6 =	sshrl.u32 s26, $0x3;
	s2 =	sadd.s32 s2, s23  }
0x13: {  	s18 =	smax.u32 s7, $0x1;
	s19 =	simm.s32 $0x9;
	s21 =	simm.s32 $0x80  }
0x14: {  	s23 =	simm.s32 $0xC000;
	s26 =	simm.s32 $0x8;
	s24 =	sadd.s32 s0, s9  }
0x15: {  	s5 =	sshrl.u32 s5, $0x3;
	s16 =	sadd.s32 s0, s6;
	s2 =	sshrl.u32 s2, $0x3  }
0x16: {  	[dreg:$0xa] =	wrdreg s24;
	s5 =	sadd.s32 s0, s5;
	s17 =	sadd.s32 s0, s2  }
0x17: {  	s2 =	simm.s32 $0x5;
	[dreg:$0xb] =	wrdreg s5;
	s5 =	sshrl.u32 s25, $0x3  }
0x18: {  	s24 =	simm.s32 $0x7;
	s25 =	simm.s32 $0xE000;
	s5 =	sadd.s32 s0, s5  }
0x19: {  	s0 =	simm.s32 $0x4;
	[dreg:$0xc] =	wrdreg s5;
	s5 =	simm.s32 $0x0  }
.LBB2_1:
0x1a: {  	s6 =	rddreg [dreg:$0x3]  }
0x1b: {  	[tilespmem:s3], [sflag:$0x9] =	stream.linear.gather [hbm4b:s6+s3], $0x5000, $0x38;
	[tilespmem:$0x1C000] =	vst v63  }
0x1c: {  	_ =	swait.ge [sflag:s19], $0x5000  }
0x1d: {  	[sflag:s19] =	ssyncset.done $0x0  }
0x1e: {  	s7 =	simm.s32 $0x5000;
	s10 =	rddreg [dreg:$0x4];
	[sflag:s19] =	ssyncadd.s32 $0xFFFFB000  }
0x1f: {  	[tilespmem:s7], [sflag:$0x9] =	stream.linear.gather [hbm4b:s10+s3], $0x5000, $0x38;
	[tilespmem:$0x1C000] =	vst v63  }
0x20: {  	s11 =	stileid.u32;
	_ =	swait.ge [sflag:s19], $0x5000  }
0x21: {  	s6 =	sshll.u32 s11, $0x6;
	[sflag:s19] =	ssyncset.done $0x0;
	s13 =	rddreg [dreg:$0x5]  }
0x22: {  	s6 =	sor.u32 $0x1C09, s6;
	[sflag:s19] =	ssyncadd.s32 $0xFFFFB000;
	s7 =	sshrl.u32 s13, $0x3  }
0x23: {  	[spmem:s7], [sflag:s6] =	dma.local [hbm:s4], $0x400  }
0x24: {  	_ =	swait.ge [sflag:s19], $0x400  }
0x25: {  	[sflag:s19] =	ssyncset.done $0x0;
	s8 =	rddreg [dreg:$0x6]  }
0x26: {  	[sflag:s19] =	ssyncadd.s32 $0xFFFFFC00;
	s8 =	sshrl.u32 s8, $0x3  }
0x27: {  	[spmem:s8], [sflag:s6] =	dma.local [hbm:s4], $0x400  }
0x28: {  	_ =	swait.ge [sflag:s19], $0x400  }
0x29: {  	[sflag:s19] =	ssyncset.done $0x0;
	s9 =	rddreg [dreg:$0x7]  }
0x2a: {  	[sflag:s19] =	ssyncadd.s32 $0xFFFFFC00;
	s9 =	sshrl.u32 s9, $0x3  }
0x2b: {  	[spmem:s9], [sflag:s6] =	dma.local [hbm:s4], $0x400  }
0x2c: {  	_ =	swait.ge [sflag:s19], $0x400  }
0x2d: {  	[sflag:s19] =	ssyncset.done $0x0;
	s10 =	rddreg [dreg:$0x8]  }
0x2e: {  	[sflag:s19] =	ssyncadd.s32 $0xFFFFFC00;
	s10 =	sshrl.u32 s10, $0x3  }
0x2f: {  	[spmem:s10], [sflag:s6] =	dma.local [hbm:s4], $0x400  }
0x30: {  	_ =	swait.ge [sflag:s19], $0x400  }
0x31: {  	[sflag:s19] =	ssyncset.done $0x0;
	s11 =	rddreg [dreg:$0x9]  }
0x32: {  	[sflag:s19] =	ssyncadd.s32 $0xFFFFFC00;
	s11 =	sshrl.u32 s11, $0x3  }
0x33: {  	[spmem:s11], [sflag:s6] =	dma.local [hbm:s4], $0x400  }
0x34: {  	_ =	swait.ge [sflag:s19], $0x400  }
0x35: {  	[sflag:s19] =	ssyncset.done $0x0  }
0x36: {  	[sflag:s19] =	ssyncadd.s32 $0xFFFFFC00  }
0x37: {  	[bflag:$0x0] =	sbarrier.arrive $0xFFFF  }
0x38: {  	[tilespmem:s22], [sflag:$0x1] =	stream.indirect.gather [hbm4b:s12+s21], $0x40, s3, s21, $0xb8;
	[tilespmem:$0x1C000] =	vst v63  }
0x39: {  	_ = 	snop  }
0x3a: {  	[tilespmem:s23], [sflag:$0x2] =	stream.indirect.gather [hbm4b:s12+s21], $0x40, s21, s21, $0xb8;
	[tilespmem:$0x1C000] =	vst v63  }
0x3b: {  	s13 =	simm.s32 $0x100  }
0x3c: {  	[tilespmem:s25], [sflag:$0x3] =	stream.indirect.gather [hbm4b:s12+s21], $0x40, s13, s21, $0xb8;
	[tilespmem:$0x1C000] =	vst v63  }
0x3d: {  	s14 =	simm.s32 $0x180  }
0x3e: {  	[tilespmem:s28], [sflag:$0x4] =	stream.indirect.gather [hbm4b:s12+s21], $0x40, s14, s21, $0xb8;
	[tilespmem:$0x1C000] =	vst v63  }
0x3f: {  	_ =	swait.ge [sflag:s29], $0x2000  }
0x40: {  	[sflag:s29] =	ssyncset.done $0x0  }
0x41: {  	s15 =	simm.s32 $0x5000;
	[sflag:s29] =	ssyncadd.s32 $0xFFFFE000  }
0x42: {  	[spmem:s1] =	stream.indirect.scatter.add.f32 [tilespmem:s22], [sflag:$0x5], $0x40, s15, s21, $0xb8;
	[tilespmem:$0x1C000] =	vst v63  }
0x43: {  	_ =	swait.ge [sflag:s30], $0x2000  }
0x44: {  	[sflag:s30] =	ssyncset.done $0x0  }
0x45: {  	s14 =	simm.s32 $0x5080;
	[sflag:s30] =	ssyncadd.s32 $0xFFFFE000  }
0x46: {  	[spmem:s1] =	stream.indirect.scatter.add.f32 [tilespmem:s23], [sflag:$0x6], $0x40, s14, s21, $0xb8;
	[tilespmem:$0x1C000] =	vst v63  }
0x47: {  	_ =	swait.ge [sflag:s31], $0x2000  }
0x48: {  	[sflag:s31] =	ssyncset.done $0x0  }
0x49: {  	s15 =	simm.s32 $0x5100;
	[sflag:s31] =	ssyncadd.s32 $0xFFFFE000  }
0x4a: {  	[spmem:s1] =	stream.indirect.scatter.add.f32 [tilespmem:s25], [sflag:$0x7], $0x40, s15, s21, $0xb8;
	[tilespmem:$0x1C000] =	vst v63  }
0x4b: {  	_ =	swait.ge [sflag:s0], $0x2000  }
0x4c: {  	[sflag:s0] =	ssyncset.done $0x0  }
0x4d: {  	s14 =	simm.s32 $0x5180;
	[sflag:s0] =	ssyncadd.s32 $0xFFFFE000  }
0x4e: {  	[spmem:s1] =	stream.indirect.scatter.add.f32 [tilespmem:s28], [sflag:$0x8], $0x40, s14, s21, $0xb8;
	[tilespmem:$0x1C000] =	vst v63  }
0x4f: {  	_ =	swait.ge [sflag:s2], $0x2000  }
0x50: {  	[sflag:s2] =	ssyncset.done $0x0  }
0x51: {  	s15 =	simm.s32 $0x200;
	[sflag:s2] =	ssyncadd.s32 $0xFFFFE000  }
0x52: {  	[tilespmem:s22], [sflag:$0x1] =	stream.indirect.gather [hbm4b:s12+s21], $0x40, s15, s21, $0xb8;
	[tilespmem:$0x1C000] =	vst v63  }
0x53: {  	_ =	swait.ge [sflag:s20], $0x2000  }
0x54: {  	[sflag:s20] =	ssyncset.done $0x0  }
0x55: {  	s14 =	simm.s32 $0x280;
	[sflag:s20] =	ssyncadd.s32 $0xFFFFE000  }
0x56: {  	[tilespmem:s23], [sflag:$0x2] =	stream.indirect.gather [hbm4b:s12+s21], $0x40, s14, s21, $0xb8;
	[tilespmem:$0x1C000] =	vst v63  }
0x57: {  	_ =	swait.ge [sflag:s24], $0x2000  }
0x58: {  	[sflag:s24] =	ssyncset.done $0x0  }
0x59: {  	s15 =	simm.s32 $0x300;
	[sflag:s24] =	ssyncadd.s32 $0xFFFFE000  }
0x5a: {  	[tilespmem:s25], [sflag:$0x3] =	stream.indirect.gather [hbm4b:s12+s21], $0x40, s15, s21, $0xb8;
	[tilespmem:$0x1C000] =	vst v63  }
0x5b: {  	_ =	swait.ge [sflag:s26], $0x2000  }
0x5c: {  	[sflag:s26] =	ssyncset.done $0x0  }
0x5d: {  	s13 =	simm.s32 $0x800;
	s14 =	simm.s32 $0x380;
	[sflag:s26] =	ssyncadd.s32 $0xFFFFE000  }
.LBB2_2:
0x5e: {  	[tilespmem:s28], [sflag:$0x4] =	stream.indirect.gather [hbm4b:s12+s21], $0x40, s14, s21, $0xb8;
	[tilespmem:$0x1C000] =	vst v63  }
0x5f: {  	s14 =	smov.u32 s13  }
0x60: {  	p0 =	sne.s32 s13, $0x13000;
	s13 =	sadd.s32 $0x800, s13;
	_ =	swait.ge [sflag:s29], $0x2000  }
0x61: {  	s14 =	sshra.s32 s14, $0x2;
	[sflag:s29] =	ssyncset.done $0x0  }
0x62: {  	s15 =	sadd.s32 $0x5000, s14;
	[sflag:s29] =	ssyncadd.s32 $0xFFFFE000  }
0x63: {  	[spmem:s1] =	stream.indirect.scatter.add.f32 [tilespmem:s22], [sflag:$0x5], $0x40, s15, s21, $0xb8;
	[tilespmem:$0x1C000] =	vst v63  }
0x64: {  	_ =	swait.ge [sflag:s30], $0x2000  }
0x65: {  	[sflag:s30] =	ssyncset.done $0x0  }
0x66: {  	s15 =	sadd.s32 $0x5080, s14;
	[sflag:s30] =	ssyncadd.s32 $0xFFFFE000  }
0x67: {  	[spmem:s1] =	stream.indirect.scatter.add.f32 [tilespmem:s23], [sflag:$0x6], $0x40, s15, s21, $0xb8;
	[tilespmem:$0x1C000] =	vst v63  }
0x68: {  	_ =	swait.ge [sflag:s31], $0x2000  }
0x69: {  	[sflag:s31] =	ssyncset.done $0x0  }
0x6a: {  	s15 =	sadd.s32 $0x5100, s14;
	[sflag:s31] =	ssyncadd.s32 $0xFFFFE000  }
0x6b: {  	[spmem:s1] =	stream.indirect.scatter.add.f32 [tilespmem:s25], [sflag:$0x7], $0x40, s15, s21, $0xb8;
	[tilespmem:$0x1C000] =	vst v63  }
0x6c: {  	_ =	swait.ge [sflag:s0], $0x2000  }
0x6d: {  	[sflag:s0] =	ssyncset.done $0x0  }
0x6e: {  	s15 =	sadd.s32 $0x5180, s14;
	[sflag:s0] =	ssyncadd.s32 $0xFFFFE000  }
0x6f: {  	[spmem:s1] =	stream.indirect.scatter.add.f32 [tilespmem:s28], [sflag:$0x8], $0x40, s15, s21, $0xb8;
	[tilespmem:$0x1C000] =	vst v63  }
0x70: {  	_ =	swait.ge [sflag:s2], $0x2000  }
0x71: {  	[sflag:s2] =	ssyncset.done $0x0  }
0x72: {  	s15 =	sadd.s32 $0x200, s14;
	[sflag:s2] =	ssyncadd.s32 $0xFFFFE000  }
0x73: {  	[tilespmem:s22], [sflag:$0x1] =	stream.indirect.gather [hbm4b:s12+s21], $0x40, s15, s21, $0xb8;
	[tilespmem:$0x1C000] =	vst v63  }
0x74: {  	_ =	swait.ge [sflag:s20], $0x2000  }
0x75: {  	[sflag:s20] =	ssyncset.done $0x0  }
0x76: {  	s15 =	sadd.s32 $0x280, s14;
	[sflag:s20] =	ssyncadd.s32 $0xFFFFE000  }
0x77: {  	[tilespmem:s23], [sflag:$0x2] =	stream.indirect.gather [hbm4b:s12+s21], $0x40, s15, s21, $0xb8;
	[tilespmem:$0x1C000] =	vst v63  }
0x78: {  	_ =	swait.ge [sflag:s24], $0x2000  }
0x79: {  	[sflag:s24] =	ssyncset.done $0x0  }
.Ltmp0:
0x7a: {  	s15 =	sadd.s32 $0x300, s14;
	[sflag:s24] =	ssyncadd.s32 $0xFFFFE000;
	(pc) =	sbr.rel @p0 .LBB2_2-.Ltmp0, $4  }
0x7b: {  	[tilespmem:s25], [sflag:$0x3] =	stream.indirect.gather [hbm4b:s12+s21], $0x40, s15, s21, $0xb8;
	[tilespmem:$0x1C000] =	vst v63  }
0x7c: {  	_ =	swait.ge [sflag:s26], $0x2000  }
0x7d: {  	[sflag:s26] =	ssyncset.done $0x0  }
0x7e: {  	s14 =	sadd.s32 $0x380, s14;
	[sflag:s26] =	ssyncadd.s32 $0xFFFFE000  }
0x7f: {  	[tilespmem:s28], [sflag:$0x4] =	stream.indirect.gather [hbm4b:s12+s21], $0x40, s14, s21, $0xb8;
	[tilespmem:$0x1C000] =	vst v63  }
0x80: {  	_ =	swait.ge [sflag:s29], $0x2000  }
0x81: {  	[sflag:s29] =	ssyncset.done $0x0  }
0x82: {  	s13 =	simm.s32 $0x9E00;
	[sflag:s29] =	ssyncadd.s32 $0xFFFFE000  }
0x83: {  	[spmem:s1] =	stream.indirect.scatter.add.f32 [tilespmem:s22], [sflag:$0x5], $0x40, s13, s21, $0xb8;
	[tilespmem:$0x1C000] =	vst v63  }
0x84: {  	_ =	swait.ge [sflag:s30], $0x2000  }
0x85: {  	[sflag:s30] =	ssyncset.done $0x0  }
0x86: {  	s14 =	simm.s32 $0x9E80;
	[sflag:s30] =	ssyncadd.s32 $0xFFFFE000  }
0x87: {  	[spmem:s1] =	stream.indirect.scatter.add.f32 [tilespmem:s23], [sflag:$0x6], $0x40, s14, s21, $0xb8;
	[tilespmem:$0x1C000] =	vst v63  }
0x88: {  	_ =	swait.ge [sflag:s31], $0x2000  }
0x89: {  	[sflag:s31] =	ssyncset.done $0x0  }
0x8a: {  	s15 =	simm.s32 $0x9F00;
	[sflag:s31] =	ssyncadd.s32 $0xFFFFE000  }
0x8b: {  	[spmem:s1] =	stream.indirect.scatter.add.f32 [tilespmem:s25], [sflag:$0x7], $0x40, s15, s21, $0xb8;
	[tilespmem:$0x1C000] =	vst v63  }
0x8c: {  	_ =	swait.ge [sflag:s0], $0x2000  }
0x8d: {  	[sflag:s0] =	ssyncset.done $0x0  }
0x8e: {  	s14 =	simm.s32 $0x9F80;
	[sflag:s0] =	ssyncadd.s32 $0xFFFFE000  }
0x8f: {  	[spmem:s1] =	stream.indirect.scatter.add.f32 [tilespmem:s28], [sflag:$0x8], $0x40, s14, s21, $0xb8;
	[tilespmem:$0x1C000] =	vst v63  }
0x90: {  	_ =	swait.ge [sflag:s2], $0x2000  }
0x91: {  	[sflag:s2] =	ssyncset.done $0x0  }
0x92: {  	[sflag:s2] =	ssyncadd.s32 $0xFFFFE000  }
0x93: {  	_ =	swait.ge [sflag:s20], $0x2000  }
0x94: {  	[sflag:s20] =	ssyncset.done $0x0  }
0x95: {  	[sflag:s20] =	ssyncadd.s32 $0xFFFFE000  }
0x96: {  	_ =	swait.ge [sflag:s24], $0x2000  }
0x97: {  	[sflag:s24] =	ssyncset.done $0x0  }
0x98: {  	[sflag:s24] =	ssyncadd.s32 $0xFFFFE000  }
0x99: {  	_ =	swait.ge [sflag:s26], $0x2000  }
0x9a: {  	[sflag:s26] =	ssyncset.done $0x0  }
0x9b: {  	[sflag:s26] =	ssyncadd.s32 $0xFFFFE000  }
0x9c: {  	[bflag:$0x0] =	sbarrier.arrive $0xFFFF  }
0x9d: {  	s15 =	rddreg [dreg:$0xa]  }
0x9e: {  	[hbm:s15], [sflag:s6] =	dma.local [spmem:s7], $0x400  }
0x9f: {  	_ =	swait.ge [sflag:s19], $0x400  }
0xa0: {  	[sflag:s19] =	ssyncset.done $0x0  }
0xa1: {  	s14 =	rddreg [dreg:$0xb];
	[sflag:s19] =	ssyncadd.s32 $0xFFFFFC00  }
0xa2: {  	[hbm:s14], [sflag:s6] =	dma.local [spmem:s8], $0x400  }
0xa3: {  	_ =	swait.ge [sflag:s19], $0x400  }
0xa4: {  	[sflag:s19] =	ssyncset.done $0x0  }
0xa5: {  	s15 =	rddreg [dreg:$0xc];
	[sflag:s19] =	ssyncadd.s32 $0xFFFFFC00  }
0xa6: {  	[hbm:s15], [sflag:s6] =	dma.local [spmem:s9], $0x400  }
0xa7: {  	_ =	swait.ge [sflag:s19], $0x400  }
0xa8: {  	[sflag:s19] =	ssyncset.done $0x0  }
0xa9: {  	[sflag:s19] =	ssyncadd.s32 $0xFFFFFC00  }
0xaa: {  	[hbm:s16], [sflag:s6] =	dma.local [spmem:s10], $0x400  }
0xab: {  	s5 =	sadd.s32 $0x1, s5;
	_ =	swait.ge [sflag:s19], $0x400  }
0xac: {  	p0 =	sne.s32 s5, s18;
	[sflag:s19] =	ssyncset.done $0x0  }
.Ltmp1:
0xad: {  	[sflag:s19] =	ssyncadd.s32 $0xFFFFFC00;
	(pc) =	sbr.rel @p0 .LBB2_1-.Ltmp1, $4  }
0xae: {  	[hbm:s17], [sflag:s6] =	dma.local [spmem:s11], $0x400  }
0xaf: {  	_ =	swait.ge [sflag:s19], $0x400  }
0xb0: {  	[sflag:s19] =	ssyncset.done $0x0  }
0xb1: {  	[sflag:s19] =	ssyncadd.s32 $0xFFFFFC00  }
0xb2: {  	_ =	sfence.sel $0x180000  }
0xb3: {  	[bflag:$0x0] =	sbarrier.arrive $0xFFFF  }
0xb4: {  	_ =	strace $0x9000004D  }
0xb5: {  	s0 =	stileid.u32;
	[bflag:$0x2] =	sbarrier.arrive $0xFFFF  }
0xb6: {  	p0 =	sne.s32 s0, $0x0;
	s0 =	rddreg [dreg:$0x2]  }
0xb7: {  	s0 =	sadd.s32 @!p0 $0x100000, s0  }
0xb8: {  	[sflag:s0] =	ssyncadd.tile.s32 @!p0 $0x1;
	_ =	shalt  }
.Lfunc_end2:
_tile_overlayer_lowered:
.L_overlay_start_2:
0xb9: {  	(tag) =	ssettag $0x2  }
0xba: {  	s0 =	rddreg [dreg:$0x0];
	s2 =	stileid.u32  }
0xbb: {  	s1 =	rddreg [dreg:$0x1];
	p0 =	sne.s32 s2, $0x0  }
0xbc: {  	s3 =	rddreg [dreg:$0x2];
	[bflag:$0x3] =	sbarrier.arrive $0xFFFF;
	s2 =	simm.s32 @!p0 $0x1C09  }
0xbd: {  	[timem:s3], [sflag:s2] =	dma.local @!p0 [hbm:s0], s1  }
0xbe: {  	s0 =	simm.s32 @!p0 $0x9  }
0xbf: {  	_ =	swait.ge @!p0 [sflag:s0], s1  }
0xc0: {  	s1 =	ssub.s32 @!p0 $0x0, s1;
	[sflag:s0] =	ssyncset.done @!p0 $0x0  }
0xc1: {  	[sflag:s0] =	ssyncadd.s32 @!p0 s1  }
0xc2: {  	[bflag:$0x3] =	sbarrier.arrive $0xFFFF  }
0xc3: {  	_ =	shalt  }

// kernel: kernel.19.cloned.1.call-start
scs
__scs_entry_jumppad:
0x0: {  	(pc) =	sbr.rel $0x88, $3  }
0x1: {  	(tag) =	ssettag $0x0;
	lr =	simm.s32 $0x1  }
0x2: {  	[smem:$0x3F97] =	sst lr;
	_ =	strace $0xD0000000  }
0x3: {  	_ = 	snop  }
0x4: {  	_ = 	snop  }
0x5: {  	_ = 	snop  }
0x6: {  	_ = 	snop  }
0x7: {  	_ = 	snop  }
__scs_overlays_trampoline_lowered:
0x8: {  	[smem:$0x3FA6] =	sst s0  }
0x9: {  	[smem:$0x3FA7] =	sst s1  }
0xa: {  	[smem:$0x3FA8] =	sst s2  }
0xb: {  	[smem:$0x3FA9] =	sst s3  }
0xc: {  	[smem:$0x3FAA] =	sst s4  }
0xd: {  	[smem:$0x3FAB] =	sst s5  }
0xe: {  	[smem:$0x3FAC] =	sst s6  }
0xf: {  	[smem:$0x3FAD] =	sst s7  }
0x10: {  	[smem:$0x3FAE] =	sst s8  }
0x11: {  	[smem:$0x3FAF] =	sst s9;
	s0 =	simm.s32 @!p0 $0x0  }
0x12: {  	s1 =	sld [smem:$0x3F95];
	s0 =	simm.s32 @p0 $0x1  }
0x13: {  	[smem:$0x3FB0] =	sst s0;
	s0 =	simm.s32 @!p1 $0x0  }
0x14: {  	s2 =	sld [smem:$0x3F94];
	s0 =	simm.s32 @p1 $0x1  }
0x15: {  	[smem:$0x3FB1] =	sst s0;
	s0 =	simm.s32 @!p2 $0x0  }
0x16: {  	s3 =	sld [smem:$0x3FDB];
	s0 =	simm.s32 @p2 $0x1  }
0x17: {  	s4 =	simm.s32 $0x1BF5;
	[smem:$0x3FB3] =	sst s0  }
0x18: {  	s0 =	sld [smem:$0x3F96];
	_ =	swait.ge [sflag:s4], $0x0  }
0x19: {  	s7 =	sld [smem:$0x3F97]  }
0x1a: {  	s8 =	sadd.s32 $0xFFFFE003, lr  }
0x1b: {  	s9 =	sadd.s32 $0xFFFFFEF7, lr;
	s5 =	simm.s32 $0xFFFFFFFF;
	p2 =	slt.u32 s8, $0xFFFFF086  }
0x1c: {  	p1 =	slt.u32 s9, $0xF7A;
	s5 =	simm.s32 @!p2 $0x0  }
0x1d: {  	s5 =	simm.s32 @p1 $0x1;
	p0 =	seq.s32 s7, s2  }
0x1e: {  	s7 =	smul.u32 @!p0 $0xF7A, s2;
	p2 =	seq.s32 @!p0 s5, $0x0  }
0x1f: {  	s9 =	smul.u32 $0xF7A, s1;
	s8 =	simm.s32 @!p0 $0x1BF5;
	p2 =	por !p2, p0  }
0x20: {  	[sflag:s8] =	ssyncset.s32 @!p0 $0xFFFFF086;
	s6 =	sadd.s32 @!p0 s3, s7;
	s7 =	simm.s32 @!p0 $0x108  }
0x21: {  	s3 =	sadd.s32 s3, s9;
	s6 =	sadd.s32 @!p0 $0x88, s6;
	s7 =	simm.s32 @p2 $0x1082  }
0x22: {  	[simem:s7], [sflag:s8] =	dma.local @!p0 [hbm:s6], $0xF7A  }
0x23: {  	s9 =	sor.u32 $0xD0000000, s2;
	s6 =	simm.s32 $0x108;
	_ =	swait.ge @!p0 [sflag:s8], $0x0  }
0x24: {  	s3 =	sadd.s32 $0x88, s3;
	s6 =	simm.s32 @!p1 $0x1082;
	[sflag:s4] =	ssyncset.s32 $0xFFFFF086  }
0x25: {  	[simem:s6], [sflag:s4] =	dma.local [hbm:s3], $0xF7A  }
0x26: {  	[smem:$0x3F97] =	sst s1;
	(tag) =	ssettag s2;
	_ =	strace s9  }
0x27: {  	s1 =	sld [smem:$0x3FA7]  }
0x28: {  	s2 =	sld [smem:$0x3FA8]  }
0x29: {  	s4 =	sld [smem:$0x3FAA]  }
0x2a: {  	p0 =	seq.s32 s5, $0x0;
	s5 =	sld [smem:$0x3FAB]  }
0x2b: {  	s6 =	sld [smem:$0x3FAC]  }
0x2c: {  	s7 =	sld [smem:$0x3FAD]  }
0x2d: {  	s3 =	simm.s32 $0x108;
	s8 =	sld [smem:$0x3FAE]  }
0x2e: {  	s3 =	simm.s32 @!p0 $0x1082;
	s9 =	sld [smem:$0x3FAF]  }
0x2f: {  	lr =	sadd.s32 s0, s3;
	s0 =	sld [smem:$0x3FA6]  }
0x30: {  	s3 =	sld [smem:$0x3FA9]  }
0x31: {  	[smem:$0x3FB2] =	sst s10  }
0x32: {  	s10 =	sld [smem:$0x3FB0];
	_ =	sdelay $0x3  }
0x33: {  	p0 =	seq.s32 s10, $0x1;
	s10 =	sld [smem:$0x3FB2];
	_ =	sdelay $0x3  }
0x34: {  	[smem:$0x3FB2] =	sst s10  }
0x35: {  	s10 =	sld [smem:$0x3FB1];
	_ =	sdelay $0x3  }
0x36: {  	p1 =	seq.s32 s10, $0x1;
	s10 =	sld [smem:$0x3FB2];
	_ =	sdelay $0x3  }
0x37: {  	[smem:$0x3FB2] =	sst s10  }
0x38: {  	s10 =	sld [smem:$0x3FB3]  }
0x39: {  	_ = 	snop;
	(pc) =	sbr.ind lr, $3  }
0x3a: {  	_ = 	snop  }
0x3b: {  	_ = 	snop  }
0x3c: {  	p2 =	seq.s32 s10, $0x1;
	s10 =	sld [smem:$0x3FB2]  }
0x3d: {  	_ =	shalt  }
0x3e: {  	_ =	shalt  }
0x3f: {  	_ =	shalt  }
0x40: {  	_ =	shalt  }
0x41: {  	_ =	shalt  }
0x42: {  	_ =	shalt  }
0x43: {  	_ =	shalt  }
0x44: {  	_ =	shalt  }
0x45: {  	_ =	shalt  }
0x46: {  	_ =	shalt  }
0x47: {  	_ =	shalt  }
0x48: {  	_ =	shalt  }
0x49: {  	_ =	shalt  }
0x4a: {  	_ =	shalt  }
0x4b: {  	_ =	shalt  }
0x4c: {  	_ =	shalt  }
0x4d: {  	_ =	shalt  }
0x4e: {  	_ =	shalt  }
0x4f: {  	_ =	shalt  }
0x50: {  	_ =	shalt  }
0x51: {  	_ =	shalt  }
0x52: {  	_ =	shalt  }
0x53: {  	_ =	shalt  }
0x54: {  	_ =	shalt  }
0x55: {  	_ =	shalt  }
0x56: {  	_ =	shalt  }
0x57: {  	_ =	shalt  }
0x58: {  	_ =	shalt  }
0x59: {  	_ =	shalt  }
0x5a: {  	_ =	shalt  }
0x5b: {  	_ =	shalt  }
0x5c: {  	_ =	shalt  }
0x5d: {  	_ =	shalt  }
0x5e: {  	_ =	shalt  }
0x5f: {  	_ =	shalt  }
0x60: {  	_ =	shalt  }
0x61: {  	_ =	shalt  }
0x62: {  	_ =	shalt  }
0x63: {  	_ =	shalt  }
0x64: {  	_ =	shalt  }
0x65: {  	_ =	shalt  }
0x66: {  	_ =	shalt  }
0x67: {  	_ =	shalt  }
0x68: {  	_ =	shalt  }
0x69: {  	_ =	shalt  }
0x6a: {  	_ =	shalt  }
0x6b: {  	_ =	shalt  }
0x6c: {  	_ =	shalt  }
0x6d: {  	_ =	shalt  }
0x6e: {  	_ =	shalt  }
0x6f: {  	_ =	shalt  }
0x70: {  	_ =	shalt  }
0x71: {  	_ =	shalt  }
0x72: {  	_ =	shalt  }
0x73: {  	_ =	shalt  }
0x74: {  	_ =	shalt  }
0x75: {  	_ =	shalt  }
0x76: {  	_ =	shalt  }
0x77: {  	_ =	shalt  }
0x78: {  	_ =	shalt  }
0x79: {  	_ =	shalt  }
0x7a: {  	_ =	shalt  }
0x7b: {  	_ =	shalt  }
0x7c: {  	_ =	shalt  }
0x7d: {  	_ =	shalt  }
0x7e: {  	_ =	shalt  }
0x7f: {  	_ =	shalt  }
0x80: {  	_ =	shalt  }
0x81: {  	_ =	shalt  }
0x82: {  	_ =	shalt  }
0x83: {  	_ =	shalt  }
0x84: {  	_ =	shalt  }
0x85: {  	_ =	shalt  }
0x86: {  	_ =	shalt  }
0x87: {  	_ =	shalt  }
.Lfunc_end0:
.L_simem_size_0:
called_computation.3_lowered:
.L_overlay_start_0:
0x88: {  	s2 =	sld [smem:$0x3FD9]  }
0x89: {  	s3 =	sld [smem:$0x3FFE];
	_ =	sdelay $0x1  }
0x8a: {  	s1 =	srdreg.scid  }
0x8b: {  	s0 =	sand.u32 $0x1, s1  }
0x8c: {  	s16 =	sshll.u32 s0, $0xA;
	s2 =	sadd.s32 s3, s2  }
0x8d: {  	s2 =	sadd.s32 s2, s16  }
0x8e: {  	[smem:$0x3FBE] =	sst s2  }
0x8f: {  	_ = 	snop  }
0x90: {  	(tm) =	ssettm $0x1  }
0x91: {  	s17 =	sld [smem:$0x3FFB];
	_ =	sdelay $0x3  }
0x92: {  	_ =	strace s17  }
0x93: {  	s2 =	sld [smem:$0x3FFC];
	_ =	sdelay $0x3  }
0x94: {  	_ =	strace s2  }
0x95: {  	s2 =	sld [smem:$0x3FFD];
	_ =	sdelay $0x3  }
0x96: {  	_ =	strace s2  }
0x97: {  	_ =	strace $0x8FFFFFFF  }
0x98: {  	s18 =	sld [smem:$0x3FDB];
	_ =	sdelay $0x1  }
0x99: {  	s19 =	simm.s32 $_scs_section_size  }
0x9a: {  	s4 =	simm.s32 $_size__tile_overlayer_lowered;
	s5 =	simm.s32 $_tile_overlayer_lowered  }
0x9b: {  	s22 =	simm.s32 $0x1BFF;
	s21 =	sshll.u32 s5, $0x1;
	s2 =	sadd.s32 s19, s18  }
0x9c: {  	s6 =	simm.s32 $0x0;
	s20 =	sshll.u32 s4, $0x1;
	s4 =	sadd.s32 s21, s2  }
0x9d: {  	[timem:s6], [sflag:s22] =	dma.local [hbm:s4], s20  }
0x9e: {  	_ =	swait.ge [sflag:s22], s20  }
0x9f: {  	s3 =	ssub.s32 $0x0, s20;
	[sflag:s22] =	ssyncset.done $0x0  }
0xa0: {  	[sflag:s22] =	ssyncadd.s32 s3;
	_ =	sdelay $0x1  }
0xa1: {  	s23 =	simm.s32 $0x1B8B  }
0xa2: {  	_ =	swait.ge [sflag:s23], $0x1  }
0xa3: {  	[sflag:s23] =	ssyncset.done $0x0  }
0xa4: {  	s25 =	simm.s32 $0x1B8E;
	s24 =	sld [smem:$0x3FFE];
	[sflag:s23] =	ssyncadd.s32 $0xFFFFFFFF  }
0xa5: {  	s26 =	simm.s32 $execute0_lowered;
	[smem:$0x3FD2] =	sst s25  }
0xa6: {  	s4 =	sshll.u32 s26, $0x1;
	_ =	strace $0x8000004F;
	[dreg:$0x1] =	wrdreg $0xFFFFFFFF  }
0xa7: {  	s28 =	simm.s32 $_size_execute0_lowered;
	s2 =	sadd.s32 s2, s4;
	[dreg:$0x0] =	wrdreg $0x0  }
0xa8: {  	s4 =	sshll.u32 s28, $0x1;
	[dreg:$0x2] =	wrdreg s2  }
0xa9: {  	[dreg:$0x3] =	wrdreg s4  }
0xaa: {  	[dreg:$0x4] =	wrdreg $0xC0  }
0xab: {  	_ =	task [dreg:s6], $0x5FFFF  }
0xac: {  	[dreg:$0x1] =	wrdreg $0xFFFFFFFF  }
0xad: {  	[dreg:$0x0] =	wrdreg $0x60  }
0xae: {  	[dreg:$0x2] =	wrdreg s24  }
0xaf: {  	[dreg:$0x3] =	wrdreg $0x120000  }
0xb0: {  	[dreg:$0x4] =	wrdreg $0x9  }
0xb1: {  	_ =	task.clear_ibuf [dreg:s6], $0x5FFFF;
	_ =	strace $0x9000004F  }
0xb2: {  	s29 =	simm.s32 $0x9;
	_ =	strace $0x80000051  }
0xb3: {  	_ =	swait.ge [sflag:s29], $0x1  }
0xb4: {  	[sflag:s29] =	ssyncadd.s32 $0xFFFFFFFF  }
0xb5: {  	_ =	strace $0x90000051  }
0xb6: {  	_ =	sfence  }
0xb7: {  	s30 =	sld [smem:$0x0];
	_ =	sdelay $0x2  }
0xb8: {  	s31 =	sshll.u32 s1, $0xD;
	s1 =	sshrl.u32 s1, $0x2  }
0xb9: {  	s3 =	sand.u32 $0x4000, s31;
	s1 =	sadd.s32 s1, s30  }
0xba: {  	s0 =	sor.u32 s3, s0;
	s1 =	sshll.u32 s1, $0x11  }
0xbb: {  	s0 =	sor.u32 s1, s0  }
0xbc: {  	s0 =	sadd.s32 $0x8F2B, s0  }
0xbd: {  	[sflag:s0] =	ssyncadd.remote.s32 $0x1  }
0xbe: {  	_ =	sfence.sel $0xFFFF  }
0xbf: {  	[dreg:$0x0] =	wrdreg $0xFFFFFFFF;
	(pc) =	sbr.abs _section_cstart, $3  }
0xc0: {  	[dreg:$0x1] =	wrdreg $0xFFFFFFFF  }
0xc1: {  	_ =	task.clear_ibuf [dreg:s6], $0x2FFFF;
	_ =	strace $0x9FFFFFFF  }
0xc2: {  	(tm) =	ssettm $0x7FFFFFFF  }
0xc3: {  	_ =	shalt  }
tec
execute0_lowered:
.L_overlay_start_1:
0x0: {  	(tag) =	ssettag $0x1  }
0x1: {  	s0 =	rddreg [dreg:$0x0]  }
0x2: {  	s1 =	rddreg [dreg:$0x1];
	s2 =	srdreg.scid  }
0x3: {  	s3 =	simm.s32 $0x0;
	s9 =	stileid.u32;
	s28 =	simm.s32 $0x10000  }
0x4: {  	s29 =	simm.s32 $0x1;
	s30 =	simm.s32 $0x2;
	s5 =	smul.u32 $0xA00, s9  }
0x5: {  	s2 =	sand.u32 $0x1, s2;
	[smem:$0x7FF] =	sst s3;
	s9 =	smul.u32 $0xA000, s9  }
0x6: {  	s31 =	simm.s32 $0x3;
	s4 =	smul.u32 $0x9C400, s2;
	_ =	strace $0x80000050  }
0x7: {  	s7 =	ssub.s32 $0x2, s2;
	s2 =	smul.u32 $0xA0000, s2;
	s5 =	sadd.s32 s5, s0  }
0x8: {  	s8 =	sshrl.u32 s7, $0x1;
	s18 =	sadd.s32 s9, s1;
	s19 =	sadd.s32 $0x2000, s9  }
0x9: {  	s20 =	sadd.s32 $0x4000, s9;
	s22 =	sadd.s32 $0x6000, s9;
	s23 =	sadd.s32 $0x8000, s9  }
0xa: {  	s6 =	sadd.s32 s4, s0;
	s4 =	sadd.s32 $0x33200, s0;
	s0 =	sadd.s32 $0x47600, s0  }
0xb: {  	s7 =	ssub.s32 s7, s8;
	s17 =	sadd.s32 $0x3D600, s5;
	[dreg:$0x5] =	wrdreg s18  }
0xc: {  	s5 =	sadd.s32 $0x2000, s5;
	s10 =	sadd.s32 s19, s1;
	[dreg:$0x3] =	wrdreg s17  }
0xd: {  	s21 =	sadd.s32 s20, s1;
	s11 =	sadd.s32 s22, s1;
	[dreg:$0x4] =	wrdreg s5  }
0xe: {  	s9 =	sadd.s32 s9, s2;
	s12 =	sadd.s32 s23, s1;
	[dreg:$0x6] =	wrdreg s10  }
0xf: {  	s25 =	sadd.s32 s2, s20;
	s26 =	sadd.s32 s2, s22;
	[dreg:$0x7] =	wrdreg s21  }
0x10: {  	s22 =	simm.s32 $0xA000;
	s20 =	simm.s32 $0x6;
	[dreg:$0x8] =	wrdreg s11  }
0x11: {  	[dreg:$0x9] =	wrdreg s12;
	s9 =	sshrl.u32 s9, $0x3;
	s5 =	sadd.s32 s2, s19  }
0x12: {  	s12 =	sadd.s32 $0xBF600, s6;
	s6 =	sshrl.u32 s26, $0x3;
	s2 =	sadd.s32 s2, s23  }
0x13: {  	s18 =	smax.u32 s7, $0x1;
	s19 =	simm.s32 $0x9;
	s21 =	simm.s32 $0x80  }
0x14: {  	s23 =	simm.s32 $0xC000;
	s26 =	simm.s32 $0x8;
	s24 =	sadd.s32 s0, s9  }
0x15: {  	s5 =	sshrl.u32 s5, $0x3;
	s16 =	sadd.s32 s0, s6;
	s2 =	sshrl.u32 s2, $0x3  }
0x16: {  	[dreg:$0xa] =	wrdreg s24;
	s5 =	sadd.s32 s0, s5;
	s17 =	sadd.s32 s0, s2  }
0x17: {  	s2 =	simm.s32 $0x5;
	[dreg:$0xb] =	wrdreg s5;
	s5 =	sshrl.u32 s25, $0x3  }
0x18: {  	s24 =	simm.s32 $0x7;
	s25 =	simm.s32 $0xE000;
	s5 =	sadd.s32 s0, s5  }
0x19: {  	s0 =	simm.s32 $0x4;
	[dreg:$0xc] =	wrdreg s5;
	s5 =	simm.s32 $0x0  }
.LBB2_1:
0x1a: {  	s6 =	rddreg [dreg:$0x3]  }
0x1b: {  	[tilespmem:s3], [sflag:$0x9] =	stream.linear.gather [hbm4b:s6+s3], $0x5000, $0x38;
	[tilespmem:$0x1C000] =	vst v63  }
0x1c: {  	_ =	swait.ge [sflag:s19], $0x5000  }
0x1d: {  	[sflag:s19] =	ssyncset.done $0x0  }
0x1e: {  	s7 =	simm.s32 $0x5000;
	s10 =	rddreg [dreg:$0x4];
	[sflag:s19] =	ssyncadd.s32 $0xFFFFB000  }
0x1f: {  	[tilespmem:s7], [sflag:$0x9] =	stream.linear.gather [hbm4b:s10+s3], $0x5000, $0x38;
	[tilespmem:$0x1C000] =	vst v63  }
0x20: {  	s11 =	stileid.u32;
	_ =	swait.ge [sflag:s19], $0x5000  }
0x21: {  	s6 =	sshll.u32 s11, $0x6;
	[sflag:s19] =	ssyncset.done $0x0;
	s13 =	rddreg [dreg:$0x5]  }
0x22: {  	s6 =	sor.u32 $0x1C09, s6;
	[sflag:s19] =	ssyncadd.s32 $0xFFFFB000;
	s7 =	sshrl.u32 s13, $0x3  }
0x23: {  	[spmem:s7], [sflag:s6] =	dma.local [hbm:s4], $0x400  }
0x24: {  	_ =	swait.ge [sflag:s19], $0x400  }
0x25: {  	[sflag:s19] =	ssyncset.done $0x0;
	s8 =	rddreg [dreg:$0x6]  }
0x26: {  	[sflag:s19] =	ssyncadd.s32 $0xFFFFFC00;
	s8 =	sshrl.u32 s8, $0x3  }
0x27: {  	[spmem:s8], [sflag:s6] =	dma.local [hbm:s4], $0x400  }
0x28: {  	_ =	swait.ge [sflag:s19], $0x400  }
0x29: {  	[sflag:s19] =	ssyncset.done $0x0;
	s9 =	rddreg [dreg:$0x7]  }
0x2a: {  	[sflag:s19] =	ssyncadd.s32 $0xFFFFFC00;
	s9 =	sshrl.u32 s9, $0x3  }
0x2b: {  	[spmem:s9], [sflag:s6] =	dma.local [hbm:s4], $0x400  }
0x2c: {  	_ =	swait.ge [sflag:s19], $0x400  }
0x2d: {  	[sflag:s19] =	ssyncset.done $0x0;
	s10 =	rddreg [dreg:$0x8]  }
0x2e: {  	[sflag:s19] =	ssyncadd.s32 $0xFFFFFC00;
	s10 =	sshrl.u32 s10, $0x3  }
0x2f: {  	[spmem:s10], [sflag:s6] =	dma.local [hbm:s4], $0x400  }
0x30: {  	_ =	swait.ge [sflag:s19], $0x400  }
0x31: {  	[sflag:s19] =	ssyncset.done $0x0;
	s11 =	rddreg [dreg:$0x9]  }
0x32: {  	[sflag:s19] =	ssyncadd.s32 $0xFFFFFC00;
	s11 =	sshrl.u32 s11, $0x3  }
0x33: {  	[spmem:s11], [sflag:s6] =	dma.local [hbm:s4], $0x400  }
0x34: {  	_ =	swait.ge [sflag:s19], $0x400  }
0x35: {  	[sflag:s19] =	ssyncset.done $0x0  }
0x36: {  	[sflag:s19] =	ssyncadd.s32 $0xFFFFFC00  }
0x37: {  	[bflag:$0x0] =	sbarrier.arrive $0xFFFF  }
0x38: {  	[tilespmem:s22], [sflag:$0x1] =	stream.indirect.gather [hbm4b:s12+s21], $0x40, s3, s21, $0xb8;
	[tilespmem:$0x1C000] =	vst v63  }
0x39: {  	_ = 	snop  }
0x3a: {  	[tilespmem:s23], [sflag:$0x2] =	stream.indirect.gather [hbm4b:s12+s21], $0x40, s21, s21, $0xb8;
	[tilespmem:$0x1C000] =	vst v63  }
0x3b: {  	s13 =	simm.s32 $0x100  }
0x3c: {  	[tilespmem:s25], [sflag:$0x3] =	stream.indirect.gather [hbm4b:s12+s21], $0x40, s13, s21, $0xb8;
	[tilespmem:$0x1C000] =	vst v63  }
0x3d: {  	s14 =	simm.s32 $0x180  }
0x3e: {  	[tilespmem:s28], [sflag:$0x4] =	stream.indirect.gather [hbm4b:s12+s21], $0x40, s14, s21, $0xb8;
	[tilespmem:$0x1C000] =	vst v63  }
0x3f: {  	_ =	swait.ge [sflag:s29], $0x2000  }
0x40: {  	[sflag:s29] =	ssyncset.done $0x0  }
0x41: {  	s15 =	simm.s32 $0x5000;
	[sflag:s29] =	ssyncadd.s32 $0xFFFFE000  }
0x42: {  	[spmem:s1] =	stream.indirect.scatter.add.f32 [tilespmem:s22], [sflag:$0x5], $0x40, s15, s21, $0xb8;
	[tilespmem:$0x1C000] =	vst v63  }
0x43: {  	_ =	swait.ge [sflag:s30], $0x2000  }
0x44: {  	[sflag:s30] =	ssyncset.done $0x0  }
0x45: {  	s14 =	simm.s32 $0x5080;
	[sflag:s30] =	ssyncadd.s32 $0xFFFFE000  }
0x46: {  	[spmem:s1] =	stream.indirect.scatter.add.f32 [tilespmem:s23], [sflag:$0x6], $0x40, s14, s21, $0xb8;
	[tilespmem:$0x1C000] =	vst v63  }
0x47: {  	_ =	swait.ge [sflag:s31], $0x2000  }
0x48: {  	[sflag:s31] =	ssyncset.done $0x0  }
0x49: {  	s15 =	simm.s32 $0x5100;
	[sflag:s31] =	ssyncadd.s32 $0xFFFFE000  }
0x4a: {  	[spmem:s1] =	stream.indirect.scatter.add.f32 [tilespmem:s25], [sflag:$0x7], $0x40, s15, s21, $0xb8;
	[tilespmem:$0x1C000] =	vst v63  }
0x4b: {  	_ =	swait.ge [sflag:s0], $0x2000  }
0x4c: {  	[sflag:s0] =	ssyncset.done $0x0  }
0x4d: {  	s14 =	simm.s32 $0x5180;
	[sflag:s0] =	ssyncadd.s32 $0xFFFFE000  }
0x4e: {  	[spmem:s1] =	stream.indirect.scatter.add.f32 [tilespmem:s28], [sflag:$0x8], $0x40, s14, s21, $0xb8;
	[tilespmem:$0x1C000] =	vst v63  }
0x4f: {  	_ =	swait.ge [sflag:s2], $0x2000  }
0x50: {  	[sflag:s2] =	ssyncset.done $0x0  }
0x51: {  	s15 =	simm.s32 $0x200;
	[sflag:s2] =	ssyncadd.s32 $0xFFFFE000  }
0x52: {  	[tilespmem:s22], [sflag:$0x1] =	stream.indirect.gather [hbm4b:s12+s21], $0x40, s15, s21, $0xb8;
	[tilespmem:$0x1C000] =	vst v63  }
0x53: {  	_ =	swait.ge [sflag:s20], $0x2000  }
0x54: {  	[sflag:s20] =	ssyncset.done $0x0  }
0x55: {  	s14 =	simm.s32 $0x280;
	[sflag:s20] =	ssyncadd.s32 $0xFFFFE000  }
0x56: {  	[tilespmem:s23], [sflag:$0x2] =	stream.indirect.gather [hbm4b:s12+s21], $0x40, s14, s21, $0xb8;
	[tilespmem:$0x1C000] =	vst v63  }
0x57: {  	_ =	swait.ge [sflag:s24], $0x2000  }
0x58: {  	[sflag:s24] =	ssyncset.done $0x0  }
0x59: {  	s15 =	simm.s32 $0x300;
	[sflag:s24] =	ssyncadd.s32 $0xFFFFE000  }
0x5a: {  	[tilespmem:s25], [sflag:$0x3] =	stream.indirect.gather [hbm4b:s12+s21], $0x40, s15, s21, $0xb8;
	[tilespmem:$0x1C000] =	vst v63  }
0x5b: {  	_ =	swait.ge [sflag:s26], $0x2000  }
0x5c: {  	[sflag:s26] =	ssyncset.done $0x0  }
0x5d: {  	s13 =	simm.s32 $0x800;
	s14 =	simm.s32 $0x380;
	[sflag:s26] =	ssyncadd.s32 $0xFFFFE000  }
.LBB2_2:
0x5e: {  	[tilespmem:s28], [sflag:$0x4] =	stream.indirect.gather [hbm4b:s12+s21], $0x40, s14, s21, $0xb8;
	[tilespmem:$0x1C000] =	vst v63  }
0x5f: {  	s14 =	smov.u32 s13  }
0x60: {  	p0 =	sne.s32 s13, $0x13000;
	s13 =	sadd.s32 $0x800, s13;
	_ =	swait.ge [sflag:s29], $0x2000  }
0x61: {  	s14 =	sshra.s32 s14, $0x2;
	[sflag:s29] =	ssyncset.done $0x0  }
0x62: {  	s15 =	sadd.s32 $0x5000, s14;
	[sflag:s29] =	ssyncadd.s32 $0xFFFFE000  }
0x63: {  	[spmem:s1] =	stream.indirect.scatter.add.f32 [tilespmem:s22], [sflag:$0x5], $0x40, s15, s21, $0xb8;
	[tilespmem:$0x1C000] =	vst v63  }
0x64: {  	_ =	swait.ge [sflag:s30], $0x2000  }
0x65: {  	[sflag:s30] =	ssyncset.done $0x0  }
0x66: {  	s15 =	sadd.s32 $0x5080, s14;
	[sflag:s30] =	ssyncadd.s32 $0xFFFFE000  }
0x67: {  	[spmem:s1] =	stream.indirect.scatter.add.f32 [tilespmem:s23], [sflag:$0x6], $0x40, s15, s21, $0xb8;
	[tilespmem:$0x1C000] =	vst v63  }
0x68: {  	_ =	swait.ge [sflag:s31], $0x2000  }
0x69: {  	[sflag:s31] =	ssyncset.done $0x0  }
0x6a: {  	s15 =	sadd.s32 $0x5100, s14;
	[sflag:s31] =	ssyncadd.s32 $0xFFFFE000  }
0x6b: {  	[spmem:s1] =	stream.indirect.scatter.add.f32 [tilespmem:s25], [sflag:$0x7], $0x40, s15, s21, $0xb8;
	[tilespmem:$0x1C000] =	vst v63  }
0x6c: {  	_ =	swait.ge [sflag:s0], $0x2000  }
0x6d: {  	[sflag:s0] =	ssyncset.done $0x0  }
0x6e: {  	s15 =	sadd.s32 $0x5180, s14;
	[sflag:s0] =	ssyncadd.s32 $0xFFFFE000  }
0x6f: {  	[spmem:s1] =	stream.indirect.scatter.add.f32 [tilespmem:s28], [sflag:$0x8], $0x40, s15, s21, $0xb8;
	[tilespmem:$0x1C000] =	vst v63  }
0x70: {  	_ =	swait.ge [sflag:s2], $0x2000  }
0x71: {  	[sflag:s2] =	ssyncset.done $0x0  }
0x72: {  	s15 =	sadd.s32 $0x200, s14;
	[sflag:s2] =	ssyncadd.s32 $0xFFFFE000  }
0x73: {  	[tilespmem:s22], [sflag:$0x1] =	stream.indirect.gather [hbm4b:s12+s21], $0x40, s15, s21, $0xb8;
	[tilespmem:$0x1C000] =	vst v63  }
0x74: {  	_ =	swait.ge [sflag:s20], $0x2000  }
0x75: {  	[sflag:s20] =	ssyncset.done $0x0  }
0x76: {  	s15 =	sadd.s32 $0x280, s14;
	[sflag:s20] =	ssyncadd.s32 $0xFFFFE000  }
0x77: {  	[tilespmem:s23], [sflag:$0x2] =	stream.indirect.gather [hbm4b:s12+s21], $0x40, s15, s21, $0xb8;
	[tilespmem:$0x1C000] =	vst v63  }
0x78: {  	_ =	swait.ge [sflag:s24], $0x2000  }
0x79: {  	[sflag:s24] =	ssyncset.done $0x0  }
.Ltmp0:
0x7a: {  	s15 =	sadd.s32 $0x300, s14;
	[sflag:s24] =	ssyncadd.s32 $0xFFFFE000;
	(pc) =	sbr.rel @p0 .LBB2_2-.Ltmp0, $4  }
0x7b: {  	[tilespmem:s25], [sflag:$0x3] =	stream.indirect.gather [hbm4b:s12+s21], $0x40, s15, s21, $0xb8;
	[tilespmem:$0x1C000] =	vst v63  }
0x7c: {  	_ =	swait.ge [sflag:s26], $0x2000  }
0x7d: {  	[sflag:s26] =	ssyncset.done $0x0  }
0x7e: {  	s14 =	sadd.s32 $0x380, s14;
	[sflag:s26] =	ssyncadd.s32 $0xFFFFE000  }
0x7f: {  	[tilespmem:s28], [sflag:$0x4] =	stream.indirect.gather [hbm4b:s12+s21], $0x40, s14, s21, $0xb8;
	[tilespmem:$0x1C000] =	vst v63  }
0x80: {  	_ =	swait.ge [sflag:s29], $0x2000  }
0x81: {  	[sflag:s29] =	ssyncset.done $0x0  }
0x82: {  	s13 =	simm.s32 $0x9E00;
	[sflag:s29] =	ssyncadd.s32 $0xFFFFE000  }
0x83: {  	[spmem:s1] =	stream.indirect.scatter.add.f32 [tilespmem:s22], [sflag:$0x5], $0x40, s13, s21, $0xb8;
	[tilespmem:$0x1C000] =	vst v63  }
0x84: {  	_ =	swait.ge [sflag:s30], $0x2000  }
0x85: {  	[sflag:s30] =	ssyncset.done $0x0  }
0x86: {  	s14 =	simm.s32 $0x9E80;
	[sflag:s30] =	ssyncadd.s32 $0xFFFFE000  }
0x87: {  	[spmem:s1] =	stream.indirect.scatter.add.f32 [tilespmem:s23], [sflag:$0x6], $0x40, s14, s21, $0xb8;
	[tilespmem:$0x1C000] =	vst v63  }
0x88: {  	_ =	swait.ge [sflag:s31], $0x2000  }
0x89: {  	[sflag:s31] =	ssyncset.done $0x0  }
0x8a: {  	s15 =	simm.s32 $0x9F00;
	[sflag:s31] =	ssyncadd.s32 $0xFFFFE000  }
0x8b: {  	[spmem:s1] =	stream.indirect.scatter.add.f32 [tilespmem:s25], [sflag:$0x7], $0x40, s15, s21, $0xb8;
	[tilespmem:$0x1C000] =	vst v63  }
0x8c: {  	_ =	swait.ge [sflag:s0], $0x2000  }
0x8d: {  	[sflag:s0] =	ssyncset.done $0x0  }
0x8e: {  	s14 =	simm.s32 $0x9F80;
	[sflag:s0] =	ssyncadd.s32 $0xFFFFE000  }
0x8f: {  	[spmem:s1] =	stream.indirect.scatter.add.f32 [tilespmem:s28], [sflag:$0x8], $0x40, s14, s21, $0xb8;
	[tilespmem:$0x1C000] =	vst v63  }
0x90: {  	_ =	swait.ge [sflag:s2], $0x2000  }
0x91: {  	[sflag:s2] =	ssyncset.done $0x0  }
0x92: {  	[sflag:s2] =	ssyncadd.s32 $0xFFFFE000  }
0x93: {  	_ =	swait.ge [sflag:s20], $0x2000  }
0x94: {  	[sflag:s20] =	ssyncset.done $0x0  }
0x95: {  	[sflag:s20] =	ssyncadd.s32 $0xFFFFE000  }
0x96: {  	_ =	swait.ge [sflag:s24], $0x2000  }
0x97: {  	[sflag:s24] =	ssyncset.done $0x0  }
0x98: {  	[sflag:s24] =	ssyncadd.s32 $0xFFFFE000  }
0x99: {  	_ =	swait.ge [sflag:s26], $0x2000  }
0x9a: {  	[sflag:s26] =	ssyncset.done $0x0  }
0x9b: {  	[sflag:s26] =	ssyncadd.s32 $0xFFFFE000  }
0x9c: {  	[bflag:$0x0] =	sbarrier.arrive $0xFFFF  }
0x9d: {  	s15 =	rddreg [dreg:$0xa]  }
0x9e: {  	[hbm:s15], [sflag:s6] =	dma.local [spmem:s7], $0x400  }
0x9f: {  	_ =	swait.ge [sflag:s19], $0x400  }
0xa0: {  	[sflag:s19] =	ssyncset.done $0x0  }
0xa1: {  	s14 =	rddreg [dreg:$0xb];
	[sflag:s19] =	ssyncadd.s32 $0xFFFFFC00  }
0xa2: {  	[hbm:s14], [sflag:s6] =	dma.local [spmem:s8], $0x400  }
0xa3: {  	_ =	swait.ge [sflag:s19], $0x400  }
0xa4: {  	[sflag:s19] =	ssyncset.done $0x0  }
0xa5: {  	s15 =	rddreg [dreg:$0xc];
	[sflag:s19] =	ssyncadd.s32 $0xFFFFFC00  }
0xa6: {  	[hbm:s15], [sflag:s6] =	dma.local [spmem:s9], $0x400  }
0xa7: {  	_ =	swait.ge [sflag:s19], $0x400  }
0xa8: {  	[sflag:s19] =	ssyncset.done $0x0  }
0xa9: {  	[sflag:s19] =	ssyncadd.s32 $0xFFFFFC00  }
0xaa: {  	[hbm:s16], [sflag:s6] =	dma.local [spmem:s10], $0x400  }
0xab: {  	s5 =	sadd.s32 $0x1, s5;
	_ =	swait.ge [sflag:s19], $0x400  }
0xac: {  	p0 =	sne.s32 s5, s18;
	[sflag:s19] =	ssyncset.done $0x0  }
.Ltmp1:
0xad: {  	[sflag:s19] =	ssyncadd.s32 $0xFFFFFC00;
	(pc) =	sbr.rel @p0 .LBB2_1-.Ltmp1, $4  }
0xae: {  	[hbm:s17], [sflag:s6] =	dma.local [spmem:s11], $0x400  }
0xaf: {  	_ =	swait.ge [sflag:s19], $0x400  }
0xb0: {  	[sflag:s19] =	ssyncset.done $0x0  }
0xb1: {  	[sflag:s19] =	ssyncadd.s32 $0xFFFFFC00  }
0xb2: {  	_ =	sfence.sel $0x180000  }
0xb3: {  	[bflag:$0x0] =	sbarrier.arrive $0xFFFF  }
0xb4: {  	_ =	strace $0x90000050  }
0xb5: {  	s0 =	stileid.u32;
	[bflag:$0x2] =	sbarrier.arrive $0xFFFF  }
0xb6: {  	p0 =	sne.s32 s0, $0x0;
	s0 =	rddreg [dreg:$0x2]  }
0xb7: {  	s0 =	sadd.s32 @!p0 $0x100000, s0  }
0xb8: {  	[sflag:s0] =	ssyncadd.tile.s32 @!p0 $0x1;
	_ =	shalt  }
.Lfunc_end2:
_tile_overlayer_lowered:
.L_overlay_start_2:
0xb9: {  	(tag) =	ssettag $0x2  }
0xba: {  	s0 =	rddreg [dreg:$0x0];
	s2 =	stileid.u32  }
0xbb: {  	s1 =	rddreg [dreg:$0x1];
	p0 =	sne.s32 s2, $0x0  }
0xbc: {  	s3 =	rddreg [dreg:$0x2];
	[bflag:$0x3] =	sbarrier.arrive $0xFFFF;
	s2 =	simm.s32 @!p0 $0x1C09  }
0xbd: {  	[timem:s3], [sflag:s2] =	dma.local @!p0 [hbm:s0], s1  }
0xbe: {  	s0 =	simm.s32 @!p0 $0x9  }
0xbf: {  	_ =	swait.ge @!p0 [sflag:s0], s1  }
0xc0: {  	s1 =	ssub.s32 @!p0 $0x0, s1;
	[sflag:s0] =	ssyncset.done @!p0 $0x0  }
0xc1: {  	[sflag:s0] =	ssyncadd.s32 @!p0 s1  }
0xc2: {  	[bflag:$0x3] =	sbarrier.arrive $0xFFFF  }
0xc3: {  	_ =	shalt  }

</sc_bundles>
